<compile_context>
chip_gen: v7x
topology: tpu7x:2x2x1
jax: 0.10.2.dev20260603
libtpu: 0.0.44.dev20260713+nightly
codegen_flags: <defaults>
</compile_context>

<pallas_src>
import functools
import math

import jax
import jax.numpy as jnp
from jax import lax
from jax.experimental import pallas as pl
from jax.experimental.pallas import tpu as pltpu
from jax.experimental.pallas import tpu_sc as plsc

B = 1024
L = 200
E = 64
V = 1000000
N_IDS = B * L

SLAB = 512
KMAX = 62
NCELL = KMAX * 16
HITCAP = 7424
BPAD = HITCAP + 96
TRASH = HITCAP + 80
RCAP = 64
RCELLS = 256
RSIZE = RCELLS * RCAP + 16
IDS_PER_SCAN = N_IDS // 16
IDXCHUNK = 640
NIDXCHUNK = IDS_PER_SCAN // IDXCHUNK
OUTW = 128
SGRP = 16
TAIL_V0 = 999936
LAST_V0 = 999424


def _gather_body(tab, idx, out, hbv, hbj, hbc, idxbuf, rbv, rbj, rcnt,
                 bv, bj, counts, startb, slabb, tailb, stag, j2,
                 sem_i, sem_s, sem_o):
    c = lax.axis_index("c")
    s = lax.axis_index("s")
    lanes = lax.iota(jnp.int32, 16)

    def drain_scatter():
        pltpu.make_async_copy(out.at[pl.ds(0, SGRP)], stag.at[0],
                              sem_o).wait()

    def scal(x16):
        return jnp.max(x16)

    for i in range(RCELLS // 16 + 1):
        rcnt[pl.ds(i * 16, 16)] = jnp.zeros((16,), jnp.int32)

    my_base = s * IDS_PER_SCAN
    pltpu.async_copy(idx.at[pl.ds(my_base, IDXCHUNK)], idxbuf.at[0], sem_i)

    def chunkR(ch, acc):
        pltpu.make_async_copy(
            idx.at[pl.ds(0, IDXCHUNK)], idxbuf.at[ch & 1], sem_i).wait()

        @pl.when(ch + 1 < NIDXCHUNK)
        def _():
            pltpu.async_copy(
                idx.at[pl.ds(my_base + (ch + 1) * IDXCHUNK, IDXCHUNK)],
                idxbuf.at[(ch + 1) & 1], sem_i)

        def vecR(g, acc2):
            vv = idxbuf[ch & 1, pl.ds(g * 16, 16)]
            jv = my_base + ch * IDXCHUNK + g * 16 + lanes
            slab = vv >> 9
            keep = (slab & 1) == c
            cell = ((slab >> 1) & 15) * 16 + lanes
            pos = plsc.load_gather(rcnt, [cell])
            inc = jnp.where(keep, 1, 0).astype(jnp.int32)
            plsc.addupdate_scatter(rcnt, [cell], inc)
            flat = cell * RCAP + jnp.minimum(pos, RCAP - 1)
            pos_eff = jnp.where(keep, flat, RCELLS * RCAP + lanes)
            plsc.store_scatter(rbv, [pos_eff], vv)
            plsc.store_scatter(rbj, [pos_eff], jv)
            return acc2

        return lax.fori_loop(0, IDXCHUNK // 16, vecR, acc)

    lax.fori_loop(0, NIDXCHUNK, chunkR, 0)

    w = c * 16 + s
    pltpu.sync_copy(rbv, hbv.at[w])
    pltpu.sync_copy(rbj, hbj.at[w])
    pltpu.sync_copy(rcnt, hbc.at[w])
    plsc.subcore_barrier()

    for p in range(16):
        pltpu.sync_copy(hbv.at[c * 16 + p, pl.ds(s * 1024, 1024)],
                        rbv.at[pl.ds(p * 1024, 1024)])
        pltpu.sync_copy(hbj.at[c * 16 + p, pl.ds(s * 1024, 1024)],
                        rbj.at[pl.ds(p * 1024, 1024)])
        pltpu.sync_copy(hbc.at[c * 16 + p, pl.ds(s * 16, 16)],
                        rcnt.at[pl.ds(p * 16, 16)])

    NVEC = 16 * 1024 // 16

    for i in range(NCELL // 16 + 1):
        counts[pl.ds(i * 16, 16)] = jnp.zeros((16,), jnp.int32)

    def veclocal(i, place):
        o = i * 16
        cellin = jnp.full((16,), o // RCAP, jnp.int32)
        cnt16 = jnp.minimum(plsc.load_gather(rcnt, [cellin]), RCAP)
        vv = rbv[pl.ds(o, 16)]
        valid = ((o % RCAP) + lanes) < cnt16
        k = jnp.clip(vv >> 14, 0, KMAX - 1)
        cellk = k * 16 + lanes
        inc = jnp.where(valid, 1, 0).astype(jnp.int32)
        if not place:
            plsc.addupdate_scatter(counts, [cellk], inc)
        else:
            jv = rbj[pl.ds(o, 16)]
            pos = plsc.load_gather(counts, [cellk])
            plsc.addupdate_scatter(counts, [cellk], inc)
            pos_eff = jnp.where(valid, jnp.minimum(pos, HITCAP - 1),
                                TRASH + lanes)
            plsc.store_scatter(bv, [pos_eff], vv)
            plsc.store_scatter(bj, [pos_eff], jv)

    lax.fori_loop(0, NVEC, lambda i, a: (veclocal(i, False), a)[1], 0)

    def pvec(i, carry):
        cvec = counts[pl.ds(i * 16, 16)]
        ics = plsc.cumsum(cvec)
        excl = ics - cvec + carry
        startb[pl.ds(i * 16, 16)] = excl
        counts[pl.ds(i * 16, 16)] = excl
        return carry + scal(ics)

    c_hits = lax.fori_loop(0, NCELL // 16, pvec, 0)
    startb[pl.ds(NCELL, 16)] = jnp.full((16,), c_hits, jnp.int32)

    lax.fori_loop(0, NVEC, lambda i, a: (veclocal(i, True), a)[1], 0)

    lastp = jnp.full((16,), jnp.maximum(c_hits - 1, 0), jnp.int32)
    dvp = plsc.load_gather(bv, [lastp])
    djp = plsc.load_gather(bj, [lastp])
    cend = jnp.minimum(c_hits, HITCAP)
    for t in range(4):
        bv[pl.ds(cend + t * 16, 16)] = dvp
        bj[pl.ds(cend + t * 16, 16)] = djp

    def extract_range(lo, hi, gc, load_fn):
        n = jnp.maximum(hi - lo, 0)
        ngroups = (n + SGRP - 1) >> 4

        def ext_group(g2, gc2):
            bsel = gc2 & 1

            @pl.when(gc2 >= 2)
            def _():
                drain_scatter()

            jrow = j2.at[bsel]
            for u in range(SGRP // 16):
                off = lo + g2 * SGRP + u * 16
                vv = bv[pl.ds(off, 16)]
                jrow[pl.ds(u * 16, 16)] = bj[pl.ds(off, 16)]
                rvec = u * 16 + lanes

                def erow(eb, acc, vv=vv, rvec=rvec, bsel=bsel):
                    for uu in range(8):
                        e = eb * 8 + uu
                        ev = jnp.full((16,), e, jnp.int32)
                        val = load_fn(ev, vv)
                        plsc.store_scatter(stag.at[bsel], [rvec, ev], val)
                    return acc

                lax.fori_loop(0, 8, erow, 0)
            pltpu.async_copy(stag.at[bsel], out.at[j2.at[bsel]], sem_o)
            return gc2 + 1

        return lax.fori_loop(0, ngroups, ext_group, gc)

    def cell_bounds(k):
        lo = jnp.minimum(scal(plsc.load_gather(
            startb, [jnp.full((16,), k * 16, jnp.int32)])), HITCAP)
        hi = jnp.minimum(scal(plsc.load_gather(
            startb, [jnp.full((16,), k * 16 + 16, jnp.int32)])), HITCAP)
        return lo, hi

    slab0 = c + 2 * s
    pltpu.async_copy(tab.at[:, pl.ds(slab0 * SLAB, SLAB)], slabb.at[0],
                     sem_s)

    def slab_body(k, gc):
        pltpu.make_async_copy(
            tab.at[:, pl.ds(0, SLAB)], slabb.at[k & 1], sem_s).wait()

        @pl.when(k + 1 < KMAX - 1)
        def _():
            v0n = (slab0 + 32 * (k + 1)) * SLAB
            pltpu.async_copy(tab.at[:, pl.ds(v0n, SLAB)],
                             slabb.at[(k + 1) & 1], sem_s)

        lo, hi = cell_bounds(k)
        src = slabb.at[k & 1]

        def load_main(ev, vv, src=src):
            return plsc.load_gather(src, [ev, vv & (SLAB - 1)])

        return extract_range(lo, hi, gc, load_main)

    gcnt = lax.fori_loop(0, KMAX - 1, slab_body, 0)

    pltpu.sync_copy(tab.at[:, pl.ds(LAST_V0, SLAB)], slabb.at[0])
    pltpu.sync_copy(tab.at[:, pl.ds(TAIL_V0, 64)], tailb)
    lo61, hi61 = cell_bounds(KMAX - 1)

    def load_last(ev, vv):
        vl = vv - LAST_V0
        va = plsc.load_gather(slabb.at[0], [ev, jnp.minimum(vl, SLAB - 1)])
        vb = plsc.load_gather(tailb, [ev, jnp.clip(vl - SLAB, 0, 63)])
        return jnp.where(vl < SLAB, va, vb)

    gcnt = extract_range(lo61, hi61, gcnt, load_last)

    def drain_body(_, x):
        drain_scatter()
        return x

    lax.fori_loop(0, jnp.minimum(gcnt, 2), drain_body, 0)


def _sc_gather(tableT, idx):
    mesh = plsc.VectorSubcoreMesh(core_axis_name="c", subcore_axis_name="s")
    return pl.kernel(
        _gather_body,
        mesh=mesh,
        out_type=[
            jax.ShapeDtypeStruct((N_IDS, OUTW), jnp.float32),
            jax.ShapeDtypeStruct((32, RSIZE), jnp.int32),
            jax.ShapeDtypeStruct((32, RSIZE), jnp.int32),
            jax.ShapeDtypeStruct((32, RCELLS + 16), jnp.int32),
        ],
        scratch_types=[
            pltpu.VMEM((2, IDXCHUNK), jnp.int32),
            pltpu.VMEM((RSIZE,), jnp.int32),
            pltpu.VMEM((RSIZE,), jnp.int32),
            pltpu.VMEM((RCELLS + 16,), jnp.int32),
            pltpu.VMEM((BPAD,), jnp.int32),
            pltpu.VMEM((BPAD,), jnp.int32),
            pltpu.VMEM((NCELL + 16,), jnp.int32),
            pltpu.VMEM((NCELL + 32,), jnp.int32),
            pltpu.VMEM((2, E, SLAB), jnp.float32),
            pltpu.VMEM((E, 64), jnp.float32),
            pltpu.VMEM((2, SGRP, OUTW), jnp.float32),
            pltpu.VMEM((2, SGRP), jnp.int32),
            pltpu.SemaphoreType.DMA,
            pltpu.SemaphoreType.DMA,
            pltpu.SemaphoreType.DMA,
        ],
        compiler_params=pltpu.CompilerParams(use_tc_tiling_on_sc=True,
                                             needs_layout_passes=False),
    )(tableT, idx)


BB = 16


def _post_body(x_ref, w_ref, b_ref, g_ref, beta_ref, o_ref):
    x = x_ref[...][:, :, :E]
    w = w_ref[...]
    zero = jnp.zeros((BB, 1, E), jnp.float32)
    x_prev = jnp.concatenate([zero, x[:, :-1, :]], axis=1)
    x_next = jnp.concatenate([x[:, 1:, :], zero], axis=1)
    y = x_prev * w[0] + x * w[1] + x_next * w[2] + b_ref[...][0]
    y = 0.5 * y * (1.0 + lax.erf(y * (1.0 / math.sqrt(2.0))))
    mean = jnp.mean(y, axis=-1, keepdims=True)
    d = y - mean
    var = jnp.mean(d * d, axis=-1, keepdims=True)
    normed = d * lax.rsqrt(var + 1e-5)
    normed = normed * g_ref[...][0] + beta_ref[...][0]
    l2 = jnp.sqrt(jnp.sum(normed * normed, axis=-1, keepdims=True))
    o_ref[...] = normed / jnp.maximum(l2, 1e-12)


def _tc_post(emb, conv_w, conv_b, ln_gamma, ln_beta):
    w = conv_w[:, 0, :].T
    return pl.pallas_call(
        _post_body,
        grid=(B // BB,),
        in_specs=[
            pl.BlockSpec((BB, L, 128), lambda i: (i, 0, 0)),
            pl.BlockSpec((3, E), lambda i: (0, 0)),
            pl.BlockSpec((1, E), lambda i: (0, 0)),
            pl.BlockSpec((1, E), lambda i: (0, 0)),
            pl.BlockSpec((1, E), lambda i: (0, 0)),
        ],
        out_specs=pl.BlockSpec((BB, L, E), lambda i: (i, 0, 0)),
        out_shape=jax.ShapeDtypeStruct((B, L, E), jnp.float32),
    )(emb, w, conv_b.reshape(1, E), ln_gamma.reshape(1, E),
      ln_beta.reshape(1, E))


def kernel(input_ids, table, conv_w, conv_b, ln_gamma, ln_beta):
    idx = input_ids.astype(jnp.int32).reshape(-1)
    emb = _sc_gather(table.T, idx)[0].reshape(B, L, 128)
    return _tc_post(emb, conv_w, conv_b, ln_gamma, ln_beta)

# --- scband reference (transcript-rebuilt; emitter-appended) ---
"""Pipeline reference for scband-mgaembedding-82858509074768 (READ-ONLY COPY).

The authoritative reference and input builder live on the scoring server;
editing this copy changes nothing except your own understanding.
"""

import jax, jax.numpy as jnp
import numpy as np

VOCAB = 1000000
EMBED = 64
B = 1024
L = 200


def setup_inputs(seed: int = 0) -> dict:
    key = jax.random.key(seed)
    k1, k2, k3, k4 = jax.random.split(key, 4)
    input_ids = jax.random.randint(k1, (B, L), 0, VOCAB, dtype=jnp.int64 if jax.config.jax_enable_x64 else jnp.int32)
    table = jax.random.normal(k2, (VOCAB, EMBED), dtype=jnp.float32) * 0.02
    # depthwise Conv1d(embed_dim, embed_dim, 3, groups=embed_dim): weight [C_out, C_in/groups=1, K=3]
    fan_in = 1 * 3
    bound = 1.0 / np.sqrt(fan_in)
    conv_w = jax.random.uniform(k3, (EMBED, 1, 3), minval=-bound, maxval=bound, dtype=jnp.float32)
    conv_b = jax.random.uniform(k4, (EMBED,), minval=-bound, maxval=bound, dtype=jnp.float32)
    ln_gamma = jnp.ones((EMBED,), dtype=jnp.float32)
    ln_beta = jnp.zeros((EMBED,), dtype=jnp.float32)
    return {
        "input_ids": input_ids,
        "table": table,
        "conv_w": conv_w,
        "conv_b": conv_b,
        "ln_gamma": ln_gamma,
        "ln_beta": ln_beta,
    }


def _forward(input_ids, table, conv_w, conv_b, ln_gamma, ln_beta):
    # embedding lookup (gather)
    emb = jnp.take(table, input_ids, axis=0)          # [B, L, E]
    x = jnp.transpose(emb, (0, 2, 1))                  # [B, E, L]
    # depthwise conv1d, kernel 3, padding 1
    y = jax.lax.conv_general_dilated(
        x, conv_w,
        window_strides=(1,),
        padding=((1, 1),),
        dimension_numbers=("NCH", "OIH", "NCH"),
        feature_group_count=EMBED,
    )
    y = y + conv_b[None, :, None]
    # torch.nn.GELU default = exact (erf-based)
    y = jax.nn.gelu(y, approximate=False)
    y = jnp.transpose(y, (0, 2, 1))                    # [B, L, E]
    # LayerNorm over last dim (biased variance, eps=1e-5)
    mean = jnp.mean(y, axis=-1, keepdims=True)
    var = jnp.var(y, axis=-1, keepdims=True)
    normed = (y - mean) / jnp.sqrt(var + 1e-5)
    normed = normed * ln_gamma + ln_beta
    # F.normalize(p=2, dim=-1, eps=1e-12)
    l2 = jnp.sqrt(jnp.sum(normed * normed, axis=-1, keepdims=True))
    denom = jnp.maximum(l2, 1e-12)
    return normed / denom


def reference(input_ids, table, conv_w, conv_b, ln_gamma, ln_beta):
    return _forward(input_ids, table, conv_w, conv_b, ln_gamma, ln_beta)

if __name__ == "__main__":
    import jax
    _d = setup_inputs()
    print(jax.jit(kernel)(*tuple(_d.values())))

</pallas_src>

<mosaic_0001>
#map = affine_map<(d0, d1) -> (0, 0)>
#map1 = affine_map<(d0, d1) -> (0)>
module attributes {stable_mosaic.version = 14 : i64} {
  func.func @_gather_body(%arg0: i32, %arg1: i32, %arg2: memref<64x1000000xf32, #tpu.memory_space<hbm>>, %arg3: memref<204800xi32, #tpu.memory_space<hbm>>, %arg4: memref<204800x128xf32, #tpu.memory_space<hbm>>, %arg5: memref<32x16400xi32, #tpu.memory_space<hbm>>, %arg6: memref<32x16400xi32, #tpu.memory_space<hbm>>, %arg7: memref<32x272xi32, #tpu.memory_space<hbm>>, %arg8: memref<2x640xi32, #tpu.memory_space<vmem>>, %arg9: memref<16400xi32, #tpu.memory_space<vmem>>, %arg10: memref<16400xi32, #tpu.memory_space<vmem>>, %arg11: memref<272xi32, #tpu.memory_space<vmem>>, %arg12: memref<7520xi32, #tpu.memory_space<vmem>>, %arg13: memref<7520xi32, #tpu.memory_space<vmem>>, %arg14: memref<1008xi32, #tpu.memory_space<vmem>>, %arg15: memref<1024xi32, #tpu.memory_space<vmem>>, %arg16: memref<2x64x512xf32, #tpu.memory_space<vmem>>, %arg17: memref<64x64xf32, #tpu.memory_space<vmem>>, %arg18: memref<2x16x128xf32, #tpu.memory_space<vmem>>, %arg19: memref<2x16xi32, #tpu.memory_space<vmem>>, %arg20: memref<!tpu.dma_semaphore, #tpu.memory_space<semaphore_mem>>, %arg21: memref<!tpu.dma_semaphore, #tpu.memory_space<semaphore_mem>>, %arg22: memref<!tpu.dma_semaphore, #tpu.memory_space<semaphore_mem>>) attributes {dimension_semantics = [#tpu.dimension_semantics<core_parallel>, #tpu.dimension_semantics<subcore_parallel>], iteration_bounds = array<i64: 2, 16>, scalar_prefetch = 0 : i64, scratch_operands = 15 : i64, tpu.core_type = #tpu.core_type<sc_vector_subcore>, window_params = [{transform_indices = #map}, {transform_indices = #map1}, {transform_indices = #map}, {transform_indices = #map}, {transform_indices = #map}, {transform_indices = #map}]} {
    %iota3A = tpu.iota {dimensions = array<i32: 0>} : vector<16xi32>
    %broadcast_in_dim3A = arith.constant 0 : i32
    %broadcast_in_dim3A_0 = vector.broadcast %broadcast_in_dim3A : i32 to vector<16xi32>
    %swap3A = arith.constant 0 : index
    %swap3A_1 = tpu.vector_load %arg11[%swap3A] {strides = array<i32>} : memref<272xi32, #tpu.memory_space<vmem>>, vector<16xi32>,
    tpu.vector_store %arg11[%swap3A], %broadcast_in_dim3A_0 {strides = array<i32>} : memref<272xi32, #tpu.memory_space<vmem>>, vector<16xi32>,
    %broadcast_in_dim3A_2 = arith.constant 0 : i32
    %broadcast_in_dim3A_3 = vector.broadcast %broadcast_in_dim3A_2 : i32 to vector<16xi32>
    %swap3A_4 = arith.constant 16 : index
    %swap3A_5 = tpu.vector_load %arg11[%swap3A_4] {strides = array<i32>} : memref<272xi32, #tpu.memory_space<vmem>>, vector<16xi32>,
    tpu.vector_store %arg11[%swap3A_4], %broadcast_in_dim3A_3 {strides = array<i32>} : memref<272xi32, #tpu.memory_space<vmem>>, vector<16xi32>,
    %broadcast_in_dim3A_6 = arith.constant 0 : i32
    %broadcast_in_dim3A_7 = vector.broadcast %broadcast_in_dim3A_6 : i32 to vector<16xi32>
    %swap3A_8 = arith.constant 32 : index
    %swap3A_9 = tpu.vector_load %arg11[%swap3A_8] {strides = array<i32>} : memref<272xi32, #tpu.memory_space<vmem>>, vector<16xi32>,
    tpu.vector_store %arg11[%swap3A_8], %broadcast_in_dim3A_7 {strides = array<i32>} : memref<272xi32, #tpu.memory_space<vmem>>, vector<16xi32>,
    %broadcast_in_dim3A_10 = arith.constant 0 : i32
    %broadcast_in_dim3A_11 = vector.broadcast %broadcast_in_dim3A_10 : i32 to vector<16xi32>
    %swap3A_12 = arith.constant 48 : index
    %swap3A_13 = tpu.vector_load %arg11[%swap3A_12] {strides = array<i32>} : memref<272xi32, #tpu.memory_space<vmem>>, vector<16xi32>,
    tpu.vector_store %arg11[%swap3A_12], %broadcast_in_dim3A_11 {strides = array<i32>} : memref<272xi32, #tpu.memory_space<vmem>>, vector<16xi32>,
    %broadcast_in_dim3A_14 = arith.constant 0 : i32
    %broadcast_in_dim3A_15 = vector.broadcast %broadcast_in_dim3A_14 : i32 to vector<16xi32>
    %swap3A_16 = arith.constant 64 : index
    %swap3A_17 = tpu.vector_load %arg11[%swap3A_16] {strides = array<i32>} : memref<272xi32, #tpu.memory_space<vmem>>, vector<16xi32>,
    tpu.vector_store %arg11[%swap3A_16], %broadcast_in_dim3A_15 {strides = array<i32>} : memref<272xi32, #tpu.memory_space<vmem>>, vector<16xi32>,
    %broadcast_in_dim3A_18 = arith.constant 0 : i32
    %broadcast_in_dim3A_19 = vector.broadcast %broadcast_in_dim3A_18 : i32 to vector<16xi32>
    %swap3A_20 = arith.constant 80 : index
    %swap3A_21 = tpu.vector_load %arg11[%swap3A_20] {strides = array<i32>} : memref<272xi32, #tpu.memory_space<vmem>>, vector<16xi32>,
    tpu.vector_store %arg11[%swap3A_20], %broadcast_in_dim3A_19 {strides = array<i32>} : memref<272xi32, #tpu.memory_space<vmem>>, vector<16xi32>,
    %broadcast_in_dim3A_22 = arith.constant 0 : i32
    %broadcast_in_dim3A_23 = vector.broadcast %broadcast_in_dim3A_22 : i32 to vector<16xi32>
    %swap3A_24 = arith.constant 96 : index
    %swap3A_25 = tpu.vector_load %arg11[%swap3A_24] {strides = array<i32>} : memref<272xi32, #tpu.memory_space<vmem>>, vector<16xi32>,
    tpu.vector_store %arg11[%swap3A_24], %broadcast_in_dim3A_23 {strides = array<i32>} : memref<272xi32, #tpu.memory_space<vmem>>, vector<16xi32>,
    %broadcast_in_dim3A_26 = arith.constant 0 : i32
    %broadcast_in_dim3A_27 = vector.broadcast %broadcast_in_dim3A_26 : i32 to vector<16xi32>
    %swap3A_28 = arith.constant 112 : index
    %swap3A_29 = tpu.vector_load %arg11[%swap3A_28] {strides = array<i32>} : memref<272xi32, #tpu.memory_space<vmem>>, vector<16xi32>,
    tpu.vector_store %arg11[%swap3A_28], %broadcast_in_dim3A_27 {strides = array<i32>} : memref<272xi32, #tpu.memory_space<vmem>>, vector<16xi32>,
    %broadcast_in_dim3A_30 = arith.constant 0 : i32
    %broadcast_in_dim3A_31 = vector.broadcast %broadcast_in_dim3A_30 : i32 to vector<16xi32>
    %swap3A_32 = arith.constant 128 : index
    %swap3A_33 = tpu.vector_load %arg11[%swap3A_32] {strides = array<i32>} : memref<272xi32, #tpu.memory_space<vmem>>, vector<16xi32>,
    tpu.vector_store %arg11[%swap3A_32], %broadcast_in_dim3A_31 {strides = array<i32>} : memref<272xi32, #tpu.memory_space<vmem>>, vector<16xi32>,
    %broadcast_in_dim3A_34 = arith.constant 0 : i32
    %broadcast_in_dim3A_35 = vector.broadcast %broadcast_in_dim3A_34 : i32 to vector<16xi32>
    %swap3A_36 = arith.constant 144 : index
    %swap3A_37 = tpu.vector_load %arg11[%swap3A_36] {strides = array<i32>} : memref<272xi32, #tpu.memory_space<vmem>>, vector<16xi32>,
    tpu.vector_store %arg11[%swap3A_36], %broadcast_in_dim3A_35 {strides = array<i32>} : memref<272xi32, #tpu.memory_space<vmem>>, vector<16xi32>,
    %broadcast_in_dim3A_38 = arith.constant 0 : i32
    %broadcast_in_dim3A_39 = vector.broadcast %broadcast_in_dim3A_38 : i32 to vector<16xi32>
    %swap3A_40 = arith.constant 160 : index
    %swap3A_41 = tpu.vector_load %arg11[%swap3A_40] {strides = array<i32>} : memref<272xi32, #tpu.memory_space<vmem>>, vector<16xi32>,
    tpu.vector_store %arg11[%swap3A_40], %broadcast_in_dim3A_39 {strides = array<i32>} : memref<272xi32, #tpu.memory_space<vmem>>, vector<16xi32>,
    %broadcast_in_dim3A_42 = arith.constant 0 : i32
    %broadcast_in_dim3A_43 = vector.broadcast %broadcast_in_dim3A_42 : i32 to vector<16xi32>
    %swap3A_44 = arith.constant 176 : index
    %swap3A_45 = tpu.vector_load %arg11[%swap3A_44] {strides = array<i32>} : memref<272xi32, #tpu.memory_space<vmem>>, vector<16xi32>,
    tpu.vector_store %arg11[%swap3A_44], %broadcast_in_dim3A_43 {strides = array<i32>} : memref<272xi32, #tpu.memory_space<vmem>>, vector<16xi32>,
    %broadcast_in_dim3A_46 = arith.constant 0 : i32
    %broadcast_in_dim3A_47 = vector.broadcast %broadcast_in_dim3A_46 : i32 to vector<16xi32>
    %swap3A_48 = arith.constant 192 : index
    %swap3A_49 = tpu.vector_load %arg11[%swap3A_48] {strides = array<i32>} : memref<272xi32, #tpu.memory_space<vmem>>, vector<16xi32>,
    tpu.vector_store %arg11[%swap3A_48], %broadcast_in_dim3A_47 {strides = array<i32>} : memref<272xi32, #tpu.memory_space<vmem>>, vector<16xi32>,
    %broadcast_in_dim3A_50 = arith.constant 0 : i32
    %broadcast_in_dim3A_51 = vector.broadcast %broadcast_in_dim3A_50 : i32 to vector<16xi32>
    %swap3A_52 = arith.constant 208 : index
    %swap3A_53 = tpu.vector_load %arg11[%swap3A_52] {strides = array<i32>} : memref<272xi32, #tpu.memory_space<vmem>>, vector<16xi32>,
    tpu.vector_store %arg11[%swap3A_52], %broadcast_in_dim3A_51 {strides = array<i32>} : memref<272xi32, #tpu.memory_space<vmem>>, vector<16xi32>,
    %broadcast_in_dim3A_54 = arith.constant 0 : i32
    %broadcast_in_dim3A_55 = vector.broadcast %broadcast_in_dim3A_54 : i32 to vector<16xi32>
    %swap3A_56 = arith.constant 224 : index
    %swap3A_57 = tpu.vector_load %arg11[%swap3A_56] {strides = array<i32>} : memref<272xi32, #tpu.memory_space<vmem>>, vector<16xi32>,
    tpu.vector_store %arg11[%swap3A_56], %broadcast_in_dim3A_55 {strides = array<i32>} : memref<272xi32, #tpu.memory_space<vmem>>, vector<16xi32>,
    %broadcast_in_dim3A_58 = arith.constant 0 : i32
    %broadcast_in_dim3A_59 = vector.broadcast %broadcast_in_dim3A_58 : i32 to vector<16xi32>
    %swap3A_60 = arith.constant 240 : index
    %swap3A_61 = tpu.vector_load %arg11[%swap3A_60] {strides = array<i32>} : memref<272xi32, #tpu.memory_space<vmem>>, vector<16xi32>,
    tpu.vector_store %arg11[%swap3A_60], %broadcast_in_dim3A_59 {strides = array<i32>} : memref<272xi32, #tpu.memory_space<vmem>>, vector<16xi32>,
    %broadcast_in_dim3A_62 = arith.constant 0 : i32
    %broadcast_in_dim3A_63 = vector.broadcast %broadcast_in_dim3A_62 : i32 to vector<16xi32>
    %swap3A_64 = arith.constant 256 : index
    %swap3A_65 = tpu.vector_load %arg11[%swap3A_64] {strides = array<i32>} : memref<272xi32, #tpu.memory_space<vmem>>, vector<16xi32>,
    tpu.vector_store %arg11[%swap3A_64], %broadcast_in_dim3A_63 {strides = array<i32>} : memref<272xi32, #tpu.memory_space<vmem>>, vector<16xi32>,
    %mul3A = arith.constant 12800 : i32
    %mul3A_66 = arith.muli %arg1, %mul3A : i32
    %dma_start3A = arith.constant 0 : i32
    %dma_start3A_67 = arith.constant 0 : i32
    %dma_start3A_68 = tpu.memref_slice %arg8[%dma_start3A, %dma_start3A_67] : memref<2x640xi32, #tpu.memory_space<vmem>> -> memref<1x640xi32, #tpu.memory_space<vmem>>
    %dma_start3A_69 = tpu.memref_squeeze %dma_start3A_68 : memref<1x640xi32, #tpu.memory_space<vmem>> -> memref<640xi32, #tpu.memory_space<vmem>>
    %dma_start3A_70 = tpu.memref_slice %arg3[%mul3A_66] : memref<204800xi32, #tpu.memory_space<hbm>> -> memref<640xi32, #tpu.memory_space<hbm>>
    %dma_start3A_71 = arith.constant 0 : i32
    %dma_start3A_72 = tpu.memref_slice %arg8[%dma_start3A, %dma_start3A_71] : memref<2x640xi32, #tpu.memory_space<vmem>> -> memref<1x640xi32, #tpu.memory_space<vmem>>
    %dma_start3A_73 = tpu.memref_squeeze %dma_start3A_72 : memref<1x640xi32, #tpu.memory_space<vmem>> -> memref<640xi32, #tpu.memory_space<vmem>>
    %dma_start3A_74 = tpu.memref_slice %arg3[%mul3A_66] : memref<204800xi32, #tpu.memory_space<hbm>> -> memref<640xi32, #tpu.memory_space<hbm>>
    tpu.enqueue_dma source(%dma_start3A_74 : memref<640xi32, #tpu.memory_space<hbm>>) target(%dma_start3A_73 : memref<640xi32, #tpu.memory_space<vmem>>) target_semaphore(%arg20 : memref<!tpu.dma_semaphore, #tpu.memory_space<semaphore_mem>>)
    %scan3A = arith.constant 0 : i32
    %scan3A_75 = arith.constant 0 : i32
    %scan3A_76 = arith.constant 20 : i32
    %scan3A_77 = arith.addi %scan3A_75, %scan3A_76 : i32
    %scan3A_78 = arith.constant 1 : i32
    scf.for %scan3A_761 = %scan3A_75 to %scan3A_77 step %scan3A_78  : i32 {
      %and3A = arith.constant 1 : i32
      %and3A_762 = arith.andi %scan3A_761, %and3A : i32
      %dma_wait3A = arith.constant 0 : i32
      %dma_wait3A_763 = tpu.memref_slice %arg8[%and3A_762, %dma_wait3A] : memref<2x640xi32, #tpu.memory_space<vmem>> -> memref<1x640xi32, #tpu.memory_space<vmem>>
      %dma_wait3A_764 = tpu.memref_squeeze %dma_wait3A_763 : memref<1x640xi32, #tpu.memory_space<vmem>> -> memref<640xi32, #tpu.memory_space<vmem>>
      %dma_wait3A_765 = arith.constant 0 : i32
      %dma_wait3A_766 = tpu.memref_slice %arg3[%dma_wait3A_765] : memref<204800xi32, #tpu.memory_space<hbm>> -> memref<640xi32, #tpu.memory_space<hbm>>
      %dma_wait3A_767 = arith.constant 0 : i32
      %dma_wait3A_768 = tpu.memref_slice %arg8[%and3A_762, %dma_wait3A_767] : memref<2x640xi32, #tpu.memory_space<vmem>> -> memref<1x640xi32, #tpu.memory_space<vmem>>
      %dma_wait3A_769 = tpu.memref_squeeze %dma_wait3A_768 : memref<1x640xi32, #tpu.memory_space<vmem>> -> memref<640xi32, #tpu.memory_space<vmem>>
      %dma_wait3A_770 = arith.constant 0 : i32
      %dma_wait3A_771 = tpu.memref_slice %arg3[%dma_wait3A_770] : memref<204800xi32, #tpu.memory_space<hbm>> -> memref<640xi32, #tpu.memory_space<hbm>>
      tpu.wait_dma2 semaphore(%arg20 : memref<!tpu.dma_semaphore, #tpu.memory_space<semaphore_mem>>) src(%dma_wait3A_771 : memref<640xi32, #tpu.memory_space<hbm>>) dst(%dma_wait3A_769 : memref<640xi32, #tpu.memory_space<vmem>>)
      %add3A_772 = arith.constant 1 : i32
      %add3A_773 = arith.addi %scan3A_761, %add3A_772 : i32
      %lt3A = arith.constant 20 : i32
      %lt3A_774 = arith.cmpi slt, %add3A_773, %lt3A : i32
      %convert_element_type3A = arith.extui %lt3A_774 : i1 to i32
      %cond3A = arith.constant 0 : i32
      %cond3A_775 = arith.cmpi ne, %convert_element_type3A, %cond3A : i32
      scf.if %cond3A_775 {
        %add3A_781 = arith.constant 1 : i32
        %add3A_782 = arith.addi %scan3A_761, %add3A_781 : i32
        %mul3A_783 = arith.constant 640 : i32
        %mul3A_784 = arith.muli %add3A_782, %mul3A_783 : i32
        %add3A_785 = arith.addi %mul3A_66, %mul3A_784 : i32
        %add3A_786 = arith.constant 1 : i32
        %add3A_787 = arith.addi %scan3A_761, %add3A_786 : i32
        %and3A_788 = arith.constant 1 : i32
        %and3A_789 = arith.andi %add3A_787, %and3A_788 : i32
        %dma_start3A_790 = arith.constant 0 : i32
        %dma_start3A_791 = tpu.memref_slice %arg8[%and3A_789, %dma_start3A_790] : memref<2x640xi32, #tpu.memory_space<vmem>> -> memref<1x640xi32, #tpu.memory_space<vmem>>
        %dma_start3A_792 = tpu.memref_squeeze %dma_start3A_791 : memref<1x640xi32, #tpu.memory_space<vmem>> -> memref<640xi32, #tpu.memory_space<vmem>>
        %dma_start3A_793 = tpu.memref_slice %arg3[%add3A_785] : memref<204800xi32, #tpu.memory_space<hbm>> -> memref<640xi32, #tpu.memory_space<hbm>>
        %dma_start3A_794 = arith.constant 0 : i32
        %dma_start3A_795 = tpu.memref_slice %arg8[%and3A_789, %dma_start3A_794] : memref<2x640xi32, #tpu.memory_space<vmem>> -> memref<1x640xi32, #tpu.memory_space<vmem>>
        %dma_start3A_796 = tpu.memref_squeeze %dma_start3A_795 : memref<1x640xi32, #tpu.memory_space<vmem>> -> memref<640xi32, #tpu.memory_space<vmem>>
        %dma_start3A_797 = tpu.memref_slice %arg3[%add3A_785] : memref<204800xi32, #tpu.memory_space<hbm>> -> memref<640xi32, #tpu.memory_space<hbm>>
        tpu.enqueue_dma source(%dma_start3A_797 : memref<640xi32, #tpu.memory_space<hbm>>) target(%dma_start3A_796 : memref<640xi32, #tpu.memory_space<vmem>>) target_semaphore(%arg20 : memref<!tpu.dma_semaphore, #tpu.memory_space<semaphore_mem>>)
      } else {
      }
      %scan3A_776 = arith.constant 0 : i32
      %scan3A_777 = arith.constant 40 : i32
      %scan3A_778 = arith.addi %scan3A_776, %scan3A_777 : i32
      %scan3A_779 = arith.constant 1 : i32
      scf.for %scan3A_781 = %scan3A_776 to %scan3A_778 step %scan3A_779  : i32 {
        %and3A_782 = arith.constant 1 : i32
        %and3A_783 = arith.andi %scan3A_761, %and3A_782 : i32
        %mul3A_784 = arith.constant 16 : i32
        %mul3A_785 = arith.muli %scan3A_781, %mul3A_784 : i32
        %get3A = arith.index_cast %and3A_783 : i32 to index
        %get3A_786 = arith.index_cast %mul3A_785 : i32 to index
        %get3A_787 = tpu.vector_load %arg8[%get3A, %get3A_786] {strides = array<i32>} : memref<2x640xi32, #tpu.memory_space<vmem>>, vector<16xi32>,
        %mul3A_788 = arith.constant 640 : i32
        %mul3A_789 = arith.muli %scan3A_761, %mul3A_788 : i32
        %add3A_790 = arith.addi %mul3A_66, %mul3A_789 : i32
        %mul3A_791 = arith.constant 16 : i32
        %mul3A_792 = arith.muli %scan3A_781, %mul3A_791 : i32
        %add3A_793 = arith.addi %add3A_790, %mul3A_792 : i32
        %add3A_794 = vector.broadcast %add3A_793 : i32 to vector<16xi32>
        %add3A_795 = arith.addi %add3A_794, %iota3A : vector<16xi32>
        %shift_right_arithmetic3A_796 = arith.constant 9 : i32
        %shift_right_arithmetic3A_797 = vector.broadcast %shift_right_arithmetic3A_796 : i32 to vector<16xi32>
        %shift_right_arithmetic3A_798 = arith.shrsi %get3A_787, %shift_right_arithmetic3A_797 : vector<16xi32>
        %and3A_799 = arith.constant 1 : i32
        %and3A_800 = vector.broadcast %and3A_799 : i32 to vector<16xi32>
        %and3A_801 = arith.andi %shift_right_arithmetic3A_798, %and3A_800 : vector<16xi32>
        %eq3A = vector.broadcast %arg0 : i32 to vector<16xi32>
        %eq3A_802 = arith.cmpi eq, %and3A_801, %eq3A : vector<16xi32>
        %shift_right_arithmetic3A_803 = arith.constant 1 : i32
        %shift_right_arithmetic3A_804 = vector.broadcast %shift_right_arithmetic3A_803 : i32 to vector<16xi32>
        %shift_right_arithmetic3A_805 = arith.shrsi %shift_right_arithmetic3A_798, %shift_right_arithmetic3A_804 : vector<16xi32>
        %and3A_806 = arith.constant 15 : i32
        %and3A_807 = vector.broadcast %and3A_806 : i32 to vector<16xi32>
        %and3A_808 = arith.andi %shift_right_arithmetic3A_805, %and3A_807 : vector<16xi32>
        %mul3A_809 = arith.constant 16 : i32
        %mul3A_810 = vector.broadcast %mul3A_809 : i32 to vector<16xi32>
        %mul3A_811 = arith.muli %and3A_808, %mul3A_810 : vector<16xi32>
        %add3A_812 = arith.addi %mul3A_811, %iota3A : vector<16xi32>
        %gather3A_813 = tpu.vector_load_idx %arg11[%add3A_812] : memref<272xi32, #tpu.memory_space<vmem>>[vector<16xi32>], vector<16xi32>,
        %jit3A = arith.constant 1 : i32
        %jit3A_814 = arith.constant 0 : i32
        %broadcast_in_dim3A_815 = vector.broadcast %jit3A : i32 to vector<16xi32>
        %broadcast_in_dim3A_816 = vector.broadcast %jit3A_814 : i32 to vector<16xi32>
        %select_n3A = arith.select %eq3A_802, %broadcast_in_dim3A_815, %broadcast_in_dim3A_816 : vector<16xi1>, vector<16xi32>
        tpu.vector_store_idx %arg11[%add3A_812], %select_n3A {add = true} : memref<272xi32, #tpu.memory_space<vmem>>[vector<16xi32>], vector<16xi32>,
        %mul3A_817 = arith.constant 64 : i32
        %mul3A_818 = vector.broadcast %mul3A_817 : i32 to vector<16xi32>
        %mul3A_819 = arith.muli %add3A_812, %mul3A_818 : vector<16xi32>
        %min3A_820 = arith.constant 63 : i32
        %min3A_821 = vector.broadcast %min3A_820 : i32 to vector<16xi32>
        %min3A_822 = arith.minsi %gather3A_813, %min3A_821 : vector<16xi32>
        %add3A_823 = arith.addi %mul3A_819, %min3A_822 : vector<16xi32>
        %add3A_824 = arith.constant 16384 : i32
        %add3A_825 = vector.broadcast %add3A_824 : i32 to vector<16xi32>
        %add3A_826 = arith.addi %add3A_825, %iota3A : vector<16xi32>
        %select_n3A_827 = arith.select %eq3A_802, %add3A_823, %add3A_826 : vector<16xi1>, vector<16xi32>
        tpu.vector_store_idx %arg9[%select_n3A_827], %get3A_787 : memref<16400xi32, #tpu.memory_space<vmem>>[vector<16xi32>], vector<16xi32>,
        tpu.vector_store_idx %arg10[%select_n3A_827], %add3A_795 : memref<16400xi32, #tpu.memory_space<vmem>>[vector<16xi32>], vector<16xi32>,
      }
      %scan3A_780 = arith.constant 40 : i32
    }
    %scan3A_79 = arith.constant 20 : i32
    %mul3A_80 = arith.constant 16 : i32
    %mul3A_81 = arith.muli %arg0, %mul3A_80 : i32
    %add3A = arith.addi %mul3A_81, %arg1 : i32
    "tpu.region"() ({
      %run_scoped3A_761 = tpu.sem_alloc : memref<!tpu.dma_semaphore, #tpu.memory_space<semaphore_mem>>
      %dma_start3A_762 = arith.constant 0 : i32
      %dma_start3A_763 = tpu.memref_slice %arg5[%add3A, %dma_start3A_762] : memref<32x16400xi32, #tpu.memory_space<hbm>> -> memref<1x16400xi32, #tpu.memory_space<hbm>>
      %dma_start3A_764 = tpu.memref_squeeze %dma_start3A_763 : memref<1x16400xi32, #tpu.memory_space<hbm>> -> memref<16400xi32, #tpu.memory_space<hbm>>
      %dma_start3A_765 = arith.constant 0 : i32
      %dma_start3A_766 = tpu.memref_slice %arg5[%add3A, %dma_start3A_765] : memref<32x16400xi32, #tpu.memory_space<hbm>> -> memref<1x16400xi32, #tpu.memory_space<hbm>>
      %dma_start3A_767 = tpu.memref_squeeze %dma_start3A_766 : memref<1x16400xi32, #tpu.memory_space<hbm>> -> memref<16400xi32, #tpu.memory_space<hbm>>
      tpu.enqueue_dma source(%arg9 : memref<16400xi32, #tpu.memory_space<vmem>>) target(%dma_start3A_767 : memref<16400xi32, #tpu.memory_space<hbm>>) target_semaphore(%run_scoped3A_761 : memref<!tpu.dma_semaphore, #tpu.memory_space<semaphore_mem>>)
      %dma_wait3A = arith.constant 0 : i32
      %dma_wait3A_768 = tpu.memref_slice %arg5[%add3A, %dma_wait3A] : memref<32x16400xi32, #tpu.memory_space<hbm>> -> memref<1x16400xi32, #tpu.memory_space<hbm>>
      %dma_wait3A_769 = tpu.memref_squeeze %dma_wait3A_768 : memref<1x16400xi32, #tpu.memory_space<hbm>> -> memref<16400xi32, #tpu.memory_space<hbm>>
      %dma_wait3A_770 = arith.constant 0 : i32
      %dma_wait3A_771 = tpu.memref_slice %arg5[%add3A, %dma_wait3A_770] : memref<32x16400xi32, #tpu.memory_space<hbm>> -> memref<1x16400xi32, #tpu.memory_space<hbm>>
      %dma_wait3A_772 = tpu.memref_squeeze %dma_wait3A_771 : memref<1x16400xi32, #tpu.memory_space<hbm>> -> memref<16400xi32, #tpu.memory_space<hbm>>
      tpu.wait_dma2 semaphore(%run_scoped3A_761 : memref<!tpu.dma_semaphore, #tpu.memory_space<semaphore_mem>>) src(%arg9 : memref<16400xi32, #tpu.memory_space<vmem>>) dst(%dma_wait3A_772 : memref<16400xi32, #tpu.memory_space<hbm>>)
      tpu.yield
    }) : () -> ()
    "tpu.region"() ({
      %run_scoped3A_761 = tpu.sem_alloc : memref<!tpu.dma_semaphore, #tpu.memory_space<semaphore_mem>>
      %dma_start3A_762 = arith.constant 0 : i32
      %dma_start3A_763 = tpu.memref_slice %arg6[%add3A, %dma_start3A_762] : memref<32x16400xi32, #tpu.memory_space<hbm>> -> memref<1x16400xi32, #tpu.memory_space<hbm>>
      %dma_start3A_764 = tpu.memref_squeeze %dma_start3A_763 : memref<1x16400xi32, #tpu.memory_space<hbm>> -> memref<16400xi32, #tpu.memory_space<hbm>>
      %dma_start3A_765 = arith.constant 0 : i32
      %dma_start3A_766 = tpu.memref_slice %arg6[%add3A, %dma_start3A_765] : memref<32x16400xi32, #tpu.memory_space<hbm>> -> memref<1x16400xi32, #tpu.memory_space<hbm>>
      %dma_start3A_767 = tpu.memref_squeeze %dma_start3A_766 : memref<1x16400xi32, #tpu.memory_space<hbm>> -> memref<16400xi32, #tpu.memory_space<hbm>>
      tpu.enqueue_dma source(%arg10 : memref<16400xi32, #tpu.memory_space<vmem>>) target(%dma_start3A_767 : memref<16400xi32, #tpu.memory_space<hbm>>) target_semaphore(%run_scoped3A_761 : memref<!tpu.dma_semaphore, #tpu.memory_space<semaphore_mem>>)
      %dma_wait3A = arith.constant 0 : i32
      %dma_wait3A_768 = tpu.memref_slice %arg6[%add3A, %dma_wait3A] : memref<32x16400xi32, #tpu.memory_space<hbm>> -> memref<1x16400xi32, #tpu.memory_space<hbm>>
      %dma_wait3A_769 = tpu.memref_squeeze %dma_wait3A_768 : memref<1x16400xi32, #tpu.memory_space<hbm>> -> memref<16400xi32, #tpu.memory_space<hbm>>
      %dma_wait3A_770 = arith.constant 0 : i32
      %dma_wait3A_771 = tpu.memref_slice %arg6[%add3A, %dma_wait3A_770] : memref<32x16400xi32, #tpu.memory_space<hbm>> -> memref<1x16400xi32, #tpu.memory_space<hbm>>
      %dma_wait3A_772 = tpu.memref_squeeze %dma_wait3A_771 : memref<1x16400xi32, #tpu.memory_space<hbm>> -> memref<16400xi32, #tpu.memory_space<hbm>>
      tpu.wait_dma2 semaphore(%run_scoped3A_761 : memref<!tpu.dma_semaphore, #tpu.memory_space<semaphore_mem>>) src(%arg10 : memref<16400xi32, #tpu.memory_space<vmem>>) dst(%dma_wait3A_772 : memref<16400xi32, #tpu.memory_space<hbm>>)
      tpu.yield
    }) : () -> ()
    "tpu.region"() ({
      %run_scoped3A_761 = tpu.sem_alloc : memref<!tpu.dma_semaphore, #tpu.memory_space<semaphore_mem>>
      %dma_start3A_762 = arith.constant 0 : i32
      %dma_start3A_763 = tpu.memref_slice %arg7[%add3A, %dma_start3A_762] : memref<32x272xi32, #tpu.memory_space<hbm>> -> memref<1x272xi32, #tpu.memory_space<hbm>>
      %dma_start3A_764 = tpu.memref_squeeze %dma_start3A_763 : memref<1x272xi32, #tpu.memory_space<hbm>> -> memref<272xi32, #tpu.memory_space<hbm>>
      %dma_start3A_765 = arith.constant 0 : i32
      %dma_start3A_766 = tpu.memref_slice %arg7[%add3A, %dma_start3A_765] : memref<32x272xi32, #tpu.memory_space<hbm>> -> memref<1x272xi32, #tpu.memory_space<hbm>>
      %dma_start3A_767 = tpu.memref_squeeze %dma_start3A_766 : memref<1x272xi32, #tpu.memory_space<hbm>> -> memref<272xi32, #tpu.memory_space<hbm>>
      tpu.enqueue_dma source(%arg11 : memref<272xi32, #tpu.memory_space<vmem>>) target(%dma_start3A_767 : memref<272xi32, #tpu.memory_space<hbm>>) target_semaphore(%run_scoped3A_761 : memref<!tpu.dma_semaphore, #tpu.memory_space<semaphore_mem>>)
      %dma_wait3A = arith.constant 0 : i32
      %dma_wait3A_768 = tpu.memref_slice %arg7[%add3A, %dma_wait3A] : memref<32x272xi32, #tpu.memory_space<hbm>> -> memref<1x272xi32, #tpu.memory_space<hbm>>
      %dma_wait3A_769 = tpu.memref_squeeze %dma_wait3A_768 : memref<1x272xi32, #tpu.memory_space<hbm>> -> memref<272xi32, #tpu.memory_space<hbm>>
      %dma_wait3A_770 = arith.constant 0 : i32
      %dma_wait3A_771 = tpu.memref_slice %arg7[%add3A, %dma_wait3A_770] : memref<32x272xi32, #tpu.memory_space<hbm>> -> memref<1x272xi32, #tpu.memory_space<hbm>>
      %dma_wait3A_772 = tpu.memref_squeeze %dma_wait3A_771 : memref<1x272xi32, #tpu.memory_space<hbm>> -> memref<272xi32, #tpu.memory_space<hbm>>
      tpu.wait_dma2 semaphore(%run_scoped3A_761 : memref<!tpu.dma_semaphore, #tpu.memory_space<semaphore_mem>>) src(%arg11 : memref<272xi32, #tpu.memory_space<vmem>>) dst(%dma_wait3A_772 : memref<272xi32, #tpu.memory_space<hbm>>)
      tpu.yield
    }) : () -> ()
    %barrier3A = arith.constant 0 : index
    tpu.barrier barrier_id(%barrier3A)
    %mul3A_82 = arith.constant 16 : i32
    %mul3A_83 = arith.muli %arg0, %mul3A_82 : i32
    %add3A_84 = arith.constant 0 : i32
    %add3A_85 = arith.addi %mul3A_83, %add3A_84 : i32
    %mul3A_86 = arith.constant 1024 : i32
    %mul3A_87 = arith.muli %arg1, %mul3A_86 : i32
    "tpu.region"() ({
      %run_scoped3A_761 = tpu.sem_alloc : memref<!tpu.dma_semaphore, #tpu.memory_space<semaphore_mem>>
      %dma_start3A_762 = arith.constant 0 : i32
      %dma_start3A_763 = tpu.memref_slice %arg9[%dma_start3A_762] : memref<16400xi32, #tpu.memory_space<vmem>> -> memref<1024xi32, #tpu.memory_space<vmem>>
      %dma_start3A_764 = tpu.memref_slice %arg5[%add3A_85, %mul3A_87] : memref<32x16400xi32, #tpu.memory_space<hbm>> -> memref<1x1024xi32, #tpu.memory_space<hbm>>
      %dma_start3A_765 = tpu.memref_squeeze %dma_start3A_764 : memref<1x1024xi32, #tpu.memory_space<hbm>> -> memref<1024xi32, #tpu.memory_space<hbm>>
      %dma_start3A_766 = arith.constant 0 : i32
      %dma_start3A_767 = tpu.memref_slice %arg9[%dma_start3A_766] : memref<16400xi32, #tpu.memory_space<vmem>> -> memref<1024xi32, #tpu.memory_space<vmem>>
      %dma_start3A_768 = tpu.memref_slice %arg5[%add3A_85, %mul3A_87] : memref<32x16400xi32, #tpu.memory_space<hbm>> -> memref<1x1024xi32, #tpu.memory_space<hbm>>
      %dma_start3A_769 = tpu.memref_squeeze %dma_start3A_768 : memref<1x1024xi32, #tpu.memory_space<hbm>> -> memref<1024xi32, #tpu.memory_space<hbm>>
      tpu.enqueue_dma source(%dma_start3A_769 : memref<1024xi32, #tpu.memory_space<hbm>>) target(%dma_start3A_767 : memref<1024xi32, #tpu.memory_space<vmem>>) target_semaphore(%run_scoped3A_761 : memref<!tpu.dma_semaphore, #tpu.memory_space<semaphore_mem>>)
      %dma_wait3A = arith.constant 0 : i32
      %dma_wait3A_770 = tpu.memref_slice %arg9[%dma_wait3A] : memref<16400xi32, #tpu.memory_space<vmem>> -> memref<1024xi32, #tpu.memory_space<vmem>>
      %dma_wait3A_771 = tpu.memref_slice %arg5[%add3A_85, %mul3A_87] : memref<32x16400xi32, #tpu.memory_space<hbm>> -> memref<1x1024xi32, #tpu.memory_space<hbm>>
      %dma_wait3A_772 = tpu.memref_squeeze %dma_wait3A_771 : memref<1x1024xi32, #tpu.memory_space<hbm>> -> memref<1024xi32, #tpu.memory_space<hbm>>
      %dma_wait3A_773 = arith.constant 0 : i32
      %dma_wait3A_774 = tpu.memref_slice %arg9[%dma_wait3A_773] : memref<16400xi32, #tpu.memory_space<vmem>> -> memref<1024xi32, #tpu.memory_space<vmem>>
      %dma_wait3A_775 = tpu.memref_slice %arg5[%add3A_85, %mul3A_87] : memref<32x16400xi32, #tpu.memory_space<hbm>> -> memref<1x1024xi32, #tpu.memory_space<hbm>>
      %dma_wait3A_776 = tpu.memref_squeeze %dma_wait3A_775 : memref<1x1024xi32, #tpu.memory_space<hbm>> -> memref<1024xi32, #tpu.memory_space<hbm>>
      tpu.wait_dma2 semaphore(%run_scoped3A_761 : memref<!tpu.dma_semaphore, #tpu.memory_space<semaphore_mem>>) src(%dma_wait3A_776 : memref<1024xi32, #tpu.memory_space<hbm>>) dst(%dma_wait3A_774 : memref<1024xi32, #tpu.memory_space<vmem>>)
      tpu.yield
    }) : () -> ()
    %mul3A_88 = arith.constant 16 : i32
    %mul3A_89 = arith.muli %arg0, %mul3A_88 : i32
    %add3A_90 = arith.constant 0 : i32
    %add3A_91 = arith.addi %mul3A_89, %add3A_90 : i32
    %mul3A_92 = arith.constant 1024 : i32
    %mul3A_93 = arith.muli %arg1, %mul3A_92 : i32
    "tpu.region"() ({
      %run_scoped3A_761 = tpu.sem_alloc : memref<!tpu.dma_semaphore, #tpu.memory_space<semaphore_mem>>
      %dma_start3A_762 = arith.constant 0 : i32
      %dma_start3A_763 = tpu.memref_slice %arg10[%dma_start3A_762] : memref<16400xi32, #tpu.memory_space<vmem>> -> memref<1024xi32, #tpu.memory_space<vmem>>
      %dma_start3A_764 = tpu.memref_slice %arg6[%add3A_91, %mul3A_93] : memref<32x16400xi32, #tpu.memory_space<hbm>> -> memref<1x1024xi32, #tpu.memory_space<hbm>>
      %dma_start3A_765 = tpu.memref_squeeze %dma_start3A_764 : memref<1x1024xi32, #tpu.memory_space<hbm>> -> memref<1024xi32, #tpu.memory_space<hbm>>
      %dma_start3A_766 = arith.constant 0 : i32
      %dma_start3A_767 = tpu.memref_slice %arg10[%dma_start3A_766] : memref<16400xi32, #tpu.memory_space<vmem>> -> memref<1024xi32, #tpu.memory_space<vmem>>
      %dma_start3A_768 = tpu.memref_slice %arg6[%add3A_91, %mul3A_93] : memref<32x16400xi32, #tpu.memory_space<hbm>> -> memref<1x1024xi32, #tpu.memory_space<hbm>>
      %dma_start3A_769 = tpu.memref_squeeze %dma_start3A_768 : memref<1x1024xi32, #tpu.memory_space<hbm>> -> memref<1024xi32, #tpu.memory_space<hbm>>
      tpu.enqueue_dma source(%dma_start3A_769 : memref<1024xi32, #tpu.memory_space<hbm>>) target(%dma_start3A_767 : memref<1024xi32, #tpu.memory_space<vmem>>) target_semaphore(%run_scoped3A_761 : memref<!tpu.dma_semaphore, #tpu.memory_space<semaphore_mem>>)
      %dma_wait3A = arith.constant 0 : i32
      %dma_wait3A_770 = tpu.memref_slice %arg10[%dma_wait3A] : memref<16400xi32, #tpu.memory_space<vmem>> -> memref<1024xi32, #tpu.memory_space<vmem>>
      %dma_wait3A_771 = tpu.memref_slice %arg6[%add3A_91, %mul3A_93] : memref<32x16400xi32, #tpu.memory_space<hbm>> -> memref<1x1024xi32, #tpu.memory_space<hbm>>
      %dma_wait3A_772 = tpu.memref_squeeze %dma_wait3A_771 : memref<1x1024xi32, #tpu.memory_space<hbm>> -> memref<1024xi32, #tpu.memory_space<hbm>>
      %dma_wait3A_773 = arith.constant 0 : i32
      %dma_wait3A_774 = tpu.memref_slice %arg10[%dma_wait3A_773] : memref<16400xi32, #tpu.memory_space<vmem>> -> memref<1024xi32, #tpu.memory_space<vmem>>
      %dma_wait3A_775 = tpu.memref_slice %arg6[%add3A_91, %mul3A_93] : memref<32x16400xi32, #tpu.memory_space<hbm>> -> memref<1x1024xi32, #tpu.memory_space<hbm>>
      %dma_wait3A_776 = tpu.memref_squeeze %dma_wait3A_775 : memref<1x1024xi32, #tpu.memory_space<hbm>> -> memref<1024xi32, #tpu.memory_space<hbm>>
      tpu.wait_dma2 semaphore(%run_scoped3A_761 : memref<!tpu.dma_semaphore, #tpu.memory_space<semaphore_mem>>) src(%dma_wait3A_776 : memref<1024xi32, #tpu.memory_space<hbm>>) dst(%dma_wait3A_774 : memref<1024xi32, #tpu.memory_space<vmem>>)
      tpu.yield
    }) : () -> ()
    %mul3A_94 = arith.constant 16 : i32
    %mul3A_95 = arith.muli %arg0, %mul3A_94 : i32
    %add3A_96 = arith.constant 0 : i32
    %add3A_97 = arith.addi %mul3A_95, %add3A_96 : i32
    %mul3A_98 = arith.constant 16 : i32
    %mul3A_99 = arith.muli %arg1, %mul3A_98 : i32
    "tpu.region"() ({
      %run_scoped3A_761 = tpu.sem_alloc : memref<!tpu.dma_semaphore, #tpu.memory_space<semaphore_mem>>
      %dma_start3A_762 = arith.constant 0 : i32
      %dma_start3A_763 = tpu.memref_slice %arg11[%dma_start3A_762] : memref<272xi32, #tpu.memory_space<vmem>> -> memref<16xi32, #tpu.memory_space<vmem>>
      %dma_start3A_764 = tpu.memref_slice %arg7[%add3A_97, %mul3A_99] : memref<32x272xi32, #tpu.memory_space<hbm>> -> memref<1x16xi32, #tpu.memory_space<hbm>>
      %dma_start3A_765 = tpu.memref_squeeze %dma_start3A_764 : memref<1x16xi32, #tpu.memory_space<hbm>> -> memref<16xi32, #tpu.memory_space<hbm>>
      %dma_start3A_766 = arith.constant 0 : i32
      %dma_start3A_767 = tpu.memref_slice %arg11[%dma_start3A_766] : memref<272xi32, #tpu.memory_space<vmem>> -> memref<16xi32, #tpu.memory_space<vmem>>
      %dma_start3A_768 = tpu.memref_slice %arg7[%add3A_97, %mul3A_99] : memref<32x272xi32, #tpu.memory_space<hbm>> -> memref<1x16xi32, #tpu.memory_space<hbm>>
      %dma_start3A_769 = tpu.memref_squeeze %dma_start3A_768 : memref<1x16xi32, #tpu.memory_space<hbm>> -> memref<16xi32, #tpu.memory_space<hbm>>
      tpu.enqueue_dma source(%dma_start3A_769 : memref<16xi32, #tpu.memory_space<hbm>>) target(%dma_start3A_767 : memref<16xi32, #tpu.memory_space<vmem>>) target_semaphore(%run_scoped3A_761 : memref<!tpu.dma_semaphore, #tpu.memory_space<semaphore_mem>>)
      %dma_wait3A = arith.constant 0 : i32
      %dma_wait3A_770 = tpu.memref_slice %arg11[%dma_wait3A] : memref<272xi32, #tpu.memory_space<vmem>> -> memref<16xi32, #tpu.memory_space<vmem>>
      %dma_wait3A_771 = tpu.memref_slice %arg7[%add3A_97, %mul3A_99] : memref<32x272xi32, #tpu.memory_space<hbm>> -> memref<1x16xi32, #tpu.memory_space<hbm>>
      %dma_wait3A_772 = tpu.memref_squeeze %dma_wait3A_771 : memref<1x16xi32, #tpu.memory_space<hbm>> -> memref<16xi32, #tpu.memory_space<hbm>>
      %dma_wait3A_773 = arith.constant 0 : i32
      %dma_wait3A_774 = tpu.memref_slice %arg11[%dma_wait3A_773] : memref<272xi32, #tpu.memory_space<vmem>> -> memref<16xi32, #tpu.memory_space<vmem>>
      %dma_wait3A_775 = tpu.memref_slice %arg7[%add3A_97, %mul3A_99] : memref<32x272xi32, #tpu.memory_space<hbm>> -> memref<1x16xi32, #tpu.memory_space<hbm>>
      %dma_wait3A_776 = tpu.memref_squeeze %dma_wait3A_775 : memref<1x16xi32, #tpu.memory_space<hbm>> -> memref<16xi32, #tpu.memory_space<hbm>>
      tpu.wait_dma2 semaphore(%run_scoped3A_761 : memref<!tpu.dma_semaphore, #tpu.memory_space<semaphore_mem>>) src(%dma_wait3A_776 : memref<16xi32, #tpu.memory_space<hbm>>) dst(%dma_wait3A_774 : memref<16xi32, #tpu.memory_space<vmem>>)
      tpu.yield
    }) : () -> ()
    %mul3A_100 = arith.constant 16 : i32
    %mul3A_101 = arith.muli %arg0, %mul3A_100 : i32
    %add3A_102 = arith.constant 1 : i32
    %add3A_103 = arith.addi %mul3A_101, %add3A_102 : i32
    %mul3A_104 = arith.constant 1024 : i32
    %mul3A_105 = arith.muli %arg1, %mul3A_104 : i32
    "tpu.region"() ({
      %run_scoped3A_761 = tpu.sem_alloc : memref<!tpu.dma_semaphore, #tpu.memory_space<semaphore_mem>>
      %dma_start3A_762 = arith.constant 1024 : i32
      %dma_start3A_763 = tpu.memref_slice %arg9[%dma_start3A_762] : memref<16400xi32, #tpu.memory_space<vmem>> -> memref<1024xi32, #tpu.memory_space<vmem>>
      %dma_start3A_764 = tpu.memref_slice %arg5[%add3A_103, %mul3A_105] : memref<32x16400xi32, #tpu.memory_space<hbm>> -> memref<1x1024xi32, #tpu.memory_space<hbm>>
      %dma_start3A_765 = tpu.memref_squeeze %dma_start3A_764 : memref<1x1024xi32, #tpu.memory_space<hbm>> -> memref<1024xi32, #tpu.memory_space<hbm>>
      %dma_start3A_766 = arith.constant 1024 : i32
      %dma_start3A_767 = tpu.memref_slice %arg9[%dma_start3A_766] : memref<16400xi32, #tpu.memory_space<vmem>> -> memref<1024xi32, #tpu.memory_space<vmem>>
      %dma_start3A_768 = tpu.memref_slice %arg5[%add3A_103, %mul3A_105] : memref<32x16400xi32, #tpu.memory_space<hbm>> -> memref<1x1024xi32, #tpu.memory_space<hbm>>
      %dma_start3A_769 = tpu.memref_squeeze %dma_start3A_768 : memref<1x1024xi32, #tpu.memory_space<hbm>> -> memref<1024xi32, #tpu.memory_space<hbm>>
      tpu.enqueue_dma source(%dma_start3A_769 : memref<1024xi32, #tpu.memory_space<hbm>>) target(%dma_start3A_767 : memref<1024xi32, #tpu.memory_space<vmem>>) target_semaphore(%run_scoped3A_761 : memref<!tpu.dma_semaphore, #tpu.memory_space<semaphore_mem>>)
      %dma_wait3A = arith.constant 1024 : i32
      %dma_wait3A_770 = tpu.memref_slice %arg9[%dma_wait3A] : memref<16400xi32, #tpu.memory_space<vmem>> -> memref<1024xi32, #tpu.memory_space<vmem>>
      %dma_wait3A_771 = tpu.memref_slice %arg5[%add3A_103, %mul3A_105] : memref<32x16400xi32, #tpu.memory_space<hbm>> -> memref<1x1024xi32, #tpu.memory_space<hbm>>
      %dma_wait3A_772 = tpu.memref_squeeze %dma_wait3A_771 : memref<1x1024xi32, #tpu.memory_space<hbm>> -> memref<1024xi32, #tpu.memory_space<hbm>>
      %dma_wait3A_773 = arith.constant 1024 : i32
      %dma_wait3A_774 = tpu.memref_slice %arg9[%dma_wait3A_773] : memref<16400xi32, #tpu.memory_space<vmem>> -> memref<1024xi32, #tpu.memory_space<vmem>>
      %dma_wait3A_775 = tpu.memref_slice %arg5[%add3A_103, %mul3A_105] : memref<32x16400xi32, #tpu.memory_space<hbm>> -> memref<1x1024xi32, #tpu.memory_space<hbm>>
      %dma_wait3A_776 = tpu.memref_squeeze %dma_wait3A_775 : memref<1x1024xi32, #tpu.memory_space<hbm>> -> memref<1024xi32, #tpu.memory_space<hbm>>
      tpu.wait_dma2 semaphore(%run_scoped3A_761 : memref<!tpu.dma_semaphore, #tpu.memory_space<semaphore_mem>>) src(%dma_wait3A_776 : memref<1024xi32, #tpu.memory_space<hbm>>) dst(%dma_wait3A_774 : memref<1024xi32, #tpu.memory_space<vmem>>)
      tpu.yield
    }) : () -> ()
    %mul3A_106 = arith.constant 16 : i32
    %mul3A_107 = arith.muli %arg0, %mul3A_106 : i32
    %add3A_108 = arith.constant 1 : i32
    %add3A_109 = arith.addi %mul3A_107, %add3A_108 : i32
    %mul3A_110 = arith.constant 1024 : i32
    %mul3A_111 = arith.muli %arg1, %mul3A_110 : i32
    "tpu.region"() ({
      %run_scoped3A_761 = tpu.sem_alloc : memref<!tpu.dma_semaphore, #tpu.memory_space<semaphore_mem>>
      %dma_start3A_762 = arith.constant 1024 : i32
      %dma_start3A_763 = tpu.memref_slice %arg10[%dma_start3A_762] : memref<16400xi32, #tpu.memory_space<vmem>> -> memref<1024xi32, #tpu.memory_space<vmem>>
      %dma_start3A_764 = tpu.memref_slice %arg6[%add3A_109, %mul3A_111] : memref<32x16400xi32, #tpu.memory_space<hbm>> -> memref<1x1024xi32, #tpu.memory_space<hbm>>
      %dma_start3A_765 = tpu.memref_squeeze %dma_start3A_764 : memref<1x1024xi32, #tpu.memory_space<hbm>> -> memref<1024xi32, #tpu.memory_space<hbm>>
      %dma_start3A_766 = arith.constant 1024 : i32
      %dma_start3A_767 = tpu.memref_slice %arg10[%dma_start3A_766] : memref<16400xi32, #tpu.memory_space<vmem>> -> memref<1024xi32, #tpu.memory_space<vmem>>
      %dma_start3A_768 = tpu.memref_slice %arg6[%add3A_109, %mul3A_111] : memref<32x16400xi32, #tpu.memory_space<hbm>> -> memref<1x1024xi32, #tpu.memory_space<hbm>>
      %dma_start3A_769 = tpu.memref_squeeze %dma_start3A_768 : memref<1x1024xi32, #tpu.memory_space<hbm>> -> memref<1024xi32, #tpu.memory_space<hbm>>
      tpu.enqueue_dma source(%dma_start3A_769 : memref<1024xi32, #tpu.memory_space<hbm>>) target(%dma_start3A_767 : memref<1024xi32, #tpu.memory_space<vmem>>) target_semaphore(%run_scoped3A_761 : memref<!tpu.dma_semaphore, #tpu.memory_space<semaphore_mem>>)
      %dma_wait3A = arith.constant 1024 : i32
      %dma_wait3A_770 = tpu.memref_slice %arg10[%dma_wait3A] : memref<16400xi32, #tpu.memory_space<vmem>> -> memref<1024xi32, #tpu.memory_space<vmem>>
      %dma_wait3A_771 = tpu.memref_slice %arg6[%add3A_109, %mul3A_111] : memref<32x16400xi32, #tpu.memory_space<hbm>> -> memref<1x1024xi32, #tpu.memory_space<hbm>>
      %dma_wait3A_772 = tpu.memref_squeeze %dma_wait3A_771 : memref<1x1024xi32, #tpu.memory_space<hbm>> -> memref<1024xi32, #tpu.memory_space<hbm>>
      %dma_wait3A_773 = arith.constant 1024 : i32
      %dma_wait3A_774 = tpu.memref_slice %arg10[%dma_wait3A_773] : memref<16400xi32, #tpu.memory_space<vmem>> -> memref<1024xi32, #tpu.memory_space<vmem>>
      %dma_wait3A_775 = tpu.memref_slice %arg6[%add3A_109, %mul3A_111] : memref<32x16400xi32, #tpu.memory_space<hbm>> -> memref<1x1024xi32, #tpu.memory_space<hbm>>
      %dma_wait3A_776 = tpu.memref_squeeze %dma_wait3A_775 : memref<1x1024xi32, #tpu.memory_space<hbm>> -> memref<1024xi32, #tpu.memory_space<hbm>>
      tpu.wait_dma2 semaphore(%run_scoped3A_761 : memref<!tpu.dma_semaphore, #tpu.memory_space<semaphore_mem>>) src(%dma_wait3A_776 : memref<1024xi32, #tpu.memory_space<hbm>>) dst(%dma_wait3A_774 : memref<1024xi32, #tpu.memory_space<vmem>>)
      tpu.yield
    }) : () -> ()
    %mul3A_112 = arith.constant 16 : i32
    %mul3A_113 = arith.muli %arg0, %mul3A_112 : i32
    %add3A_114 = arith.constant 1 : i32
    %add3A_115 = arith.addi %mul3A_113, %add3A_114 : i32
    %mul3A_116 = arith.constant 16 : i32
    %mul3A_117 = arith.muli %arg1, %mul3A_116 : i32
    "tpu.region"() ({
      %run_scoped3A_761 = tpu.sem_alloc : memref<!tpu.dma_semaphore, #tpu.memory_space<semaphore_mem>>
      %dma_start3A_762 = arith.constant 16 : i32
      %dma_start3A_763 = tpu.memref_slice %arg11[%dma_start3A_762] : memref<272xi32, #tpu.memory_space<vmem>> -> memref<16xi32, #tpu.memory_space<vmem>>
      %dma_start3A_764 = tpu.memref_slice %arg7[%add3A_115, %mul3A_117] : memref<32x272xi32, #tpu.memory_space<hbm>> -> memref<1x16xi32, #tpu.memory_space<hbm>>
      %dma_start3A_765 = tpu.memref_squeeze %dma_start3A_764 : memref<1x16xi32, #tpu.memory_space<hbm>> -> memref<16xi32, #tpu.memory_space<hbm>>
      %dma_start3A_766 = arith.constant 16 : i32
      %dma_start3A_767 = tpu.memref_slice %arg11[%dma_start3A_766] : memref<272xi32, #tpu.memory_space<vmem>> -> memref<16xi32, #tpu.memory_space<vmem>>
      %dma_start3A_768 = tpu.memref_slice %arg7[%add3A_115, %mul3A_117] : memref<32x272xi32, #tpu.memory_space<hbm>> -> memref<1x16xi32, #tpu.memory_space<hbm>>
      %dma_start3A_769 = tpu.memref_squeeze %dma_start3A_768 : memref<1x16xi32, #tpu.memory_space<hbm>> -> memref<16xi32, #tpu.memory_space<hbm>>
      tpu.enqueue_dma source(%dma_start3A_769 : memref<16xi32, #tpu.memory_space<hbm>>) target(%dma_start3A_767 : memref<16xi32, #tpu.memory_space<vmem>>) target_semaphore(%run_scoped3A_761 : memref<!tpu.dma_semaphore, #tpu.memory_space<semaphore_mem>>)
      %dma_wait3A = arith.constant 16 : i32
      %dma_wait3A_770 = tpu.memref_slice %arg11[%dma_wait3A] : memref<272xi32, #tpu.memory_space<vmem>> -> memref<16xi32, #tpu.memory_space<vmem>>
      %dma_wait3A_771 = tpu.memref_slice %arg7[%add3A_115, %mul3A_117] : memref<32x272xi32, #tpu.memory_space<hbm>> -> memref<1x16xi32, #tpu.memory_space<hbm>>
      %dma_wait3A_772 = tpu.memref_squeeze %dma_wait3A_771 : memref<1x16xi32, #tpu.memory_space<hbm>> -> memref<16xi32, #tpu.memory_space<hbm>>
      %dma_wait3A_773 = arith.constant 16 : i32
      %dma_wait3A_774 = tpu.memref_slice %arg11[%dma_wait3A_773] : memref<272xi32, #tpu.memory_space<vmem>> -> memref<16xi32, #tpu.memory_space<vmem>>
      %dma_wait3A_775 = tpu.memref_slice %arg7[%add3A_115, %mul3A_117] : memref<32x272xi32, #tpu.memory_space<hbm>> -> memref<1x16xi32, #tpu.memory_space<hbm>>
      %dma_wait3A_776 = tpu.memref_squeeze %dma_wait3A_775 : memref<1x16xi32, #tpu.memory_space<hbm>> -> memref<16xi32, #tpu.memory_space<hbm>>
      tpu.wait_dma2 semaphore(%run_scoped3A_761 : memref<!tpu.dma_semaphore, #tpu.memory_space<semaphore_mem>>) src(%dma_wait3A_776 : memref<16xi32, #tpu.memory_space<hbm>>) dst(%dma_wait3A_774 : memref<16xi32, #tpu.memory_space<vmem>>)
      tpu.yield
    }) : () -> ()
    %mul3A_118 = arith.constant 16 : i32
    %mul3A_119 = arith.muli %arg0, %mul3A_118 : i32
    %add3A_120 = arith.constant 2 : i32
    %add3A_121 = arith.addi %mul3A_119, %add3A_120 : i32
    %mul3A_122 = arith.constant 1024 : i32
    %mul3A_123 = arith.muli %arg1, %mul3A_122 : i32
    "tpu.region"() ({
      %run_scoped3A_761 = tpu.sem_alloc : memref<!tpu.dma_semaphore, #tpu.memory_space<semaphore_mem>>
      %dma_start3A_762 = arith.constant 2048 : i32
      %dma_start3A_763 = tpu.memref_slice %arg9[%dma_start3A_762] : memref<16400xi32, #tpu.memory_space<vmem>> -> memref<1024xi32, #tpu.memory_space<vmem>>
      %dma_start3A_764 = tpu.memref_slice %arg5[%add3A_121, %mul3A_123] : memref<32x16400xi32, #tpu.memory_space<hbm>> -> memref<1x1024xi32, #tpu.memory_space<hbm>>
      %dma_start3A_765 = tpu.memref_squeeze %dma_start3A_764 : memref<1x1024xi32, #tpu.memory_space<hbm>> -> memref<1024xi32, #tpu.memory_space<hbm>>
      %dma_start3A_766 = arith.constant 2048 : i32
      %dma_start3A_767 = tpu.memref_slice %arg9[%dma_start3A_766] : memref<16400xi32, #tpu.memory_space<vmem>> -> memref<1024xi32, #tpu.memory_space<vmem>>
      %dma_start3A_768 = tpu.memref_slice %arg5[%add3A_121, %mul3A_123] : memref<32x16400xi32, #tpu.memory_space<hbm>> -> memref<1x1024xi32, #tpu.memory_space<hbm>>
      %dma_start3A_769 = tpu.memref_squeeze %dma_start3A_768 : memref<1x1024xi32, #tpu.memory_space<hbm>> -> memref<1024xi32, #tpu.memory_space<hbm>>
      tpu.enqueue_dma source(%dma_start3A_769 : memref<1024xi32, #tpu.memory_space<hbm>>) target(%dma_start3A_767 : memref<1024xi32, #tpu.memory_space<vmem>>) target_semaphore(%run_scoped3A_761 : memref<!tpu.dma_semaphore, #tpu.memory_space<semaphore_mem>>)
      %dma_wait3A = arith.constant 2048 : i32
      %dma_wait3A_770 = tpu.memref_slice %arg9[%dma_wait3A] : memref<16400xi32, #tpu.memory_space<vmem>> -> memref<1024xi32, #tpu.memory_space<vmem>>
      %dma_wait3A_771 = tpu.memref_slice %arg5[%add3A_121, %mul3A_123] : memref<32x16400xi32, #tpu.memory_space<hbm>> -> memref<1x1024xi32, #tpu.memory_space<hbm>>
      %dma_wait3A_772 = tpu.memref_squeeze %dma_wait3A_771 : memref<1x1024xi32, #tpu.memory_space<hbm>> -> memref<1024xi32, #tpu.memory_space<hbm>>
      %dma_wait3A_773 = arith.constant 2048 : i32
      %dma_wait3A_774 = tpu.memref_slice %arg9[%dma_wait3A_773] : memref<16400xi32, #tpu.memory_space<vmem>> -> memref<1024xi32, #tpu.memory_space<vmem>>
      %dma_wait3A_775 = tpu.memref_slice %arg5[%add3A_121, %mul3A_123] : memref<32x16400xi32, #tpu.memory_space<hbm>> -> memref<1x1024xi32, #tpu.memory_space<hbm>>
      %dma_wait3A_776 = tpu.memref_squeeze %dma_wait3A_775 : memref<1x1024xi32, #tpu.memory_space<hbm>> -> memref<1024xi32, #tpu.memory_space<hbm>>
      tpu.wait_dma2 semaphore(%run_scoped3A_761 : memref<!tpu.dma_semaphore, #tpu.memory_space<semaphore_mem>>) src(%dma_wait3A_776 : memref<1024xi32, #tpu.memory_space<hbm>>) dst(%dma_wait3A_774 : memref<1024xi32, #tpu.memory_space<vmem>>)
      tpu.yield
    }) : () -> ()
    %mul3A_124 = arith.constant 16 : i32
    %mul3A_125 = arith.muli %arg0, %mul3A_124 : i32
    %add3A_126 = arith.constant 2 : i32
    %add3A_127 = arith.addi %mul3A_125, %add3A_126 : i32
    %mul3A_128 = arith.constant 1024 : i32
    %mul3A_129 = arith.muli %arg1, %mul3A_128 : i32
    "tpu.region"() ({
      %run_scoped3A_761 = tpu.sem_alloc : memref<!tpu.dma_semaphore, #tpu.memory_space<semaphore_mem>>
      %dma_start3A_762 = arith.constant 2048 : i32
      %dma_start3A_763 = tpu.memref_slice %arg10[%dma_start3A_762] : memref<16400xi32, #tpu.memory_space<vmem>> -> memref<1024xi32, #tpu.memory_space<vmem>>
      %dma_start3A_764 = tpu.memref_slice %arg6[%add3A_127, %mul3A_129] : memref<32x16400xi32, #tpu.memory_space<hbm>> -> memref<1x1024xi32, #tpu.memory_space<hbm>>
      %dma_start3A_765 = tpu.memref_squeeze %dma_start3A_764 : memref<1x1024xi32, #tpu.memory_space<hbm>> -> memref<1024xi32, #tpu.memory_space<hbm>>
      %dma_start3A_766 = arith.constant 2048 : i32
      %dma_start3A_767 = tpu.memref_slice %arg10[%dma_start3A_766] : memref<16400xi32, #tpu.memory_space<vmem>> -> memref<1024xi32, #tpu.memory_space<vmem>>
      %dma_start3A_768 = tpu.memref_slice %arg6[%add3A_127, %mul3A_129] : memref<32x16400xi32, #tpu.memory_space<hbm>> -> memref<1x1024xi32, #tpu.memory_space<hbm>>
      %dma_start3A_769 = tpu.memref_squeeze %dma_start3A_768 : memref<1x1024xi32, #tpu.memory_space<hbm>> -> memref<1024xi32, #tpu.memory_space<hbm>>
      tpu.enqueue_dma source(%dma_start3A_769 : memref<1024xi32, #tpu.memory_space<hbm>>) target(%dma_start3A_767 : memref<1024xi32, #tpu.memory_space<vmem>>) target_semaphore(%run_scoped3A_761 : memref<!tpu.dma_semaphore, #tpu.memory_space<semaphore_mem>>)
      %dma_wait3A = arith.constant 2048 : i32
      %dma_wait3A_770 = tpu.memref_slice %arg10[%dma_wait3A] : memref<16400xi32, #tpu.memory_space<vmem>> -> memref<1024xi32, #tpu.memory_space<vmem>>
      %dma_wait3A_771 = tpu.memref_slice %arg6[%add3A_127, %mul3A_129] : memref<32x16400xi32, #tpu.memory_space<hbm>> -> memref<1x1024xi32, #tpu.memory_space<hbm>>
      %dma_wait3A_772 = tpu.memref_squeeze %dma_wait3A_771 : memref<1x1024xi32, #tpu.memory_space<hbm>> -> memref<1024xi32, #tpu.memory_space<hbm>>
      %dma_wait3A_773 = arith.constant 2048 : i32
      %dma_wait3A_774 = tpu.memref_slice %arg10[%dma_wait3A_773] : memref<16400xi32, #tpu.memory_space<vmem>> -> memref<1024xi32, #tpu.memory_space<vmem>>
      %dma_wait3A_775 = tpu.memref_slice %arg6[%add3A_127, %mul3A_129] : memref<32x16400xi32, #tpu.memory_space<hbm>> -> memref<1x1024xi32, #tpu.memory_space<hbm>>
      %dma_wait3A_776 = tpu.memref_squeeze %dma_wait3A_775 : memref<1x1024xi32, #tpu.memory_space<hbm>> -> memref<1024xi32, #tpu.memory_space<hbm>>
      tpu.wait_dma2 semaphore(%run_scoped3A_761 : memref<!tpu.dma_semaphore, #tpu.memory_space<semaphore_mem>>) src(%dma_wait3A_776 : memref<1024xi32, #tpu.memory_space<hbm>>) dst(%dma_wait3A_774 : memref<1024xi32, #tpu.memory_space<vmem>>)
      tpu.yield
    }) : () -> ()
    %mul3A_130 = arith.constant 16 : i32
    %mul3A_131 = arith.muli %arg0, %mul3A_130 : i32
    %add3A_132 = arith.constant 2 : i32
    %add3A_133 = arith.addi %mul3A_131, %add3A_132 : i32
    %mul3A_134 = arith.constant 16 : i32
    %mul3A_135 = arith.muli %arg1, %mul3A_134 : i32
    "tpu.region"() ({
      %run_scoped3A_761 = tpu.sem_alloc : memref<!tpu.dma_semaphore, #tpu.memory_space<semaphore_mem>>
      %dma_start3A_762 = arith.constant 32 : i32
      %dma_start3A_763 = tpu.memref_slice %arg11[%dma_start3A_762] : memref<272xi32, #tpu.memory_space<vmem>> -> memref<16xi32, #tpu.memory_space<vmem>>
      %dma_start3A_764 = tpu.memref_slice %arg7[%add3A_133, %mul3A_135] : memref<32x272xi32, #tpu.memory_space<hbm>> -> memref<1x16xi32, #tpu.memory_space<hbm>>
      %dma_start3A_765 = tpu.memref_squeeze %dma_start3A_764 : memref<1x16xi32, #tpu.memory_space<hbm>> -> memref<16xi32, #tpu.memory_space<hbm>>
      %dma_start3A_766 = arith.constant 32 : i32
      %dma_start3A_767 = tpu.memref_slice %arg11[%dma_start3A_766] : memref<272xi32, #tpu.memory_space<vmem>> -> memref<16xi32, #tpu.memory_space<vmem>>
      %dma_start3A_768 = tpu.memref_slice %arg7[%add3A_133, %mul3A_135] : memref<32x272xi32, #tpu.memory_space<hbm>> -> memref<1x16xi32, #tpu.memory_space<hbm>>
      %dma_start3A_769 = tpu.memref_squeeze %dma_start3A_768 : memref<1x16xi32, #tpu.memory_space<hbm>> -> memref<16xi32, #tpu.memory_space<hbm>>
      tpu.enqueue_dma source(%dma_start3A_769 : memref<16xi32, #tpu.memory_space<hbm>>) target(%dma_start3A_767 : memref<16xi32, #tpu.memory_space<vmem>>) target_semaphore(%run_scoped3A_761 : memref<!tpu.dma_semaphore, #tpu.memory_space<semaphore_mem>>)
      %dma_wait3A = arith.constant 32 : i32
      %dma_wait3A_770 = tpu.memref_slice %arg11[%dma_wait3A] : memref<272xi32, #tpu.memory_space<vmem>> -> memref<16xi32, #tpu.memory_space<vmem>>
      %dma_wait3A_771 = tpu.memref_slice %arg7[%add3A_133, %mul3A_135] : memref<32x272xi32, #tpu.memory_space<hbm>> -> memref<1x16xi32, #tpu.memory_space<hbm>>
      %dma_wait3A_772 = tpu.memref_squeeze %dma_wait3A_771 : memref<1x16xi32, #tpu.memory_space<hbm>> -> memref<16xi32, #tpu.memory_space<hbm>>
      %dma_wait3A_773 = arith.constant 32 : i32
      %dma_wait3A_774 = tpu.memref_slice %arg11[%dma_wait3A_773] : memref<272xi32, #tpu.memory_space<vmem>> -> memref<16xi32, #tpu.memory_space<vmem>>
      %dma_wait3A_775 = tpu.memref_slice %arg7[%add3A_133, %mul3A_135] : memref<32x272xi32, #tpu.memory_space<hbm>> -> memref<1x16xi32, #tpu.memory_space<hbm>>
      %dma_wait3A_776 = tpu.memref_squeeze %dma_wait3A_775 : memref<1x16xi32, #tpu.memory_space<hbm>> -> memref<16xi32, #tpu.memory_space<hbm>>
      tpu.wait_dma2 semaphore(%run_scoped3A_761 : memref<!tpu.dma_semaphore, #tpu.memory_space<semaphore_mem>>) src(%dma_wait3A_776 : memref<16xi32, #tpu.memory_space<hbm>>) dst(%dma_wait3A_774 : memref<16xi32, #tpu.memory_space<vmem>>)
      tpu.yield
    }) : () -> ()
    %mul3A_136 = arith.constant 16 : i32
    %mul3A_137 = arith.muli %arg0, %mul3A_136 : i32
    %add3A_138 = arith.constant 3 : i32
    %add3A_139 = arith.addi %mul3A_137, %add3A_138 : i32
    %mul3A_140 = arith.constant 1024 : i32
    %mul3A_141 = arith.muli %arg1, %mul3A_140 : i32
    "tpu.region"() ({
      %run_scoped3A_761 = tpu.sem_alloc : memref<!tpu.dma_semaphore, #tpu.memory_space<semaphore_mem>>
      %dma_start3A_762 = arith.constant 3072 : i32
      %dma_start3A_763 = tpu.memref_slice %arg9[%dma_start3A_762] : memref<16400xi32, #tpu.memory_space<vmem>> -> memref<1024xi32, #tpu.memory_space<vmem>>
      %dma_start3A_764 = tpu.memref_slice %arg5[%add3A_139, %mul3A_141] : memref<32x16400xi32, #tpu.memory_space<hbm>> -> memref<1x1024xi32, #tpu.memory_space<hbm>>
      %dma_start3A_765 = tpu.memref_squeeze %dma_start3A_764 : memref<1x1024xi32, #tpu.memory_space<hbm>> -> memref<1024xi32, #tpu.memory_space<hbm>>
      %dma_start3A_766 = arith.constant 3072 : i32
      %dma_start3A_767 = tpu.memref_slice %arg9[%dma_start3A_766] : memref<16400xi32, #tpu.memory_space<vmem>> -> memref<1024xi32, #tpu.memory_space<vmem>>
      %dma_start3A_768 = tpu.memref_slice %arg5[%add3A_139, %mul3A_141] : memref<32x16400xi32, #tpu.memory_space<hbm>> -> memref<1x1024xi32, #tpu.memory_space<hbm>>
      %dma_start3A_769 = tpu.memref_squeeze %dma_start3A_768 : memref<1x1024xi32, #tpu.memory_space<hbm>> -> memref<1024xi32, #tpu.memory_space<hbm>>
      tpu.enqueue_dma source(%dma_start3A_769 : memref<1024xi32, #tpu.memory_space<hbm>>) target(%dma_start3A_767 : memref<1024xi32, #tpu.memory_space<vmem>>) target_semaphore(%run_scoped3A_761 : memref<!tpu.dma_semaphore, #tpu.memory_space<semaphore_mem>>)
      %dma_wait3A = arith.constant 3072 : i32
      %dma_wait3A_770 = tpu.memref_slice %arg9[%dma_wait3A] : memref<16400xi32, #tpu.memory_space<vmem>> -> memref<1024xi32, #tpu.memory_space<vmem>>
      %dma_wait3A_771 = tpu.memref_slice %arg5[%add3A_139, %mul3A_141] : memref<32x16400xi32, #tpu.memory_space<hbm>> -> memref<1x1024xi32, #tpu.memory_space<hbm>>
      %dma_wait3A_772 = tpu.memref_squeeze %dma_wait3A_771 : memref<1x1024xi32, #tpu.memory_space<hbm>> -> memref<1024xi32, #tpu.memory_space<hbm>>
      %dma_wait3A_773 = arith.constant 3072 : i32
      %dma_wait3A_774 = tpu.memref_slice %arg9[%dma_wait3A_773] : memref<16400xi32, #tpu.memory_space<vmem>> -> memref<1024xi32, #tpu.memory_space<vmem>>
      %dma_wait3A_775 = tpu.memref_slice %arg5[%add3A_139, %mul3A_141] : memref<32x16400xi32, #tpu.memory_space<hbm>> -> memref<1x1024xi32, #tpu.memory_space<hbm>>
      %dma_wait3A_776 = tpu.memref_squeeze %dma_wait3A_775 : memref<1x1024xi32, #tpu.memory_space<hbm>> -> memref<1024xi32, #tpu.memory_space<hbm>>
      tpu.wait_dma2 semaphore(%run_scoped3A_761 : memref<!tpu.dma_semaphore, #tpu.memory_space<semaphore_mem>>) src(%dma_wait3A_776 : memref<1024xi32, #tpu.memory_space<hbm>>) dst(%dma_wait3A_774 : memref<1024xi32, #tpu.memory_space<vmem>>)
      tpu.yield
    }) : () -> ()
    %mul3A_142 = arith.constant 16 : i32
    %mul3A_143 = arith.muli %arg0, %mul3A_142 : i32
    %add3A_144 = arith.constant 3 : i32
    %add3A_145 = arith.addi %mul3A_143, %add3A_144 : i32
    %mul3A_146 = arith.constant 1024 : i32
    %mul3A_147 = arith.muli %arg1, %mul3A_146 : i32
    "tpu.region"() ({
      %run_scoped3A_761 = tpu.sem_alloc : memref<!tpu.dma_semaphore, #tpu.memory_space<semaphore_mem>>
      %dma_start3A_762 = arith.constant 3072 : i32
      %dma_start3A_763 = tpu.memref_slice %arg10[%dma_start3A_762] : memref<16400xi32, #tpu.memory_space<vmem>> -> memref<1024xi32, #tpu.memory_space<vmem>>
      %dma_start3A_764 = tpu.memref_slice %arg6[%add3A_145, %mul3A_147] : memref<32x16400xi32, #tpu.memory_space<hbm>> -> memref<1x1024xi32, #tpu.memory_space<hbm>>
      %dma_start3A_765 = tpu.memref_squeeze %dma_start3A_764 : memref<1x1024xi32, #tpu.memory_space<hbm>> -> memref<1024xi32, #tpu.memory_space<hbm>>
      %dma_start3A_766 = arith.constant 3072 : i32
      %dma_start3A_767 = tpu.memref_slice %arg10[%dma_start3A_766] : memref<16400xi32, #tpu.memory_space<vmem>> -> memref<1024xi32, #tpu.memory_space<vmem>>
      %dma_start3A_768 = tpu.memref_slice %arg6[%add3A_145, %mul3A_147] : memref<32x16400xi32, #tpu.memory_space<hbm>> -> memref<1x1024xi32, #tpu.memory_space<hbm>>
      %dma_start3A_769 = tpu.memref_squeeze %dma_start3A_768 : memref<1x1024xi32, #tpu.memory_space<hbm>> -> memref<1024xi32, #tpu.memory_space<hbm>>
      tpu.enqueue_dma source(%dma_start3A_769 : memref<1024xi32, #tpu.memory_space<hbm>>) target(%dma_start3A_767 : memref<1024xi32, #tpu.memory_space<vmem>>) target_semaphore(%run_scoped3A_761 : memref<!tpu.dma_semaphore, #tpu.memory_space<semaphore_mem>>)
      %dma_wait3A = arith.constant 3072 : i32
      %dma_wait3A_770 = tpu.memref_slice %arg10[%dma_wait3A] : memref<16400xi32, #tpu.memory_space<vmem>> -> memref<1024xi32, #tpu.memory_space<vmem>>
      %dma_wait3A_771 = tpu.memref_slice %arg6[%add3A_145, %mul3A_147] : memref<32x16400xi32, #tpu.memory_space<hbm>> -> memref<1x1024xi32, #tpu.memory_space<hbm>>
      %dma_wait3A_772 = tpu.memref_squeeze %dma_wait3A_771 : memref<1x1024xi32, #tpu.memory_space<hbm>> -> memref<1024xi32, #tpu.memory_space<hbm>>
      %dma_wait3A_773 = arith.constant 3072 : i32
      %dma_wait3A_774 = tpu.memref_slice %arg10[%dma_wait3A_773] : memref<16400xi32, #tpu.memory_space<vmem>> -> memref<1024xi32, #tpu.memory_space<vmem>>
      %dma_wait3A_775 = tpu.memref_slice %arg6[%add3A_145, %mul3A_147] : memref<32x16400xi32, #tpu.memory_space<hbm>> -> memref<1x1024xi32, #tpu.memory_space<hbm>>
      %dma_wait3A_776 = tpu.memref_squeeze %dma_wait3A_775 : memref<1x1024xi32, #tpu.memory_space<hbm>> -> memref<1024xi32, #tpu.memory_space<hbm>>
      tpu.wait_dma2 semaphore(%run_scoped3A_761 : memref<!tpu.dma_semaphore, #tpu.memory_space<semaphore_mem>>) src(%dma_wait3A_776 : memref<1024xi32, #tpu.memory_space<hbm>>) dst(%dma_wait3A_774 : memref<1024xi32, #tpu.memory_space<vmem>>)
      tpu.yield
    }) : () -> ()
    %mul3A_148 = arith.constant 16 : i32
    %mul3A_149 = arith.muli %arg0, %mul3A_148 : i32
    %add3A_150 = arith.constant 3 : i32
    %add3A_151 = arith.addi %mul3A_149, %add3A_150 : i32
    %mul3A_152 = arith.constant 16 : i32
    %mul3A_153 = arith.muli %arg1, %mul3A_152 : i32
    "tpu.region"() ({
      %run_scoped3A_761 = tpu.sem_alloc : memref<!tpu.dma_semaphore, #tpu.memory_space<semaphore_mem>>
      %dma_start3A_762 = arith.constant 48 : i32
      %dma_start3A_763 = tpu.memref_slice %arg11[%dma_start3A_762] : memref<272xi32, #tpu.memory_space<vmem>> -> memref<16xi32, #tpu.memory_space<vmem>>
      %dma_start3A_764 = tpu.memref_slice %arg7[%add3A_151, %mul3A_153] : memref<32x272xi32, #tpu.memory_space<hbm>> -> memref<1x16xi32, #tpu.memory_space<hbm>>
      %dma_start3A_765 = tpu.memref_squeeze %dma_start3A_764 : memref<1x16xi32, #tpu.memory_space<hbm>> -> memref<16xi32, #tpu.memory_space<hbm>>
      %dma_start3A_766 = arith.constant 48 : i32
      %dma_start3A_767 = tpu.memref_slice %arg11[%dma_start3A_766] : memref<272xi32, #tpu.memory_space<vmem>> -> memref<16xi32, #tpu.memory_space<vmem>>
      %dma_start3A_768 = tpu.memref_slice %arg7[%add3A_151, %mul3A_153] : memref<32x272xi32, #tpu.memory_space<hbm>> -> memref<1x16xi32, #tpu.memory_space<hbm>>
      %dma_start3A_769 = tpu.memref_squeeze %dma_start3A_768 : memref<1x16xi32, #tpu.memory_space<hbm>> -> memref<16xi32, #tpu.memory_space<hbm>>
      tpu.enqueue_dma source(%dma_start3A_769 : memref<16xi32, #tpu.memory_space<hbm>>) target(%dma_start3A_767 : memref<16xi32, #tpu.memory_space<vmem>>) target_semaphore(%run_scoped3A_761 : memref<!tpu.dma_semaphore, #tpu.memory_space<semaphore_mem>>)
      %dma_wait3A = arith.constant 48 : i32
      %dma_wait3A_770 = tpu.memref_slice %arg11[%dma_wait3A] : memref<272xi32, #tpu.memory_space<vmem>> -> memref<16xi32, #tpu.memory_space<vmem>>
      %dma_wait3A_771 = tpu.memref_slice %arg7[%add3A_151, %mul3A_153] : memref<32x272xi32, #tpu.memory_space<hbm>> -> memref<1x16xi32, #tpu.memory_space<hbm>>
      %dma_wait3A_772 = tpu.memref_squeeze %dma_wait3A_771 : memref<1x16xi32, #tpu.memory_space<hbm>> -> memref<16xi32, #tpu.memory_space<hbm>>
      %dma_wait3A_773 = arith.constant 48 : i32
      %dma_wait3A_774 = tpu.memref_slice %arg11[%dma_wait3A_773] : memref<272xi32, #tpu.memory_space<vmem>> -> memref<16xi32, #tpu.memory_space<vmem>>
      %dma_wait3A_775 = tpu.memref_slice %arg7[%add3A_151, %mul3A_153] : memref<32x272xi32, #tpu.memory_space<hbm>> -> memref<1x16xi32, #tpu.memory_space<hbm>>
      %dma_wait3A_776 = tpu.memref_squeeze %dma_wait3A_775 : memref<1x16xi32, #tpu.memory_space<hbm>> -> memref<16xi32, #tpu.memory_space<hbm>>
      tpu.wait_dma2 semaphore(%run_scoped3A_761 : memref<!tpu.dma_semaphore, #tpu.memory_space<semaphore_mem>>) src(%dma_wait3A_776 : memref<16xi32, #tpu.memory_space<hbm>>) dst(%dma_wait3A_774 : memref<16xi32, #tpu.memory_space<vmem>>)
      tpu.yield
    }) : () -> ()
    %mul3A_154 = arith.constant 16 : i32
    %mul3A_155 = arith.muli %arg0, %mul3A_154 : i32
    %add3A_156 = arith.constant 4 : i32
    %add3A_157 = arith.addi %mul3A_155, %add3A_156 : i32
    %mul3A_158 = arith.constant 1024 : i32
    %mul3A_159 = arith.muli %arg1, %mul3A_158 : i32
    "tpu.region"() ({
      %run_scoped3A_761 = tpu.sem_alloc : memref<!tpu.dma_semaphore, #tpu.memory_space<semaphore_mem>>
      %dma_start3A_762 = arith.constant 4096 : i32
      %dma_start3A_763 = tpu.memref_slice %arg9[%dma_start3A_762] : memref<16400xi32, #tpu.memory_space<vmem>> -> memref<1024xi32, #tpu.memory_space<vmem>>
      %dma_start3A_764 = tpu.memref_slice %arg5[%add3A_157, %mul3A_159] : memref<32x16400xi32, #tpu.memory_space<hbm>> -> memref<1x1024xi32, #tpu.memory_space<hbm>>
      %dma_start3A_765 = tpu.memref_squeeze %dma_start3A_764 : memref<1x1024xi32, #tpu.memory_space<hbm>> -> memref<1024xi32, #tpu.memory_space<hbm>>
      %dma_start3A_766 = arith.constant 4096 : i32
      %dma_start3A_767 = tpu.memref_slice %arg9[%dma_start3A_766] : memref<16400xi32, #tpu.memory_space<vmem>> -> memref<1024xi32, #tpu.memory_space<vmem>>
      %dma_start3A_768 = tpu.memref_slice %arg5[%add3A_157, %mul3A_159] : memref<32x16400xi32, #tpu.memory_space<hbm>> -> memref<1x1024xi32, #tpu.memory_space<hbm>>
      %dma_start3A_769 = tpu.memref_squeeze %dma_start3A_768 : memref<1x1024xi32, #tpu.memory_space<hbm>> -> memref<1024xi32, #tpu.memory_space<hbm>>
      tpu.enqueue_dma source(%dma_start3A_769 : memref<1024xi32, #tpu.memory_space<hbm>>) target(%dma_start3A_767 : memref<1024xi32, #tpu.memory_space<vmem>>) target_semaphore(%run_scoped3A_761 : memref<!tpu.dma_semaphore, #tpu.memory_space<semaphore_mem>>)
      %dma_wait3A = arith.constant 4096 : i32
      %dma_wait3A_770 = tpu.memref_slice %arg9[%dma_wait3A] : memref<16400xi32, #tpu.memory_space<vmem>> -> memref<1024xi32, #tpu.memory_space<vmem>>
      %dma_wait3A_771 = tpu.memref_slice %arg5[%add3A_157, %mul3A_159] : memref<32x16400xi32, #tpu.memory_space<hbm>> -> memref<1x1024xi32, #tpu.memory_space<hbm>>
      %dma_wait3A_772 = tpu.memref_squeeze %dma_wait3A_771 : memref<1x1024xi32, #tpu.memory_space<hbm>> -> memref<1024xi32, #tpu.memory_space<hbm>>
      %dma_wait3A_773 = arith.constant 4096 : i32
      %dma_wait3A_774 = tpu.memref_slice %arg9[%dma_wait3A_773] : memref<16400xi32, #tpu.memory_space<vmem>> -> memref<1024xi32, #tpu.memory_space<vmem>>
      %dma_wait3A_775 = tpu.memref_slice %arg5[%add3A_157, %mul3A_159] : memref<32x16400xi32, #tpu.memory_space<hbm>> -> memref<1x1024xi32, #tpu.memory_space<hbm>>
      %dma_wait3A_776 = tpu.memref_squeeze %dma_wait3A_775 : memref<1x1024xi32, #tpu.memory_space<hbm>> -> memref<1024xi32, #tpu.memory_space<hbm>>
      tpu.wait_dma2 semaphore(%run_scoped3A_761 : memref<!tpu.dma_semaphore, #tpu.memory_space<semaphore_mem>>) src(%dma_wait3A_776 : memref<1024xi32, #tpu.memory_space<hbm>>) dst(%dma_wait3A_774 : memref<1024xi32, #tpu.memory_space<vmem>>)
      tpu.yield
    }) : () -> ()
    %mul3A_160 = arith.constant 16 : i32
    %mul3A_161 = arith.muli %arg0, %mul3A_160 : i32
    %add3A_162 = arith.constant 4 : i32
    %add3A_163 = arith.addi %mul3A_161, %add3A_162 : i32
    %mul3A_164 = arith.constant 1024 : i32
    %mul3A_165 = arith.muli %arg1, %mul3A_164 : i32
    "tpu.region"() ({
      %run_scoped3A_761 = tpu.sem_alloc : memref<!tpu.dma_semaphore, #tpu.memory_space<semaphore_mem>>
      %dma_start3A_762 = arith.constant 4096 : i32
      %dma_start3A_763 = tpu.memref_slice %arg10[%dma_start3A_762] : memref<16400xi32, #tpu.memory_space<vmem>> -> memref<1024xi32, #tpu.memory_space<vmem>>
      %dma_start3A_764 = tpu.memref_slice %arg6[%add3A_163, %mul3A_165] : memref<32x16400xi32, #tpu.memory_space<hbm>> -> memref<1x1024xi32, #tpu.memory_space<hbm>>
      %dma_start3A_765 = tpu.memref_squeeze %dma_start3A_764 : memref<1x1024xi32, #tpu.memory_space<hbm>> -> memref<1024xi32, #tpu.memory_space<hbm>>
      %dma_start3A_766 = arith.constant 4096 : i32
      %dma_start3A_767 = tpu.memref_slice %arg10[%dma_start3A_766] : memref<16400xi32, #tpu.memory_space<vmem>> -> memref<1024xi32, #tpu.memory_space<vmem>>
      %dma_start3A_768 = tpu.memref_slice %arg6[%add3A_163, %mul3A_165] : memref<32x16400xi32, #tpu.memory_space<hbm>> -> memref<1x1024xi32, #tpu.memory_space<hbm>>
      %dma_start3A_769 = tpu.memref_squeeze %dma_start3A_768 : memref<1x1024xi32, #tpu.memory_space<hbm>> -> memref<1024xi32, #tpu.memory_space<hbm>>
      tpu.enqueue_dma source(%dma_start3A_769 : memref<1024xi32, #tpu.memory_space<hbm>>) target(%dma_start3A_767 : memref<1024xi32, #tpu.memory_space<vmem>>) target_semaphore(%run_scoped3A_761 : memref<!tpu.dma_semaphore, #tpu.memory_space<semaphore_mem>>)
      %dma_wait3A = arith.constant 4096 : i32
      %dma_wait3A_770 = tpu.memref_slice %arg10[%dma_wait3A] : memref<16400xi32, #tpu.memory_space<vmem>> -> memref<1024xi32, #tpu.memory_space<vmem>>
      %dma_wait3A_771 = tpu.memref_slice %arg6[%add3A_163, %mul3A_165] : memref<32x16400xi32, #tpu.memory_space<hbm>> -> memref<1x1024xi32, #tpu.memory_space<hbm>>
      %dma_wait3A_772 = tpu.memref_squeeze %dma_wait3A_771 : memref<1x1024xi32, #tpu.memory_space<hbm>> -> memref<1024xi32, #tpu.memory_space<hbm>>
      %dma_wait3A_773 = arith.constant 4096 : i32
      %dma_wait3A_774 = tpu.memref_slice %arg10[%dma_wait3A_773] : memref<16400xi32, #tpu.memory_space<vmem>> -> memref<1024xi32, #tpu.memory_space<vmem>>
      %dma_wait3A_775 = tpu.memref_slice %arg6[%add3A_163, %mul3A_165] : memref<32x16400xi32, #tpu.memory_space<hbm>> -> memref<1x1024xi32, #tpu.memory_space<hbm>>
      %dma_wait3A_776 = tpu.memref_squeeze %dma_wait3A_775 : memref<1x1024xi32, #tpu.memory_space<hbm>> -> memref<1024xi32, #tpu.memory_space<hbm>>
      tpu.wait_dma2 semaphore(%run_scoped3A_761 : memref<!tpu.dma_semaphore, #tpu.memory_space<semaphore_mem>>) src(%dma_wait3A_776 : memref<1024xi32, #tpu.memory_space<hbm>>) dst(%dma_wait3A_774 : memref<1024xi32, #tpu.memory_space<vmem>>)
      tpu.yield
    }) : () -> ()
    %mul3A_166 = arith.constant 16 : i32
    %mul3A_167 = arith.muli %arg0, %mul3A_166 : i32
    %add3A_168 = arith.constant 4 : i32
    %add3A_169 = arith.addi %mul3A_167, %add3A_168 : i32
    %mul3A_170 = arith.constant 16 : i32
    %mul3A_171 = arith.muli %arg1, %mul3A_170 : i32
    "tpu.region"() ({
      %run_scoped3A_761 = tpu.sem_alloc : memref<!tpu.dma_semaphore, #tpu.memory_space<semaphore_mem>>
      %dma_start3A_762 = arith.constant 64 : i32
      %dma_start3A_763 = tpu.memref_slice %arg11[%dma_start3A_762] : memref<272xi32, #tpu.memory_space<vmem>> -> memref<16xi32, #tpu.memory_space<vmem>>
      %dma_start3A_764 = tpu.memref_slice %arg7[%add3A_169, %mul3A_171] : memref<32x272xi32, #tpu.memory_space<hbm>> -> memref<1x16xi32, #tpu.memory_space<hbm>>
      %dma_start3A_765 = tpu.memref_squeeze %dma_start3A_764 : memref<1x16xi32, #tpu.memory_space<hbm>> -> memref<16xi32, #tpu.memory_space<hbm>>
      %dma_start3A_766 = arith.constant 64 : i32
      %dma_start3A_767 = tpu.memref_slice %arg11[%dma_start3A_766] : memref<272xi32, #tpu.memory_space<vmem>> -> memref<16xi32, #tpu.memory_space<vmem>>
      %dma_start3A_768 = tpu.memref_slice %arg7[%add3A_169, %mul3A_171] : memref<32x272xi32, #tpu.memory_space<hbm>> -> memref<1x16xi32, #tpu.memory_space<hbm>>
      %dma_start3A_769 = tpu.memref_squeeze %dma_start3A_768 : memref<1x16xi32, #tpu.memory_space<hbm>> -> memref<16xi32, #tpu.memory_space<hbm>>
      tpu.enqueue_dma source(%dma_start3A_769 : memref<16xi32, #tpu.memory_space<hbm>>) target(%dma_start3A_767 : memref<16xi32, #tpu.memory_space<vmem>>) target_semaphore(%run_scoped3A_761 : memref<!tpu.dma_semaphore, #tpu.memory_space<semaphore_mem>>)
      %dma_wait3A = arith.constant 64 : i32
      %dma_wait3A_770 = tpu.memref_slice %arg11[%dma_wait3A] : memref<272xi32, #tpu.memory_space<vmem>> -> memref<16xi32, #tpu.memory_space<vmem>>
      %dma_wait3A_771 = tpu.memref_slice %arg7[%add3A_169, %mul3A_171] : memref<32x272xi32, #tpu.memory_space<hbm>> -> memref<1x16xi32, #tpu.memory_space<hbm>>
      %dma_wait3A_772 = tpu.memref_squeeze %dma_wait3A_771 : memref<1x16xi32, #tpu.memory_space<hbm>> -> memref<16xi32, #tpu.memory_space<hbm>>
      %dma_wait3A_773 = arith.constant 64 : i32
      %dma_wait3A_774 = tpu.memref_slice %arg11[%dma_wait3A_773] : memref<272xi32, #tpu.memory_space<vmem>> -> memref<16xi32, #tpu.memory_space<vmem>>
      %dma_wait3A_775 = tpu.memref_slice %arg7[%add3A_169, %mul3A_171] : memref<32x272xi32, #tpu.memory_space<hbm>> -> memref<1x16xi32, #tpu.memory_space<hbm>>
      %dma_wait3A_776 = tpu.memref_squeeze %dma_wait3A_775 : memref<1x16xi32, #tpu.memory_space<hbm>> -> memref<16xi32, #tpu.memory_space<hbm>>
      tpu.wait_dma2 semaphore(%run_scoped3A_761 : memref<!tpu.dma_semaphore, #tpu.memory_space<semaphore_mem>>) src(%dma_wait3A_776 : memref<16xi32, #tpu.memory_space<hbm>>) dst(%dma_wait3A_774 : memref<16xi32, #tpu.memory_space<vmem>>)
      tpu.yield
    }) : () -> ()
    %mul3A_172 = arith.constant 16 : i32
    %mul3A_173 = arith.muli %arg0, %mul3A_172 : i32
    %add3A_174 = arith.constant 5 : i32
    %add3A_175 = arith.addi %mul3A_173, %add3A_174 : i32
    %mul3A_176 = arith.constant 1024 : i32
    %mul3A_177 = arith.muli %arg1, %mul3A_176 : i32
    "tpu.region"() ({
      %run_scoped3A_761 = tpu.sem_alloc : memref<!tpu.dma_semaphore, #tpu.memory_space<semaphore_mem>>
      %dma_start3A_762 = arith.constant 5120 : i32
      %dma_start3A_763 = tpu.memref_slice %arg9[%dma_start3A_762] : memref<16400xi32, #tpu.memory_space<vmem>> -> memref<1024xi32, #tpu.memory_space<vmem>>
      %dma_start3A_764 = tpu.memref_slice %arg5[%add3A_175, %mul3A_177] : memref<32x16400xi32, #tpu.memory_space<hbm>> -> memref<1x1024xi32, #tpu.memory_space<hbm>>
      %dma_start3A_765 = tpu.memref_squeeze %dma_start3A_764 : memref<1x1024xi32, #tpu.memory_space<hbm>> -> memref<1024xi32, #tpu.memory_space<hbm>>
      %dma_start3A_766 = arith.constant 5120 : i32
      %dma_start3A_767 = tpu.memref_slice %arg9[%dma_start3A_766] : memref<16400xi32, #tpu.memory_space<vmem>> -> memref<1024xi32, #tpu.memory_space<vmem>>
      %dma_start3A_768 = tpu.memref_slice %arg5[%add3A_175, %mul3A_177] : memref<32x16400xi32, #tpu.memory_space<hbm>> -> memref<1x1024xi32, #tpu.memory_space<hbm>>
      %dma_start3A_769 = tpu.memref_squeeze %dma_start3A_768 : memref<1x1024xi32, #tpu.memory_space<hbm>> -> memref<1024xi32, #tpu.memory_space<hbm>>
      tpu.enqueue_dma source(%dma_start3A_769 : memref<1024xi32, #tpu.memory_space<hbm>>) target(%dma_start3A_767 : memref<1024xi32, #tpu.memory_space<vmem>>) target_semaphore(%run_scoped3A_761 : memref<!tpu.dma_semaphore, #tpu.memory_space<semaphore_mem>>)
      %dma_wait3A = arith.constant 5120 : i32
      %dma_wait3A_770 = tpu.memref_slice %arg9[%dma_wait3A] : memref<16400xi32, #tpu.memory_space<vmem>> -> memref<1024xi32, #tpu.memory_space<vmem>>
      %dma_wait3A_771 = tpu.memref_slice %arg5[%add3A_175, %mul3A_177] : memref<32x16400xi32, #tpu.memory_space<hbm>> -> memref<1x1024xi32, #tpu.memory_space<hbm>>
      %dma_wait3A_772 = tpu.memref_squeeze %dma_wait3A_771 : memref<1x1024xi32, #tpu.memory_space<hbm>> -> memref<1024xi32, #tpu.memory_space<hbm>>
      %dma_wait3A_773 = arith.constant 5120 : i32
      %dma_wait3A_774 = tpu.memref_slice %arg9[%dma_wait3A_773] : memref<16400xi32, #tpu.memory_space<vmem>> -> memref<1024xi32, #tpu.memory_space<vmem>>
      %dma_wait3A_775 = tpu.memref_slice %arg5[%add3A_175, %mul3A_177] : memref<32x16400xi32, #tpu.memory_space<hbm>> -> memref<1x1024xi32, #tpu.memory_space<hbm>>
      %dma_wait3A_776 = tpu.memref_squeeze %dma_wait3A_775 : memref<1x1024xi32, #tpu.memory_space<hbm>> -> memref<1024xi32, #tpu.memory_space<hbm>>
      tpu.wait_dma2 semaphore(%run_scoped3A_761 : memref<!tpu.dma_semaphore, #tpu.memory_space<semaphore_mem>>) src(%dma_wait3A_776 : memref<1024xi32, #tpu.memory_space<hbm>>) dst(%dma_wait3A_774 : memref<1024xi32, #tpu.memory_space<vmem>>)
      tpu.yield
    }) : () -> ()
    %mul3A_178 = arith.constant 16 : i32
    %mul3A_179 = arith.muli %arg0, %mul3A_178 : i32
    %add3A_180 = arith.constant 5 : i32
    %add3A_181 = arith.addi %mul3A_179, %add3A_180 : i32
    %mul3A_182 = arith.constant 1024 : i32
    %mul3A_183 = arith.muli %arg1, %mul3A_182 : i32
    "tpu.region"() ({
      %run_scoped3A_761 = tpu.sem_alloc : memref<!tpu.dma_semaphore, #tpu.memory_space<semaphore_mem>>
      %dma_start3A_762 = arith.constant 5120 : i32
      %dma_start3A_763 = tpu.memref_slice %arg10[%dma_start3A_762] : memref<16400xi32, #tpu.memory_space<vmem>> -> memref<1024xi32, #tpu.memory_space<vmem>>
      %dma_start3A_764 = tpu.memref_slice %arg6[%add3A_181, %mul3A_183] : memref<32x16400xi32, #tpu.memory_space<hbm>> -> memref<1x1024xi32, #tpu.memory_space<hbm>>
      %dma_start3A_765 = tpu.memref_squeeze %dma_start3A_764 : memref<1x1024xi32, #tpu.memory_space<hbm>> -> memref<1024xi32, #tpu.memory_space<hbm>>
      %dma_start3A_766 = arith.constant 5120 : i32
      %dma_start3A_767 = tpu.memref_slice %arg10[%dma_start3A_766] : memref<16400xi32, #tpu.memory_space<vmem>> -> memref<1024xi32, #tpu.memory_space<vmem>>
      %dma_start3A_768 = tpu.memref_slice %arg6[%add3A_181, %mul3A_183] : memref<32x16400xi32, #tpu.memory_space<hbm>> -> memref<1x1024xi32, #tpu.memory_space<hbm>>
      %dma_start3A_769 = tpu.memref_squeeze %dma_start3A_768 : memref<1x1024xi32, #tpu.memory_space<hbm>> -> memref<1024xi32, #tpu.memory_space<hbm>>
      tpu.enqueue_dma source(%dma_start3A_769 : memref<1024xi32, #tpu.memory_space<hbm>>) target(%dma_start3A_767 : memref<1024xi32, #tpu.memory_space<vmem>>) target_semaphore(%run_scoped3A_761 : memref<!tpu.dma_semaphore, #tpu.memory_space<semaphore_mem>>)
      %dma_wait3A = arith.constant 5120 : i32
      %dma_wait3A_770 = tpu.memref_slice %arg10[%dma_wait3A] : memref<16400xi32, #tpu.memory_space<vmem>> -> memref<1024xi32, #tpu.memory_space<vmem>>
      %dma_wait3A_771 = tpu.memref_slice %arg6[%add3A_181, %mul3A_183] : memref<32x16400xi32, #tpu.memory_space<hbm>> -> memref<1x1024xi32, #tpu.memory_space<hbm>>
      %dma_wait3A_772 = tpu.memref_squeeze %dma_wait3A_771 : memref<1x1024xi32, #tpu.memory_space<hbm>> -> memref<1024xi32, #tpu.memory_space<hbm>>
      %dma_wait3A_773 = arith.constant 5120 : i32
      %dma_wait3A_774 = tpu.memref_slice %arg10[%dma_wait3A_773] : memref<16400xi32, #tpu.memory_space<vmem>> -> memref<1024xi32, #tpu.memory_space<vmem>>
      %dma_wait3A_775 = tpu.memref_slice %arg6[%add3A_181, %mul3A_183] : memref<32x16400xi32, #tpu.memory_space<hbm>> -> memref<1x1024xi32, #tpu.memory_space<hbm>>
      %dma_wait3A_776 = tpu.memref_squeeze %dma_wait3A_775 : memref<1x1024xi32, #tpu.memory_space<hbm>> -> memref<1024xi32, #tpu.memory_space<hbm>>
      tpu.wait_dma2 semaphore(%run_scoped3A_761 : memref<!tpu.dma_semaphore, #tpu.memory_space<semaphore_mem>>) src(%dma_wait3A_776 : memref<1024xi32, #tpu.memory_space<hbm>>) dst(%dma_wait3A_774 : memref<1024xi32, #tpu.memory_space<vmem>>)
      tpu.yield
    }) : () -> ()
    %mul3A_184 = arith.constant 16 : i32
    %mul3A_185 = arith.muli %arg0, %mul3A_184 : i32
    %add3A_186 = arith.constant 5 : i32
    %add3A_187 = arith.addi %mul3A_185, %add3A_186 : i32
    %mul3A_188 = arith.constant 16 : i32
    %mul3A_189 = arith.muli %arg1, %mul3A_188 : i32
    "tpu.region"() ({
      %run_scoped3A_761 = tpu.sem_alloc : memref<!tpu.dma_semaphore, #tpu.memory_space<semaphore_mem>>
      %dma_start3A_762 = arith.constant 80 : i32
      %dma_start3A_763 = tpu.memref_slice %arg11[%dma_start3A_762] : memref<272xi32, #tpu.memory_space<vmem>> -> memref<16xi32, #tpu.memory_space<vmem>>
      %dma_start3A_764 = tpu.memref_slice %arg7[%add3A_187, %mul3A_189] : memref<32x272xi32, #tpu.memory_space<hbm>> -> memref<1x16xi32, #tpu.memory_space<hbm>>
      %dma_start3A_765 = tpu.memref_squeeze %dma_start3A_764 : memref<1x16xi32, #tpu.memory_space<hbm>> -> memref<16xi32, #tpu.memory_space<hbm>>
      %dma_start3A_766 = arith.constant 80 : i32
      %dma_start3A_767 = tpu.memref_slice %arg11[%dma_start3A_766] : memref<272xi32, #tpu.memory_space<vmem>> -> memref<16xi32, #tpu.memory_space<vmem>>
      %dma_start3A_768 = tpu.memref_slice %arg7[%add3A_187, %mul3A_189] : memref<32x272xi32, #tpu.memory_space<hbm>> -> memref<1x16xi32, #tpu.memory_space<hbm>>
      %dma_start3A_769 = tpu.memref_squeeze %dma_start3A_768 : memref<1x16xi32, #tpu.memory_space<hbm>> -> memref<16xi32, #tpu.memory_space<hbm>>
      tpu.enqueue_dma source(%dma_start3A_769 : memref<16xi32, #tpu.memory_space<hbm>>) target(%dma_start3A_767 : memref<16xi32, #tpu.memory_space<vmem>>) target_semaphore(%run_scoped3A_761 : memref<!tpu.dma_semaphore, #tpu.memory_space<semaphore_mem>>)
      %dma_wait3A = arith.constant 80 : i32
      %dma_wait3A_770 = tpu.memref_slice %arg11[%dma_wait3A] : memref<272xi32, #tpu.memory_space<vmem>> -> memref<16xi32, #tpu.memory_space<vmem>>
      %dma_wait3A_771 = tpu.memref_slice %arg7[%add3A_187, %mul3A_189] : memref<32x272xi32, #tpu.memory_space<hbm>> -> memref<1x16xi32, #tpu.memory_space<hbm>>
      %dma_wait3A_772 = tpu.memref_squeeze %dma_wait3A_771 : memref<1x16xi32, #tpu.memory_space<hbm>> -> memref<16xi32, #tpu.memory_space<hbm>>
      %dma_wait3A_773 = arith.constant 80 : i32
      %dma_wait3A_774 = tpu.memref_slice %arg11[%dma_wait3A_773] : memref<272xi32, #tpu.memory_space<vmem>> -> memref<16xi32, #tpu.memory_space<vmem>>
      %dma_wait3A_775 = tpu.memref_slice %arg7[%add3A_187, %mul3A_189] : memref<32x272xi32, #tpu.memory_space<hbm>> -> memref<1x16xi32, #tpu.memory_space<hbm>>
      %dma_wait3A_776 = tpu.memref_squeeze %dma_wait3A_775 : memref<1x16xi32, #tpu.memory_space<hbm>> -> memref<16xi32, #tpu.memory_space<hbm>>
      tpu.wait_dma2 semaphore(%run_scoped3A_761 : memref<!tpu.dma_semaphore, #tpu.memory_space<semaphore_mem>>) src(%dma_wait3A_776 : memref<16xi32, #tpu.memory_space<hbm>>) dst(%dma_wait3A_774 : memref<16xi32, #tpu.memory_space<vmem>>)
      tpu.yield
    }) : () -> ()
    %mul3A_190 = arith.constant 16 : i32
    %mul3A_191 = arith.muli %arg0, %mul3A_190 : i32
    %add3A_192 = arith.constant 6 : i32
    %add3A_193 = arith.addi %mul3A_191, %add3A_192 : i32
    %mul3A_194 = arith.constant 1024 : i32
    %mul3A_195 = arith.muli %arg1, %mul3A_194 : i32
    "tpu.region"() ({
      %run_scoped3A_761 = tpu.sem_alloc : memref<!tpu.dma_semaphore, #tpu.memory_space<semaphore_mem>>
      %dma_start3A_762 = arith.constant 6144 : i32
      %dma_start3A_763 = tpu.memref_slice %arg9[%dma_start3A_762] : memref<16400xi32, #tpu.memory_space<vmem>> -> memref<1024xi32, #tpu.memory_space<vmem>>
      %dma_start3A_764 = tpu.memref_slice %arg5[%add3A_193, %mul3A_195] : memref<32x16400xi32, #tpu.memory_space<hbm>> -> memref<1x1024xi32, #tpu.memory_space<hbm>>
      %dma_start3A_765 = tpu.memref_squeeze %dma_start3A_764 : memref<1x1024xi32, #tpu.memory_space<hbm>> -> memref<1024xi32, #tpu.memory_space<hbm>>
      %dma_start3A_766 = arith.constant 6144 : i32
      %dma_start3A_767 = tpu.memref_slice %arg9[%dma_start3A_766] : memref<16400xi32, #tpu.memory_space<vmem>> -> memref<1024xi32, #tpu.memory_space<vmem>>
      %dma_start3A_768 = tpu.memref_slice %arg5[%add3A_193, %mul3A_195] : memref<32x16400xi32, #tpu.memory_space<hbm>> -> memref<1x1024xi32, #tpu.memory_space<hbm>>
      %dma_start3A_769 = tpu.memref_squeeze %dma_start3A_768 : memref<1x1024xi32, #tpu.memory_space<hbm>> -> memref<1024xi32, #tpu.memory_space<hbm>>
      tpu.enqueue_dma source(%dma_start3A_769 : memref<1024xi32, #tpu.memory_space<hbm>>) target(%dma_start3A_767 : memref<1024xi32, #tpu.memory_space<vmem>>) target_semaphore(%run_scoped3A_761 : memref<!tpu.dma_semaphore, #tpu.memory_space<semaphore_mem>>)
      %dma_wait3A = arith.constant 6144 : i32
      %dma_wait3A_770 = tpu.memref_slice %arg9[%dma_wait3A] : memref<16400xi32, #tpu.memory_space<vmem>> -> memref<1024xi32, #tpu.memory_space<vmem>>
      %dma_wait3A_771 = tpu.memref_slice %arg5[%add3A_193, %mul3A_195] : memref<32x16400xi32, #tpu.memory_space<hbm>> -> memref<1x1024xi32, #tpu.memory_space<hbm>>
      %dma_wait3A_772 = tpu.memref_squeeze %dma_wait3A_771 : memref<1x1024xi32, #tpu.memory_space<hbm>> -> memref<1024xi32, #tpu.memory_space<hbm>>
      %dma_wait3A_773 = arith.constant 6144 : i32
      %dma_wait3A_774 = tpu.memref_slice %arg9[%dma_wait3A_773] : memref<16400xi32, #tpu.memory_space<vmem>> -> memref<1024xi32, #tpu.memory_space<vmem>>
      %dma_wait3A_775 = tpu.memref_slice %arg5[%add3A_193, %mul3A_195] : memref<32x16400xi32, #tpu.memory_space<hbm>> -> memref<1x1024xi32, #tpu.memory_space<hbm>>
      %dma_wait3A_776 = tpu.memref_squeeze %dma_wait3A_775 : memref<1x1024xi32, #tpu.memory_space<hbm>> -> memref<1024xi32, #tpu.memory_space<hbm>>
      tpu.wait_dma2 semaphore(%run_scoped3A_761 : memref<!tpu.dma_semaphore, #tpu.memory_space<semaphore_mem>>) src(%dma_wait3A_776 : memref<1024xi32, #tpu.memory_space<hbm>>) dst(%dma_wait3A_774 : memref<1024xi32, #tpu.memory_space<vmem>>)
      tpu.yield
    }) : () -> ()
    %mul3A_196 = arith.constant 16 : i32
    %mul3A_197 = arith.muli %arg0, %mul3A_196 : i32
    %add3A_198 = arith.constant 6 : i32
    %add3A_199 = arith.addi %mul3A_197, %add3A_198 : i32
    %mul3A_200 = arith.constant 1024 : i32
    %mul3A_201 = arith.muli %arg1, %mul3A_200 : i32
    "tpu.region"() ({
      %run_scoped3A_761 = tpu.sem_alloc : memref<!tpu.dma_semaphore, #tpu.memory_space<semaphore_mem>>
      %dma_start3A_762 = arith.constant 6144 : i32
      %dma_start3A_763 = tpu.memref_slice %arg10[%dma_start3A_762] : memref<16400xi32, #tpu.memory_space<vmem>> -> memref<1024xi32, #tpu.memory_space<vmem>>
      %dma_start3A_764 = tpu.memref_slice %arg6[%add3A_199, %mul3A_201] : memref<32x16400xi32, #tpu.memory_space<hbm>> -> memref<1x1024xi32, #tpu.memory_space<hbm>>
      %dma_start3A_765 = tpu.memref_squeeze %dma_start3A_764 : memref<1x1024xi32, #tpu.memory_space<hbm>> -> memref<1024xi32, #tpu.memory_space<hbm>>
      %dma_start3A_766 = arith.constant 6144 : i32
      %dma_start3A_767 = tpu.memref_slice %arg10[%dma_start3A_766] : memref<16400xi32, #tpu.memory_space<vmem>> -> memref<1024xi32, #tpu.memory_space<vmem>>
      %dma_start3A_768 = tpu.memref_slice %arg6[%add3A_199, %mul3A_201] : memref<32x16400xi32, #tpu.memory_space<hbm>> -> memref<1x1024xi32, #tpu.memory_space<hbm>>
      %dma_start3A_769 = tpu.memref_squeeze %dma_start3A_768 : memref<1x1024xi32, #tpu.memory_space<hbm>> -> memref<1024xi32, #tpu.memory_space<hbm>>
      tpu.enqueue_dma source(%dma_start3A_769 : memref<1024xi32, #tpu.memory_space<hbm>>) target(%dma_start3A_767 : memref<1024xi32, #tpu.memory_space<vmem>>) target_semaphore(%run_scoped3A_761 : memref<!tpu.dma_semaphore, #tpu.memory_space<semaphore_mem>>)
      %dma_wait3A = arith.constant 6144 : i32
      %dma_wait3A_770 = tpu.memref_slice %arg10[%dma_wait3A] : memref<16400xi32, #tpu.memory_space<vmem>> -> memref<1024xi32, #tpu.memory_space<vmem>>
      %dma_wait3A_771 = tpu.memref_slice %arg6[%add3A_199, %mul3A_201] : memref<32x16400xi32, #tpu.memory_space<hbm>> -> memref<1x1024xi32, #tpu.memory_space<hbm>>
      %dma_wait3A_772 = tpu.memref_squeeze %dma_wait3A_771 : memref<1x1024xi32, #tpu.memory_space<hbm>> -> memref<1024xi32, #tpu.memory_space<hbm>>
      %dma_wait3A_773 = arith.constant 6144 : i32
      %dma_wait3A_774 = tpu.memref_slice %arg10[%dma_wait3A_773] : memref<16400xi32, #tpu.memory_space<vmem>> -> memref<1024xi32, #tpu.memory_space<vmem>>
      %dma_wait3A_775 = tpu.memref_slice %arg6[%add3A_199, %mul3A_201] : memref<32x16400xi32, #tpu.memory_space<hbm>> -> memref<1x1024xi32, #tpu.memory_space<hbm>>
      %dma_wait3A_776 = tpu.memref_squeeze %dma_wait3A_775 : memref<1x1024xi32, #tpu.memory_space<hbm>> -> memref<1024xi32, #tpu.memory_space<hbm>>
      tpu.wait_dma2 semaphore(%run_scoped3A_761 : memref<!tpu.dma_semaphore, #tpu.memory_space<semaphore_mem>>) src(%dma_wait3A_776 : memref<1024xi32, #tpu.memory_space<hbm>>) dst(%dma_wait3A_774 : memref<1024xi32, #tpu.memory_space<vmem>>)
      tpu.yield
    }) : () -> ()
    %mul3A_202 = arith.constant 16 : i32
    %mul3A_203 = arith.muli %arg0, %mul3A_202 : i32
    %add3A_204 = arith.constant 6 : i32
    %add3A_205 = arith.addi %mul3A_203, %add3A_204 : i32
    %mul3A_206 = arith.constant 16 : i32
    %mul3A_207 = arith.muli %arg1, %mul3A_206 : i32
    "tpu.region"() ({
      %run_scoped3A_761 = tpu.sem_alloc : memref<!tpu.dma_semaphore, #tpu.memory_space<semaphore_mem>>
      %dma_start3A_762 = arith.constant 96 : i32
      %dma_start3A_763 = tpu.memref_slice %arg11[%dma_start3A_762] : memref<272xi32, #tpu.memory_space<vmem>> -> memref<16xi32, #tpu.memory_space<vmem>>
      %dma_start3A_764 = tpu.memref_slice %arg7[%add3A_205, %mul3A_207] : memref<32x272xi32, #tpu.memory_space<hbm>> -> memref<1x16xi32, #tpu.memory_space<hbm>>
      %dma_start3A_765 = tpu.memref_squeeze %dma_start3A_764 : memref<1x16xi32, #tpu.memory_space<hbm>> -> memref<16xi32, #tpu.memory_space<hbm>>
      %dma_start3A_766 = arith.constant 96 : i32
      %dma_start3A_767 = tpu.memref_slice %arg11[%dma_start3A_766] : memref<272xi32, #tpu.memory_space<vmem>> -> memref<16xi32, #tpu.memory_space<vmem>>
      %dma_start3A_768 = tpu.memref_slice %arg7[%add3A_205, %mul3A_207] : memref<32x272xi32, #tpu.memory_space<hbm>> -> memref<1x16xi32, #tpu.memory_space<hbm>>
      %dma_start3A_769 = tpu.memref_squeeze %dma_start3A_768 : memref<1x16xi32, #tpu.memory_space<hbm>> -> memref<16xi32, #tpu.memory_space<hbm>>
      tpu.enqueue_dma source(%dma_start3A_769 : memref<16xi32, #tpu.memory_space<hbm>>) target(%dma_start3A_767 : memref<16xi32, #tpu.memory_space<vmem>>) target_semaphore(%run_scoped3A_761 : memref<!tpu.dma_semaphore, #tpu.memory_space<semaphore_mem>>)
      %dma_wait3A = arith.constant 96 : i32
      %dma_wait3A_770 = tpu.memref_slice %arg11[%dma_wait3A] : memref<272xi32, #tpu.memory_space<vmem>> -> memref<16xi32, #tpu.memory_space<vmem>>
      %dma_wait3A_771 = tpu.memref_slice %arg7[%add3A_205, %mul3A_207] : memref<32x272xi32, #tpu.memory_space<hbm>> -> memref<1x16xi32, #tpu.memory_space<hbm>>
      %dma_wait3A_772 = tpu.memref_squeeze %dma_wait3A_771 : memref<1x16xi32, #tpu.memory_space<hbm>> -> memref<16xi32, #tpu.memory_space<hbm>>
      %dma_wait3A_773 = arith.constant 96 : i32
      %dma_wait3A_774 = tpu.memref_slice %arg11[%dma_wait3A_773] : memref<272xi32, #tpu.memory_space<vmem>> -> memref<16xi32, #tpu.memory_space<vmem>>
      %dma_wait3A_775 = tpu.memref_slice %arg7[%add3A_205, %mul3A_207] : memref<32x272xi32, #tpu.memory_space<hbm>> -> memref<1x16xi32, #tpu.memory_space<hbm>>
      %dma_wait3A_776 = tpu.memref_squeeze %dma_wait3A_775 : memref<1x16xi32, #tpu.memory_space<hbm>> -> memref<16xi32, #tpu.memory_space<hbm>>
      tpu.wait_dma2 semaphore(%run_scoped3A_761 : memref<!tpu.dma_semaphore, #tpu.memory_space<semaphore_mem>>) src(%dma_wait3A_776 : memref<16xi32, #tpu.memory_space<hbm>>) dst(%dma_wait3A_774 : memref<16xi32, #tpu.memory_space<vmem>>)
      tpu.yield
    }) : () -> ()
    %mul3A_208 = arith.constant 16 : i32
    %mul3A_209 = arith.muli %arg0, %mul3A_208 : i32
    %add3A_210 = arith.constant 7 : i32
    %add3A_211 = arith.addi %mul3A_209, %add3A_210 : i32
    %mul3A_212 = arith.constant 1024 : i32
    %mul3A_213 = arith.muli %arg1, %mul3A_212 : i32
    "tpu.region"() ({
      %run_scoped3A_761 = tpu.sem_alloc : memref<!tpu.dma_semaphore, #tpu.memory_space<semaphore_mem>>
      %dma_start3A_762 = arith.constant 7168 : i32
      %dma_start3A_763 = tpu.memref_slice %arg9[%dma_start3A_762] : memref<16400xi32, #tpu.memory_space<vmem>> -> memref<1024xi32, #tpu.memory_space<vmem>>
      %dma_start3A_764 = tpu.memref_slice %arg5[%add3A_211, %mul3A_213] : memref<32x16400xi32, #tpu.memory_space<hbm>> -> memref<1x1024xi32, #tpu.memory_space<hbm>>
      %dma_start3A_765 = tpu.memref_squeeze %dma_start3A_764 : memref<1x1024xi32, #tpu.memory_space<hbm>> -> memref<1024xi32, #tpu.memory_space<hbm>>
      %dma_start3A_766 = arith.constant 7168 : i32
      %dma_start3A_767 = tpu.memref_slice %arg9[%dma_start3A_766] : memref<16400xi32, #tpu.memory_space<vmem>> -> memref<1024xi32, #tpu.memory_space<vmem>>
      %dma_start3A_768 = tpu.memref_slice %arg5[%add3A_211, %mul3A_213] : memref<32x16400xi32, #tpu.memory_space<hbm>> -> memref<1x1024xi32, #tpu.memory_space<hbm>>
      %dma_start3A_769 = tpu.memref_squeeze %dma_start3A_768 : memref<1x1024xi32, #tpu.memory_space<hbm>> -> memref<1024xi32, #tpu.memory_space<hbm>>
      tpu.enqueue_dma source(%dma_start3A_769 : memref<1024xi32, #tpu.memory_space<hbm>>) target(%dma_start3A_767 : memref<1024xi32, #tpu.memory_space<vmem>>) target_semaphore(%run_scoped3A_761 : memref<!tpu.dma_semaphore, #tpu.memory_space<semaphore_mem>>)
      %dma_wait3A = arith.constant 7168 : i32
      %dma_wait3A_770 = tpu.memref_slice %arg9[%dma_wait3A] : memref<16400xi32, #tpu.memory_space<vmem>> -> memref<1024xi32, #tpu.memory_space<vmem>>
      %dma_wait3A_771 = tpu.memref_slice %arg5[%add3A_211, %mul3A_213] : memref<32x16400xi32, #tpu.memory_space<hbm>> -> memref<1x1024xi32, #tpu.memory_space<hbm>>
      %dma_wait3A_772 = tpu.memref_squeeze %dma_wait3A_771 : memref<1x1024xi32, #tpu.memory_space<hbm>> -> memref<1024xi32, #tpu.memory_space<hbm>>
      %dma_wait3A_773 = arith.constant 7168 : i32
      %dma_wait3A_774 = tpu.memref_slice %arg9[%dma_wait3A_773] : memref<16400xi32, #tpu.memory_space<vmem>> -> memref<1024xi32, #tpu.memory_space<vmem>>
      %dma_wait3A_775 = tpu.memref_slice %arg5[%add3A_211, %mul3A_213] : memref<32x16400xi32, #tpu.memory_space<hbm>> -> memref<1x1024xi32, #tpu.memory_space<hbm>>
      %dma_wait3A_776 = tpu.memref_squeeze %dma_wait3A_775 : memref<1x1024xi32, #tpu.memory_space<hbm>> -> memref<1024xi32, #tpu.memory_space<hbm>>
      tpu.wait_dma2 semaphore(%run_scoped3A_761 : memref<!tpu.dma_semaphore, #tpu.memory_space<semaphore_mem>>) src(%dma_wait3A_776 : memref<1024xi32, #tpu.memory_space<hbm>>) dst(%dma_wait3A_774 : memref<1024xi32, #tpu.memory_space<vmem>>)
      tpu.yield
    }) : () -> ()
    %mul3A_214 = arith.constant 16 : i32
    %mul3A_215 = arith.muli %arg0, %mul3A_214 : i32
    %add3A_216 = arith.constant 7 : i32
    %add3A_217 = arith.addi %mul3A_215, %add3A_216 : i32
    %mul3A_218 = arith.constant 1024 : i32
    %mul3A_219 = arith.muli %arg1, %mul3A_218 : i32
    "tpu.region"() ({
      %run_scoped3A_761 = tpu.sem_alloc : memref<!tpu.dma_semaphore, #tpu.memory_space<semaphore_mem>>
      %dma_start3A_762 = arith.constant 7168 : i32
      %dma_start3A_763 = tpu.memref_slice %arg10[%dma_start3A_762] : memref<16400xi32, #tpu.memory_space<vmem>> -> memref<1024xi32, #tpu.memory_space<vmem>>
      %dma_start3A_764 = tpu.memref_slice %arg6[%add3A_217, %mul3A_219] : memref<32x16400xi32, #tpu.memory_space<hbm>> -> memref<1x1024xi32, #tpu.memory_space<hbm>>
      %dma_start3A_765 = tpu.memref_squeeze %dma_start3A_764 : memref<1x1024xi32, #tpu.memory_space<hbm>> -> memref<1024xi32, #tpu.memory_space<hbm>>
      %dma_start3A_766 = arith.constant 7168 : i32
      %dma_start3A_767 = tpu.memref_slice %arg10[%dma_start3A_766] : memref<16400xi32, #tpu.memory_space<vmem>> -> memref<1024xi32, #tpu.memory_space<vmem>>
      %dma_start3A_768 = tpu.memref_slice %arg6[%add3A_217, %mul3A_219] : memref<32x16400xi32, #tpu.memory_space<hbm>> -> memref<1x1024xi32, #tpu.memory_space<hbm>>
      %dma_start3A_769 = tpu.memref_squeeze %dma_start3A_768 : memref<1x1024xi32, #tpu.memory_space<hbm>> -> memref<1024xi32, #tpu.memory_space<hbm>>
      tpu.enqueue_dma source(%dma_start3A_769 : memref<1024xi32, #tpu.memory_space<hbm>>) target(%dma_start3A_767 : memref<1024xi32, #tpu.memory_space<vmem>>) target_semaphore(%run_scoped3A_761 : memref<!tpu.dma_semaphore, #tpu.memory_space<semaphore_mem>>)
      %dma_wait3A = arith.constant 7168 : i32
      %dma_wait3A_770 = tpu.memref_slice %arg10[%dma_wait3A] : memref<16400xi32, #tpu.memory_space<vmem>> -> memref<1024xi32, #tpu.memory_space<vmem>>
      %dma_wait3A_771 = tpu.memref_slice %arg6[%add3A_217, %mul3A_219] : memref<32x16400xi32, #tpu.memory_space<hbm>> -> memref<1x1024xi32, #tpu.memory_space<hbm>>
      %dma_wait3A_772 = tpu.memref_squeeze %dma_wait3A_771 : memref<1x1024xi32, #tpu.memory_space<hbm>> -> memref<1024xi32, #tpu.memory_space<hbm>>
      %dma_wait3A_773 = arith.constant 7168 : i32
      %dma_wait3A_774 = tpu.memref_slice %arg10[%dma_wait3A_773] : memref<16400xi32, #tpu.memory_space<vmem>> -> memref<1024xi32, #tpu.memory_space<vmem>>
      %dma_wait3A_775 = tpu.memref_slice %arg6[%add3A_217, %mul3A_219] : memref<32x16400xi32, #tpu.memory_space<hbm>> -> memref<1x1024xi32, #tpu.memory_space<hbm>>
      %dma_wait3A_776 = tpu.memref_squeeze %dma_wait3A_775 : memref<1x1024xi32, #tpu.memory_space<hbm>> -> memref<1024xi32, #tpu.memory_space<hbm>>
      tpu.wait_dma2 semaphore(%run_scoped3A_761 : memref<!tpu.dma_semaphore, #tpu.memory_space<semaphore_mem>>) src(%dma_wait3A_776 : memref<1024xi32, #tpu.memory_space<hbm>>) dst(%dma_wait3A_774 : memref<1024xi32, #tpu.memory_space<vmem>>)
      tpu.yield
    }) : () -> ()
    %mul3A_220 = arith.constant 16 : i32
    %mul3A_221 = arith.muli %arg0, %mul3A_220 : i32
    %add3A_222 = arith.constant 7 : i32
    %add3A_223 = arith.addi %mul3A_221, %add3A_222 : i32
    %mul3A_224 = arith.constant 16 : i32
    %mul3A_225 = arith.muli %arg1, %mul3A_224 : i32
    "tpu.region"() ({
      %run_scoped3A_761 = tpu.sem_alloc : memref<!tpu.dma_semaphore, #tpu.memory_space<semaphore_mem>>
      %dma_start3A_762 = arith.constant 112 : i32
      %dma_start3A_763 = tpu.memref_slice %arg11[%dma_start3A_762] : memref<272xi32, #tpu.memory_space<vmem>> -> memref<16xi32, #tpu.memory_space<vmem>>
      %dma_start3A_764 = tpu.memref_slice %arg7[%add3A_223, %mul3A_225] : memref<32x272xi32, #tpu.memory_space<hbm>> -> memref<1x16xi32, #tpu.memory_space<hbm>>
      %dma_start3A_765 = tpu.memref_squeeze %dma_start3A_764 : memref<1x16xi32, #tpu.memory_space<hbm>> -> memref<16xi32, #tpu.memory_space<hbm>>
      %dma_start3A_766 = arith.constant 112 : i32
      %dma_start3A_767 = tpu.memref_slice %arg11[%dma_start3A_766] : memref<272xi32, #tpu.memory_space<vmem>> -> memref<16xi32, #tpu.memory_space<vmem>>
      %dma_start3A_768 = tpu.memref_slice %arg7[%add3A_223, %mul3A_225] : memref<32x272xi32, #tpu.memory_space<hbm>> -> memref<1x16xi32, #tpu.memory_space<hbm>>
      %dma_start3A_769 = tpu.memref_squeeze %dma_start3A_768 : memref<1x16xi32, #tpu.memory_space<hbm>> -> memref<16xi32, #tpu.memory_space<hbm>>
      tpu.enqueue_dma source(%dma_start3A_769 : memref<16xi32, #tpu.memory_space<hbm>>) target(%dma_start3A_767 : memref<16xi32, #tpu.memory_space<vmem>>) target_semaphore(%run_scoped3A_761 : memref<!tpu.dma_semaphore, #tpu.memory_space<semaphore_mem>>)
      %dma_wait3A = arith.constant 112 : i32
      %dma_wait3A_770 = tpu.memref_slice %arg11[%dma_wait3A] : memref<272xi32, #tpu.memory_space<vmem>> -> memref<16xi32, #tpu.memory_space<vmem>>
      %dma_wait3A_771 = tpu.memref_slice %arg7[%add3A_223, %mul3A_225] : memref<32x272xi32, #tpu.memory_space<hbm>> -> memref<1x16xi32, #tpu.memory_space<hbm>>
      %dma_wait3A_772 = tpu.memref_squeeze %dma_wait3A_771 : memref<1x16xi32, #tpu.memory_space<hbm>> -> memref<16xi32, #tpu.memory_space<hbm>>
      %dma_wait3A_773 = arith.constant 112 : i32
      %dma_wait3A_774 = tpu.memref_slice %arg11[%dma_wait3A_773] : memref<272xi32, #tpu.memory_space<vmem>> -> memref<16xi32, #tpu.memory_space<vmem>>
      %dma_wait3A_775 = tpu.memref_slice %arg7[%add3A_223, %mul3A_225] : memref<32x272xi32, #tpu.memory_space<hbm>> -> memref<1x16xi32, #tpu.memory_space<hbm>>
      %dma_wait3A_776 = tpu.memref_squeeze %dma_wait3A_775 : memref<1x16xi32, #tpu.memory_space<hbm>> -> memref<16xi32, #tpu.memory_space<hbm>>
      tpu.wait_dma2 semaphore(%run_scoped3A_761 : memref<!tpu.dma_semaphore, #tpu.memory_space<semaphore_mem>>) src(%dma_wait3A_776 : memref<16xi32, #tpu.memory_space<hbm>>) dst(%dma_wait3A_774 : memref<16xi32, #tpu.memory_space<vmem>>)
      tpu.yield
    }) : () -> ()
    %mul3A_226 = arith.constant 16 : i32
    %mul3A_227 = arith.muli %arg0, %mul3A_226 : i32
    %add3A_228 = arith.constant 8 : i32
    %add3A_229 = arith.addi %mul3A_227, %add3A_228 : i32
    %mul3A_230 = arith.constant 1024 : i32
    %mul3A_231 = arith.muli %arg1, %mul3A_230 : i32
    "tpu.region"() ({
      %run_scoped3A_761 = tpu.sem_alloc : memref<!tpu.dma_semaphore, #tpu.memory_space<semaphore_mem>>
      %dma_start3A_762 = arith.constant 8192 : i32
      %dma_start3A_763 = tpu.memref_slice %arg9[%dma_start3A_762] : memref<16400xi32, #tpu.memory_space<vmem>> -> memref<1024xi32, #tpu.memory_space<vmem>>
      %dma_start3A_764 = tpu.memref_slice %arg5[%add3A_229, %mul3A_231] : memref<32x16400xi32, #tpu.memory_space<hbm>> -> memref<1x1024xi32, #tpu.memory_space<hbm>>
      %dma_start3A_765 = tpu.memref_squeeze %dma_start3A_764 : memref<1x1024xi32, #tpu.memory_space<hbm>> -> memref<1024xi32, #tpu.memory_space<hbm>>
      %dma_start3A_766 = arith.constant 8192 : i32
      %dma_start3A_767 = tpu.memref_slice %arg9[%dma_start3A_766] : memref<16400xi32, #tpu.memory_space<vmem>> -> memref<1024xi32, #tpu.memory_space<vmem>>
      %dma_start3A_768 = tpu.memref_slice %arg5[%add3A_229, %mul3A_231] : memref<32x16400xi32, #tpu.memory_space<hbm>> -> memref<1x1024xi32, #tpu.memory_space<hbm>>
      %dma_start3A_769 = tpu.memref_squeeze %dma_start3A_768 : memref<1x1024xi32, #tpu.memory_space<hbm>> -> memref<1024xi32, #tpu.memory_space<hbm>>
      tpu.enqueue_dma source(%dma_start3A_769 : memref<1024xi32, #tpu.memory_space<hbm>>) target(%dma_start3A_767 : memref<1024xi32, #tpu.memory_space<vmem>>) target_semaphore(%run_scoped3A_761 : memref<!tpu.dma_semaphore, #tpu.memory_space<semaphore_mem>>)
      %dma_wait3A = arith.constant 8192 : i32
      %dma_wait3A_770 = tpu.memref_slice %arg9[%dma_wait3A] : memref<16400xi32, #tpu.memory_space<vmem>> -> memref<1024xi32, #tpu.memory_space<vmem>>
      %dma_wait3A_771 = tpu.memref_slice %arg5[%add3A_229, %mul3A_231] : memref<32x16400xi32, #tpu.memory_space<hbm>> -> memref<1x1024xi32, #tpu.memory_space<hbm>>
      %dma_wait3A_772 = tpu.memref_squeeze %dma_wait3A_771 : memref<1x1024xi32, #tpu.memory_space<hbm>> -> memref<1024xi32, #tpu.memory_space<hbm>>
      %dma_wait3A_773 = arith.constant 8192 : i32
      %dma_wait3A_774 = tpu.memref_slice %arg9[%dma_wait3A_773] : memref<16400xi32, #tpu.memory_space<vmem>> -> memref<1024xi32, #tpu.memory_space<vmem>>
      %dma_wait3A_775 = tpu.memref_slice %arg5[%add3A_229, %mul3A_231] : memref<32x16400xi32, #tpu.memory_space<hbm>> -> memref<1x1024xi32, #tpu.memory_space<hbm>>
      %dma_wait3A_776 = tpu.memref_squeeze %dma_wait3A_775 : memref<1x1024xi32, #tpu.memory_space<hbm>> -> memref<1024xi32, #tpu.memory_space<hbm>>
      tpu.wait_dma2 semaphore(%run_scoped3A_761 : memref<!tpu.dma_semaphore, #tpu.memory_space<semaphore_mem>>) src(%dma_wait3A_776 : memref<1024xi32, #tpu.memory_space<hbm>>) dst(%dma_wait3A_774 : memref<1024xi32, #tpu.memory_space<vmem>>)
      tpu.yield
    }) : () -> ()
    %mul3A_232 = arith.constant 16 : i32
    %mul3A_233 = arith.muli %arg0, %mul3A_232 : i32
    %add3A_234 = arith.constant 8 : i32
    %add3A_235 = arith.addi %mul3A_233, %add3A_234 : i32
    %mul3A_236 = arith.constant 1024 : i32
    %mul3A_237 = arith.muli %arg1, %mul3A_236 : i32
    "tpu.region"() ({
      %run_scoped3A_761 = tpu.sem_alloc : memref<!tpu.dma_semaphore, #tpu.memory_space<semaphore_mem>>
      %dma_start3A_762 = arith.constant 8192 : i32
      %dma_start3A_763 = tpu.memref_slice %arg10[%dma_start3A_762] : memref<16400xi32, #tpu.memory_space<vmem>> -> memref<1024xi32, #tpu.memory_space<vmem>>
      %dma_start3A_764 = tpu.memref_slice %arg6[%add3A_235, %mul3A_237] : memref<32x16400xi32, #tpu.memory_space<hbm>> -> memref<1x1024xi32, #tpu.memory_space<hbm>>
      %dma_start3A_765 = tpu.memref_squeeze %dma_start3A_764 : memref<1x1024xi32, #tpu.memory_space<hbm>> -> memref<1024xi32, #tpu.memory_space<hbm>>
      %dma_start3A_766 = arith.constant 8192 : i32
      %dma_start3A_767 = tpu.memref_slice %arg10[%dma_start3A_766] : memref<16400xi32, #tpu.memory_space<vmem>> -> memref<1024xi32, #tpu.memory_space<vmem>>
      %dma_start3A_768 = tpu.memref_slice %arg6[%add3A_235, %mul3A_237] : memref<32x16400xi32, #tpu.memory_space<hbm>> -> memref<1x1024xi32, #tpu.memory_space<hbm>>
      %dma_start3A_769 = tpu.memref_squeeze %dma_start3A_768 : memref<1x1024xi32, #tpu.memory_space<hbm>> -> memref<1024xi32, #tpu.memory_space<hbm>>
      tpu.enqueue_dma source(%dma_start3A_769 : memref<1024xi32, #tpu.memory_space<hbm>>) target(%dma_start3A_767 : memref<1024xi32, #tpu.memory_space<vmem>>) target_semaphore(%run_scoped3A_761 : memref<!tpu.dma_semaphore, #tpu.memory_space<semaphore_mem>>)
      %dma_wait3A = arith.constant 8192 : i32
      %dma_wait3A_770 = tpu.memref_slice %arg10[%dma_wait3A] : memref<16400xi32, #tpu.memory_space<vmem>> -> memref<1024xi32, #tpu.memory_space<vmem>>
      %dma_wait3A_771 = tpu.memref_slice %arg6[%add3A_235, %mul3A_237] : memref<32x16400xi32, #tpu.memory_space<hbm>> -> memref<1x1024xi32, #tpu.memory_space<hbm>>
      %dma_wait3A_772 = tpu.memref_squeeze %dma_wait3A_771 : memref<1x1024xi32, #tpu.memory_space<hbm>> -> memref<1024xi32, #tpu.memory_space<hbm>>
      %dma_wait3A_773 = arith.constant 8192 : i32
      %dma_wait3A_774 = tpu.memref_slice %arg10[%dma_wait3A_773] : memref<16400xi32, #tpu.memory_space<vmem>> -> memref<1024xi32, #tpu.memory_space<vmem>>
      %dma_wait3A_775 = tpu.memref_slice %arg6[%add3A_235, %mul3A_237] : memref<32x16400xi32, #tpu.memory_space<hbm>> -> memref<1x1024xi32, #tpu.memory_space<hbm>>
      %dma_wait3A_776 = tpu.memref_squeeze %dma_wait3A_775 : memref<1x1024xi32, #tpu.memory_space<hbm>> -> memref<1024xi32, #tpu.memory_space<hbm>>
      tpu.wait_dma2 semaphore(%run_scoped3A_761 : memref<!tpu.dma_semaphore, #tpu.memory_space<semaphore_mem>>) src(%dma_wait3A_776 : memref<1024xi32, #tpu.memory_space<hbm>>) dst(%dma_wait3A_774 : memref<1024xi32, #tpu.memory_space<vmem>>)
      tpu.yield
    }) : () -> ()
    %mul3A_238 = arith.constant 16 : i32
    %mul3A_239 = arith.muli %arg0, %mul3A_238 : i32
    %add3A_240 = arith.constant 8 : i32
    %add3A_241 = arith.addi %mul3A_239, %add3A_240 : i32
    %mul3A_242 = arith.constant 16 : i32
    %mul3A_243 = arith.muli %arg1, %mul3A_242 : i32
    "tpu.region"() ({
      %run_scoped3A_761 = tpu.sem_alloc : memref<!tpu.dma_semaphore, #tpu.memory_space<semaphore_mem>>
      %dma_start3A_762 = arith.constant 128 : i32
      %dma_start3A_763 = tpu.memref_slice %arg11[%dma_start3A_762] : memref<272xi32, #tpu.memory_space<vmem>> -> memref<16xi32, #tpu.memory_space<vmem>>
      %dma_start3A_764 = tpu.memref_slice %arg7[%add3A_241, %mul3A_243] : memref<32x272xi32, #tpu.memory_space<hbm>> -> memref<1x16xi32, #tpu.memory_space<hbm>>
      %dma_start3A_765 = tpu.memref_squeeze %dma_start3A_764 : memref<1x16xi32, #tpu.memory_space<hbm>> -> memref<16xi32, #tpu.memory_space<hbm>>
      %dma_start3A_766 = arith.constant 128 : i32
      %dma_start3A_767 = tpu.memref_slice %arg11[%dma_start3A_766] : memref<272xi32, #tpu.memory_space<vmem>> -> memref<16xi32, #tpu.memory_space<vmem>>
      %dma_start3A_768 = tpu.memref_slice %arg7[%add3A_241, %mul3A_243] : memref<32x272xi32, #tpu.memory_space<hbm>> -> memref<1x16xi32, #tpu.memory_space<hbm>>
      %dma_start3A_769 = tpu.memref_squeeze %dma_start3A_768 : memref<1x16xi32, #tpu.memory_space<hbm>> -> memref<16xi32, #tpu.memory_space<hbm>>
      tpu.enqueue_dma source(%dma_start3A_769 : memref<16xi32, #tpu.memory_space<hbm>>) target(%dma_start3A_767 : memref<16xi32, #tpu.memory_space<vmem>>) target_semaphore(%run_scoped3A_761 : memref<!tpu.dma_semaphore, #tpu.memory_space<semaphore_mem>>)
      %dma_wait3A = arith.constant 128 : i32
      %dma_wait3A_770 = tpu.memref_slice %arg11[%dma_wait3A] : memref<272xi32, #tpu.memory_space<vmem>> -> memref<16xi32, #tpu.memory_space<vmem>>
      %dma_wait3A_771 = tpu.memref_slice %arg7[%add3A_241, %mul3A_243] : memref<32x272xi32, #tpu.memory_space<hbm>> -> memref<1x16xi32, #tpu.memory_space<hbm>>
      %dma_wait3A_772 = tpu.memref_squeeze %dma_wait3A_771 : memref<1x16xi32, #tpu.memory_space<hbm>> -> memref<16xi32, #tpu.memory_space<hbm>>
      %dma_wait3A_773 = arith.constant 128 : i32
      %dma_wait3A_774 = tpu.memref_slice %arg11[%dma_wait3A_773] : memref<272xi32, #tpu.memory_space<vmem>> -> memref<16xi32, #tpu.memory_space<vmem>>
      %dma_wait3A_775 = tpu.memref_slice %arg7[%add3A_241, %mul3A_243] : memref<32x272xi32, #tpu.memory_space<hbm>> -> memref<1x16xi32, #tpu.memory_space<hbm>>
      %dma_wait3A_776 = tpu.memref_squeeze %dma_wait3A_775 : memref<1x16xi32, #tpu.memory_space<hbm>> -> memref<16xi32, #tpu.memory_space<hbm>>
      tpu.wait_dma2 semaphore(%run_scoped3A_761 : memref<!tpu.dma_semaphore, #tpu.memory_space<semaphore_mem>>) src(%dma_wait3A_776 : memref<16xi32, #tpu.memory_space<hbm>>) dst(%dma_wait3A_774 : memref<16xi32, #tpu.memory_space<vmem>>)
      tpu.yield
    }) : () -> ()
    %mul3A_244 = arith.constant 16 : i32
    %mul3A_245 = arith.muli %arg0, %mul3A_244 : i32
    %add3A_246 = arith.constant 9 : i32
    %add3A_247 = arith.addi %mul3A_245, %add3A_246 : i32
    %mul3A_248 = arith.constant 1024 : i32
    %mul3A_249 = arith.muli %arg1, %mul3A_248 : i32
    "tpu.region"() ({
      %run_scoped3A_761 = tpu.sem_alloc : memref<!tpu.dma_semaphore, #tpu.memory_space<semaphore_mem>>
      %dma_start3A_762 = arith.constant 9216 : i32
      %dma_start3A_763 = tpu.memref_slice %arg9[%dma_start3A_762] : memref<16400xi32, #tpu.memory_space<vmem>> -> memref<1024xi32, #tpu.memory_space<vmem>>
      %dma_start3A_764 = tpu.memref_slice %arg5[%add3A_247, %mul3A_249] : memref<32x16400xi32, #tpu.memory_space<hbm>> -> memref<1x1024xi32, #tpu.memory_space<hbm>>
      %dma_start3A_765 = tpu.memref_squeeze %dma_start3A_764 : memref<1x1024xi32, #tpu.memory_space<hbm>> -> memref<1024xi32, #tpu.memory_space<hbm>>
      %dma_start3A_766 = arith.constant 9216 : i32
      %dma_start3A_767 = tpu.memref_slice %arg9[%dma_start3A_766] : memref<16400xi32, #tpu.memory_space<vmem>> -> memref<1024xi32, #tpu.memory_space<vmem>>
      %dma_start3A_768 = tpu.memref_slice %arg5[%add3A_247, %mul3A_249] : memref<32x16400xi32, #tpu.memory_space<hbm>> -> memref<1x1024xi32, #tpu.memory_space<hbm>>
      %dma_start3A_769 = tpu.memref_squeeze %dma_start3A_768 : memref<1x1024xi32, #tpu.memory_space<hbm>> -> memref<1024xi32, #tpu.memory_space<hbm>>
      tpu.enqueue_dma source(%dma_start3A_769 : memref<1024xi32, #tpu.memory_space<hbm>>) target(%dma_start3A_767 : memref<1024xi32, #tpu.memory_space<vmem>>) target_semaphore(%run_scoped3A_761 : memref<!tpu.dma_semaphore, #tpu.memory_space<semaphore_mem>>)
      %dma_wait3A = arith.constant 9216 : i32
      %dma_wait3A_770 = tpu.memref_slice %arg9[%dma_wait3A] : memref<16400xi32, #tpu.memory_space<vmem>> -> memref<1024xi32, #tpu.memory_space<vmem>>
      %dma_wait3A_771 = tpu.memref_slice %arg5[%add3A_247, %mul3A_249] : memref<32x16400xi32, #tpu.memory_space<hbm>> -> memref<1x1024xi32, #tpu.memory_space<hbm>>
      %dma_wait3A_772 = tpu.memref_squeeze %dma_wait3A_771 : memref<1x1024xi32, #tpu.memory_space<hbm>> -> memref<1024xi32, #tpu.memory_space<hbm>>
      %dma_wait3A_773 = arith.constant 9216 : i32
      %dma_wait3A_774 = tpu.memref_slice %arg9[%dma_wait3A_773] : memref<16400xi32, #tpu.memory_space<vmem>> -> memref<1024xi32, #tpu.memory_space<vmem>>
      %dma_wait3A_775 = tpu.memref_slice %arg5[%add3A_247, %mul3A_249] : memref<32x16400xi32, #tpu.memory_space<hbm>> -> memref<1x1024xi32, #tpu.memory_space<hbm>>
      %dma_wait3A_776 = tpu.memref_squeeze %dma_wait3A_775 : memref<1x1024xi32, #tpu.memory_space<hbm>> -> memref<1024xi32, #tpu.memory_space<hbm>>
      tpu.wait_dma2 semaphore(%run_scoped3A_761 : memref<!tpu.dma_semaphore, #tpu.memory_space<semaphore_mem>>) src(%dma_wait3A_776 : memref<1024xi32, #tpu.memory_space<hbm>>) dst(%dma_wait3A_774 : memref<1024xi32, #tpu.memory_space<vmem>>)
      tpu.yield
    }) : () -> ()
    %mul3A_250 = arith.constant 16 : i32
    %mul3A_251 = arith.muli %arg0, %mul3A_250 : i32
    %add3A_252 = arith.constant 9 : i32
    %add3A_253 = arith.addi %mul3A_251, %add3A_252 : i32
    %mul3A_254 = arith.constant 1024 : i32
    %mul3A_255 = arith.muli %arg1, %mul3A_254 : i32
    "tpu.region"() ({
      %run_scoped3A_761 = tpu.sem_alloc : memref<!tpu.dma_semaphore, #tpu.memory_space<semaphore_mem>>
      %dma_start3A_762 = arith.constant 9216 : i32
      %dma_start3A_763 = tpu.memref_slice %arg10[%dma_start3A_762] : memref<16400xi32, #tpu.memory_space<vmem>> -> memref<1024xi32, #tpu.memory_space<vmem>>
      %dma_start3A_764 = tpu.memref_slice %arg6[%add3A_253, %mul3A_255] : memref<32x16400xi32, #tpu.memory_space<hbm>> -> memref<1x1024xi32, #tpu.memory_space<hbm>>
      %dma_start3A_765 = tpu.memref_squeeze %dma_start3A_764 : memref<1x1024xi32, #tpu.memory_space<hbm>> -> memref<1024xi32, #tpu.memory_space<hbm>>
      %dma_start3A_766 = arith.constant 9216 : i32
      %dma_start3A_767 = tpu.memref_slice %arg10[%dma_start3A_766] : memref<16400xi32, #tpu.memory_space<vmem>> -> memref<1024xi32, #tpu.memory_space<vmem>>
      %dma_start3A_768 = tpu.memref_slice %arg6[%add3A_253, %mul3A_255] : memref<32x16400xi32, #tpu.memory_space<hbm>> -> memref<1x1024xi32, #tpu.memory_space<hbm>>
      %dma_start3A_769 = tpu.memref_squeeze %dma_start3A_768 : memref<1x1024xi32, #tpu.memory_space<hbm>> -> memref<1024xi32, #tpu.memory_space<hbm>>
      tpu.enqueue_dma source(%dma_start3A_769 : memref<1024xi32, #tpu.memory_space<hbm>>) target(%dma_start3A_767 : memref<1024xi32, #tpu.memory_space<vmem>>) target_semaphore(%run_scoped3A_761 : memref<!tpu.dma_semaphore, #tpu.memory_space<semaphore_mem>>)
      %dma_wait3A = arith.constant 9216 : i32
      %dma_wait3A_770 = tpu.memref_slice %arg10[%dma_wait3A] : memref<16400xi32, #tpu.memory_space<vmem>> -> memref<1024xi32, #tpu.memory_space<vmem>>
      %dma_wait3A_771 = tpu.memref_slice %arg6[%add3A_253, %mul3A_255] : memref<32x16400xi32, #tpu.memory_space<hbm>> -> memref<1x1024xi32, #tpu.memory_space<hbm>>
      %dma_wait3A_772 = tpu.memref_squeeze %dma_wait3A_771 : memref<1x1024xi32, #tpu.memory_space<hbm>> -> memref<1024xi32, #tpu.memory_space<hbm>>
      %dma_wait3A_773 = arith.constant 9216 : i32
      %dma_wait3A_774 = tpu.memref_slice %arg10[%dma_wait3A_773] : memref<16400xi32, #tpu.memory_space<vmem>> -> memref<1024xi32, #tpu.memory_space<vmem>>
      %dma_wait3A_775 = tpu.memref_slice %arg6[%add3A_253, %mul3A_255] : memref<32x16400xi32, #tpu.memory_space<hbm>> -> memref<1x1024xi32, #tpu.memory_space<hbm>>
      %dma_wait3A_776 = tpu.memref_squeeze %dma_wait3A_775 : memref<1x1024xi32, #tpu.memory_space<hbm>> -> memref<1024xi32, #tpu.memory_space<hbm>>
      tpu.wait_dma2 semaphore(%run_scoped3A_761 : memref<!tpu.dma_semaphore, #tpu.memory_space<semaphore_mem>>) src(%dma_wait3A_776 : memref<1024xi32, #tpu.memory_space<hbm>>) dst(%dma_wait3A_774 : memref<1024xi32, #tpu.memory_space<vmem>>)
      tpu.yield
    }) : () -> ()
    %mul3A_256 = arith.constant 16 : i32
    %mul3A_257 = arith.muli %arg0, %mul3A_256 : i32
    %add3A_258 = arith.constant 9 : i32
    %add3A_259 = arith.addi %mul3A_257, %add3A_258 : i32
    %mul3A_260 = arith.constant 16 : i32
    %mul3A_261 = arith.muli %arg1, %mul3A_260 : i32
    "tpu.region"() ({
      %run_scoped3A_761 = tpu.sem_alloc : memref<!tpu.dma_semaphore, #tpu.memory_space<semaphore_mem>>
      %dma_start3A_762 = arith.constant 144 : i32
      %dma_start3A_763 = tpu.memref_slice %arg11[%dma_start3A_762] : memref<272xi32, #tpu.memory_space<vmem>> -> memref<16xi32, #tpu.memory_space<vmem>>
      %dma_start3A_764 = tpu.memref_slice %arg7[%add3A_259, %mul3A_261] : memref<32x272xi32, #tpu.memory_space<hbm>> -> memref<1x16xi32, #tpu.memory_space<hbm>>
      %dma_start3A_765 = tpu.memref_squeeze %dma_start3A_764 : memref<1x16xi32, #tpu.memory_space<hbm>> -> memref<16xi32, #tpu.memory_space<hbm>>
      %dma_start3A_766 = arith.constant 144 : i32
      %dma_start3A_767 = tpu.memref_slice %arg11[%dma_start3A_766] : memref<272xi32, #tpu.memory_space<vmem>> -> memref<16xi32, #tpu.memory_space<vmem>>
      %dma_start3A_768 = tpu.memref_slice %arg7[%add3A_259, %mul3A_261] : memref<32x272xi32, #tpu.memory_space<hbm>> -> memref<1x16xi32, #tpu.memory_space<hbm>>
      %dma_start3A_769 = tpu.memref_squeeze %dma_start3A_768 : memref<1x16xi32, #tpu.memory_space<hbm>> -> memref<16xi32, #tpu.memory_space<hbm>>
      tpu.enqueue_dma source(%dma_start3A_769 : memref<16xi32, #tpu.memory_space<hbm>>) target(%dma_start3A_767 : memref<16xi32, #tpu.memory_space<vmem>>) target_semaphore(%run_scoped3A_761 : memref<!tpu.dma_semaphore, #tpu.memory_space<semaphore_mem>>)
      %dma_wait3A = arith.constant 144 : i32
      %dma_wait3A_770 = tpu.memref_slice %arg11[%dma_wait3A] : memref<272xi32, #tpu.memory_space<vmem>> -> memref<16xi32, #tpu.memory_space<vmem>>
      %dma_wait3A_771 = tpu.memref_slice %arg7[%add3A_259, %mul3A_261] : memref<32x272xi32, #tpu.memory_space<hbm>> -> memref<1x16xi32, #tpu.memory_space<hbm>>
      %dma_wait3A_772 = tpu.memref_squeeze %dma_wait3A_771 : memref<1x16xi32, #tpu.memory_space<hbm>> -> memref<16xi32, #tpu.memory_space<hbm>>
      %dma_wait3A_773 = arith.constant 144 : i32
      %dma_wait3A_774 = tpu.memref_slice %arg11[%dma_wait3A_773] : memref<272xi32, #tpu.memory_space<vmem>> -> memref<16xi32, #tpu.memory_space<vmem>>
      %dma_wait3A_775 = tpu.memref_slice %arg7[%add3A_259, %mul3A_261] : memref<32x272xi32, #tpu.memory_space<hbm>> -> memref<1x16xi32, #tpu.memory_space<hbm>>
      %dma_wait3A_776 = tpu.memref_squeeze %dma_wait3A_775 : memref<1x16xi32, #tpu.memory_space<hbm>> -> memref<16xi32, #tpu.memory_space<hbm>>
      tpu.wait_dma2 semaphore(%run_scoped3A_761 : memref<!tpu.dma_semaphore, #tpu.memory_space<semaphore_mem>>) src(%dma_wait3A_776 : memref<16xi32, #tpu.memory_space<hbm>>) dst(%dma_wait3A_774 : memref<16xi32, #tpu.memory_space<vmem>>)
      tpu.yield
    }) : () -> ()
    %mul3A_262 = arith.constant 16 : i32
    %mul3A_263 = arith.muli %arg0, %mul3A_262 : i32
    %add3A_264 = arith.constant 10 : i32
    %add3A_265 = arith.addi %mul3A_263, %add3A_264 : i32
    %mul3A_266 = arith.constant 1024 : i32
    %mul3A_267 = arith.muli %arg1, %mul3A_266 : i32
    "tpu.region"() ({
      %run_scoped3A_761 = tpu.sem_alloc : memref<!tpu.dma_semaphore, #tpu.memory_space<semaphore_mem>>
      %dma_start3A_762 = arith.constant 10240 : i32
      %dma_start3A_763 = tpu.memref_slice %arg9[%dma_start3A_762] : memref<16400xi32, #tpu.memory_space<vmem>> -> memref<1024xi32, #tpu.memory_space<vmem>>
      %dma_start3A_764 = tpu.memref_slice %arg5[%add3A_265, %mul3A_267] : memref<32x16400xi32, #tpu.memory_space<hbm>> -> memref<1x1024xi32, #tpu.memory_space<hbm>>
      %dma_start3A_765 = tpu.memref_squeeze %dma_start3A_764 : memref<1x1024xi32, #tpu.memory_space<hbm>> -> memref<1024xi32, #tpu.memory_space<hbm>>
      %dma_start3A_766 = arith.constant 10240 : i32
      %dma_start3A_767 = tpu.memref_slice %arg9[%dma_start3A_766] : memref<16400xi32, #tpu.memory_space<vmem>> -> memref<1024xi32, #tpu.memory_space<vmem>>
      %dma_start3A_768 = tpu.memref_slice %arg5[%add3A_265, %mul3A_267] : memref<32x16400xi32, #tpu.memory_space<hbm>> -> memref<1x1024xi32, #tpu.memory_space<hbm>>
      %dma_start3A_769 = tpu.memref_squeeze %dma_start3A_768 : memref<1x1024xi32, #tpu.memory_space<hbm>> -> memref<1024xi32, #tpu.memory_space<hbm>>
      tpu.enqueue_dma source(%dma_start3A_769 : memref<1024xi32, #tpu.memory_space<hbm>>) target(%dma_start3A_767 : memref<1024xi32, #tpu.memory_space<vmem>>) target_semaphore(%run_scoped3A_761 : memref<!tpu.dma_semaphore, #tpu.memory_space<semaphore_mem>>)
      %dma_wait3A = arith.constant 10240 : i32
      %dma_wait3A_770 = tpu.memref_slice %arg9[%dma_wait3A] : memref<16400xi32, #tpu.memory_space<vmem>> -> memref<1024xi32, #tpu.memory_space<vmem>>
      %dma_wait3A_771 = tpu.memref_slice %arg5[%add3A_265, %mul3A_267] : memref<32x16400xi32, #tpu.memory_space<hbm>> -> memref<1x1024xi32, #tpu.memory_space<hbm>>
      %dma_wait3A_772 = tpu.memref_squeeze %dma_wait3A_771 : memref<1x1024xi32, #tpu.memory_space<hbm>> -> memref<1024xi32, #tpu.memory_space<hbm>>
      %dma_wait3A_773 = arith.constant 10240 : i32
      %dma_wait3A_774 = tpu.memref_slice %arg9[%dma_wait3A_773] : memref<16400xi32, #tpu.memory_space<vmem>> -> memref<1024xi32, #tpu.memory_space<vmem>>
      %dma_wait3A_775 = tpu.memref_slice %arg5[%add3A_265, %mul3A_267] : memref<32x16400xi32, #tpu.memory_space<hbm>> -> memref<1x1024xi32, #tpu.memory_space<hbm>>
      %dma_wait3A_776 = tpu.memref_squeeze %dma_wait3A_775 : memref<1x1024xi32, #tpu.memory_space<hbm>> -> memref<1024xi32, #tpu.memory_space<hbm>>
      tpu.wait_dma2 semaphore(%run_scoped3A_761 : memref<!tpu.dma_semaphore, #tpu.memory_space<semaphore_mem>>) src(%dma_wait3A_776 : memref<1024xi32, #tpu.memory_space<hbm>>) dst(%dma_wait3A_774 : memref<1024xi32, #tpu.memory_space<vmem>>)
      tpu.yield
    }) : () -> ()
    %mul3A_268 = arith.constant 16 : i32
    %mul3A_269 = arith.muli %arg0, %mul3A_268 : i32
    %add3A_270 = arith.constant 10 : i32
    %add3A_271 = arith.addi %mul3A_269, %add3A_270 : i32
    %mul3A_272 = arith.constant 1024 : i32
    %mul3A_273 = arith.muli %arg1, %mul3A_272 : i32
    "tpu.region"() ({
      %run_scoped3A_761 = tpu.sem_alloc : memref<!tpu.dma_semaphore, #tpu.memory_space<semaphore_mem>>
      %dma_start3A_762 = arith.constant 10240 : i32
      %dma_start3A_763 = tpu.memref_slice %arg10[%dma_start3A_762] : memref<16400xi32, #tpu.memory_space<vmem>> -> memref<1024xi32, #tpu.memory_space<vmem>>
      %dma_start3A_764 = tpu.memref_slice %arg6[%add3A_271, %mul3A_273] : memref<32x16400xi32, #tpu.memory_space<hbm>> -> memref<1x1024xi32, #tpu.memory_space<hbm>>
      %dma_start3A_765 = tpu.memref_squeeze %dma_start3A_764 : memref<1x1024xi32, #tpu.memory_space<hbm>> -> memref<1024xi32, #tpu.memory_space<hbm>>
      %dma_start3A_766 = arith.constant 10240 : i32
      %dma_start3A_767 = tpu.memref_slice %arg10[%dma_start3A_766] : memref<16400xi32, #tpu.memory_space<vmem>> -> memref<1024xi32, #tpu.memory_space<vmem>>
      %dma_start3A_768 = tpu.memref_slice %arg6[%add3A_271, %mul3A_273] : memref<32x16400xi32, #tpu.memory_space<hbm>> -> memref<1x1024xi32, #tpu.memory_space<hbm>>
      %dma_start3A_769 = tpu.memref_squeeze %dma_start3A_768 : memref<1x1024xi32, #tpu.memory_space<hbm>> -> memref<1024xi32, #tpu.memory_space<hbm>>
      tpu.enqueue_dma source(%dma_start3A_769 : memref<1024xi32, #tpu.memory_space<hbm>>) target(%dma_start3A_767 : memref<1024xi32, #tpu.memory_space<vmem>>) target_semaphore(%run_scoped3A_761 : memref<!tpu.dma_semaphore, #tpu.memory_space<semaphore_mem>>)
      %dma_wait3A = arith.constant 10240 : i32
      %dma_wait3A_770 = tpu.memref_slice %arg10[%dma_wait3A] : memref<16400xi32, #tpu.memory_space<vmem>> -> memref<1024xi32, #tpu.memory_space<vmem>>
      %dma_wait3A_771 = tpu.memref_slice %arg6[%add3A_271, %mul3A_273] : memref<32x16400xi32, #tpu.memory_space<hbm>> -> memref<1x1024xi32, #tpu.memory_space<hbm>>
      %dma_wait3A_772 = tpu.memref_squeeze %dma_wait3A_771 : memref<1x1024xi32, #tpu.memory_space<hbm>> -> memref<1024xi32, #tpu.memory_space<hbm>>
      %dma_wait3A_773 = arith.constant 10240 : i32
      %dma_wait3A_774 = tpu.memref_slice %arg10[%dma_wait3A_773] : memref<16400xi32, #tpu.memory_space<vmem>> -> memref<1024xi32, #tpu.memory_space<vmem>>
      %dma_wait3A_775 = tpu.memref_slice %arg6[%add3A_271, %mul3A_273] : memref<32x16400xi32, #tpu.memory_space<hbm>> -> memref<1x1024xi32, #tpu.memory_space<hbm>>
      %dma_wait3A_776 = tpu.memref_squeeze %dma_wait3A_775 : memref<1x1024xi32, #tpu.memory_space<hbm>> -> memref<1024xi32, #tpu.memory_space<hbm>>
      tpu.wait_dma2 semaphore(%run_scoped3A_761 : memref<!tpu.dma_semaphore, #tpu.memory_space<semaphore_mem>>) src(%dma_wait3A_776 : memref<1024xi32, #tpu.memory_space<hbm>>) dst(%dma_wait3A_774 : memref<1024xi32, #tpu.memory_space<vmem>>)
      tpu.yield
    }) : () -> ()
    %mul3A_274 = arith.constant 16 : i32
    %mul3A_275 = arith.muli %arg0, %mul3A_274 : i32
    %add3A_276 = arith.constant 10 : i32
    %add3A_277 = arith.addi %mul3A_275, %add3A_276 : i32
    %mul3A_278 = arith.constant 16 : i32
    %mul3A_279 = arith.muli %arg1, %mul3A_278 : i32
    "tpu.region"() ({
      %run_scoped3A_761 = tpu.sem_alloc : memref<!tpu.dma_semaphore, #tpu.memory_space<semaphore_mem>>
      %dma_start3A_762 = arith.constant 160 : i32
      %dma_start3A_763 = tpu.memref_slice %arg11[%dma_start3A_762] : memref<272xi32, #tpu.memory_space<vmem>> -> memref<16xi32, #tpu.memory_space<vmem>>
      %dma_start3A_764 = tpu.memref_slice %arg7[%add3A_277, %mul3A_279] : memref<32x272xi32, #tpu.memory_space<hbm>> -> memref<1x16xi32, #tpu.memory_space<hbm>>
      %dma_start3A_765 = tpu.memref_squeeze %dma_start3A_764 : memref<1x16xi32, #tpu.memory_space<hbm>> -> memref<16xi32, #tpu.memory_space<hbm>>
      %dma_start3A_766 = arith.constant 160 : i32
      %dma_start3A_767 = tpu.memref_slice %arg11[%dma_start3A_766] : memref<272xi32, #tpu.memory_space<vmem>> -> memref<16xi32, #tpu.memory_space<vmem>>
      %dma_start3A_768 = tpu.memref_slice %arg7[%add3A_277, %mul3A_279] : memref<32x272xi32, #tpu.memory_space<hbm>> -> memref<1x16xi32, #tpu.memory_space<hbm>>
      %dma_start3A_769 = tpu.memref_squeeze %dma_start3A_768 : memref<1x16xi32, #tpu.memory_space<hbm>> -> memref<16xi32, #tpu.memory_space<hbm>>
      tpu.enqueue_dma source(%dma_start3A_769 : memref<16xi32, #tpu.memory_space<hbm>>) target(%dma_start3A_767 : memref<16xi32, #tpu.memory_space<vmem>>) target_semaphore(%run_scoped3A_761 : memref<!tpu.dma_semaphore, #tpu.memory_space<semaphore_mem>>)
      %dma_wait3A = arith.constant 160 : i32
      %dma_wait3A_770 = tpu.memref_slice %arg11[%dma_wait3A] : memref<272xi32, #tpu.memory_space<vmem>> -> memref<16xi32, #tpu.memory_space<vmem>>
      %dma_wait3A_771 = tpu.memref_slice %arg7[%add3A_277, %mul3A_279] : memref<32x272xi32, #tpu.memory_space<hbm>> -> memref<1x16xi32, #tpu.memory_space<hbm>>
      %dma_wait3A_772 = tpu.memref_squeeze %dma_wait3A_771 : memref<1x16xi32, #tpu.memory_space<hbm>> -> memref<16xi32, #tpu.memory_space<hbm>>
      %dma_wait3A_773 = arith.constant 160 : i32
      %dma_wait3A_774 = tpu.memref_slice %arg11[%dma_wait3A_773] : memref<272xi32, #tpu.memory_space<vmem>> -> memref<16xi32, #tpu.memory_space<vmem>>
      %dma_wait3A_775 = tpu.memref_slice %arg7[%add3A_277, %mul3A_279] : memref<32x272xi32, #tpu.memory_space<hbm>> -> memref<1x16xi32, #tpu.memory_space<hbm>>
      %dma_wait3A_776 = tpu.memref_squeeze %dma_wait3A_775 : memref<1x16xi32, #tpu.memory_space<hbm>> -> memref<16xi32, #tpu.memory_space<hbm>>
      tpu.wait_dma2 semaphore(%run_scoped3A_761 : memref<!tpu.dma_semaphore, #tpu.memory_space<semaphore_mem>>) src(%dma_wait3A_776 : memref<16xi32, #tpu.memory_space<hbm>>) dst(%dma_wait3A_774 : memref<16xi32, #tpu.memory_space<vmem>>)
      tpu.yield
    }) : () -> ()
    %mul3A_280 = arith.constant 16 : i32
    %mul3A_281 = arith.muli %arg0, %mul3A_280 : i32
    %add3A_282 = arith.constant 11 : i32
    %add3A_283 = arith.addi %mul3A_281, %add3A_282 : i32
    %mul3A_284 = arith.constant 1024 : i32
    %mul3A_285 = arith.muli %arg1, %mul3A_284 : i32
    "tpu.region"() ({
      %run_scoped3A_761 = tpu.sem_alloc : memref<!tpu.dma_semaphore, #tpu.memory_space<semaphore_mem>>
      %dma_start3A_762 = arith.constant 11264 : i32
      %dma_start3A_763 = tpu.memref_slice %arg9[%dma_start3A_762] : memref<16400xi32, #tpu.memory_space<vmem>> -> memref<1024xi32, #tpu.memory_space<vmem>>
      %dma_start3A_764 = tpu.memref_slice %arg5[%add3A_283, %mul3A_285] : memref<32x16400xi32, #tpu.memory_space<hbm>> -> memref<1x1024xi32, #tpu.memory_space<hbm>>
      %dma_start3A_765 = tpu.memref_squeeze %dma_start3A_764 : memref<1x1024xi32, #tpu.memory_space<hbm>> -> memref<1024xi32, #tpu.memory_space<hbm>>
      %dma_start3A_766 = arith.constant 11264 : i32
      %dma_start3A_767 = tpu.memref_slice %arg9[%dma_start3A_766] : memref<16400xi32, #tpu.memory_space<vmem>> -> memref<1024xi32, #tpu.memory_space<vmem>>
      %dma_start3A_768 = tpu.memref_slice %arg5[%add3A_283, %mul3A_285] : memref<32x16400xi32, #tpu.memory_space<hbm>> -> memref<1x1024xi32, #tpu.memory_space<hbm>>
      %dma_start3A_769 = tpu.memref_squeeze %dma_start3A_768 : memref<1x1024xi32, #tpu.memory_space<hbm>> -> memref<1024xi32, #tpu.memory_space<hbm>>
      tpu.enqueue_dma source(%dma_start3A_769 : memref<1024xi32, #tpu.memory_space<hbm>>) target(%dma_start3A_767 : memref<1024xi32, #tpu.memory_space<vmem>>) target_semaphore(%run_scoped3A_761 : memref<!tpu.dma_semaphore, #tpu.memory_space<semaphore_mem>>)
      %dma_wait3A = arith.constant 11264 : i32
      %dma_wait3A_770 = tpu.memref_slice %arg9[%dma_wait3A] : memref<16400xi32, #tpu.memory_space<vmem>> -> memref<1024xi32, #tpu.memory_space<vmem>>
      %dma_wait3A_771 = tpu.memref_slice %arg5[%add3A_283, %mul3A_285] : memref<32x16400xi32, #tpu.memory_space<hbm>> -> memref<1x1024xi32, #tpu.memory_space<hbm>>
      %dma_wait3A_772 = tpu.memref_squeeze %dma_wait3A_771 : memref<1x1024xi32, #tpu.memory_space<hbm>> -> memref<1024xi32, #tpu.memory_space<hbm>>
      %dma_wait3A_773 = arith.constant 11264 : i32
      %dma_wait3A_774 = tpu.memref_slice %arg9[%dma_wait3A_773] : memref<16400xi32, #tpu.memory_space<vmem>> -> memref<1024xi32, #tpu.memory_space<vmem>>
      %dma_wait3A_775 = tpu.memref_slice %arg5[%add3A_283, %mul3A_285] : memref<32x16400xi32, #tpu.memory_space<hbm>> -> memref<1x1024xi32, #tpu.memory_space<hbm>>
      %dma_wait3A_776 = tpu.memref_squeeze %dma_wait3A_775 : memref<1x1024xi32, #tpu.memory_space<hbm>> -> memref<1024xi32, #tpu.memory_space<hbm>>
      tpu.wait_dma2 semaphore(%run_scoped3A_761 : memref<!tpu.dma_semaphore, #tpu.memory_space<semaphore_mem>>) src(%dma_wait3A_776 : memref<1024xi32, #tpu.memory_space<hbm>>) dst(%dma_wait3A_774 : memref<1024xi32, #tpu.memory_space<vmem>>)
      tpu.yield
    }) : () -> ()
    %mul3A_286 = arith.constant 16 : i32
    %mul3A_287 = arith.muli %arg0, %mul3A_286 : i32
    %add3A_288 = arith.constant 11 : i32
    %add3A_289 = arith.addi %mul3A_287, %add3A_288 : i32
    %mul3A_290 = arith.constant 1024 : i32
    %mul3A_291 = arith.muli %arg1, %mul3A_290 : i32
    "tpu.region"() ({
      %run_scoped3A_761 = tpu.sem_alloc : memref<!tpu.dma_semaphore, #tpu.memory_space<semaphore_mem>>
      %dma_start3A_762 = arith.constant 11264 : i32
      %dma_start3A_763 = tpu.memref_slice %arg10[%dma_start3A_762] : memref<16400xi32, #tpu.memory_space<vmem>> -> memref<1024xi32, #tpu.memory_space<vmem>>
      %dma_start3A_764 = tpu.memref_slice %arg6[%add3A_289, %mul3A_291] : memref<32x16400xi32, #tpu.memory_space<hbm>> -> memref<1x1024xi32, #tpu.memory_space<hbm>>
      %dma_start3A_765 = tpu.memref_squeeze %dma_start3A_764 : memref<1x1024xi32, #tpu.memory_space<hbm>> -> memref<1024xi32, #tpu.memory_space<hbm>>
      %dma_start3A_766 = arith.constant 11264 : i32
      %dma_start3A_767 = tpu.memref_slice %arg10[%dma_start3A_766] : memref<16400xi32, #tpu.memory_space<vmem>> -> memref<1024xi32, #tpu.memory_space<vmem>>
      %dma_start3A_768 = tpu.memref_slice %arg6[%add3A_289, %mul3A_291] : memref<32x16400xi32, #tpu.memory_space<hbm>> -> memref<1x1024xi32, #tpu.memory_space<hbm>>
      %dma_start3A_769 = tpu.memref_squeeze %dma_start3A_768 : memref<1x1024xi32, #tpu.memory_space<hbm>> -> memref<1024xi32, #tpu.memory_space<hbm>>
      tpu.enqueue_dma source(%dma_start3A_769 : memref<1024xi32, #tpu.memory_space<hbm>>) target(%dma_start3A_767 : memref<1024xi32, #tpu.memory_space<vmem>>) target_semaphore(%run_scoped3A_761 : memref<!tpu.dma_semaphore, #tpu.memory_space<semaphore_mem>>)
      %dma_wait3A = arith.constant 11264 : i32
      %dma_wait3A_770 = tpu.memref_slice %arg10[%dma_wait3A] : memref<16400xi32, #tpu.memory_space<vmem>> -> memref<1024xi32, #tpu.memory_space<vmem>>
      %dma_wait3A_771 = tpu.memref_slice %arg6[%add3A_289, %mul3A_291] : memref<32x16400xi32, #tpu.memory_space<hbm>> -> memref<1x1024xi32, #tpu.memory_space<hbm>>
      %dma_wait3A_772 = tpu.memref_squeeze %dma_wait3A_771 : memref<1x1024xi32, #tpu.memory_space<hbm>> -> memref<1024xi32, #tpu.memory_space<hbm>>
      %dma_wait3A_773 = arith.constant 11264 : i32
      %dma_wait3A_774 = tpu.memref_slice %arg10[%dma_wait3A_773] : memref<16400xi32, #tpu.memory_space<vmem>> -> memref<1024xi32, #tpu.memory_space<vmem>>
      %dma_wait3A_775 = tpu.memref_slice %arg6[%add3A_289, %mul3A_291] : memref<32x16400xi32, #tpu.memory_space<hbm>> -> memref<1x1024xi32, #tpu.memory_space<hbm>>
      %dma_wait3A_776 = tpu.memref_squeeze %dma_wait3A_775 : memref<1x1024xi32, #tpu.memory_space<hbm>> -> memref<1024xi32, #tpu.memory_space<hbm>>
      tpu.wait_dma2 semaphore(%run_scoped3A_761 : memref<!tpu.dma_semaphore, #tpu.memory_space<semaphore_mem>>) src(%dma_wait3A_776 : memref<1024xi32, #tpu.memory_space<hbm>>) dst(%dma_wait3A_774 : memref<1024xi32, #tpu.memory_space<vmem>>)
      tpu.yield
    }) : () -> ()
    %mul3A_292 = arith.constant 16 : i32
    %mul3A_293 = arith.muli %arg0, %mul3A_292 : i32
    %add3A_294 = arith.constant 11 : i32
    %add3A_295 = arith.addi %mul3A_293, %add3A_294 : i32
    %mul3A_296 = arith.constant 16 : i32
    %mul3A_297 = arith.muli %arg1, %mul3A_296 : i32
    "tpu.region"() ({
      %run_scoped3A_761 = tpu.sem_alloc : memref<!tpu.dma_semaphore, #tpu.memory_space<semaphore_mem>>
      %dma_start3A_762 = arith.constant 176 : i32
      %dma_start3A_763 = tpu.memref_slice %arg11[%dma_start3A_762] : memref<272xi32, #tpu.memory_space<vmem>> -> memref<16xi32, #tpu.memory_space<vmem>>
      %dma_start3A_764 = tpu.memref_slice %arg7[%add3A_295, %mul3A_297] : memref<32x272xi32, #tpu.memory_space<hbm>> -> memref<1x16xi32, #tpu.memory_space<hbm>>
      %dma_start3A_765 = tpu.memref_squeeze %dma_start3A_764 : memref<1x16xi32, #tpu.memory_space<hbm>> -> memref<16xi32, #tpu.memory_space<hbm>>
      %dma_start3A_766 = arith.constant 176 : i32
      %dma_start3A_767 = tpu.memref_slice %arg11[%dma_start3A_766] : memref<272xi32, #tpu.memory_space<vmem>> -> memref<16xi32, #tpu.memory_space<vmem>>
      %dma_start3A_768 = tpu.memref_slice %arg7[%add3A_295, %mul3A_297] : memref<32x272xi32, #tpu.memory_space<hbm>> -> memref<1x16xi32, #tpu.memory_space<hbm>>
      %dma_start3A_769 = tpu.memref_squeeze %dma_start3A_768 : memref<1x16xi32, #tpu.memory_space<hbm>> -> memref<16xi32, #tpu.memory_space<hbm>>
      tpu.enqueue_dma source(%dma_start3A_769 : memref<16xi32, #tpu.memory_space<hbm>>) target(%dma_start3A_767 : memref<16xi32, #tpu.memory_space<vmem>>) target_semaphore(%run_scoped3A_761 : memref<!tpu.dma_semaphore, #tpu.memory_space<semaphore_mem>>)
      %dma_wait3A = arith.constant 176 : i32
      %dma_wait3A_770 = tpu.memref_slice %arg11[%dma_wait3A] : memref<272xi32, #tpu.memory_space<vmem>> -> memref<16xi32, #tpu.memory_space<vmem>>
      %dma_wait3A_771 = tpu.memref_slice %arg7[%add3A_295, %mul3A_297] : memref<32x272xi32, #tpu.memory_space<hbm>> -> memref<1x16xi32, #tpu.memory_space<hbm>>
      %dma_wait3A_772 = tpu.memref_squeeze %dma_wait3A_771 : memref<1x16xi32, #tpu.memory_space<hbm>> -> memref<16xi32, #tpu.memory_space<hbm>>
      %dma_wait3A_773 = arith.constant 176 : i32
      %dma_wait3A_774 = tpu.memref_slice %arg11[%dma_wait3A_773] : memref<272xi32, #tpu.memory_space<vmem>> -> memref<16xi32, #tpu.memory_space<vmem>>
      %dma_wait3A_775 = tpu.memref_slice %arg7[%add3A_295, %mul3A_297] : memref<32x272xi32, #tpu.memory_space<hbm>> -> memref<1x16xi32, #tpu.memory_space<hbm>>
      %dma_wait3A_776 = tpu.memref_squeeze %dma_wait3A_775 : memref<1x16xi32, #tpu.memory_space<hbm>> -> memref<16xi32, #tpu.memory_space<hbm>>
      tpu.wait_dma2 semaphore(%run_scoped3A_761 : memref<!tpu.dma_semaphore, #tpu.memory_space<semaphore_mem>>) src(%dma_wait3A_776 : memref<16xi32, #tpu.memory_space<hbm>>) dst(%dma_wait3A_774 : memref<16xi32, #tpu.memory_space<vmem>>)
      tpu.yield
    }) : () -> ()
    %mul3A_298 = arith.constant 16 : i32
    %mul3A_299 = arith.muli %arg0, %mul3A_298 : i32
    %add3A_300 = arith.constant 12 : i32
    %add3A_301 = arith.addi %mul3A_299, %add3A_300 : i32
    %mul3A_302 = arith.constant 1024 : i32
    %mul3A_303 = arith.muli %arg1, %mul3A_302 : i32
    "tpu.region"() ({
      %run_scoped3A_761 = tpu.sem_alloc : memref<!tpu.dma_semaphore, #tpu.memory_space<semaphore_mem>>
      %dma_start3A_762 = arith.constant 12288 : i32
      %dma_start3A_763 = tpu.memref_slice %arg9[%dma_start3A_762] : memref<16400xi32, #tpu.memory_space<vmem>> -> memref<1024xi32, #tpu.memory_space<vmem>>
      %dma_start3A_764 = tpu.memref_slice %arg5[%add3A_301, %mul3A_303] : memref<32x16400xi32, #tpu.memory_space<hbm>> -> memref<1x1024xi32, #tpu.memory_space<hbm>>
      %dma_start3A_765 = tpu.memref_squeeze %dma_start3A_764 : memref<1x1024xi32, #tpu.memory_space<hbm>> -> memref<1024xi32, #tpu.memory_space<hbm>>
      %dma_start3A_766 = arith.constant 12288 : i32
      %dma_start3A_767 = tpu.memref_slice %arg9[%dma_start3A_766] : memref<16400xi32, #tpu.memory_space<vmem>> -> memref<1024xi32, #tpu.memory_space<vmem>>
      %dma_start3A_768 = tpu.memref_slice %arg5[%add3A_301, %mul3A_303] : memref<32x16400xi32, #tpu.memory_space<hbm>> -> memref<1x1024xi32, #tpu.memory_space<hbm>>
      %dma_start3A_769 = tpu.memref_squeeze %dma_start3A_768 : memref<1x1024xi32, #tpu.memory_space<hbm>> -> memref<1024xi32, #tpu.memory_space<hbm>>
      tpu.enqueue_dma source(%dma_start3A_769 : memref<1024xi32, #tpu.memory_space<hbm>>) target(%dma_start3A_767 : memref<1024xi32, #tpu.memory_space<vmem>>) target_semaphore(%run_scoped3A_761 : memref<!tpu.dma_semaphore, #tpu.memory_space<semaphore_mem>>)
      %dma_wait3A = arith.constant 12288 : i32
      %dma_wait3A_770 = tpu.memref_slice %arg9[%dma_wait3A] : memref<16400xi32, #tpu.memory_space<vmem>> -> memref<1024xi32, #tpu.memory_space<vmem>>
      %dma_wait3A_771 = tpu.memref_slice %arg5[%add3A_301, %mul3A_303] : memref<32x16400xi32, #tpu.memory_space<hbm>> -> memref<1x1024xi32, #tpu.memory_space<hbm>>
      %dma_wait3A_772 = tpu.memref_squeeze %dma_wait3A_771 : memref<1x1024xi32, #tpu.memory_space<hbm>> -> memref<1024xi32, #tpu.memory_space<hbm>>
      %dma_wait3A_773 = arith.constant 12288 : i32
      %dma_wait3A_774 = tpu.memref_slice %arg9[%dma_wait3A_773] : memref<16400xi32, #tpu.memory_space<vmem>> -> memref<1024xi32, #tpu.memory_space<vmem>>
      %dma_wait3A_775 = tpu.memref_slice %arg5[%add3A_301, %mul3A_303] : memref<32x16400xi32, #tpu.memory_space<hbm>> -> memref<1x1024xi32, #tpu.memory_space<hbm>>
      %dma_wait3A_776 = tpu.memref_squeeze %dma_wait3A_775 : memref<1x1024xi32, #tpu.memory_space<hbm>> -> memref<1024xi32, #tpu.memory_space<hbm>>
      tpu.wait_dma2 semaphore(%run_scoped3A_761 : memref<!tpu.dma_semaphore, #tpu.memory_space<semaphore_mem>>) src(%dma_wait3A_776 : memref<1024xi32, #tpu.memory_space<hbm>>) dst(%dma_wait3A_774 : memref<1024xi32, #tpu.memory_space<vmem>>)
      tpu.yield
    }) : () -> ()
    %mul3A_304 = arith.constant 16 : i32
    %mul3A_305 = arith.muli %arg0, %mul3A_304 : i32
    %add3A_306 = arith.constant 12 : i32
    %add3A_307 = arith.addi %mul3A_305, %add3A_306 : i32
    %mul3A_308 = arith.constant 1024 : i32
    %mul3A_309 = arith.muli %arg1, %mul3A_308 : i32
    "tpu.region"() ({
      %run_scoped3A_761 = tpu.sem_alloc : memref<!tpu.dma_semaphore, #tpu.memory_space<semaphore_mem>>
      %dma_start3A_762 = arith.constant 12288 : i32
      %dma_start3A_763 = tpu.memref_slice %arg10[%dma_start3A_762] : memref<16400xi32, #tpu.memory_space<vmem>> -> memref<1024xi32, #tpu.memory_space<vmem>>
      %dma_start3A_764 = tpu.memref_slice %arg6[%add3A_307, %mul3A_309] : memref<32x16400xi32, #tpu.memory_space<hbm>> -> memref<1x1024xi32, #tpu.memory_space<hbm>>
      %dma_start3A_765 = tpu.memref_squeeze %dma_start3A_764 : memref<1x1024xi32, #tpu.memory_space<hbm>> -> memref<1024xi32, #tpu.memory_space<hbm>>
      %dma_start3A_766 = arith.constant 12288 : i32
      %dma_start3A_767 = tpu.memref_slice %arg10[%dma_start3A_766] : memref<16400xi32, #tpu.memory_space<vmem>> -> memref<1024xi32, #tpu.memory_space<vmem>>
      %dma_start3A_768 = tpu.memref_slice %arg6[%add3A_307, %mul3A_309] : memref<32x16400xi32, #tpu.memory_space<hbm>> -> memref<1x1024xi32, #tpu.memory_space<hbm>>
      %dma_start3A_769 = tpu.memref_squeeze %dma_start3A_768 : memref<1x1024xi32, #tpu.memory_space<hbm>> -> memref<1024xi32, #tpu.memory_space<hbm>>
      tpu.enqueue_dma source(%dma_start3A_769 : memref<1024xi32, #tpu.memory_space<hbm>>) target(%dma_start3A_767 : memref<1024xi32, #tpu.memory_space<vmem>>) target_semaphore(%run_scoped3A_761 : memref<!tpu.dma_semaphore, #tpu.memory_space<semaphore_mem>>)
      %dma_wait3A = arith.constant 12288 : i32
      %dma_wait3A_770 = tpu.memref_slice %arg10[%dma_wait3A] : memref<16400xi32, #tpu.memory_space<vmem>> -> memref<1024xi32, #tpu.memory_space<vmem>>
      %dma_wait3A_771 = tpu.memref_slice %arg6[%add3A_307, %mul3A_309] : memref<32x16400xi32, #tpu.memory_space<hbm>> -> memref<1x1024xi32, #tpu.memory_space<hbm>>
      %dma_wait3A_772 = tpu.memref_squeeze %dma_wait3A_771 : memref<1x1024xi32, #tpu.memory_space<hbm>> -> memref<1024xi32, #tpu.memory_space<hbm>>
      %dma_wait3A_773 = arith.constant 12288 : i32
      %dma_wait3A_774 = tpu.memref_slice %arg10[%dma_wait3A_773] : memref<16400xi32, #tpu.memory_space<vmem>> -> memref<1024xi32, #tpu.memory_space<vmem>>
      %dma_wait3A_775 = tpu.memref_slice %arg6[%add3A_307, %mul3A_309] : memref<32x16400xi32, #tpu.memory_space<hbm>> -> memref<1x1024xi32, #tpu.memory_space<hbm>>
      %dma_wait3A_776 = tpu.memref_squeeze %dma_wait3A_775 : memref<1x1024xi32, #tpu.memory_space<hbm>> -> memref<1024xi32, #tpu.memory_space<hbm>>
      tpu.wait_dma2 semaphore(%run_scoped3A_761 : memref<!tpu.dma_semaphore, #tpu.memory_space<semaphore_mem>>) src(%dma_wait3A_776 : memref<1024xi32, #tpu.memory_space<hbm>>) dst(%dma_wait3A_774 : memref<1024xi32, #tpu.memory_space<vmem>>)
      tpu.yield
    }) : () -> ()
    %mul3A_310 = arith.constant 16 : i32
    %mul3A_311 = arith.muli %arg0, %mul3A_310 : i32
    %add3A_312 = arith.constant 12 : i32
    %add3A_313 = arith.addi %mul3A_311, %add3A_312 : i32
    %mul3A_314 = arith.constant 16 : i32
    %mul3A_315 = arith.muli %arg1, %mul3A_314 : i32
    "tpu.region"() ({
      %run_scoped3A_761 = tpu.sem_alloc : memref<!tpu.dma_semaphore, #tpu.memory_space<semaphore_mem>>
      %dma_start3A_762 = arith.constant 192 : i32
      %dma_start3A_763 = tpu.memref_slice %arg11[%dma_start3A_762] : memref<272xi32, #tpu.memory_space<vmem>> -> memref<16xi32, #tpu.memory_space<vmem>>
      %dma_start3A_764 = tpu.memref_slice %arg7[%add3A_313, %mul3A_315] : memref<32x272xi32, #tpu.memory_space<hbm>> -> memref<1x16xi32, #tpu.memory_space<hbm>>
      %dma_start3A_765 = tpu.memref_squeeze %dma_start3A_764 : memref<1x16xi32, #tpu.memory_space<hbm>> -> memref<16xi32, #tpu.memory_space<hbm>>
      %dma_start3A_766 = arith.constant 192 : i32
      %dma_start3A_767 = tpu.memref_slice %arg11[%dma_start3A_766] : memref<272xi32, #tpu.memory_space<vmem>> -> memref<16xi32, #tpu.memory_space<vmem>>
      %dma_start3A_768 = tpu.memref_slice %arg7[%add3A_313, %mul3A_315] : memref<32x272xi32, #tpu.memory_space<hbm>> -> memref<1x16xi32, #tpu.memory_space<hbm>>
      %dma_start3A_769 = tpu.memref_squeeze %dma_start3A_768 : memref<1x16xi32, #tpu.memory_space<hbm>> -> memref<16xi32, #tpu.memory_space<hbm>>
      tpu.enqueue_dma source(%dma_start3A_769 : memref<16xi32, #tpu.memory_space<hbm>>) target(%dma_start3A_767 : memref<16xi32, #tpu.memory_space<vmem>>) target_semaphore(%run_scoped3A_761 : memref<!tpu.dma_semaphore, #tpu.memory_space<semaphore_mem>>)
      %dma_wait3A = arith.constant 192 : i32
      %dma_wait3A_770 = tpu.memref_slice %arg11[%dma_wait3A] : memref<272xi32, #tpu.memory_space<vmem>> -> memref<16xi32, #tpu.memory_space<vmem>>
      %dma_wait3A_771 = tpu.memref_slice %arg7[%add3A_313, %mul3A_315] : memref<32x272xi32, #tpu.memory_space<hbm>> -> memref<1x16xi32, #tpu.memory_space<hbm>>
      %dma_wait3A_772 = tpu.memref_squeeze %dma_wait3A_771 : memref<1x16xi32, #tpu.memory_space<hbm>> -> memref<16xi32, #tpu.memory_space<hbm>>
      %dma_wait3A_773 = arith.constant 192 : i32
      %dma_wait3A_774 = tpu.memref_slice %arg11[%dma_wait3A_773] : memref<272xi32, #tpu.memory_space<vmem>> -> memref<16xi32, #tpu.memory_space<vmem>>
      %dma_wait3A_775 = tpu.memref_slice %arg7[%add3A_313, %mul3A_315] : memref<32x272xi32, #tpu.memory_space<hbm>> -> memref<1x16xi32, #tpu.memory_space<hbm>>
      %dma_wait3A_776 = tpu.memref_squeeze %dma_wait3A_775 : memref<1x16xi32, #tpu.memory_space<hbm>> -> memref<16xi32, #tpu.memory_space<hbm>>
      tpu.wait_dma2 semaphore(%run_scoped3A_761 : memref<!tpu.dma_semaphore, #tpu.memory_space<semaphore_mem>>) src(%dma_wait3A_776 : memref<16xi32, #tpu.memory_space<hbm>>) dst(%dma_wait3A_774 : memref<16xi32, #tpu.memory_space<vmem>>)
      tpu.yield
    }) : () -> ()
    %mul3A_316 = arith.constant 16 : i32
    %mul3A_317 = arith.muli %arg0, %mul3A_316 : i32
    %add3A_318 = arith.constant 13 : i32
    %add3A_319 = arith.addi %mul3A_317, %add3A_318 : i32
    %mul3A_320 = arith.constant 1024 : i32
    %mul3A_321 = arith.muli %arg1, %mul3A_320 : i32
    "tpu.region"() ({
      %run_scoped3A_761 = tpu.sem_alloc : memref<!tpu.dma_semaphore, #tpu.memory_space<semaphore_mem>>
      %dma_start3A_762 = arith.constant 13312 : i32
      %dma_start3A_763 = tpu.memref_slice %arg9[%dma_start3A_762] : memref<16400xi32, #tpu.memory_space<vmem>> -> memref<1024xi32, #tpu.memory_space<vmem>>
      %dma_start3A_764 = tpu.memref_slice %arg5[%add3A_319, %mul3A_321] : memref<32x16400xi32, #tpu.memory_space<hbm>> -> memref<1x1024xi32, #tpu.memory_space<hbm>>
      %dma_start3A_765 = tpu.memref_squeeze %dma_start3A_764 : memref<1x1024xi32, #tpu.memory_space<hbm>> -> memref<1024xi32, #tpu.memory_space<hbm>>
      %dma_start3A_766 = arith.constant 13312 : i32
      %dma_start3A_767 = tpu.memref_slice %arg9[%dma_start3A_766] : memref<16400xi32, #tpu.memory_space<vmem>> -> memref<1024xi32, #tpu.memory_space<vmem>>
      %dma_start3A_768 = tpu.memref_slice %arg5[%add3A_319, %mul3A_321] : memref<32x16400xi32, #tpu.memory_space<hbm>> -> memref<1x1024xi32, #tpu.memory_space<hbm>>
      %dma_start3A_769 = tpu.memref_squeeze %dma_start3A_768 : memref<1x1024xi32, #tpu.memory_space<hbm>> -> memref<1024xi32, #tpu.memory_space<hbm>>
      tpu.enqueue_dma source(%dma_start3A_769 : memref<1024xi32, #tpu.memory_space<hbm>>) target(%dma_start3A_767 : memref<1024xi32, #tpu.memory_space<vmem>>) target_semaphore(%run_scoped3A_761 : memref<!tpu.dma_semaphore, #tpu.memory_space<semaphore_mem>>)
      %dma_wait3A = arith.constant 13312 : i32
      %dma_wait3A_770 = tpu.memref_slice %arg9[%dma_wait3A] : memref<16400xi32, #tpu.memory_space<vmem>> -> memref<1024xi32, #tpu.memory_space<vmem>>
      %dma_wait3A_771 = tpu.memref_slice %arg5[%add3A_319, %mul3A_321] : memref<32x16400xi32, #tpu.memory_space<hbm>> -> memref<1x1024xi32, #tpu.memory_space<hbm>>
      %dma_wait3A_772 = tpu.memref_squeeze %dma_wait3A_771 : memref<1x1024xi32, #tpu.memory_space<hbm>> -> memref<1024xi32, #tpu.memory_space<hbm>>
      %dma_wait3A_773 = arith.constant 13312 : i32
      %dma_wait3A_774 = tpu.memref_slice %arg9[%dma_wait3A_773] : memref<16400xi32, #tpu.memory_space<vmem>> -> memref<1024xi32, #tpu.memory_space<vmem>>
      %dma_wait3A_775 = tpu.memref_slice %arg5[%add3A_319, %mul3A_321] : memref<32x16400xi32, #tpu.memory_space<hbm>> -> memref<1x1024xi32, #tpu.memory_space<hbm>>
      %dma_wait3A_776 = tpu.memref_squeeze %dma_wait3A_775 : memref<1x1024xi32, #tpu.memory_space<hbm>> -> memref<1024xi32, #tpu.memory_space<hbm>>
      tpu.wait_dma2 semaphore(%run_scoped3A_761 : memref<!tpu.dma_semaphore, #tpu.memory_space<semaphore_mem>>) src(%dma_wait3A_776 : memref<1024xi32, #tpu.memory_space<hbm>>) dst(%dma_wait3A_774 : memref<1024xi32, #tpu.memory_space<vmem>>)
      tpu.yield
    }) : () -> ()
    %mul3A_322 = arith.constant 16 : i32
    %mul3A_323 = arith.muli %arg0, %mul3A_322 : i32
    %add3A_324 = arith.constant 13 : i32
    %add3A_325 = arith.addi %mul3A_323, %add3A_324 : i32
    %mul3A_326 = arith.constant 1024 : i32
    %mul3A_327 = arith.muli %arg1, %mul3A_326 : i32
    "tpu.region"() ({
      %run_scoped3A_761 = tpu.sem_alloc : memref<!tpu.dma_semaphore, #tpu.memory_space<semaphore_mem>>
      %dma_start3A_762 = arith.constant 13312 : i32
      %dma_start3A_763 = tpu.memref_slice %arg10[%dma_start3A_762] : memref<16400xi32, #tpu.memory_space<vmem>> -> memref<1024xi32, #tpu.memory_space<vmem>>
      %dma_start3A_764 = tpu.memref_slice %arg6[%add3A_325, %mul3A_327] : memref<32x16400xi32, #tpu.memory_space<hbm>> -> memref<1x1024xi32, #tpu.memory_space<hbm>>
      %dma_start3A_765 = tpu.memref_squeeze %dma_start3A_764 : memref<1x1024xi32, #tpu.memory_space<hbm>> -> memref<1024xi32, #tpu.memory_space<hbm>>
      %dma_start3A_766 = arith.constant 13312 : i32
      %dma_start3A_767 = tpu.memref_slice %arg10[%dma_start3A_766] : memref<16400xi32, #tpu.memory_space<vmem>> -> memref<1024xi32, #tpu.memory_space<vmem>>
      %dma_start3A_768 = tpu.memref_slice %arg6[%add3A_325, %mul3A_327] : memref<32x16400xi32, #tpu.memory_space<hbm>> -> memref<1x1024xi32, #tpu.memory_space<hbm>>
      %dma_start3A_769 = tpu.memref_squeeze %dma_start3A_768 : memref<1x1024xi32, #tpu.memory_space<hbm>> -> memref<1024xi32, #tpu.memory_space<hbm>>
      tpu.enqueue_dma source(%dma_start3A_769 : memref<1024xi32, #tpu.memory_space<hbm>>) target(%dma_start3A_767 : memref<1024xi32, #tpu.memory_space<vmem>>) target_semaphore(%run_scoped3A_761 : memref<!tpu.dma_semaphore, #tpu.memory_space<semaphore_mem>>)
      %dma_wait3A = arith.constant 13312 : i32
      %dma_wait3A_770 = tpu.memref_slice %arg10[%dma_wait3A] : memref<16400xi32, #tpu.memory_space<vmem>> -> memref<1024xi32, #tpu.memory_space<vmem>>
      %dma_wait3A_771 = tpu.memref_slice %arg6[%add3A_325, %mul3A_327] : memref<32x16400xi32, #tpu.memory_space<hbm>> -> memref<1x1024xi32, #tpu.memory_space<hbm>>
      %dma_wait3A_772 = tpu.memref_squeeze %dma_wait3A_771 : memref<1x1024xi32, #tpu.memory_space<hbm>> -> memref<1024xi32, #tpu.memory_space<hbm>>
      %dma_wait3A_773 = arith.constant 13312 : i32
      %dma_wait3A_774 = tpu.memref_slice %arg10[%dma_wait3A_773] : memref<16400xi32, #tpu.memory_space<vmem>> -> memref<1024xi32, #tpu.memory_space<vmem>>
      %dma_wait3A_775 = tpu.memref_slice %arg6[%add3A_325, %mul3A_327] : memref<32x16400xi32, #tpu.memory_space<hbm>> -> memref<1x1024xi32, #tpu.memory_space<hbm>>
      %dma_wait3A_776 = tpu.memref_squeeze %dma_wait3A_775 : memref<1x1024xi32, #tpu.memory_space<hbm>> -> memref<1024xi32, #tpu.memory_space<hbm>>
      tpu.wait_dma2 semaphore(%run_scoped3A_761 : memref<!tpu.dma_semaphore, #tpu.memory_space<semaphore_mem>>) src(%dma_wait3A_776 : memref<1024xi32, #tpu.memory_space<hbm>>) dst(%dma_wait3A_774 : memref<1024xi32, #tpu.memory_space<vmem>>)
      tpu.yield
    }) : () -> ()
    %mul3A_328 = arith.constant 16 : i32
    %mul3A_329 = arith.muli %arg0, %mul3A_328 : i32
    %add3A_330 = arith.constant 13 : i32
    %add3A_331 = arith.addi %mul3A_329, %add3A_330 : i32
    %mul3A_332 = arith.constant 16 : i32
    %mul3A_333 = arith.muli %arg1, %mul3A_332 : i32
    "tpu.region"() ({
      %run_scoped3A_761 = tpu.sem_alloc : memref<!tpu.dma_semaphore, #tpu.memory_space<semaphore_mem>>
      %dma_start3A_762 = arith.constant 208 : i32
      %dma_start3A_763 = tpu.memref_slice %arg11[%dma_start3A_762] : memref<272xi32, #tpu.memory_space<vmem>> -> memref<16xi32, #tpu.memory_space<vmem>>
      %dma_start3A_764 = tpu.memref_slice %arg7[%add3A_331, %mul3A_333] : memref<32x272xi32, #tpu.memory_space<hbm>> -> memref<1x16xi32, #tpu.memory_space<hbm>>
      %dma_start3A_765 = tpu.memref_squeeze %dma_start3A_764 : memref<1x16xi32, #tpu.memory_space<hbm>> -> memref<16xi32, #tpu.memory_space<hbm>>
      %dma_start3A_766 = arith.constant 208 : i32
      %dma_start3A_767 = tpu.memref_slice %arg11[%dma_start3A_766] : memref<272xi32, #tpu.memory_space<vmem>> -> memref<16xi32, #tpu.memory_space<vmem>>
      %dma_start3A_768 = tpu.memref_slice %arg7[%add3A_331, %mul3A_333] : memref<32x272xi32, #tpu.memory_space<hbm>> -> memref<1x16xi32, #tpu.memory_space<hbm>>
      %dma_start3A_769 = tpu.memref_squeeze %dma_start3A_768 : memref<1x16xi32, #tpu.memory_space<hbm>> -> memref<16xi32, #tpu.memory_space<hbm>>
      tpu.enqueue_dma source(%dma_start3A_769 : memref<16xi32, #tpu.memory_space<hbm>>) target(%dma_start3A_767 : memref<16xi32, #tpu.memory_space<vmem>>) target_semaphore(%run_scoped3A_761 : memref<!tpu.dma_semaphore, #tpu.memory_space<semaphore_mem>>)
      %dma_wait3A = arith.constant 208 : i32
      %dma_wait3A_770 = tpu.memref_slice %arg11[%dma_wait3A] : memref<272xi32, #tpu.memory_space<vmem>> -> memref<16xi32, #tpu.memory_space<vmem>>
      %dma_wait3A_771 = tpu.memref_slice %arg7[%add3A_331, %mul3A_333] : memref<32x272xi32, #tpu.memory_space<hbm>> -> memref<1x16xi32, #tpu.memory_space<hbm>>
      %dma_wait3A_772 = tpu.memref_squeeze %dma_wait3A_771 : memref<1x16xi32, #tpu.memory_space<hbm>> -> memref<16xi32, #tpu.memory_space<hbm>>
      %dma_wait3A_773 = arith.constant 208 : i32
      %dma_wait3A_774 = tpu.memref_slice %arg11[%dma_wait3A_773] : memref<272xi32, #tpu.memory_space<vmem>> -> memref<16xi32, #tpu.memory_space<vmem>>
      %dma_wait3A_775 = tpu.memref_slice %arg7[%add3A_331, %mul3A_333] : memref<32x272xi32, #tpu.memory_space<hbm>> -> memref<1x16xi32, #tpu.memory_space<hbm>>
      %dma_wait3A_776 = tpu.memref_squeeze %dma_wait3A_775 : memref<1x16xi32, #tpu.memory_space<hbm>> -> memref<16xi32, #tpu.memory_space<hbm>>
      tpu.wait_dma2 semaphore(%run_scoped3A_761 : memref<!tpu.dma_semaphore, #tpu.memory_space<semaphore_mem>>) src(%dma_wait3A_776 : memref<16xi32, #tpu.memory_space<hbm>>) dst(%dma_wait3A_774 : memref<16xi32, #tpu.memory_space<vmem>>)
      tpu.yield
    }) : () -> ()
    %mul3A_334 = arith.constant 16 : i32
    %mul3A_335 = arith.muli %arg0, %mul3A_334 : i32
    %add3A_336 = arith.constant 14 : i32
    %add3A_337 = arith.addi %mul3A_335, %add3A_336 : i32
    %mul3A_338 = arith.constant 1024 : i32
    %mul3A_339 = arith.muli %arg1, %mul3A_338 : i32
    "tpu.region"() ({
      %run_scoped3A_761 = tpu.sem_alloc : memref<!tpu.dma_semaphore, #tpu.memory_space<semaphore_mem>>
      %dma_start3A_762 = arith.constant 14336 : i32
      %dma_start3A_763 = tpu.memref_slice %arg9[%dma_start3A_762] : memref<16400xi32, #tpu.memory_space<vmem>> -> memref<1024xi32, #tpu.memory_space<vmem>>
      %dma_start3A_764 = tpu.memref_slice %arg5[%add3A_337, %mul3A_339] : memref<32x16400xi32, #tpu.memory_space<hbm>> -> memref<1x1024xi32, #tpu.memory_space<hbm>>
      %dma_start3A_765 = tpu.memref_squeeze %dma_start3A_764 : memref<1x1024xi32, #tpu.memory_space<hbm>> -> memref<1024xi32, #tpu.memory_space<hbm>>
      %dma_start3A_766 = arith.constant 14336 : i32
      %dma_start3A_767 = tpu.memref_slice %arg9[%dma_start3A_766] : memref<16400xi32, #tpu.memory_space<vmem>> -> memref<1024xi32, #tpu.memory_space<vmem>>
      %dma_start3A_768 = tpu.memref_slice %arg5[%add3A_337, %mul3A_339] : memref<32x16400xi32, #tpu.memory_space<hbm>> -> memref<1x1024xi32, #tpu.memory_space<hbm>>
      %dma_start3A_769 = tpu.memref_squeeze %dma_start3A_768 : memref<1x1024xi32, #tpu.memory_space<hbm>> -> memref<1024xi32, #tpu.memory_space<hbm>>
      tpu.enqueue_dma source(%dma_start3A_769 : memref<1024xi32, #tpu.memory_space<hbm>>) target(%dma_start3A_767 : memref<1024xi32, #tpu.memory_space<vmem>>) target_semaphore(%run_scoped3A_761 : memref<!tpu.dma_semaphore, #tpu.memory_space<semaphore_mem>>)
      %dma_wait3A = arith.constant 14336 : i32
      %dma_wait3A_770 = tpu.memref_slice %arg9[%dma_wait3A] : memref<16400xi32, #tpu.memory_space<vmem>> -> memref<1024xi32, #tpu.memory_space<vmem>>
      %dma_wait3A_771 = tpu.memref_slice %arg5[%add3A_337, %mul3A_339] : memref<32x16400xi32, #tpu.memory_space<hbm>> -> memref<1x1024xi32, #tpu.memory_space<hbm>>
      %dma_wait3A_772 = tpu.memref_squeeze %dma_wait3A_771 : memref<1x1024xi32, #tpu.memory_space<hbm>> -> memref<1024xi32, #tpu.memory_space<hbm>>
      %dma_wait3A_773 = arith.constant 14336 : i32
      %dma_wait3A_774 = tpu.memref_slice %arg9[%dma_wait3A_773] : memref<16400xi32, #tpu.memory_space<vmem>> -> memref<1024xi32, #tpu.memory_space<vmem>>
      %dma_wait3A_775 = tpu.memref_slice %arg5[%add3A_337, %mul3A_339] : memref<32x16400xi32, #tpu.memory_space<hbm>> -> memref<1x1024xi32, #tpu.memory_space<hbm>>
      %dma_wait3A_776 = tpu.memref_squeeze %dma_wait3A_775 : memref<1x1024xi32, #tpu.memory_space<hbm>> -> memref<1024xi32, #tpu.memory_space<hbm>>
      tpu.wait_dma2 semaphore(%run_scoped3A_761 : memref<!tpu.dma_semaphore, #tpu.memory_space<semaphore_mem>>) src(%dma_wait3A_776 : memref<1024xi32, #tpu.memory_space<hbm>>) dst(%dma_wait3A_774 : memref<1024xi32, #tpu.memory_space<vmem>>)
      tpu.yield
    }) : () -> ()
    %mul3A_340 = arith.constant 16 : i32
    %mul3A_341 = arith.muli %arg0, %mul3A_340 : i32
    %add3A_342 = arith.constant 14 : i32
    %add3A_343 = arith.addi %mul3A_341, %add3A_342 : i32
    %mul3A_344 = arith.constant 1024 : i32
    %mul3A_345 = arith.muli %arg1, %mul3A_344 : i32
    "tpu.region"() ({
      %run_scoped3A_761 = tpu.sem_alloc : memref<!tpu.dma_semaphore, #tpu.memory_space<semaphore_mem>>
      %dma_start3A_762 = arith.constant 14336 : i32
      %dma_start3A_763 = tpu.memref_slice %arg10[%dma_start3A_762] : memref<16400xi32, #tpu.memory_space<vmem>> -> memref<1024xi32, #tpu.memory_space<vmem>>
      %dma_start3A_764 = tpu.memref_slice %arg6[%add3A_343, %mul3A_345] : memref<32x16400xi32, #tpu.memory_space<hbm>> -> memref<1x1024xi32, #tpu.memory_space<hbm>>
      %dma_start3A_765 = tpu.memref_squeeze %dma_start3A_764 : memref<1x1024xi32, #tpu.memory_space<hbm>> -> memref<1024xi32, #tpu.memory_space<hbm>>
      %dma_start3A_766 = arith.constant 14336 : i32
      %dma_start3A_767 = tpu.memref_slice %arg10[%dma_start3A_766] : memref<16400xi32, #tpu.memory_space<vmem>> -> memref<1024xi32, #tpu.memory_space<vmem>>
      %dma_start3A_768 = tpu.memref_slice %arg6[%add3A_343, %mul3A_345] : memref<32x16400xi32, #tpu.memory_space<hbm>> -> memref<1x1024xi32, #tpu.memory_space<hbm>>
      %dma_start3A_769 = tpu.memref_squeeze %dma_start3A_768 : memref<1x1024xi32, #tpu.memory_space<hbm>> -> memref<1024xi32, #tpu.memory_space<hbm>>
      tpu.enqueue_dma source(%dma_start3A_769 : memref<1024xi32, #tpu.memory_space<hbm>>) target(%dma_start3A_767 : memref<1024xi32, #tpu.memory_space<vmem>>) target_semaphore(%run_scoped3A_761 : memref<!tpu.dma_semaphore, #tpu.memory_space<semaphore_mem>>)
      %dma_wait3A = arith.constant 14336 : i32
      %dma_wait3A_770 = tpu.memref_slice %arg10[%dma_wait3A] : memref<16400xi32, #tpu.memory_space<vmem>> -> memref<1024xi32, #tpu.memory_space<vmem>>
      %dma_wait3A_771 = tpu.memref_slice %arg6[%add3A_343, %mul3A_345] : memref<32x16400xi32, #tpu.memory_space<hbm>> -> memref<1x1024xi32, #tpu.memory_space<hbm>>
      %dma_wait3A_772 = tpu.memref_squeeze %dma_wait3A_771 : memref<1x1024xi32, #tpu.memory_space<hbm>> -> memref<1024xi32, #tpu.memory_space<hbm>>
      %dma_wait3A_773 = arith.constant 14336 : i32
      %dma_wait3A_774 = tpu.memref_slice %arg10[%dma_wait3A_773] : memref<16400xi32, #tpu.memory_space<vmem>> -> memref<1024xi32, #tpu.memory_space<vmem>>
      %dma_wait3A_775 = tpu.memref_slice %arg6[%add3A_343, %mul3A_345] : memref<32x16400xi32, #tpu.memory_space<hbm>> -> memref<1x1024xi32, #tpu.memory_space<hbm>>
      %dma_wait3A_776 = tpu.memref_squeeze %dma_wait3A_775 : memref<1x1024xi32, #tpu.memory_space<hbm>> -> memref<1024xi32, #tpu.memory_space<hbm>>
      tpu.wait_dma2 semaphore(%run_scoped3A_761 : memref<!tpu.dma_semaphore, #tpu.memory_space<semaphore_mem>>) src(%dma_wait3A_776 : memref<1024xi32, #tpu.memory_space<hbm>>) dst(%dma_wait3A_774 : memref<1024xi32, #tpu.memory_space<vmem>>)
      tpu.yield
    }) : () -> ()
    %mul3A_346 = arith.constant 16 : i32
    %mul3A_347 = arith.muli %arg0, %mul3A_346 : i32
    %add3A_348 = arith.constant 14 : i32
    %add3A_349 = arith.addi %mul3A_347, %add3A_348 : i32
    %mul3A_350 = arith.constant 16 : i32
    %mul3A_351 = arith.muli %arg1, %mul3A_350 : i32
    "tpu.region"() ({
      %run_scoped3A_761 = tpu.sem_alloc : memref<!tpu.dma_semaphore, #tpu.memory_space<semaphore_mem>>
      %dma_start3A_762 = arith.constant 224 : i32
      %dma_start3A_763 = tpu.memref_slice %arg11[%dma_start3A_762] : memref<272xi32, #tpu.memory_space<vmem>> -> memref<16xi32, #tpu.memory_space<vmem>>
      %dma_start3A_764 = tpu.memref_slice %arg7[%add3A_349, %mul3A_351] : memref<32x272xi32, #tpu.memory_space<hbm>> -> memref<1x16xi32, #tpu.memory_space<hbm>>
      %dma_start3A_765 = tpu.memref_squeeze %dma_start3A_764 : memref<1x16xi32, #tpu.memory_space<hbm>> -> memref<16xi32, #tpu.memory_space<hbm>>
      %dma_start3A_766 = arith.constant 224 : i32
      %dma_start3A_767 = tpu.memref_slice %arg11[%dma_start3A_766] : memref<272xi32, #tpu.memory_space<vmem>> -> memref<16xi32, #tpu.memory_space<vmem>>
      %dma_start3A_768 = tpu.memref_slice %arg7[%add3A_349, %mul3A_351] : memref<32x272xi32, #tpu.memory_space<hbm>> -> memref<1x16xi32, #tpu.memory_space<hbm>>
      %dma_start3A_769 = tpu.memref_squeeze %dma_start3A_768 : memref<1x16xi32, #tpu.memory_space<hbm>> -> memref<16xi32, #tpu.memory_space<hbm>>
      tpu.enqueue_dma source(%dma_start3A_769 : memref<16xi32, #tpu.memory_space<hbm>>) target(%dma_start3A_767 : memref<16xi32, #tpu.memory_space<vmem>>) target_semaphore(%run_scoped3A_761 : memref<!tpu.dma_semaphore, #tpu.memory_space<semaphore_mem>>)
      %dma_wait3A = arith.constant 224 : i32
      %dma_wait3A_770 = tpu.memref_slice %arg11[%dma_wait3A] : memref<272xi32, #tpu.memory_space<vmem>> -> memref<16xi32, #tpu.memory_space<vmem>>
      %dma_wait3A_771 = tpu.memref_slice %arg7[%add3A_349, %mul3A_351] : memref<32x272xi32, #tpu.memory_space<hbm>> -> memref<1x16xi32, #tpu.memory_space<hbm>>
      %dma_wait3A_772 = tpu.memref_squeeze %dma_wait3A_771 : memref<1x16xi32, #tpu.memory_space<hbm>> -> memref<16xi32, #tpu.memory_space<hbm>>
      %dma_wait3A_773 = arith.constant 224 : i32
      %dma_wait3A_774 = tpu.memref_slice %arg11[%dma_wait3A_773] : memref<272xi32, #tpu.memory_space<vmem>> -> memref<16xi32, #tpu.memory_space<vmem>>
      %dma_wait3A_775 = tpu.memref_slice %arg7[%add3A_349, %mul3A_351] : memref<32x272xi32, #tpu.memory_space<hbm>> -> memref<1x16xi32, #tpu.memory_space<hbm>>
      %dma_wait3A_776 = tpu.memref_squeeze %dma_wait3A_775 : memref<1x16xi32, #tpu.memory_space<hbm>> -> memref<16xi32, #tpu.memory_space<hbm>>
      tpu.wait_dma2 semaphore(%run_scoped3A_761 : memref<!tpu.dma_semaphore, #tpu.memory_space<semaphore_mem>>) src(%dma_wait3A_776 : memref<16xi32, #tpu.memory_space<hbm>>) dst(%dma_wait3A_774 : memref<16xi32, #tpu.memory_space<vmem>>)
      tpu.yield
    }) : () -> ()
    %mul3A_352 = arith.constant 16 : i32
    %mul3A_353 = arith.muli %arg0, %mul3A_352 : i32
    %add3A_354 = arith.constant 15 : i32
    %add3A_355 = arith.addi %mul3A_353, %add3A_354 : i32
    %mul3A_356 = arith.constant 1024 : i32
    %mul3A_357 = arith.muli %arg1, %mul3A_356 : i32
    "tpu.region"() ({
      %run_scoped3A_761 = tpu.sem_alloc : memref<!tpu.dma_semaphore, #tpu.memory_space<semaphore_mem>>
      %dma_start3A_762 = arith.constant 15360 : i32
      %dma_start3A_763 = tpu.memref_slice %arg9[%dma_start3A_762] : memref<16400xi32, #tpu.memory_space<vmem>> -> memref<1024xi32, #tpu.memory_space<vmem>>
      %dma_start3A_764 = tpu.memref_slice %arg5[%add3A_355, %mul3A_357] : memref<32x16400xi32, #tpu.memory_space<hbm>> -> memref<1x1024xi32, #tpu.memory_space<hbm>>
      %dma_start3A_765 = tpu.memref_squeeze %dma_start3A_764 : memref<1x1024xi32, #tpu.memory_space<hbm>> -> memref<1024xi32, #tpu.memory_space<hbm>>
      %dma_start3A_766 = arith.constant 15360 : i32
      %dma_start3A_767 = tpu.memref_slice %arg9[%dma_start3A_766] : memref<16400xi32, #tpu.memory_space<vmem>> -> memref<1024xi32, #tpu.memory_space<vmem>>
      %dma_start3A_768 = tpu.memref_slice %arg5[%add3A_355, %mul3A_357] : memref<32x16400xi32, #tpu.memory_space<hbm>> -> memref<1x1024xi32, #tpu.memory_space<hbm>>
      %dma_start3A_769 = tpu.memref_squeeze %dma_start3A_768 : memref<1x1024xi32, #tpu.memory_space<hbm>> -> memref<1024xi32, #tpu.memory_space<hbm>>
      tpu.enqueue_dma source(%dma_start3A_769 : memref<1024xi32, #tpu.memory_space<hbm>>) target(%dma_start3A_767 : memref<1024xi32, #tpu.memory_space<vmem>>) target_semaphore(%run_scoped3A_761 : memref<!tpu.dma_semaphore, #tpu.memory_space<semaphore_mem>>)
      %dma_wait3A = arith.constant 15360 : i32
      %dma_wait3A_770 = tpu.memref_slice %arg9[%dma_wait3A] : memref<16400xi32, #tpu.memory_space<vmem>> -> memref<1024xi32, #tpu.memory_space<vmem>>
      %dma_wait3A_771 = tpu.memref_slice %arg5[%add3A_355, %mul3A_357] : memref<32x16400xi32, #tpu.memory_space<hbm>> -> memref<1x1024xi32, #tpu.memory_space<hbm>>
      %dma_wait3A_772 = tpu.memref_squeeze %dma_wait3A_771 : memref<1x1024xi32, #tpu.memory_space<hbm>> -> memref<1024xi32, #tpu.memory_space<hbm>>
      %dma_wait3A_773 = arith.constant 15360 : i32
      %dma_wait3A_774 = tpu.memref_slice %arg9[%dma_wait3A_773] : memref<16400xi32, #tpu.memory_space<vmem>> -> memref<1024xi32, #tpu.memory_space<vmem>>
      %dma_wait3A_775 = tpu.memref_slice %arg5[%add3A_355, %mul3A_357] : memref<32x16400xi32, #tpu.memory_space<hbm>> -> memref<1x1024xi32, #tpu.memory_space<hbm>>
      %dma_wait3A_776 = tpu.memref_squeeze %dma_wait3A_775 : memref<1x1024xi32, #tpu.memory_space<hbm>> -> memref<1024xi32, #tpu.memory_space<hbm>>
      tpu.wait_dma2 semaphore(%run_scoped3A_761 : memref<!tpu.dma_semaphore, #tpu.memory_space<semaphore_mem>>) src(%dma_wait3A_776 : memref<1024xi32, #tpu.memory_space<hbm>>) dst(%dma_wait3A_774 : memref<1024xi32, #tpu.memory_space<vmem>>)
      tpu.yield
    }) : () -> ()
    %mul3A_358 = arith.constant 16 : i32
    %mul3A_359 = arith.muli %arg0, %mul3A_358 : i32
    %add3A_360 = arith.constant 15 : i32
    %add3A_361 = arith.addi %mul3A_359, %add3A_360 : i32
    %mul3A_362 = arith.constant 1024 : i32
    %mul3A_363 = arith.muli %arg1, %mul3A_362 : i32
    "tpu.region"() ({
      %run_scoped3A_761 = tpu.sem_alloc : memref<!tpu.dma_semaphore, #tpu.memory_space<semaphore_mem>>
      %dma_start3A_762 = arith.constant 15360 : i32
      %dma_start3A_763 = tpu.memref_slice %arg10[%dma_start3A_762] : memref<16400xi32, #tpu.memory_space<vmem>> -> memref<1024xi32, #tpu.memory_space<vmem>>
      %dma_start3A_764 = tpu.memref_slice %arg6[%add3A_361, %mul3A_363] : memref<32x16400xi32, #tpu.memory_space<hbm>> -> memref<1x1024xi32, #tpu.memory_space<hbm>>
      %dma_start3A_765 = tpu.memref_squeeze %dma_start3A_764 : memref<1x1024xi32, #tpu.memory_space<hbm>> -> memref<1024xi32, #tpu.memory_space<hbm>>
      %dma_start3A_766 = arith.constant 15360 : i32
      %dma_start3A_767 = tpu.memref_slice %arg10[%dma_start3A_766] : memref<16400xi32, #tpu.memory_space<vmem>> -> memref<1024xi32, #tpu.memory_space<vmem>>
      %dma_start3A_768 = tpu.memref_slice %arg6[%add3A_361, %mul3A_363] : memref<32x16400xi32, #tpu.memory_space<hbm>> -> memref<1x1024xi32, #tpu.memory_space<hbm>>
      %dma_start3A_769 = tpu.memref_squeeze %dma_start3A_768 : memref<1x1024xi32, #tpu.memory_space<hbm>> -> memref<1024xi32, #tpu.memory_space<hbm>>
      tpu.enqueue_dma source(%dma_start3A_769 : memref<1024xi32, #tpu.memory_space<hbm>>) target(%dma_start3A_767 : memref<1024xi32, #tpu.memory_space<vmem>>) target_semaphore(%run_scoped3A_761 : memref<!tpu.dma_semaphore, #tpu.memory_space<semaphore_mem>>)
      %dma_wait3A = arith.constant 15360 : i32
      %dma_wait3A_770 = tpu.memref_slice %arg10[%dma_wait3A] : memref<16400xi32, #tpu.memory_space<vmem>> -> memref<1024xi32, #tpu.memory_space<vmem>>
      %dma_wait3A_771 = tpu.memref_slice %arg6[%add3A_361, %mul3A_363] : memref<32x16400xi32, #tpu.memory_space<hbm>> -> memref<1x1024xi32, #tpu.memory_space<hbm>>
      %dma_wait3A_772 = tpu.memref_squeeze %dma_wait3A_771 : memref<1x1024xi32, #tpu.memory_space<hbm>> -> memref<1024xi32, #tpu.memory_space<hbm>>
      %dma_wait3A_773 = arith.constant 15360 : i32
      %dma_wait3A_774 = tpu.memref_slice %arg10[%dma_wait3A_773] : memref<16400xi32, #tpu.memory_space<vmem>> -> memref<1024xi32, #tpu.memory_space<vmem>>
      %dma_wait3A_775 = tpu.memref_slice %arg6[%add3A_361, %mul3A_363] : memref<32x16400xi32, #tpu.memory_space<hbm>> -> memref<1x1024xi32, #tpu.memory_space<hbm>>
      %dma_wait3A_776 = tpu.memref_squeeze %dma_wait3A_775 : memref<1x1024xi32, #tpu.memory_space<hbm>> -> memref<1024xi32, #tpu.memory_space<hbm>>
      tpu.wait_dma2 semaphore(%run_scoped3A_761 : memref<!tpu.dma_semaphore, #tpu.memory_space<semaphore_mem>>) src(%dma_wait3A_776 : memref<1024xi32, #tpu.memory_space<hbm>>) dst(%dma_wait3A_774 : memref<1024xi32, #tpu.memory_space<vmem>>)
      tpu.yield
    }) : () -> ()
    %mul3A_364 = arith.constant 16 : i32
    %mul3A_365 = arith.muli %arg0, %mul3A_364 : i32
    %add3A_366 = arith.constant 15 : i32
    %add3A_367 = arith.addi %mul3A_365, %add3A_366 : i32
    %mul3A_368 = arith.constant 16 : i32
    %mul3A_369 = arith.muli %arg1, %mul3A_368 : i32
    "tpu.region"() ({
      %run_scoped3A_761 = tpu.sem_alloc : memref<!tpu.dma_semaphore, #tpu.memory_space<semaphore_mem>>
      %dma_start3A_762 = arith.constant 240 : i32
      %dma_start3A_763 = tpu.memref_slice %arg11[%dma_start3A_762] : memref<272xi32, #tpu.memory_space<vmem>> -> memref<16xi32, #tpu.memory_space<vmem>>
      %dma_start3A_764 = tpu.memref_slice %arg7[%add3A_367, %mul3A_369] : memref<32x272xi32, #tpu.memory_space<hbm>> -> memref<1x16xi32, #tpu.memory_space<hbm>>
      %dma_start3A_765 = tpu.memref_squeeze %dma_start3A_764 : memref<1x16xi32, #tpu.memory_space<hbm>> -> memref<16xi32, #tpu.memory_space<hbm>>
      %dma_start3A_766 = arith.constant 240 : i32
      %dma_start3A_767 = tpu.memref_slice %arg11[%dma_start3A_766] : memref<272xi32, #tpu.memory_space<vmem>> -> memref<16xi32, #tpu.memory_space<vmem>>
      %dma_start3A_768 = tpu.memref_slice %arg7[%add3A_367, %mul3A_369] : memref<32x272xi32, #tpu.memory_space<hbm>> -> memref<1x16xi32, #tpu.memory_space<hbm>>
      %dma_start3A_769 = tpu.memref_squeeze %dma_start3A_768 : memref<1x16xi32, #tpu.memory_space<hbm>> -> memref<16xi32, #tpu.memory_space<hbm>>
      tpu.enqueue_dma source(%dma_start3A_769 : memref<16xi32, #tpu.memory_space<hbm>>) target(%dma_start3A_767 : memref<16xi32, #tpu.memory_space<vmem>>) target_semaphore(%run_scoped3A_761 : memref<!tpu.dma_semaphore, #tpu.memory_space<semaphore_mem>>)
      %dma_wait3A = arith.constant 240 : i32
      %dma_wait3A_770 = tpu.memref_slice %arg11[%dma_wait3A] : memref<272xi32, #tpu.memory_space<vmem>> -> memref<16xi32, #tpu.memory_space<vmem>>
      %dma_wait3A_771 = tpu.memref_slice %arg7[%add3A_367, %mul3A_369] : memref<32x272xi32, #tpu.memory_space<hbm>> -> memref<1x16xi32, #tpu.memory_space<hbm>>
      %dma_wait3A_772 = tpu.memref_squeeze %dma_wait3A_771 : memref<1x16xi32, #tpu.memory_space<hbm>> -> memref<16xi32, #tpu.memory_space<hbm>>
      %dma_wait3A_773 = arith.constant 240 : i32
      %dma_wait3A_774 = tpu.memref_slice %arg11[%dma_wait3A_773] : memref<272xi32, #tpu.memory_space<vmem>> -> memref<16xi32, #tpu.memory_space<vmem>>
      %dma_wait3A_775 = tpu.memref_slice %arg7[%add3A_367, %mul3A_369] : memref<32x272xi32, #tpu.memory_space<hbm>> -> memref<1x16xi32, #tpu.memory_space<hbm>>
      %dma_wait3A_776 = tpu.memref_squeeze %dma_wait3A_775 : memref<1x16xi32, #tpu.memory_space<hbm>> -> memref<16xi32, #tpu.memory_space<hbm>>
      tpu.wait_dma2 semaphore(%run_scoped3A_761 : memref<!tpu.dma_semaphore, #tpu.memory_space<semaphore_mem>>) src(%dma_wait3A_776 : memref<16xi32, #tpu.memory_space<hbm>>) dst(%dma_wait3A_774 : memref<16xi32, #tpu.memory_space<vmem>>)
      tpu.yield
    }) : () -> ()
    %broadcast_in_dim3A_370 = arith.constant 0 : i32
    %broadcast_in_dim3A_371 = vector.broadcast %broadcast_in_dim3A_370 : i32 to vector<16xi32>
    %swap3A_372 = arith.constant 0 : index
    %swap3A_373 = tpu.vector_load %arg14[%swap3A_372] {strides = array<i32>} : memref<1008xi32, #tpu.memory_space<vmem>>, vector<16xi32>,
    tpu.vector_store %arg14[%swap3A_372], %broadcast_in_dim3A_371 {strides = array<i32>} : memref<1008xi32, #tpu.memory_space<vmem>>, vector<16xi32>,
    %broadcast_in_dim3A_374 = arith.constant 0 : i32
    %broadcast_in_dim3A_375 = vector.broadcast %broadcast_in_dim3A_374 : i32 to vector<16xi32>
    %swap3A_376 = arith.constant 16 : index
    %swap3A_377 = tpu.vector_load %arg14[%swap3A_376] {strides = array<i32>} : memref<1008xi32, #tpu.memory_space<vmem>>, vector<16xi32>,
    tpu.vector_store %arg14[%swap3A_376], %broadcast_in_dim3A_375 {strides = array<i32>} : memref<1008xi32, #tpu.memory_space<vmem>>, vector<16xi32>,
    %broadcast_in_dim3A_378 = arith.constant 0 : i32
    %broadcast_in_dim3A_379 = vector.broadcast %broadcast_in_dim3A_378 : i32 to vector<16xi32>
    %swap3A_380 = arith.constant 32 : index
    %swap3A_381 = tpu.vector_load %arg14[%swap3A_380] {strides = array<i32>} : memref<1008xi32, #tpu.memory_space<vmem>>, vector<16xi32>,
    tpu.vector_store %arg14[%swap3A_380], %broadcast_in_dim3A_379 {strides = array<i32>} : memref<1008xi32, #tpu.memory_space<vmem>>, vector<16xi32>,
    %broadcast_in_dim3A_382 = arith.constant 0 : i32
    %broadcast_in_dim3A_383 = vector.broadcast %broadcast_in_dim3A_382 : i32 to vector<16xi32>
    %swap3A_384 = arith.constant 48 : index
    %swap3A_385 = tpu.vector_load %arg14[%swap3A_384] {strides = array<i32>} : memref<1008xi32, #tpu.memory_space<vmem>>, vector<16xi32>,
    tpu.vector_store %arg14[%swap3A_384], %broadcast_in_dim3A_383 {strides = array<i32>} : memref<1008xi32, #tpu.memory_space<vmem>>, vector<16xi32>,
    %broadcast_in_dim3A_386 = arith.constant 0 : i32
    %broadcast_in_dim3A_387 = vector.broadcast %broadcast_in_dim3A_386 : i32 to vector<16xi32>
    %swap3A_388 = arith.constant 64 : index
    %swap3A_389 = tpu.vector_load %arg14[%swap3A_388] {strides = array<i32>} : memref<1008xi32, #tpu.memory_space<vmem>>, vector<16xi32>,
    tpu.vector_store %arg14[%swap3A_388], %broadcast_in_dim3A_387 {strides = array<i32>} : memref<1008xi32, #tpu.memory_space<vmem>>, vector<16xi32>,
    %broadcast_in_dim3A_390 = arith.constant 0 : i32
    %broadcast_in_dim3A_391 = vector.broadcast %broadcast_in_dim3A_390 : i32 to vector<16xi32>
    %swap3A_392 = arith.constant 80 : index
    %swap3A_393 = tpu.vector_load %arg14[%swap3A_392] {strides = array<i32>} : memref<1008xi32, #tpu.memory_space<vmem>>, vector<16xi32>,
    tpu.vector_store %arg14[%swap3A_392], %broadcast_in_dim3A_391 {strides = array<i32>} : memref<1008xi32, #tpu.memory_space<vmem>>, vector<16xi32>,
    %broadcast_in_dim3A_394 = arith.constant 0 : i32
    %broadcast_in_dim3A_395 = vector.broadcast %broadcast_in_dim3A_394 : i32 to vector<16xi32>
    %swap3A_396 = arith.constant 96 : index
    %swap3A_397 = tpu.vector_load %arg14[%swap3A_396] {strides = array<i32>} : memref<1008xi32, #tpu.memory_space<vmem>>, vector<16xi32>,
    tpu.vector_store %arg14[%swap3A_396], %broadcast_in_dim3A_395 {strides = array<i32>} : memref<1008xi32, #tpu.memory_space<vmem>>, vector<16xi32>,
    %broadcast_in_dim3A_398 = arith.constant 0 : i32
    %broadcast_in_dim3A_399 = vector.broadcast %broadcast_in_dim3A_398 : i32 to vector<16xi32>
    %swap3A_400 = arith.constant 112 : index
    %swap3A_401 = tpu.vector_load %arg14[%swap3A_400] {strides = array<i32>} : memref<1008xi32, #tpu.memory_space<vmem>>, vector<16xi32>,
    tpu.vector_store %arg14[%swap3A_400], %broadcast_in_dim3A_399 {strides = array<i32>} : memref<1008xi32, #tpu.memory_space<vmem>>, vector<16xi32>,
    %broadcast_in_dim3A_402 = arith.constant 0 : i32
    %broadcast_in_dim3A_403 = vector.broadcast %broadcast_in_dim3A_402 : i32 to vector<16xi32>
    %swap3A_404 = arith.constant 128 : index
    %swap3A_405 = tpu.vector_load %arg14[%swap3A_404] {strides = array<i32>} : memref<1008xi32, #tpu.memory_space<vmem>>, vector<16xi32>,
    tpu.vector_store %arg14[%swap3A_404], %broadcast_in_dim3A_403 {strides = array<i32>} : memref<1008xi32, #tpu.memory_space<vmem>>, vector<16xi32>,
    %broadcast_in_dim3A_406 = arith.constant 0 : i32
    %broadcast_in_dim3A_407 = vector.broadcast %broadcast_in_dim3A_406 : i32 to vector<16xi32>
    %swap3A_408 = arith.constant 144 : index
    %swap3A_409 = tpu.vector_load %arg14[%swap3A_408] {strides = array<i32>} : memref<1008xi32, #tpu.memory_space<vmem>>, vector<16xi32>,
    tpu.vector_store %arg14[%swap3A_408], %broadcast_in_dim3A_407 {strides = array<i32>} : memref<1008xi32, #tpu.memory_space<vmem>>, vector<16xi32>,
    %broadcast_in_dim3A_410 = arith.constant 0 : i32
    %broadcast_in_dim3A_411 = vector.broadcast %broadcast_in_dim3A_410 : i32 to vector<16xi32>
    %swap3A_412 = arith.constant 160 : index
    %swap3A_413 = tpu.vector_load %arg14[%swap3A_412] {strides = array<i32>} : memref<1008xi32, #tpu.memory_space<vmem>>, vector<16xi32>,
    tpu.vector_store %arg14[%swap3A_412], %broadcast_in_dim3A_411 {strides = array<i32>} : memref<1008xi32, #tpu.memory_space<vmem>>, vector<16xi32>,
    %broadcast_in_dim3A_414 = arith.constant 0 : i32
    %broadcast_in_dim3A_415 = vector.broadcast %broadcast_in_dim3A_414 : i32 to vector<16xi32>
    %swap3A_416 = arith.constant 176 : index
    %swap3A_417 = tpu.vector_load %arg14[%swap3A_416] {strides = array<i32>} : memref<1008xi32, #tpu.memory_space<vmem>>, vector<16xi32>,
    tpu.vector_store %arg14[%swap3A_416], %broadcast_in_dim3A_415 {strides = array<i32>} : memref<1008xi32, #tpu.memory_space<vmem>>, vector<16xi32>,
    %broadcast_in_dim3A_418 = arith.constant 0 : i32
    %broadcast_in_dim3A_419 = vector.broadcast %broadcast_in_dim3A_418 : i32 to vector<16xi32>
    %swap3A_420 = arith.constant 192 : index
    %swap3A_421 = tpu.vector_load %arg14[%swap3A_420] {strides = array<i32>} : memref<1008xi32, #tpu.memory_space<vmem>>, vector<16xi32>,
    tpu.vector_store %arg14[%swap3A_420], %broadcast_in_dim3A_419 {strides = array<i32>} : memref<1008xi32, #tpu.memory_space<vmem>>, vector<16xi32>,
    %broadcast_in_dim3A_422 = arith.constant 0 : i32
    %broadcast_in_dim3A_423 = vector.broadcast %broadcast_in_dim3A_422 : i32 to vector<16xi32>
    %swap3A_424 = arith.constant 208 : index
    %swap3A_425 = tpu.vector_load %arg14[%swap3A_424] {strides = array<i32>} : memref<1008xi32, #tpu.memory_space<vmem>>, vector<16xi32>,
    tpu.vector_store %arg14[%swap3A_424], %broadcast_in_dim3A_423 {strides = array<i32>} : memref<1008xi32, #tpu.memory_space<vmem>>, vector<16xi32>,
    %broadcast_in_dim3A_426 = arith.constant 0 : i32
    %broadcast_in_dim3A_427 = vector.broadcast %broadcast_in_dim3A_426 : i32 to vector<16xi32>
    %swap3A_428 = arith.constant 224 : index
    %swap3A_429 = tpu.vector_load %arg14[%swap3A_428] {strides = array<i32>} : memref<1008xi32, #tpu.memory_space<vmem>>, vector<16xi32>,
    tpu.vector_store %arg14[%swap3A_428], %broadcast_in_dim3A_427 {strides = array<i32>} : memref<1008xi32, #tpu.memory_space<vmem>>, vector<16xi32>,
    %broadcast_in_dim3A_430 = arith.constant 0 : i32
    %broadcast_in_dim3A_431 = vector.broadcast %broadcast_in_dim3A_430 : i32 to vector<16xi32>
    %swap3A_432 = arith.constant 240 : index
    %swap3A_433 = tpu.vector_load %arg14[%swap3A_432] {strides = array<i32>} : memref<1008xi32, #tpu.memory_space<vmem>>, vector<16xi32>,
    tpu.vector_store %arg14[%swap3A_432], %broadcast_in_dim3A_431 {strides = array<i32>} : memref<1008xi32, #tpu.memory_space<vmem>>, vector<16xi32>,
    %broadcast_in_dim3A_434 = arith.constant 0 : i32
    %broadcast_in_dim3A_435 = vector.broadcast %broadcast_in_dim3A_434 : i32 to vector<16xi32>
    %swap3A_436 = arith.constant 256 : index
    %swap3A_437 = tpu.vector_load %arg14[%swap3A_436] {strides = array<i32>} : memref<1008xi32, #tpu.memory_space<vmem>>, vector<16xi32>,
    tpu.vector_store %arg14[%swap3A_436], %broadcast_in_dim3A_435 {strides = array<i32>} : memref<1008xi32, #tpu.memory_space<vmem>>, vector<16xi32>,
    %broadcast_in_dim3A_438 = arith.constant 0 : i32
    %broadcast_in_dim3A_439 = vector.broadcast %broadcast_in_dim3A_438 : i32 to vector<16xi32>
    %swap3A_440 = arith.constant 272 : index
    %swap3A_441 = tpu.vector_load %arg14[%swap3A_440] {strides = array<i32>} : memref<1008xi32, #tpu.memory_space<vmem>>, vector<16xi32>,
    tpu.vector_store %arg14[%swap3A_440], %broadcast_in_dim3A_439 {strides = array<i32>} : memref<1008xi32, #tpu.memory_space<vmem>>, vector<16xi32>,
    %broadcast_in_dim3A_442 = arith.constant 0 : i32
    %broadcast_in_dim3A_443 = vector.broadcast %broadcast_in_dim3A_442 : i32 to vector<16xi32>
    %swap3A_444 = arith.constant 288 : index
    %swap3A_445 = tpu.vector_load %arg14[%swap3A_444] {strides = array<i32>} : memref<1008xi32, #tpu.memory_space<vmem>>, vector<16xi32>,
    tpu.vector_store %arg14[%swap3A_444], %broadcast_in_dim3A_443 {strides = array<i32>} : memref<1008xi32, #tpu.memory_space<vmem>>, vector<16xi32>,
    %broadcast_in_dim3A_446 = arith.constant 0 : i32
    %broadcast_in_dim3A_447 = vector.broadcast %broadcast_in_dim3A_446 : i32 to vector<16xi32>
    %swap3A_448 = arith.constant 304 : index
    %swap3A_449 = tpu.vector_load %arg14[%swap3A_448] {strides = array<i32>} : memref<1008xi32, #tpu.memory_space<vmem>>, vector<16xi32>,
    tpu.vector_store %arg14[%swap3A_448], %broadcast_in_dim3A_447 {strides = array<i32>} : memref<1008xi32, #tpu.memory_space<vmem>>, vector<16xi32>,
    %broadcast_in_dim3A_450 = arith.constant 0 : i32
    %broadcast_in_dim3A_451 = vector.broadcast %broadcast_in_dim3A_450 : i32 to vector<16xi32>
    %swap3A_452 = arith.constant 320 : index
    %swap3A_453 = tpu.vector_load %arg14[%swap3A_452] {strides = array<i32>} : memref<1008xi32, #tpu.memory_space<vmem>>, vector<16xi32>,
    tpu.vector_store %arg14[%swap3A_452], %broadcast_in_dim3A_451 {strides = array<i32>} : memref<1008xi32, #tpu.memory_space<vmem>>, vector<16xi32>,
    %broadcast_in_dim3A_454 = arith.constant 0 : i32
    %broadcast_in_dim3A_455 = vector.broadcast %broadcast_in_dim3A_454 : i32 to vector<16xi32>
    %swap3A_456 = arith.constant 336 : index
    %swap3A_457 = tpu.vector_load %arg14[%swap3A_456] {strides = array<i32>} : memref<1008xi32, #tpu.memory_space<vmem>>, vector<16xi32>,
    tpu.vector_store %arg14[%swap3A_456], %broadcast_in_dim3A_455 {strides = array<i32>} : memref<1008xi32, #tpu.memory_space<vmem>>, vector<16xi32>,
    %broadcast_in_dim3A_458 = arith.constant 0 : i32
    %broadcast_in_dim3A_459 = vector.broadcast %broadcast_in_dim3A_458 : i32 to vector<16xi32>
    %swap3A_460 = arith.constant 352 : index
    %swap3A_461 = tpu.vector_load %arg14[%swap3A_460] {strides = array<i32>} : memref<1008xi32, #tpu.memory_space<vmem>>, vector<16xi32>,
    tpu.vector_store %arg14[%swap3A_460], %broadcast_in_dim3A_459 {strides = array<i32>} : memref<1008xi32, #tpu.memory_space<vmem>>, vector<16xi32>,
    %broadcast_in_dim3A_462 = arith.constant 0 : i32
    %broadcast_in_dim3A_463 = vector.broadcast %broadcast_in_dim3A_462 : i32 to vector<16xi32>
    %swap3A_464 = arith.constant 368 : index
    %swap3A_465 = tpu.vector_load %arg14[%swap3A_464] {strides = array<i32>} : memref<1008xi32, #tpu.memory_space<vmem>>, vector<16xi32>,
    tpu.vector_store %arg14[%swap3A_464], %broadcast_in_dim3A_463 {strides = array<i32>} : memref<1008xi32, #tpu.memory_space<vmem>>, vector<16xi32>,
    %broadcast_in_dim3A_466 = arith.constant 0 : i32
    %broadcast_in_dim3A_467 = vector.broadcast %broadcast_in_dim3A_466 : i32 to vector<16xi32>
    %swap3A_468 = arith.constant 384 : index
    %swap3A_469 = tpu.vector_load %arg14[%swap3A_468] {strides = array<i32>} : memref<1008xi32, #tpu.memory_space<vmem>>, vector<16xi32>,
    tpu.vector_store %arg14[%swap3A_468], %broadcast_in_dim3A_467 {strides = array<i32>} : memref<1008xi32, #tpu.memory_space<vmem>>, vector<16xi32>,
    %broadcast_in_dim3A_470 = arith.constant 0 : i32
    %broadcast_in_dim3A_471 = vector.broadcast %broadcast_in_dim3A_470 : i32 to vector<16xi32>
    %swap3A_472 = arith.constant 400 : index
    %swap3A_473 = tpu.vector_load %arg14[%swap3A_472] {strides = array<i32>} : memref<1008xi32, #tpu.memory_space<vmem>>, vector<16xi32>,
    tpu.vector_store %arg14[%swap3A_472], %broadcast_in_dim3A_471 {strides = array<i32>} : memref<1008xi32, #tpu.memory_space<vmem>>, vector<16xi32>,
    %broadcast_in_dim3A_474 = arith.constant 0 : i32
    %broadcast_in_dim3A_475 = vector.broadcast %broadcast_in_dim3A_474 : i32 to vector<16xi32>
    %swap3A_476 = arith.constant 416 : index
    %swap3A_477 = tpu.vector_load %arg14[%swap3A_476] {strides = array<i32>} : memref<1008xi32, #tpu.memory_space<vmem>>, vector<16xi32>,
    tpu.vector_store %arg14[%swap3A_476], %broadcast_in_dim3A_475 {strides = array<i32>} : memref<1008xi32, #tpu.memory_space<vmem>>, vector<16xi32>,
    %broadcast_in_dim3A_478 = arith.constant 0 : i32
    %broadcast_in_dim3A_479 = vector.broadcast %broadcast_in_dim3A_478 : i32 to vector<16xi32>
    %swap3A_480 = arith.constant 432 : index
    %swap3A_481 = tpu.vector_load %arg14[%swap3A_480] {strides = array<i32>} : memref<1008xi32, #tpu.memory_space<vmem>>, vector<16xi32>,
    tpu.vector_store %arg14[%swap3A_480], %broadcast_in_dim3A_479 {strides = array<i32>} : memref<1008xi32, #tpu.memory_space<vmem>>, vector<16xi32>,
    %broadcast_in_dim3A_482 = arith.constant 0 : i32
    %broadcast_in_dim3A_483 = vector.broadcast %broadcast_in_dim3A_482 : i32 to vector<16xi32>
    %swap3A_484 = arith.constant 448 : index
    %swap3A_485 = tpu.vector_load %arg14[%swap3A_484] {strides = array<i32>} : memref<1008xi32, #tpu.memory_space<vmem>>, vector<16xi32>,
    tpu.vector_store %arg14[%swap3A_484], %broadcast_in_dim3A_483 {strides = array<i32>} : memref<1008xi32, #tpu.memory_space<vmem>>, vector<16xi32>,
    %broadcast_in_dim3A_486 = arith.constant 0 : i32
    %broadcast_in_dim3A_487 = vector.broadcast %broadcast_in_dim3A_486 : i32 to vector<16xi32>
    %swap3A_488 = arith.constant 464 : index
    %swap3A_489 = tpu.vector_load %arg14[%swap3A_488] {strides = array<i32>} : memref<1008xi32, #tpu.memory_space<vmem>>, vector<16xi32>,
    tpu.vector_store %arg14[%swap3A_488], %broadcast_in_dim3A_487 {strides = array<i32>} : memref<1008xi32, #tpu.memory_space<vmem>>, vector<16xi32>,
    %broadcast_in_dim3A_490 = arith.constant 0 : i32
    %broadcast_in_dim3A_491 = vector.broadcast %broadcast_in_dim3A_490 : i32 to vector<16xi32>
    %swap3A_492 = arith.constant 480 : index
    %swap3A_493 = tpu.vector_load %arg14[%swap3A_492] {strides = array<i32>} : memref<1008xi32, #tpu.memory_space<vmem>>, vector<16xi32>,
    tpu.vector_store %arg14[%swap3A_492], %broadcast_in_dim3A_491 {strides = array<i32>} : memref<1008xi32, #tpu.memory_space<vmem>>, vector<16xi32>,
    %broadcast_in_dim3A_494 = arith.constant 0 : i32
    %broadcast_in_dim3A_495 = vector.broadcast %broadcast_in_dim3A_494 : i32 to vector<16xi32>
    %swap3A_496 = arith.constant 496 : index
    %swap3A_497 = tpu.vector_load %arg14[%swap3A_496] {strides = array<i32>} : memref<1008xi32, #tpu.memory_space<vmem>>, vector<16xi32>,
    tpu.vector_store %arg14[%swap3A_496], %broadcast_in_dim3A_495 {strides = array<i32>} : memref<1008xi32, #tpu.memory_space<vmem>>, vector<16xi32>,
    %broadcast_in_dim3A_498 = arith.constant 0 : i32
    %broadcast_in_dim3A_499 = vector.broadcast %broadcast_in_dim3A_498 : i32 to vector<16xi32>
    %swap3A_500 = arith.constant 512 : index
    %swap3A_501 = tpu.vector_load %arg14[%swap3A_500] {strides = array<i32>} : memref<1008xi32, #tpu.memory_space<vmem>>, vector<16xi32>,
    tpu.vector_store %arg14[%swap3A_500], %broadcast_in_dim3A_499 {strides = array<i32>} : memref<1008xi32, #tpu.memory_space<vmem>>, vector<16xi32>,
    %broadcast_in_dim3A_502 = arith.constant 0 : i32
    %broadcast_in_dim3A_503 = vector.broadcast %broadcast_in_dim3A_502 : i32 to vector<16xi32>
    %swap3A_504 = arith.constant 528 : index
    %swap3A_505 = tpu.vector_load %arg14[%swap3A_504] {strides = array<i32>} : memref<1008xi32, #tpu.memory_space<vmem>>, vector<16xi32>,
    tpu.vector_store %arg14[%swap3A_504], %broadcast_in_dim3A_503 {strides = array<i32>} : memref<1008xi32, #tpu.memory_space<vmem>>, vector<16xi32>,
    %broadcast_in_dim3A_506 = arith.constant 0 : i32
    %broadcast_in_dim3A_507 = vector.broadcast %broadcast_in_dim3A_506 : i32 to vector<16xi32>
    %swap3A_508 = arith.constant 544 : index
    %swap3A_509 = tpu.vector_load %arg14[%swap3A_508] {strides = array<i32>} : memref<1008xi32, #tpu.memory_space<vmem>>, vector<16xi32>,
    tpu.vector_store %arg14[%swap3A_508], %broadcast_in_dim3A_507 {strides = array<i32>} : memref<1008xi32, #tpu.memory_space<vmem>>, vector<16xi32>,
    %broadcast_in_dim3A_510 = arith.constant 0 : i32
    %broadcast_in_dim3A_511 = vector.broadcast %broadcast_in_dim3A_510 : i32 to vector<16xi32>
    %swap3A_512 = arith.constant 560 : index
    %swap3A_513 = tpu.vector_load %arg14[%swap3A_512] {strides = array<i32>} : memref<1008xi32, #tpu.memory_space<vmem>>, vector<16xi32>,
    tpu.vector_store %arg14[%swap3A_512], %broadcast_in_dim3A_511 {strides = array<i32>} : memref<1008xi32, #tpu.memory_space<vmem>>, vector<16xi32>,
    %broadcast_in_dim3A_514 = arith.constant 0 : i32
    %broadcast_in_dim3A_515 = vector.broadcast %broadcast_in_dim3A_514 : i32 to vector<16xi32>
    %swap3A_516 = arith.constant 576 : index
    %swap3A_517 = tpu.vector_load %arg14[%swap3A_516] {strides = array<i32>} : memref<1008xi32, #tpu.memory_space<vmem>>, vector<16xi32>,
    tpu.vector_store %arg14[%swap3A_516], %broadcast_in_dim3A_515 {strides = array<i32>} : memref<1008xi32, #tpu.memory_space<vmem>>, vector<16xi32>,
    %broadcast_in_dim3A_518 = arith.constant 0 : i32
    %broadcast_in_dim3A_519 = vector.broadcast %broadcast_in_dim3A_518 : i32 to vector<16xi32>
    %swap3A_520 = arith.constant 592 : index
    %swap3A_521 = tpu.vector_load %arg14[%swap3A_520] {strides = array<i32>} : memref<1008xi32, #tpu.memory_space<vmem>>, vector<16xi32>,
    tpu.vector_store %arg14[%swap3A_520], %broadcast_in_dim3A_519 {strides = array<i32>} : memref<1008xi32, #tpu.memory_space<vmem>>, vector<16xi32>,
    %broadcast_in_dim3A_522 = arith.constant 0 : i32
    %broadcast_in_dim3A_523 = vector.broadcast %broadcast_in_dim3A_522 : i32 to vector<16xi32>
    %swap3A_524 = arith.constant 608 : index
    %swap3A_525 = tpu.vector_load %arg14[%swap3A_524] {strides = array<i32>} : memref<1008xi32, #tpu.memory_space<vmem>>, vector<16xi32>,
    tpu.vector_store %arg14[%swap3A_524], %broadcast_in_dim3A_523 {strides = array<i32>} : memref<1008xi32, #tpu.memory_space<vmem>>, vector<16xi32>,
    %broadcast_in_dim3A_526 = arith.constant 0 : i32
    %broadcast_in_dim3A_527 = vector.broadcast %broadcast_in_dim3A_526 : i32 to vector<16xi32>
    %swap3A_528 = arith.constant 624 : index
    %swap3A_529 = tpu.vector_load %arg14[%swap3A_528] {strides = array<i32>} : memref<1008xi32, #tpu.memory_space<vmem>>, vector<16xi32>,
    tpu.vector_store %arg14[%swap3A_528], %broadcast_in_dim3A_527 {strides = array<i32>} : memref<1008xi32, #tpu.memory_space<vmem>>, vector<16xi32>,
    %broadcast_in_dim3A_530 = arith.constant 0 : i32
    %broadcast_in_dim3A_531 = vector.broadcast %broadcast_in_dim3A_530 : i32 to vector<16xi32>
    %swap3A_532 = arith.constant 640 : index
    %swap3A_533 = tpu.vector_load %arg14[%swap3A_532] {strides = array<i32>} : memref<1008xi32, #tpu.memory_space<vmem>>, vector<16xi32>,
    tpu.vector_store %arg14[%swap3A_532], %broadcast_in_dim3A_531 {strides = array<i32>} : memref<1008xi32, #tpu.memory_space<vmem>>, vector<16xi32>,
    %broadcast_in_dim3A_534 = arith.constant 0 : i32
    %broadcast_in_dim3A_535 = vector.broadcast %broadcast_in_dim3A_534 : i32 to vector<16xi32>
    %swap3A_536 = arith.constant 656 : index
    %swap3A_537 = tpu.vector_load %arg14[%swap3A_536] {strides = array<i32>} : memref<1008xi32, #tpu.memory_space<vmem>>, vector<16xi32>,
    tpu.vector_store %arg14[%swap3A_536], %broadcast_in_dim3A_535 {strides = array<i32>} : memref<1008xi32, #tpu.memory_space<vmem>>, vector<16xi32>,
    %broadcast_in_dim3A_538 = arith.constant 0 : i32
    %broadcast_in_dim3A_539 = vector.broadcast %broadcast_in_dim3A_538 : i32 to vector<16xi32>
    %swap3A_540 = arith.constant 672 : index
    %swap3A_541 = tpu.vector_load %arg14[%swap3A_540] {strides = array<i32>} : memref<1008xi32, #tpu.memory_space<vmem>>, vector<16xi32>,
    tpu.vector_store %arg14[%swap3A_540], %broadcast_in_dim3A_539 {strides = array<i32>} : memref<1008xi32, #tpu.memory_space<vmem>>, vector<16xi32>,
    %broadcast_in_dim3A_542 = arith.constant 0 : i32
    %broadcast_in_dim3A_543 = vector.broadcast %broadcast_in_dim3A_542 : i32 to vector<16xi32>
    %swap3A_544 = arith.constant 688 : index
    %swap3A_545 = tpu.vector_load %arg14[%swap3A_544] {strides = array<i32>} : memref<1008xi32, #tpu.memory_space<vmem>>, vector<16xi32>,
    tpu.vector_store %arg14[%swap3A_544], %broadcast_in_dim3A_543 {strides = array<i32>} : memref<1008xi32, #tpu.memory_space<vmem>>, vector<16xi32>,
    %broadcast_in_dim3A_546 = arith.constant 0 : i32
    %broadcast_in_dim3A_547 = vector.broadcast %broadcast_in_dim3A_546 : i32 to vector<16xi32>
    %swap3A_548 = arith.constant 704 : index
    %swap3A_549 = tpu.vector_load %arg14[%swap3A_548] {strides = array<i32>} : memref<1008xi32, #tpu.memory_space<vmem>>, vector<16xi32>,
    tpu.vector_store %arg14[%swap3A_548], %broadcast_in_dim3A_547 {strides = array<i32>} : memref<1008xi32, #tpu.memory_space<vmem>>, vector<16xi32>,
    %broadcast_in_dim3A_550 = arith.constant 0 : i32
    %broadcast_in_dim3A_551 = vector.broadcast %broadcast_in_dim3A_550 : i32 to vector<16xi32>
    %swap3A_552 = arith.constant 720 : index
    %swap3A_553 = tpu.vector_load %arg14[%swap3A_552] {strides = array<i32>} : memref<1008xi32, #tpu.memory_space<vmem>>, vector<16xi32>,
    tpu.vector_store %arg14[%swap3A_552], %broadcast_in_dim3A_551 {strides = array<i32>} : memref<1008xi32, #tpu.memory_space<vmem>>, vector<16xi32>,
    %broadcast_in_dim3A_554 = arith.constant 0 : i32
    %broadcast_in_dim3A_555 = vector.broadcast %broadcast_in_dim3A_554 : i32 to vector<16xi32>
    %swap3A_556 = arith.constant 736 : index
    %swap3A_557 = tpu.vector_load %arg14[%swap3A_556] {strides = array<i32>} : memref<1008xi32, #tpu.memory_space<vmem>>, vector<16xi32>,
    tpu.vector_store %arg14[%swap3A_556], %broadcast_in_dim3A_555 {strides = array<i32>} : memref<1008xi32, #tpu.memory_space<vmem>>, vector<16xi32>,
    %broadcast_in_dim3A_558 = arith.constant 0 : i32
    %broadcast_in_dim3A_559 = vector.broadcast %broadcast_in_dim3A_558 : i32 to vector<16xi32>
    %swap3A_560 = arith.constant 752 : index
    %swap3A_561 = tpu.vector_load %arg14[%swap3A_560] {strides = array<i32>} : memref<1008xi32, #tpu.memory_space<vmem>>, vector<16xi32>,
    tpu.vector_store %arg14[%swap3A_560], %broadcast_in_dim3A_559 {strides = array<i32>} : memref<1008xi32, #tpu.memory_space<vmem>>, vector<16xi32>,
    %broadcast_in_dim3A_562 = arith.constant 0 : i32
    %broadcast_in_dim3A_563 = vector.broadcast %broadcast_in_dim3A_562 : i32 to vector<16xi32>
    %swap3A_564 = arith.constant 768 : index
    %swap3A_565 = tpu.vector_load %arg14[%swap3A_564] {strides = array<i32>} : memref<1008xi32, #tpu.memory_space<vmem>>, vector<16xi32>,
    tpu.vector_store %arg14[%swap3A_564], %broadcast_in_dim3A_563 {strides = array<i32>} : memref<1008xi32, #tpu.memory_space<vmem>>, vector<16xi32>,
    %broadcast_in_dim3A_566 = arith.constant 0 : i32
    %broadcast_in_dim3A_567 = vector.broadcast %broadcast_in_dim3A_566 : i32 to vector<16xi32>
    %swap3A_568 = arith.constant 784 : index
    %swap3A_569 = tpu.vector_load %arg14[%swap3A_568] {strides = array<i32>} : memref<1008xi32, #tpu.memory_space<vmem>>, vector<16xi32>,
    tpu.vector_store %arg14[%swap3A_568], %broadcast_in_dim3A_567 {strides = array<i32>} : memref<1008xi32, #tpu.memory_space<vmem>>, vector<16xi32>,
    %broadcast_in_dim3A_570 = arith.constant 0 : i32
    %broadcast_in_dim3A_571 = vector.broadcast %broadcast_in_dim3A_570 : i32 to vector<16xi32>
    %swap3A_572 = arith.constant 800 : index
    %swap3A_573 = tpu.vector_load %arg14[%swap3A_572] {strides = array<i32>} : memref<1008xi32, #tpu.memory_space<vmem>>, vector<16xi32>,
    tpu.vector_store %arg14[%swap3A_572], %broadcast_in_dim3A_571 {strides = array<i32>} : memref<1008xi32, #tpu.memory_space<vmem>>, vector<16xi32>,
    %broadcast_in_dim3A_574 = arith.constant 0 : i32
    %broadcast_in_dim3A_575 = vector.broadcast %broadcast_in_dim3A_574 : i32 to vector<16xi32>
    %swap3A_576 = arith.constant 816 : index
    %swap3A_577 = tpu.vector_load %arg14[%swap3A_576] {strides = array<i32>} : memref<1008xi32, #tpu.memory_space<vmem>>, vector<16xi32>,
    tpu.vector_store %arg14[%swap3A_576], %broadcast_in_dim3A_575 {strides = array<i32>} : memref<1008xi32, #tpu.memory_space<vmem>>, vector<16xi32>,
    %broadcast_in_dim3A_578 = arith.constant 0 : i32
    %broadcast_in_dim3A_579 = vector.broadcast %broadcast_in_dim3A_578 : i32 to vector<16xi32>
    %swap3A_580 = arith.constant 832 : index
    %swap3A_581 = tpu.vector_load %arg14[%swap3A_580] {strides = array<i32>} : memref<1008xi32, #tpu.memory_space<vmem>>, vector<16xi32>,
    tpu.vector_store %arg14[%swap3A_580], %broadcast_in_dim3A_579 {strides = array<i32>} : memref<1008xi32, #tpu.memory_space<vmem>>, vector<16xi32>,
    %broadcast_in_dim3A_582 = arith.constant 0 : i32
    %broadcast_in_dim3A_583 = vector.broadcast %broadcast_in_dim3A_582 : i32 to vector<16xi32>
    %swap3A_584 = arith.constant 848 : index
    %swap3A_585 = tpu.vector_load %arg14[%swap3A_584] {strides = array<i32>} : memref<1008xi32, #tpu.memory_space<vmem>>, vector<16xi32>,
    tpu.vector_store %arg14[%swap3A_584], %broadcast_in_dim3A_583 {strides = array<i32>} : memref<1008xi32, #tpu.memory_space<vmem>>, vector<16xi32>,
    %broadcast_in_dim3A_586 = arith.constant 0 : i32
    %broadcast_in_dim3A_587 = vector.broadcast %broadcast_in_dim3A_586 : i32 to vector<16xi32>
    %swap3A_588 = arith.constant 864 : index
    %swap3A_589 = tpu.vector_load %arg14[%swap3A_588] {strides = array<i32>} : memref<1008xi32, #tpu.memory_space<vmem>>, vector<16xi32>,
    tpu.vector_store %arg14[%swap3A_588], %broadcast_in_dim3A_587 {strides = array<i32>} : memref<1008xi32, #tpu.memory_space<vmem>>, vector<16xi32>,
    %broadcast_in_dim3A_590 = arith.constant 0 : i32
    %broadcast_in_dim3A_591 = vector.broadcast %broadcast_in_dim3A_590 : i32 to vector<16xi32>
    %swap3A_592 = arith.constant 880 : index
    %swap3A_593 = tpu.vector_load %arg14[%swap3A_592] {strides = array<i32>} : memref<1008xi32, #tpu.memory_space<vmem>>, vector<16xi32>,
    tpu.vector_store %arg14[%swap3A_592], %broadcast_in_dim3A_591 {strides = array<i32>} : memref<1008xi32, #tpu.memory_space<vmem>>, vector<16xi32>,
    %broadcast_in_dim3A_594 = arith.constant 0 : i32
    %broadcast_in_dim3A_595 = vector.broadcast %broadcast_in_dim3A_594 : i32 to vector<16xi32>
    %swap3A_596 = arith.constant 896 : index
    %swap3A_597 = tpu.vector_load %arg14[%swap3A_596] {strides = array<i32>} : memref<1008xi32, #tpu.memory_space<vmem>>, vector<16xi32>,
    tpu.vector_store %arg14[%swap3A_596], %broadcast_in_dim3A_595 {strides = array<i32>} : memref<1008xi32, #tpu.memory_space<vmem>>, vector<16xi32>,
    %broadcast_in_dim3A_598 = arith.constant 0 : i32
    %broadcast_in_dim3A_599 = vector.broadcast %broadcast_in_dim3A_598 : i32 to vector<16xi32>
    %swap3A_600 = arith.constant 912 : index
    %swap3A_601 = tpu.vector_load %arg14[%swap3A_600] {strides = array<i32>} : memref<1008xi32, #tpu.memory_space<vmem>>, vector<16xi32>,
    tpu.vector_store %arg14[%swap3A_600], %broadcast_in_dim3A_599 {strides = array<i32>} : memref<1008xi32, #tpu.memory_space<vmem>>, vector<16xi32>,
    %broadcast_in_dim3A_602 = arith.constant 0 : i32
    %broadcast_in_dim3A_603 = vector.broadcast %broadcast_in_dim3A_602 : i32 to vector<16xi32>
    %swap3A_604 = arith.constant 928 : index
    %swap3A_605 = tpu.vector_load %arg14[%swap3A_604] {strides = array<i32>} : memref<1008xi32, #tpu.memory_space<vmem>>, vector<16xi32>,
    tpu.vector_store %arg14[%swap3A_604], %broadcast_in_dim3A_603 {strides = array<i32>} : memref<1008xi32, #tpu.memory_space<vmem>>, vector<16xi32>,
    %broadcast_in_dim3A_606 = arith.constant 0 : i32
    %broadcast_in_dim3A_607 = vector.broadcast %broadcast_in_dim3A_606 : i32 to vector<16xi32>
    %swap3A_608 = arith.constant 944 : index
    %swap3A_609 = tpu.vector_load %arg14[%swap3A_608] {strides = array<i32>} : memref<1008xi32, #tpu.memory_space<vmem>>, vector<16xi32>,
    tpu.vector_store %arg14[%swap3A_608], %broadcast_in_dim3A_607 {strides = array<i32>} : memref<1008xi32, #tpu.memory_space<vmem>>, vector<16xi32>,
    %broadcast_in_dim3A_610 = arith.constant 0 : i32
    %broadcast_in_dim3A_611 = vector.broadcast %broadcast_in_dim3A_610 : i32 to vector<16xi32>
    %swap3A_612 = arith.constant 960 : index
    %swap3A_613 = tpu.vector_load %arg14[%swap3A_612] {strides = array<i32>} : memref<1008xi32, #tpu.memory_space<vmem>>, vector<16xi32>,
    tpu.vector_store %arg14[%swap3A_612], %broadcast_in_dim3A_611 {strides = array<i32>} : memref<1008xi32, #tpu.memory_space<vmem>>, vector<16xi32>,
    %broadcast_in_dim3A_614 = arith.constant 0 : i32
    %broadcast_in_dim3A_615 = vector.broadcast %broadcast_in_dim3A_614 : i32 to vector<16xi32>
    %swap3A_616 = arith.constant 976 : index
    %swap3A_617 = tpu.vector_load %arg14[%swap3A_616] {strides = array<i32>} : memref<1008xi32, #tpu.memory_space<vmem>>, vector<16xi32>,
    tpu.vector_store %arg14[%swap3A_616], %broadcast_in_dim3A_615 {strides = array<i32>} : memref<1008xi32, #tpu.memory_space<vmem>>, vector<16xi32>,
    %broadcast_in_dim3A_618 = arith.constant 0 : i32
    %broadcast_in_dim3A_619 = vector.broadcast %broadcast_in_dim3A_618 : i32 to vector<16xi32>
    %swap3A_620 = arith.constant 992 : index
    %swap3A_621 = tpu.vector_load %arg14[%swap3A_620] {strides = array<i32>} : memref<1008xi32, #tpu.memory_space<vmem>>, vector<16xi32>,
    tpu.vector_store %arg14[%swap3A_620], %broadcast_in_dim3A_619 {strides = array<i32>} : memref<1008xi32, #tpu.memory_space<vmem>>, vector<16xi32>,
    %scan3A_622 = arith.constant 0 : i32
    %scan3A_623 = arith.constant 0 : i32
    %scan3A_624 = arith.constant 1024 : i32
    %scan3A_625 = arith.addi %scan3A_623, %scan3A_624 : i32
    %scan3A_626 = arith.constant 1 : i32
    scf.for %scan3A_761 = %scan3A_623 to %scan3A_625 step %scan3A_626  : i32 {
      %mul3A_762 = arith.constant 16 : i32
      %mul3A_763 = arith.muli %scan3A_761, %mul3A_762 : i32
      %jit3A = arith.constant 64 : i32
      %div3A = arith.divsi %mul3A_763, %jit3A : i32
      %sign3A = arith.constant 0 : i32
      %sign3A_764 = arith.cmpi sgt, %mul3A_763, %sign3A : i32
      %sign3A_765 = arith.extui %sign3A_764 : i1 to i32
      %sign3A_766 = arith.constant 0 : i32
      %sign3A_767 = arith.cmpi slt, %mul3A_763, %sign3A_766 : i32
      %sign3A_768 = arith.extui %sign3A_767 : i1 to i32
      %sign3A_769 = arith.subi %sign3A_765, %sign3A_768 : i32
      %sign3A_770 = arith.constant 0 : i32
      %sign3A_771 = arith.cmpi sgt, %jit3A, %sign3A_770 : i32
      %sign3A_772 = arith.extui %sign3A_771 : i1 to i32
      %sign3A_773 = arith.constant 0 : i32
      %sign3A_774 = arith.cmpi slt, %jit3A, %sign3A_773 : i32
      %sign3A_775 = arith.extui %sign3A_774 : i1 to i32
      %sign3A_776 = arith.subi %sign3A_772, %sign3A_775 : i32
      %ne3A = arith.cmpi ne, %sign3A_769, %sign3A_776 : i32
      %rem3A = arith.remsi %mul3A_763, %jit3A : i32
      %ne3A_777 = arith.constant 0 : i32
      %ne3A_778 = arith.cmpi ne, %rem3A, %ne3A_777 : i32
      %and3A = arith.andi %ne3A, %ne3A_778 : i1
      %sub3A_779 = arith.constant 1 : i32
      %sub3A_780 = arith.subi %div3A, %sub3A_779 : i32
      %select_n3A = arith.select %and3A, %sub3A_780, %div3A : i32
      %broadcast_in_dim3A_781 = vector.broadcast %select_n3A : i32 to vector<16xi32>
      %gather3A_782 = tpu.vector_load_idx %arg11[%broadcast_in_dim3A_781] : memref<272xi32, #tpu.memory_space<vmem>>[vector<16xi32>], vector<16xi32>,
      %min3A_783 = arith.constant 64 : i32
      %min3A_784 = vector.broadcast %min3A_783 : i32 to vector<16xi32>
      %min3A_785 = arith.minsi %gather3A_782, %min3A_784 : vector<16xi32>
      %get3A = arith.index_cast %mul3A_763 : i32 to index
      %get3A_786 = tpu.vector_load %arg9[%get3A] {strides = array<i32>} : memref<16400xi32, #tpu.memory_space<vmem>>, vector<16xi32>,
      %jit3A_787 = arith.constant 64 : i32
      %eq3A = arith.constant 0 : i32
      %eq3A_788 = arith.cmpi eq, %jit3A_787, %eq3A : i32
      %jit3A_789 = arith.constant 1 : i32
      %select_n3A_790 = arith.select %eq3A_788, %jit3A_789, %jit3A_787 : i32
      %rem3A_791 = arith.remsi %mul3A_763, %select_n3A_790 : i32
      %ne3A_792 = arith.constant 0 : i32
      %ne3A_793 = arith.cmpi ne, %rem3A_791, %ne3A_792 : i32
      %lt3A = arith.constant 0 : i32
      %lt3A_794 = arith.cmpi slt, %rem3A_791, %lt3A : i32
      %lt3A_795 = arith.constant 0 : i32
      %lt3A_796 = arith.cmpi slt, %select_n3A_790, %lt3A_795 : i32
      %ne3A_797 = arith.xori %lt3A_794, %lt3A_796 : i1
      %and3A_798 = arith.andi %ne3A_797, %ne3A_793 : i1
      %add3A_799 = arith.addi %rem3A_791, %select_n3A_790 : i32
      %select_n3A_800 = arith.select %and3A_798, %add3A_799, %rem3A_791 : i32
      %add3A_801 = vector.broadcast %select_n3A_800 : i32 to vector<16xi32>
      %add3A_802 = arith.addi %add3A_801, %iota3A : vector<16xi32>
      %lt3A_803 = arith.cmpi slt, %add3A_802, %min3A_785 : vector<16xi32>
      %shift_right_arithmetic3A_804 = arith.constant 14 : i32
      %shift_right_arithmetic3A_805 = vector.broadcast %shift_right_arithmetic3A_804 : i32 to vector<16xi32>
      %shift_right_arithmetic3A_806 = arith.shrsi %get3A_786, %shift_right_arithmetic3A_805 : vector<16xi32>
      %jit3A_807 = arith.constant 0 : i32
      %jit3A_808 = arith.constant 61 : i32
      %max3A_809 = vector.broadcast %jit3A_807 : i32 to vector<16xi32>
      %max3A_810 = arith.maxsi %max3A_809, %shift_right_arithmetic3A_806 : vector<16xi32>
      %min3A_811 = vector.broadcast %jit3A_808 : i32 to vector<16xi32>
      %min3A_812 = arith.minsi %min3A_811, %max3A_810 : vector<16xi32>
      %mul3A_813 = arith.constant 16 : i32
      %mul3A_814 = vector.broadcast %mul3A_813 : i32 to vector<16xi32>
      %mul3A_815 = arith.muli %min3A_812, %mul3A_814 : vector<16xi32>
      %add3A_816 = arith.addi %mul3A_815, %iota3A : vector<16xi32>
      %jit3A_817 = arith.constant 1 : i32
      %jit3A_818 = arith.constant 0 : i32
      %broadcast_in_dim3A_819 = vector.broadcast %jit3A_817 : i32 to vector<16xi32>
      %broadcast_in_dim3A_820 = vector.broadcast %jit3A_818 : i32 to vector<16xi32>
      %select_n3A_821 = arith.select %lt3A_803, %broadcast_in_dim3A_819, %broadcast_in_dim3A_820 : vector<16xi1>, vector<16xi32>
      tpu.vector_store_idx %arg14[%add3A_816], %select_n3A_821 {add = true} : memref<1008xi32, #tpu.memory_space<vmem>>[vector<16xi32>], vector<16xi32>,
    }
    %scan3A_627 = arith.constant 1024 : i32
    %scan3A_628 = arith.constant 0 : i32
    %scan3A_629 = arith.constant 0 : i32
    %scan3A_630 = arith.constant 62 : i32
    %scan3A_631 = arith.addi %scan3A_629, %scan3A_630 : i32
    %scan3A_632 = arith.constant 1 : i32
    %scan3A_633 = scf.for %scan3A_761 = %scan3A_629 to %scan3A_631 step %scan3A_632 iter_args(%scan3A_762 = %scan3A_628) -> (i32)  : i32 {
      %mul3A_763 = arith.constant 16 : i32
      %mul3A_764 = arith.muli %scan3A_761, %mul3A_763 : i32
      %get3A = arith.index_cast %mul3A_764 : i32 to index
      %get3A_765 = tpu.vector_load %arg14[%get3A] {strides = array<i32>} : memref<1008xi32, #tpu.memory_space<vmem>>, vector<16xi32>,
      %broadcast_in_dim3A_766 = arith.constant true
      %broadcast_in_dim3A_767 = vector.broadcast %broadcast_in_dim3A_766 : i1 to vector<16xi1>
      %masked_cumsum3A = tpu.scan <sum>, %get3A_765 masked %broadcast_in_dim3A_767 : vector<16xi32>, vector<16xi1> -> vector<16xi32>
      %sub3A_768 = arith.subi %masked_cumsum3A, %get3A_765 : vector<16xi32>
      %add3A_769 = vector.broadcast %scan3A_762 : i32 to vector<16xi32>
      %add3A_770 = arith.addi %sub3A_768, %add3A_769 : vector<16xi32>
      %mul3A_771 = arith.constant 16 : i32
      %mul3A_772 = arith.muli %scan3A_761, %mul3A_771 : i32
      %swap3A_773 = arith.index_cast %mul3A_772 : i32 to index
      %swap3A_774 = tpu.vector_load %arg15[%swap3A_773] {strides = array<i32>} : memref<1024xi32, #tpu.memory_space<vmem>>, vector<16xi32>,
      tpu.vector_store %arg15[%swap3A_773], %add3A_770 {strides = array<i32>} : memref<1024xi32, #tpu.memory_space<vmem>>, vector<16xi32>,
      %mul3A_775 = arith.constant 16 : i32
      %mul3A_776 = arith.muli %scan3A_761, %mul3A_775 : i32
      %swap3A_777 = arith.index_cast %mul3A_776 : i32 to index
      %swap3A_778 = tpu.vector_load %arg14[%swap3A_777] {strides = array<i32>} : memref<1008xi32, #tpu.memory_space<vmem>>, vector<16xi32>,
      tpu.vector_store %arg14[%swap3A_777], %add3A_770 {strides = array<i32>} : memref<1008xi32, #tpu.memory_space<vmem>>, vector<16xi32>,
      %reduce_max3A_779 = arith.constant true
      %reduce_max3A_780 = vector.broadcast %reduce_max3A_779 : i1 to vector<16xi1>
      %reduce_max3A_781 = arith.constant -2147483648 : i32
      %reduce_max3A_782 = vector.broadcast %reduce_max3A_781 : i32 to vector<16xi32>
      %reduce_max3A_783 = arith.xori %masked_cumsum3A, %reduce_max3A_782 : vector<16xi32>
      %reduce_max3A_784 = tpu.scan <max>, %reduce_max3A_783 masked %reduce_max3A_780 : vector<16xi32>, vector<16xi1> -> vector<16xi32>
      %reduce_max3A_785 = arith.xori %reduce_max3A_784, %reduce_max3A_782 : vector<16xi32>
      %reduce_max3A_786 = vector.extract %reduce_max3A_785[15] : i32 from vector<16xi32>
      %add3A_787 = arith.addi %scan3A_762, %reduce_max3A_786 : i32
      scf.yield %add3A_787 : i32
    }
    %scan3A_634 = arith.constant 62 : i32
    %broadcast_in_dim3A_635 = vector.broadcast %scan3A_633 : i32 to vector<16xi32>
    %swap3A_636 = arith.constant 992 : index
    %swap3A_637 = tpu.vector_load %arg15[%swap3A_636] {strides = array<i32>} : memref<1024xi32, #tpu.memory_space<vmem>>, vector<16xi32>,
    tpu.vector_store %arg15[%swap3A_636], %broadcast_in_dim3A_635 {strides = array<i32>} : memref<1024xi32, #tpu.memory_space<vmem>>, vector<16xi32>,
    %scan3A_638 = arith.constant 0 : i32
    %scan3A_639 = arith.constant 0 : i32
    %scan3A_640 = arith.constant 1024 : i32
    %scan3A_641 = arith.addi %scan3A_639, %scan3A_640 : i32
    %scan3A_642 = arith.constant 1 : i32
    scf.for %scan3A_761 = %scan3A_639 to %scan3A_641 step %scan3A_642  : i32 {
      %mul3A_762 = arith.constant 16 : i32
      %mul3A_763 = arith.muli %scan3A_761, %mul3A_762 : i32
      %jit3A = arith.constant 64 : i32
      %div3A = arith.divsi %mul3A_763, %jit3A : i32
      %sign3A = arith.constant 0 : i32
      %sign3A_764 = arith.cmpi sgt, %mul3A_763, %sign3A : i32
      %sign3A_765 = arith.extui %sign3A_764 : i1 to i32
      %sign3A_766 = arith.constant 0 : i32
      %sign3A_767 = arith.cmpi slt, %mul3A_763, %sign3A_766 : i32
      %sign3A_768 = arith.extui %sign3A_767 : i1 to i32
      %sign3A_769 = arith.subi %sign3A_765, %sign3A_768 : i32
      %sign3A_770 = arith.constant 0 : i32
      %sign3A_771 = arith.cmpi sgt, %jit3A, %sign3A_770 : i32
      %sign3A_772 = arith.extui %sign3A_771 : i1 to i32
      %sign3A_773 = arith.constant 0 : i32
      %sign3A_774 = arith.cmpi slt, %jit3A, %sign3A_773 : i32
      %sign3A_775 = arith.extui %sign3A_774 : i1 to i32
      %sign3A_776 = arith.subi %sign3A_772, %sign3A_775 : i32
      %ne3A = arith.cmpi ne, %sign3A_769, %sign3A_776 : i32
      %rem3A = arith.remsi %mul3A_763, %jit3A : i32
      %ne3A_777 = arith.constant 0 : i32
      %ne3A_778 = arith.cmpi ne, %rem3A, %ne3A_777 : i32
      %and3A = arith.andi %ne3A, %ne3A_778 : i1
      %sub3A_779 = arith.constant 1 : i32
      %sub3A_780 = arith.subi %div3A, %sub3A_779 : i32
      %select_n3A = arith.select %and3A, %sub3A_780, %div3A : i32
      %broadcast_in_dim3A_781 = vector.broadcast %select_n3A : i32 to vector<16xi32>
      %gather3A_782 = tpu.vector_load_idx %arg11[%broadcast_in_dim3A_781] : memref<272xi32, #tpu.memory_space<vmem>>[vector<16xi32>], vector<16xi32>,
      %min3A_783 = arith.constant 64 : i32
      %min3A_784 = vector.broadcast %min3A_783 : i32 to vector<16xi32>
      %min3A_785 = arith.minsi %gather3A_782, %min3A_784 : vector<16xi32>
      %get3A = arith.index_cast %mul3A_763 : i32 to index
      %get3A_786 = tpu.vector_load %arg9[%get3A] {strides = array<i32>} : memref<16400xi32, #tpu.memory_space<vmem>>, vector<16xi32>,
      %jit3A_787 = arith.constant 64 : i32
      %eq3A = arith.constant 0 : i32
      %eq3A_788 = arith.cmpi eq, %jit3A_787, %eq3A : i32
      %jit3A_789 = arith.constant 1 : i32
      %select_n3A_790 = arith.select %eq3A_788, %jit3A_789, %jit3A_787 : i32
      %rem3A_791 = arith.remsi %mul3A_763, %select_n3A_790 : i32
      %ne3A_792 = arith.constant 0 : i32
      %ne3A_793 = arith.cmpi ne, %rem3A_791, %ne3A_792 : i32
      %lt3A = arith.constant 0 : i32
      %lt3A_794 = arith.cmpi slt, %rem3A_791, %lt3A : i32
      %lt3A_795 = arith.constant 0 : i32
      %lt3A_796 = arith.cmpi slt, %select_n3A_790, %lt3A_795 : i32
      %ne3A_797 = arith.xori %lt3A_794, %lt3A_796 : i1
      %and3A_798 = arith.andi %ne3A_797, %ne3A_793 : i1
      %add3A_799 = arith.addi %rem3A_791, %select_n3A_790 : i32
      %select_n3A_800 = arith.select %and3A_798, %add3A_799, %rem3A_791 : i32
      %add3A_801 = vector.broadcast %select_n3A_800 : i32 to vector<16xi32>
      %add3A_802 = arith.addi %add3A_801, %iota3A : vector<16xi32>
      %lt3A_803 = arith.cmpi slt, %add3A_802, %min3A_785 : vector<16xi32>
      %shift_right_arithmetic3A_804 = arith.constant 14 : i32
      %shift_right_arithmetic3A_805 = vector.broadcast %shift_right_arithmetic3A_804 : i32 to vector<16xi32>
      %shift_right_arithmetic3A_806 = arith.shrsi %get3A_786, %shift_right_arithmetic3A_805 : vector<16xi32>
      %jit3A_807 = arith.constant 0 : i32
      %jit3A_808 = arith.constant 61 : i32
      %max3A_809 = vector.broadcast %jit3A_807 : i32 to vector<16xi32>
      %max3A_810 = arith.maxsi %max3A_809, %shift_right_arithmetic3A_806 : vector<16xi32>
      %min3A_811 = vector.broadcast %jit3A_808 : i32 to vector<16xi32>
      %min3A_812 = arith.minsi %min3A_811, %max3A_810 : vector<16xi32>
      %mul3A_813 = arith.constant 16 : i32
      %mul3A_814 = vector.broadcast %mul3A_813 : i32 to vector<16xi32>
      %mul3A_815 = arith.muli %min3A_812, %mul3A_814 : vector<16xi32>
      %add3A_816 = arith.addi %mul3A_815, %iota3A : vector<16xi32>
      %jit3A_817 = arith.constant 1 : i32
      %jit3A_818 = arith.constant 0 : i32
      %broadcast_in_dim3A_819 = vector.broadcast %jit3A_817 : i32 to vector<16xi32>
      %broadcast_in_dim3A_820 = vector.broadcast %jit3A_818 : i32 to vector<16xi32>
      %select_n3A_821 = arith.select %lt3A_803, %broadcast_in_dim3A_819, %broadcast_in_dim3A_820 : vector<16xi1>, vector<16xi32>
      %get3A_822 = arith.index_cast %mul3A_763 : i32 to index
      %get3A_823 = tpu.vector_load %arg10[%get3A_822] {strides = array<i32>} : memref<16400xi32, #tpu.memory_space<vmem>>, vector<16xi32>,
      %gather3A_824 = tpu.vector_load_idx %arg14[%add3A_816] : memref<1008xi32, #tpu.memory_space<vmem>>[vector<16xi32>], vector<16xi32>,
      tpu.vector_store_idx %arg14[%add3A_816], %select_n3A_821 {add = true} : memref<1008xi32, #tpu.memory_space<vmem>>[vector<16xi32>], vector<16xi32>,
      %min3A_825 = arith.constant 7423 : i32
      %min3A_826 = vector.broadcast %min3A_825 : i32 to vector<16xi32>
      %min3A_827 = arith.minsi %gather3A_824, %min3A_826 : vector<16xi32>
      %add3A_828 = arith.constant 7504 : i32
      %add3A_829 = vector.broadcast %add3A_828 : i32 to vector<16xi32>
      %add3A_830 = arith.addi %add3A_829, %iota3A : vector<16xi32>
      %select_n3A_831 = arith.select %lt3A_803, %min3A_827, %add3A_830 : vector<16xi1>, vector<16xi32>
      tpu.vector_store_idx %arg12[%select_n3A_831], %get3A_786 : memref<7520xi32, #tpu.memory_space<vmem>>[vector<16xi32>], vector<16xi32>,
      tpu.vector_store_idx %arg13[%select_n3A_831], %get3A_823 : memref<7520xi32, #tpu.memory_space<vmem>>[vector<16xi32>], vector<16xi32>,
    }
    %scan3A_643 = arith.constant 1024 : i32
    %sub3A = arith.constant 1 : i32
    %sub3A_644 = arith.subi %scan3A_633, %sub3A : i32
    %max3A = arith.constant 0 : i32
    %max3A_645 = arith.maxsi %sub3A_644, %max3A : i32
    %broadcast_in_dim3A_646 = vector.broadcast %max3A_645 : i32 to vector<16xi32>
    %gather3A = tpu.vector_load_idx %arg12[%broadcast_in_dim3A_646] : memref<7520xi32, #tpu.memory_space<vmem>>[vector<16xi32>], vector<16xi32>,
    %gather3A_647 = tpu.vector_load_idx %arg13[%broadcast_in_dim3A_646] : memref<7520xi32, #tpu.memory_space<vmem>>[vector<16xi32>], vector<16xi32>,
    %min3A = arith.constant 7424 : i32
    %min3A_648 = arith.minsi %scan3A_633, %min3A : i32
    %add3A_649 = arith.constant 0 : i32
    %add3A_650 = arith.addi %min3A_648, %add3A_649 : i32
    %swap3A_651 = arith.index_cast %add3A_650 : i32 to index
    %swap3A_652 = tpu.vector_load %arg12[%swap3A_651] {strides = array<i32>} : memref<7520xi32, #tpu.memory_space<vmem>>, vector<16xi32>,
    tpu.vector_store %arg12[%swap3A_651], %gather3A {strides = array<i32>} : memref<7520xi32, #tpu.memory_space<vmem>>, vector<16xi32>,
    %add3A_653 = arith.constant 0 : i32
    %add3A_654 = arith.addi %min3A_648, %add3A_653 : i32
    %swap3A_655 = arith.index_cast %add3A_654 : i32 to index
    %swap3A_656 = tpu.vector_load %arg13[%swap3A_655] {strides = array<i32>} : memref<7520xi32, #tpu.memory_space<vmem>>, vector<16xi32>,
    tpu.vector_store %arg13[%swap3A_655], %gather3A_647 {strides = array<i32>} : memref<7520xi32, #tpu.memory_space<vmem>>, vector<16xi32>,
    %add3A_657 = arith.constant 16 : i32
    %add3A_658 = arith.addi %min3A_648, %add3A_657 : i32
    %swap3A_659 = arith.index_cast %add3A_658 : i32 to index
    %swap3A_660 = tpu.vector_load %arg12[%swap3A_659] {strides = array<i32>} : memref<7520xi32, #tpu.memory_space<vmem>>, vector<16xi32>,
    tpu.vector_store %arg12[%swap3A_659], %gather3A {strides = array<i32>} : memref<7520xi32, #tpu.memory_space<vmem>>, vector<16xi32>,
    %add3A_661 = arith.constant 16 : i32
    %add3A_662 = arith.addi %min3A_648, %add3A_661 : i32
    %swap3A_663 = arith.index_cast %add3A_662 : i32 to index
    %swap3A_664 = tpu.vector_load %arg13[%swap3A_663] {strides = array<i32>} : memref<7520xi32, #tpu.memory_space<vmem>>, vector<16xi32>,
    tpu.vector_store %arg13[%swap3A_663], %gather3A_647 {strides = array<i32>} : memref<7520xi32, #tpu.memory_space<vmem>>, vector<16xi32>,
    %add3A_665 = arith.constant 32 : i32
    %add3A_666 = arith.addi %min3A_648, %add3A_665 : i32
    %swap3A_667 = arith.index_cast %add3A_666 : i32 to index
    %swap3A_668 = tpu.vector_load %arg12[%swap3A_667] {strides = array<i32>} : memref<7520xi32, #tpu.memory_space<vmem>>, vector<16xi32>,
    tpu.vector_store %arg12[%swap3A_667], %gather3A {strides = array<i32>} : memref<7520xi32, #tpu.memory_space<vmem>>, vector<16xi32>,
    %add3A_669 = arith.constant 32 : i32
    %add3A_670 = arith.addi %min3A_648, %add3A_669 : i32
    %swap3A_671 = arith.index_cast %add3A_670 : i32 to index
    %swap3A_672 = tpu.vector_load %arg13[%swap3A_671] {strides = array<i32>} : memref<7520xi32, #tpu.memory_space<vmem>>, vector<16xi32>,
    tpu.vector_store %arg13[%swap3A_671], %gather3A_647 {strides = array<i32>} : memref<7520xi32, #tpu.memory_space<vmem>>, vector<16xi32>,
    %add3A_673 = arith.constant 48 : i32
    %add3A_674 = arith.addi %min3A_648, %add3A_673 : i32
    %swap3A_675 = arith.index_cast %add3A_674 : i32 to index
    %swap3A_676 = tpu.vector_load %arg12[%swap3A_675] {strides = array<i32>} : memref<7520xi32, #tpu.memory_space<vmem>>, vector<16xi32>,
    tpu.vector_store %arg12[%swap3A_675], %gather3A {strides = array<i32>} : memref<7520xi32, #tpu.memory_space<vmem>>, vector<16xi32>,
    %add3A_677 = arith.constant 48 : i32
    %add3A_678 = arith.addi %min3A_648, %add3A_677 : i32
    %swap3A_679 = arith.index_cast %add3A_678 : i32 to index
    %swap3A_680 = tpu.vector_load %arg13[%swap3A_679] {strides = array<i32>} : memref<7520xi32, #tpu.memory_space<vmem>>, vector<16xi32>,
    tpu.vector_store %arg13[%swap3A_679], %gather3A_647 {strides = array<i32>} : memref<7520xi32, #tpu.memory_space<vmem>>, vector<16xi32>,
    %mul3A_681 = arith.constant 2 : i32
    %mul3A_682 = arith.muli %mul3A_681, %arg1 : i32
    %add3A_683 = arith.addi %arg0, %mul3A_682 : i32
    %mul3A_684 = arith.constant 512 : i32
    %mul3A_685 = arith.muli %add3A_683, %mul3A_684 : i32
    %dma_start3A_686 = arith.constant 0 : i32
    %dma_start3A_687 = arith.constant 0 : i32
    %dma_start3A_688 = arith.constant 0 : i32
    %dma_start3A_689 = tpu.memref_slice %arg16[%dma_start3A_686, %dma_start3A_687, %dma_start3A_688] : memref<2x64x512xf32, #tpu.memory_space<vmem>> -> memref<1x64x512xf32, #tpu.memory_space<vmem>>
    %dma_start3A_690 = tpu.memref_squeeze %dma_start3A_689 : memref<1x64x512xf32, #tpu.memory_space<vmem>> -> memref<64x512xf32, #tpu.memory_space<vmem>>
    %dma_start3A_691 = arith.constant 0 : i32
    %dma_start3A_692 = tpu.memref_slice %arg2[%dma_start3A_691, %mul3A_685] : memref<64x1000000xf32, #tpu.memory_space<hbm>> -> memref<64x512xf32, #tpu.memory_space<hbm>>
    %dma_start3A_693 = arith.constant 0 : i32
    %dma_start3A_694 = arith.constant 0 : i32
    %dma_start3A_695 = tpu.memref_slice %arg16[%dma_start3A_686, %dma_start3A_693, %dma_start3A_694] : memref<2x64x512xf32, #tpu.memory_space<vmem>> -> memref<1x64x512xf32, #tpu.memory_space<vmem>>
    %dma_start3A_696 = tpu.memref_squeeze %dma_start3A_695 : memref<1x64x512xf32, #tpu.memory_space<vmem>> -> memref<64x512xf32, #tpu.memory_space<vmem>>
    %dma_start3A_697 = arith.constant 0 : i32
    %dma_start3A_698 = tpu.memref_slice %arg2[%dma_start3A_697, %mul3A_685] : memref<64x1000000xf32, #tpu.memory_space<hbm>> -> memref<64x512xf32, #tpu.memory_space<hbm>>
    tpu.enqueue_dma source(%dma_start3A_698 : memref<64x512xf32, #tpu.memory_space<hbm>>) target(%dma_start3A_696 : memref<64x512xf32, #tpu.memory_space<vmem>>) target_semaphore(%arg21 : memref<!tpu.dma_semaphore, #tpu.memory_space<semaphore_mem>>)
    %scan3A_699 = arith.constant 0 : i32
    %scan3A_700 = arith.constant 0 : i32
    %scan3A_701 = arith.constant 61 : i32
    %scan3A_702 = arith.addi %scan3A_700, %scan3A_701 : i32
    %scan3A_703 = arith.constant 1 : i32
    %scan3A_704 = scf.for %scan3A_761 = %scan3A_700 to %scan3A_702 step %scan3A_703 iter_args(%scan3A_762 = %scan3A_699) -> (i32)  : i32 {
      %and3A = arith.constant 1 : i32
      %and3A_763 = arith.andi %scan3A_761, %and3A : i32
      %dma_wait3A = arith.constant 0 : i32
      %dma_wait3A_764 = arith.constant 0 : i32
      %dma_wait3A_765 = tpu.memref_slice %arg16[%and3A_763, %dma_wait3A, %dma_wait3A_764] : memref<2x64x512xf32, #tpu.memory_space<vmem>> -> memref<1x64x512xf32, #tpu.memory_space<vmem>>
      %dma_wait3A_766 = tpu.memref_squeeze %dma_wait3A_765 : memref<1x64x512xf32, #tpu.memory_space<vmem>> -> memref<64x512xf32, #tpu.memory_space<vmem>>
      %dma_wait3A_767 = arith.constant 0 : i32
      %dma_wait3A_768 = arith.constant 0 : i32
      %dma_wait3A_769 = tpu.memref_slice %arg2[%dma_wait3A_767, %dma_wait3A_768] : memref<64x1000000xf32, #tpu.memory_space<hbm>> -> memref<64x512xf32, #tpu.memory_space<hbm>>
      %dma_wait3A_770 = arith.constant 0 : i32
      %dma_wait3A_771 = arith.constant 0 : i32
      %dma_wait3A_772 = tpu.memref_slice %arg16[%and3A_763, %dma_wait3A_770, %dma_wait3A_771] : memref<2x64x512xf32, #tpu.memory_space<vmem>> -> memref<1x64x512xf32, #tpu.memory_space<vmem>>
      %dma_wait3A_773 = tpu.memref_squeeze %dma_wait3A_772 : memref<1x64x512xf32, #tpu.memory_space<vmem>> -> memref<64x512xf32, #tpu.memory_space<vmem>>
      %dma_wait3A_774 = arith.constant 0 : i32
      %dma_wait3A_775 = arith.constant 0 : i32
      %dma_wait3A_776 = tpu.memref_slice %arg2[%dma_wait3A_774, %dma_wait3A_775] : memref<64x1000000xf32, #tpu.memory_space<hbm>> -> memref<64x512xf32, #tpu.memory_space<hbm>>
      tpu.wait_dma2 semaphore(%arg21 : memref<!tpu.dma_semaphore, #tpu.memory_space<semaphore_mem>>) src(%dma_wait3A_776 : memref<64x512xf32, #tpu.memory_space<hbm>>) dst(%dma_wait3A_773 : memref<64x512xf32, #tpu.memory_space<vmem>>)
      %add3A_777 = arith.constant 1 : i32
      %add3A_778 = arith.addi %scan3A_761, %add3A_777 : i32
      %lt3A = arith.constant 61 : i32
      %lt3A_779 = arith.cmpi slt, %add3A_778, %lt3A : i32
      %convert_element_type3A = arith.extui %lt3A_779 : i1 to i32
      %cond3A = arith.constant 0 : i32
      %cond3A_780 = arith.cmpi ne, %convert_element_type3A, %cond3A : i32
      scf.if %cond3A_780 {
        %add3A_833 = arith.constant 1 : i32
        %add3A_834 = arith.addi %scan3A_761, %add3A_833 : i32
        %mul3A_835 = arith.constant 32 : i32
        %mul3A_836 = arith.muli %mul3A_835, %add3A_834 : i32
        %add3A_837 = arith.addi %add3A_683, %mul3A_836 : i32
        %mul3A_838 = arith.constant 512 : i32
        %mul3A_839 = arith.muli %add3A_837, %mul3A_838 : i32
        %add3A_840 = arith.constant 1 : i32
        %add3A_841 = arith.addi %scan3A_761, %add3A_840 : i32
        %and3A_842 = arith.constant 1 : i32
        %and3A_843 = arith.andi %add3A_841, %and3A_842 : i32
        %dma_start3A_844 = arith.constant 0 : i32
        %dma_start3A_845 = arith.constant 0 : i32
        %dma_start3A_846 = tpu.memref_slice %arg16[%and3A_843, %dma_start3A_844, %dma_start3A_845] : memref<2x64x512xf32, #tpu.memory_space<vmem>> -> memref<1x64x512xf32, #tpu.memory_space<vmem>>
        %dma_start3A_847 = tpu.memref_squeeze %dma_start3A_846 : memref<1x64x512xf32, #tpu.memory_space<vmem>> -> memref<64x512xf32, #tpu.memory_space<vmem>>
        %dma_start3A_848 = arith.constant 0 : i32
        %dma_start3A_849 = tpu.memref_slice %arg2[%dma_start3A_848, %mul3A_839] : memref<64x1000000xf32, #tpu.memory_space<hbm>> -> memref<64x512xf32, #tpu.memory_space<hbm>>
        %dma_start3A_850 = arith.constant 0 : i32
        %dma_start3A_851 = arith.constant 0 : i32
        %dma_start3A_852 = tpu.memref_slice %arg16[%and3A_843, %dma_start3A_850, %dma_start3A_851] : memref<2x64x512xf32, #tpu.memory_space<vmem>> -> memref<1x64x512xf32, #tpu.memory_space<vmem>>
        %dma_start3A_853 = tpu.memref_squeeze %dma_start3A_852 : memref<1x64x512xf32, #tpu.memory_space<vmem>> -> memref<64x512xf32, #tpu.memory_space<vmem>>
        %dma_start3A_854 = arith.constant 0 : i32
        %dma_start3A_855 = tpu.memref_slice %arg2[%dma_start3A_854, %mul3A_839] : memref<64x1000000xf32, #tpu.memory_space<hbm>> -> memref<64x512xf32, #tpu.memory_space<hbm>>
        tpu.enqueue_dma source(%dma_start3A_855 : memref<64x512xf32, #tpu.memory_space<hbm>>) target(%dma_start3A_853 : memref<64x512xf32, #tpu.memory_space<vmem>>) target_semaphore(%arg21 : memref<!tpu.dma_semaphore, #tpu.memory_space<semaphore_mem>>)
      } else {
      }
      %mul3A_781 = arith.constant 16 : i32
      %mul3A_782 = arith.muli %scan3A_761, %mul3A_781 : i32
      %broadcast_in_dim3A_783 = vector.broadcast %mul3A_782 : i32 to vector<16xi32>
      %gather3A_784 = tpu.vector_load_idx %arg15[%broadcast_in_dim3A_783] : memref<1024xi32, #tpu.memory_space<vmem>>[vector<16xi32>], vector<16xi32>,
      %reduce_max3A_785 = arith.constant true
      %reduce_max3A_786 = vector.broadcast %reduce_max3A_785 : i1 to vector<16xi1>
      %reduce_max3A_787 = arith.constant -2147483648 : i32
      %reduce_max3A_788 = vector.broadcast %reduce_max3A_787 : i32 to vector<16xi32>
      %reduce_max3A_789 = arith.xori %gather3A_784, %reduce_max3A_788 : vector<16xi32>
      %reduce_max3A_790 = tpu.scan <max>, %reduce_max3A_789 masked %reduce_max3A_786 : vector<16xi32>, vector<16xi1> -> vector<16xi32>
      %reduce_max3A_791 = arith.xori %reduce_max3A_790, %reduce_max3A_788 : vector<16xi32>
      %reduce_max3A_792 = vector.extract %reduce_max3A_791[15] : i32 from vector<16xi32>
      %min3A_793 = arith.constant 7424 : i32
      %min3A_794 = arith.minsi %reduce_max3A_792, %min3A_793 : i32
      %mul3A_795 = arith.constant 16 : i32
      %mul3A_796 = arith.muli %scan3A_761, %mul3A_795 : i32
      %add3A_797 = arith.constant 16 : i32
      %add3A_798 = arith.addi %mul3A_796, %add3A_797 : i32
      %broadcast_in_dim3A_799 = vector.broadcast %add3A_798 : i32 to vector<16xi32>
      %gather3A_800 = tpu.vector_load_idx %arg15[%broadcast_in_dim3A_799] : memref<1024xi32, #tpu.memory_space<vmem>>[vector<16xi32>], vector<16xi32>,
      %reduce_max3A_801 = arith.constant true
      %reduce_max3A_802 = vector.broadcast %reduce_max3A_801 : i1 to vector<16xi1>
      %reduce_max3A_803 = arith.constant -2147483648 : i32
      %reduce_max3A_804 = vector.broadcast %reduce_max3A_803 : i32 to vector<16xi32>
      %reduce_max3A_805 = arith.xori %gather3A_800, %reduce_max3A_804 : vector<16xi32>
      %reduce_max3A_806 = tpu.scan <max>, %reduce_max3A_805 masked %reduce_max3A_802 : vector<16xi32>, vector<16xi1> -> vector<16xi32>
      %reduce_max3A_807 = arith.xori %reduce_max3A_806, %reduce_max3A_804 : vector<16xi32>
      %reduce_max3A_808 = vector.extract %reduce_max3A_807[15] : i32 from vector<16xi32>
      %min3A_809 = arith.constant 7424 : i32
      %min3A_810 = arith.minsi %reduce_max3A_808, %min3A_809 : i32
      %and3A_811 = arith.constant 1 : i32
      %and3A_812 = arith.andi %scan3A_761, %and3A_811 : i32
      %sub3A_813 = arith.subi %min3A_810, %min3A_794 : i32
      %max3A_814 = arith.constant 0 : i32
      %max3A_815 = arith.maxsi %sub3A_813, %max3A_814 : i32
      %add3A_816 = arith.constant 16 : i32
      %add3A_817 = arith.addi %max3A_815, %add3A_816 : i32
      %sub3A_818 = arith.constant 1 : i32
      %sub3A_819 = arith.subi %add3A_817, %sub3A_818 : i32
      %shift_right_arithmetic3A_820 = arith.constant 4 : i32
      %shift_right_arithmetic3A_821 = arith.shrsi %sub3A_819, %shift_right_arithmetic3A_820 : i32
      %while3A_822 = arith.constant 0 : i32
      %while3A_823 = arith.subi %shift_right_arithmetic3A_821, %while3A_822 : i32
      %while3A_824 = arith.addi %while3A_822, %while3A_823 : i32
      %while3A_825 = arith.constant 1 : i32
      %while3A_826 = arith.divsi %while3A_823, %while3A_825 : i32
      %while3A_827 = arith.muli %while3A_826, %while3A_825 : i32
      %while3A_828 = arith.addi %while3A_822, %while3A_827 : i32
      %while3A_829 = arith.constant 1 : i32
      %while3A_830 = scf.for %while3A_833 = %while3A_822 to %while3A_828 step %while3A_829 iter_args(%while3A_834 = %scan3A_762) -> (i32)  : i32 {
        %and3A_835 = arith.constant 1 : i32
        %and3A_836 = arith.andi %while3A_834, %and3A_835 : i32
        %ge3A = arith.constant 2 : i32
        %ge3A_837 = arith.cmpi sge, %while3A_834, %ge3A : i32
        %convert_element_type3A_838 = arith.extui %ge3A_837 : i1 to i32
        %cond3A_839 = arith.constant 0 : i32
        %cond3A_840 = arith.cmpi ne, %convert_element_type3A_838, %cond3A_839 : i32
        scf.if %cond3A_840 {
          %dma_wait3A_875 = arith.constant 0 : i32
          %dma_wait3A_876 = arith.constant 0 : i32
          %dma_wait3A_877 = arith.constant 0 : i32
          %dma_wait3A_878 = tpu.memref_slice %arg18[%dma_wait3A_875, %dma_wait3A_876, %dma_wait3A_877] : memref<2x16x128xf32, #tpu.memory_space<vmem>> -> memref<1x16x128xf32, #tpu.memory_space<vmem>>
          %dma_wait3A_879 = tpu.memref_squeeze %dma_wait3A_878 : memref<1x16x128xf32, #tpu.memory_space<vmem>> -> memref<16x128xf32, #tpu.memory_space<vmem>>
          %dma_wait3A_880 = arith.constant 0 : i32
          %dma_wait3A_881 = arith.constant 0 : i32
          %dma_wait3A_882 = tpu.memref_slice %arg4[%dma_wait3A_880, %dma_wait3A_881] : memref<204800x128xf32, #tpu.memory_space<hbm>> -> memref<16x128xf32, #tpu.memory_space<hbm>>
          %dma_wait3A_883 = arith.constant 0 : i32
          %dma_wait3A_884 = arith.constant 0 : i32
          %dma_wait3A_885 = tpu.memref_slice %arg18[%dma_wait3A_875, %dma_wait3A_883, %dma_wait3A_884] : memref<2x16x128xf32, #tpu.memory_space<vmem>> -> memref<1x16x128xf32, #tpu.memory_space<vmem>>
          %dma_wait3A_886 = tpu.memref_squeeze %dma_wait3A_885 : memref<1x16x128xf32, #tpu.memory_space<vmem>> -> memref<16x128xf32, #tpu.memory_space<vmem>>
          %dma_wait3A_887 = arith.constant 0 : i32
          %dma_wait3A_888 = arith.constant 0 : i32
          %dma_wait3A_889 = tpu.memref_slice %arg4[%dma_wait3A_887, %dma_wait3A_888] : memref<204800x128xf32, #tpu.memory_space<hbm>> -> memref<16x128xf32, #tpu.memory_space<hbm>>
          tpu.wait_dma2 semaphore(%arg22 : memref<!tpu.dma_semaphore, #tpu.memory_space<semaphore_mem>>) src(%dma_wait3A_889 : memref<16x128xf32, #tpu.memory_space<hbm>>) dst(%dma_wait3A_886 : memref<16x128xf32, #tpu.memory_space<vmem>>)
        } else {
        }
        %mul3A_841 = arith.constant 16 : i32
        %mul3A_842 = arith.muli %while3A_833, %mul3A_841 : i32
        %add3A_843 = arith.addi %min3A_794, %mul3A_842 : i32
        %add3A_844 = arith.constant 0 : i32
        %add3A_845 = arith.addi %add3A_843, %add3A_844 : i32
        %get3A = arith.index_cast %add3A_845 : i32 to index
        %get3A_846 = tpu.vector_load %arg12[%get3A] {strides = array<i32>} : memref<7520xi32, #tpu.memory_space<vmem>>, vector<16xi32>,
        %get3A_847 = arith.index_cast %add3A_845 : i32 to index
        %get3A_848 = tpu.vector_load %arg13[%get3A_847] {strides = array<i32>} : memref<7520xi32, #tpu.memory_space<vmem>>, vector<16xi32>,
        %swap3A_849 = arith.constant 0 : i32
        %swap3A_850 = tpu.memref_slice %arg19[%and3A_836, %swap3A_849] : memref<2x16xi32, #tpu.memory_space<vmem>> -> memref<1x16xi32, #tpu.memory_space<vmem>>
        %swap3A_851 = tpu.memref_squeeze %swap3A_850 : memref<1x16xi32, #tpu.memory_space<vmem>> -> memref<16xi32, #tpu.memory_space<vmem>>
        %swap3A_852 = arith.constant 0 : index
        %swap3A_853 = tpu.vector_load %swap3A_851[%swap3A_852] {strides = array<i32>} : memref<16xi32, #tpu.memory_space<vmem>>, vector<16xi32>,
        tpu.vector_store %swap3A_851[%swap3A_852], %get3A_848 {strides = array<i32>} : memref<16xi32, #tpu.memory_space<vmem>>, vector<16xi32>,
        %add3A_854 = arith.constant 0 : i32
        %add3A_855 = vector.broadcast %add3A_854 : i32 to vector<16xi32>
        %add3A_856 = arith.addi %add3A_855, %iota3A : vector<16xi32>
        %scan3A_857 = arith.constant 0 : i32
        %scan3A_858 = arith.constant 0 : i32
        %scan3A_859 = arith.constant 8 : i32
        %scan3A_860 = arith.addi %scan3A_858, %scan3A_859 : i32
        %scan3A_861 = arith.constant 1 : i32
        scf.for %scan3A_875 = %scan3A_858 to %scan3A_860 step %scan3A_861  : i32 {
          %mul3A_876 = arith.constant 8 : i32
          %mul3A_877 = arith.muli %scan3A_875, %mul3A_876 : i32
          %add3A_878 = arith.constant 0 : i32
          %add3A_879 = arith.addi %mul3A_877, %add3A_878 : i32
          %broadcast_in_dim3A_880 = vector.broadcast %add3A_879 : i32 to vector<16xi32>
          %and3A_881 = arith.constant 511 : i32
          %and3A_882 = vector.broadcast %and3A_881 : i32 to vector<16xi32>
          %and3A_883 = arith.andi %get3A_846, %and3A_882 : vector<16xi32>
          %gather3A_884 = arith.constant 0 : i32
          %gather3A_885 = arith.constant 0 : i32
          %gather3A_886 = tpu.memref_slice %arg16[%and3A_812, %gather3A_884, %gather3A_885] : memref<2x64x512xf32, #tpu.memory_space<vmem>> -> memref<1x64x512xf32, #tpu.memory_space<vmem>>
          %gather3A_887 = tpu.memref_squeeze %gather3A_886 : memref<1x64x512xf32, #tpu.memory_space<vmem>> -> memref<64x512xf32, #tpu.memory_space<vmem>>
          %gather3A_888 = tpu.vector_load_idx %gather3A_887[%broadcast_in_dim3A_880, %and3A_883] : memref<64x512xf32, #tpu.memory_space<vmem>>[vector<16xi32>, vector<16xi32>], vector<16xf32>,
          %scatter3A = arith.constant 0 : i32
          %scatter3A_889 = arith.constant 0 : i32
          %scatter3A_890 = tpu.memref_slice %arg18[%and3A_836, %scatter3A, %scatter3A_889] : memref<2x16x128xf32, #tpu.memory_space<vmem>> -> memref<1x16x128xf32, #tpu.memory_space<vmem>>
          %scatter3A_891 = tpu.memref_squeeze %scatter3A_890 : memref<1x16x128xf32, #tpu.memory_space<vmem>> -> memref<16x128xf32, #tpu.memory_space<vmem>>
          tpu.vector_store_idx %scatter3A_891[%add3A_856, %broadcast_in_dim3A_880], %gather3A_888 : memref<16x128xf32, #tpu.memory_space<vmem>>[vector<16xi32>, vector<16xi32>], vector<16xf32>,
          %mul3A_892 = arith.constant 8 : i32
          %mul3A_893 = arith.muli %scan3A_875, %mul3A_892 : i32
          %add3A_894 = arith.constant 1 : i32
          %add3A_895 = arith.addi %mul3A_893, %add3A_894 : i32
          %broadcast_in_dim3A_896 = vector.broadcast %add3A_895 : i32 to vector<16xi32>
          %and3A_897 = arith.constant 511 : i32
          %and3A_898 = vector.broadcast %and3A_897 : i32 to vector<16xi32>
          %and3A_899 = arith.andi %get3A_846, %and3A_898 : vector<16xi32>
          %gather3A_900 = arith.constant 0 : i32
          %gather3A_901 = arith.constant 0 : i32
          %gather3A_902 = tpu.memref_slice %arg16[%and3A_812, %gather3A_900, %gather3A_901] : memref<2x64x512xf32, #tpu.memory_space<vmem>> -> memref<1x64x512xf32, #tpu.memory_space<vmem>>
          %gather3A_903 = tpu.memref_squeeze %gather3A_902 : memref<1x64x512xf32, #tpu.memory_space<vmem>> -> memref<64x512xf32, #tpu.memory_space<vmem>>
          %gather3A_904 = tpu.vector_load_idx %gather3A_903[%broadcast_in_dim3A_896, %and3A_899] : memref<64x512xf32, #tpu.memory_space<vmem>>[vector<16xi32>, vector<16xi32>], vector<16xf32>,
          %scatter3A_905 = arith.constant 0 : i32
          %scatter3A_906 = arith.constant 0 : i32
          %scatter3A_907 = tpu.memref_slice %arg18[%and3A_836, %scatter3A_905, %scatter3A_906] : memref<2x16x128xf32, #tpu.memory_space<vmem>> -> memref<1x16x128xf32, #tpu.memory_space<vmem>>
          %scatter3A_908 = tpu.memref_squeeze %scatter3A_907 : memref<1x16x128xf32, #tpu.memory_space<vmem>> -> memref<16x128xf32, #tpu.memory_space<vmem>>
          tpu.vector_store_idx %scatter3A_908[%add3A_856, %broadcast_in_dim3A_896], %gather3A_904 : memref<16x128xf32, #tpu.memory_space<vmem>>[vector<16xi32>, vector<16xi32>], vector<16xf32>,
          %mul3A_909 = arith.constant 8 : i32
          %mul3A_910 = arith.muli %scan3A_875, %mul3A_909 : i32
          %add3A_911 = arith.constant 2 : i32
          %add3A_912 = arith.addi %mul3A_910, %add3A_911 : i32
          %broadcast_in_dim3A_913 = vector.broadcast %add3A_912 : i32 to vector<16xi32>
          %and3A_914 = arith.constant 511 : i32
          %and3A_915 = vector.broadcast %and3A_914 : i32 to vector<16xi32>
          %and3A_916 = arith.andi %get3A_846, %and3A_915 : vector<16xi32>
          %gather3A_917 = arith.constant 0 : i32
          %gather3A_918 = arith.constant 0 : i32
          %gather3A_919 = tpu.memref_slice %arg16[%and3A_812, %gather3A_917, %gather3A_918] : memref<2x64x512xf32, #tpu.memory_space<vmem>> -> memref<1x64x512xf32, #tpu.memory_space<vmem>>
          %gather3A_920 = tpu.memref_squeeze %gather3A_919 : memref<1x64x512xf32, #tpu.memory_space<vmem>> -> memref<64x512xf32, #tpu.memory_space<vmem>>
          %gather3A_921 = tpu.vector_load_idx %gather3A_920[%broadcast_in_dim3A_913, %and3A_916] : memref<64x512xf32, #tpu.memory_space<vmem>>[vector<16xi32>, vector<16xi32>], vector<16xf32>,
          %scatter3A_922 = arith.constant 0 : i32
          %scatter3A_923 = arith.constant 0 : i32
          %scatter3A_924 = tpu.memref_slice %arg18[%and3A_836, %scatter3A_922, %scatter3A_923] : memref<2x16x128xf32, #tpu.memory_space<vmem>> -> memref<1x16x128xf32, #tpu.memory_space<vmem>>
          %scatter3A_925 = tpu.memref_squeeze %scatter3A_924 : memref<1x16x128xf32, #tpu.memory_space<vmem>> -> memref<16x128xf32, #tpu.memory_space<vmem>>
          tpu.vector_store_idx %scatter3A_925[%add3A_856, %broadcast_in_dim3A_913], %gather3A_921 : memref<16x128xf32, #tpu.memory_space<vmem>>[vector<16xi32>, vector<16xi32>], vector<16xf32>,
          %mul3A_926 = arith.constant 8 : i32
          %mul3A_927 = arith.muli %scan3A_875, %mul3A_926 : i32
          %add3A_928 = arith.constant 3 : i32
          %add3A_929 = arith.addi %mul3A_927, %add3A_928 : i32
          %broadcast_in_dim3A_930 = vector.broadcast %add3A_929 : i32 to vector<16xi32>
          %and3A_931 = arith.constant 511 : i32
          %and3A_932 = vector.broadcast %and3A_931 : i32 to vector<16xi32>
          %and3A_933 = arith.andi %get3A_846, %and3A_932 : vector<16xi32>
          %gather3A_934 = arith.constant 0 : i32
          %gather3A_935 = arith.constant 0 : i32
          %gather3A_936 = tpu.memref_slice %arg16[%and3A_812, %gather3A_934, %gather3A_935] : memref<2x64x512xf32, #tpu.memory_space<vmem>> -> memref<1x64x512xf32, #tpu.memory_space<vmem>>
          %gather3A_937 = tpu.memref_squeeze %gather3A_936 : memref<1x64x512xf32, #tpu.memory_space<vmem>> -> memref<64x512xf32, #tpu.memory_space<vmem>>
          %gather3A_938 = tpu.vector_load_idx %gather3A_937[%broadcast_in_dim3A_930, %and3A_933] : memref<64x512xf32, #tpu.memory_space<vmem>>[vector<16xi32>, vector<16xi32>], vector<16xf32>,
          %scatter3A_939 = arith.constant 0 : i32
          %scatter3A_940 = arith.constant 0 : i32
          %scatter3A_941 = tpu.memref_slice %arg18[%and3A_836, %scatter3A_939, %scatter3A_940] : memref<2x16x128xf32, #tpu.memory_space<vmem>> -> memref<1x16x128xf32, #tpu.memory_space<vmem>>
          %scatter3A_942 = tpu.memref_squeeze %scatter3A_941 : memref<1x16x128xf32, #tpu.memory_space<vmem>> -> memref<16x128xf32, #tpu.memory_space<vmem>>
          tpu.vector_store_idx %scatter3A_942[%add3A_856, %broadcast_in_dim3A_930], %gather3A_938 : memref<16x128xf32, #tpu.memory_space<vmem>>[vector<16xi32>, vector<16xi32>], vector<16xf32>,
          %mul3A_943 = arith.constant 8 : i32
          %mul3A_944 = arith.muli %scan3A_875, %mul3A_943 : i32
          %add3A_945 = arith.constant 4 : i32
          %add3A_946 = arith.addi %mul3A_944, %add3A_945 : i32
          %broadcast_in_dim3A_947 = vector.broadcast %add3A_946 : i32 to vector<16xi32>
          %and3A_948 = arith.constant 511 : i32
          %and3A_949 = vector.broadcast %and3A_948 : i32 to vector<16xi32>
          %and3A_950 = arith.andi %get3A_846, %and3A_949 : vector<16xi32>
          %gather3A_951 = arith.constant 0 : i32
          %gather3A_952 = arith.constant 0 : i32
          %gather3A_953 = tpu.memref_slice %arg16[%and3A_812, %gather3A_951, %gather3A_952] : memref<2x64x512xf32, #tpu.memory_space<vmem>> -> memref<1x64x512xf32, #tpu.memory_space<vmem>>
          %gather3A_954 = tpu.memref_squeeze %gather3A_953 : memref<1x64x512xf32, #tpu.memory_space<vmem>> -> memref<64x512xf32, #tpu.memory_space<vmem>>
          %gather3A_955 = tpu.vector_load_idx %gather3A_954[%broadcast_in_dim3A_947, %and3A_950] : memref<64x512xf32, #tpu.memory_space<vmem>>[vector<16xi32>, vector<16xi32>], vector<16xf32>,
          %scatter3A_956 = arith.constant 0 : i32
          %scatter3A_957 = arith.constant 0 : i32
          %scatter3A_958 = tpu.memref_slice %arg18[%and3A_836, %scatter3A_956, %scatter3A_957] : memref<2x16x128xf32, #tpu.memory_space<vmem>> -> memref<1x16x128xf32, #tpu.memory_space<vmem>>
          %scatter3A_959 = tpu.memref_squeeze %scatter3A_958 : memref<1x16x128xf32, #tpu.memory_space<vmem>> -> memref<16x128xf32, #tpu.memory_space<vmem>>
          tpu.vector_store_idx %scatter3A_959[%add3A_856, %broadcast_in_dim3A_947], %gather3A_955 : memref<16x128xf32, #tpu.memory_space<vmem>>[vector<16xi32>, vector<16xi32>], vector<16xf32>,
          %mul3A_960 = arith.constant 8 : i32
          %mul3A_961 = arith.muli %scan3A_875, %mul3A_960 : i32
          %add3A_962 = arith.constant 5 : i32
          %add3A_963 = arith.addi %mul3A_961, %add3A_962 : i32
          %broadcast_in_dim3A_964 = vector.broadcast %add3A_963 : i32 to vector<16xi32>
          %and3A_965 = arith.constant 511 : i32
          %and3A_966 = vector.broadcast %and3A_965 : i32 to vector<16xi32>
          %and3A_967 = arith.andi %get3A_846, %and3A_966 : vector<16xi32>
          %gather3A_968 = arith.constant 0 : i32
          %gather3A_969 = arith.constant 0 : i32
          %gather3A_970 = tpu.memref_slice %arg16[%and3A_812, %gather3A_968, %gather3A_969] : memref<2x64x512xf32, #tpu.memory_space<vmem>> -> memref<1x64x512xf32, #tpu.memory_space<vmem>>
          %gather3A_971 = tpu.memref_squeeze %gather3A_970 : memref<1x64x512xf32, #tpu.memory_space<vmem>> -> memref<64x512xf32, #tpu.memory_space<vmem>>
          %gather3A_972 = tpu.vector_load_idx %gather3A_971[%broadcast_in_dim3A_964, %and3A_967] : memref<64x512xf32, #tpu.memory_space<vmem>>[vector<16xi32>, vector<16xi32>], vector<16xf32>,
          %scatter3A_973 = arith.constant 0 : i32
          %scatter3A_974 = arith.constant 0 : i32
          %scatter3A_975 = tpu.memref_slice %arg18[%and3A_836, %scatter3A_973, %scatter3A_974] : memref<2x16x128xf32, #tpu.memory_space<vmem>> -> memref<1x16x128xf32, #tpu.memory_space<vmem>>
          %scatter3A_976 = tpu.memref_squeeze %scatter3A_975 : memref<1x16x128xf32, #tpu.memory_space<vmem>> -> memref<16x128xf32, #tpu.memory_space<vmem>>
          tpu.vector_store_idx %scatter3A_976[%add3A_856, %broadcast_in_dim3A_964], %gather3A_972 : memref<16x128xf32, #tpu.memory_space<vmem>>[vector<16xi32>, vector<16xi32>], vector<16xf32>,
          %mul3A_977 = arith.constant 8 : i32
          %mul3A_978 = arith.muli %scan3A_875, %mul3A_977 : i32
          %add3A_979 = arith.constant 6 : i32
          %add3A_980 = arith.addi %mul3A_978, %add3A_979 : i32
          %broadcast_in_dim3A_981 = vector.broadcast %add3A_980 : i32 to vector<16xi32>
          %and3A_982 = arith.constant 511 : i32
          %and3A_983 = vector.broadcast %and3A_982 : i32 to vector<16xi32>
          %and3A_984 = arith.andi %get3A_846, %and3A_983 : vector<16xi32>
          %gather3A_985 = arith.constant 0 : i32
          %gather3A_986 = arith.constant 0 : i32
          %gather3A_987 = tpu.memref_slice %arg16[%and3A_812, %gather3A_985, %gather3A_986] : memref<2x64x512xf32, #tpu.memory_space<vmem>> -> memref<1x64x512xf32, #tpu.memory_space<vmem>>
          %gather3A_988 = tpu.memref_squeeze %gather3A_987 : memref<1x64x512xf32, #tpu.memory_space<vmem>> -> memref<64x512xf32, #tpu.memory_space<vmem>>
          %gather3A_989 = tpu.vector_load_idx %gather3A_988[%broadcast_in_dim3A_981, %and3A_984] : memref<64x512xf32, #tpu.memory_space<vmem>>[vector<16xi32>, vector<16xi32>], vector<16xf32>,
          %scatter3A_990 = arith.constant 0 : i32
          %scatter3A_991 = arith.constant 0 : i32
          %scatter3A_992 = tpu.memref_slice %arg18[%and3A_836, %scatter3A_990, %scatter3A_991] : memref<2x16x128xf32, #tpu.memory_space<vmem>> -> memref<1x16x128xf32, #tpu.memory_space<vmem>>
          %scatter3A_993 = tpu.memref_squeeze %scatter3A_992 : memref<1x16x128xf32, #tpu.memory_space<vmem>> -> memref<16x128xf32, #tpu.memory_space<vmem>>
          tpu.vector_store_idx %scatter3A_993[%add3A_856, %broadcast_in_dim3A_981], %gather3A_989 : memref<16x128xf32, #tpu.memory_space<vmem>>[vector<16xi32>, vector<16xi32>], vector<16xf32>,
          %mul3A_994 = arith.constant 8 : i32
          %mul3A_995 = arith.muli %scan3A_875, %mul3A_994 : i32
          %add3A_996 = arith.constant 7 : i32
          %add3A_997 = arith.addi %mul3A_995, %add3A_996 : i32
          %broadcast_in_dim3A_998 = vector.broadcast %add3A_997 : i32 to vector<16xi32>
          %and3A_999 = arith.constant 511 : i32
          %and3A_1000 = vector.broadcast %and3A_999 : i32 to vector<16xi32>
          %and3A_1001 = arith.andi %get3A_846, %and3A_1000 : vector<16xi32>
          %gather3A_1002 = arith.constant 0 : i32
          %gather3A_1003 = arith.constant 0 : i32
          %gather3A_1004 = tpu.memref_slice %arg16[%and3A_812, %gather3A_1002, %gather3A_1003] : memref<2x64x512xf32, #tpu.memory_space<vmem>> -> memref<1x64x512xf32, #tpu.memory_space<vmem>>
          %gather3A_1005 = tpu.memref_squeeze %gather3A_1004 : memref<1x64x512xf32, #tpu.memory_space<vmem>> -> memref<64x512xf32, #tpu.memory_space<vmem>>
          %gather3A_1006 = tpu.vector_load_idx %gather3A_1005[%broadcast_in_dim3A_998, %and3A_1001] : memref<64x512xf32, #tpu.memory_space<vmem>>[vector<16xi32>, vector<16xi32>], vector<16xf32>,
          %scatter3A_1007 = arith.constant 0 : i32
          %scatter3A_1008 = arith.constant 0 : i32
          %scatter3A_1009 = tpu.memref_slice %arg18[%and3A_836, %scatter3A_1007, %scatter3A_1008] : memref<2x16x128xf32, #tpu.memory_space<vmem>> -> memref<1x16x128xf32, #tpu.memory_space<vmem>>
          %scatter3A_1010 = tpu.memref_squeeze %scatter3A_1009 : memref<1x16x128xf32, #tpu.memory_space<vmem>> -> memref<16x128xf32, #tpu.memory_space<vmem>>
          tpu.vector_store_idx %scatter3A_1010[%add3A_856, %broadcast_in_dim3A_998], %gather3A_1006 : memref<16x128xf32, #tpu.memory_space<vmem>>[vector<16xi32>, vector<16xi32>], vector<16xf32>,
        }
        %scan3A_862 = arith.constant 8 : i32
        %dma_start3A_863 = arith.constant 0 : i32
        %dma_start3A_864 = arith.constant 0 : i32
        %dma_start3A_865 = tpu.memref_slice %arg18[%and3A_836, %dma_start3A_863, %dma_start3A_864] : memref<2x16x128xf32, #tpu.memory_space<vmem>> -> memref<1x16x128xf32, #tpu.memory_space<vmem>>
        %dma_start3A_866 = tpu.memref_squeeze %dma_start3A_865 : memref<1x16x128xf32, #tpu.memory_space<vmem>> -> memref<16x128xf32, #tpu.memory_space<vmem>>
        %dma_start3A_867 = arith.constant 0 : i32
        %dma_start3A_868 = tpu.memref_slice %arg19[%and3A_836, %dma_start3A_867] : memref<2x16xi32, #tpu.memory_space<vmem>> -> memref<1x16xi32, #tpu.memory_space<vmem>>
        %dma_start3A_869 = tpu.memref_squeeze %dma_start3A_868 : memref<1x16xi32, #tpu.memory_space<vmem>> -> memref<16xi32, #tpu.memory_space<vmem>>
        %dma_start3A_870 = arith.constant 0 : i32
        %dma_start3A_871 = arith.constant 0 : i32
        %dma_start3A_872 = tpu.memref_slice %arg4[%dma_start3A_870, %dma_start3A_871] : memref<204800x128xf32, #tpu.memory_space<hbm>> -> memref<204800x128xf32, #tpu.memory_space<hbm>>
        tpu.enqueue_indirect_dma source(%dma_start3A_866 : memref<16x128xf32, #tpu.memory_space<vmem>>) target(%dma_start3A_872 : memref<204800x128xf32, #tpu.memory_space<hbm>>) offsets(%dma_start3A_869 : memref<16xi32, #tpu.memory_space<vmem>>) semaphore(%arg22 : memref<!tpu.dma_semaphore, #tpu.memory_space<semaphore_mem>>)
        %add3A_873 = arith.constant 1 : i32
        %add3A_874 = arith.addi %while3A_834, %add3A_873 : i32
        scf.yield %add3A_874 : i32
      }
      %while3A_831 = arith.constant 1 : i32
      %while3A_832 = scf.for %while3A_833 = %while3A_828 to %while3A_824 step %while3A_831 iter_args(%while3A_834 = %while3A_830) -> (i32)  : i32 {
        %and3A_835 = arith.constant 1 : i32
        %and3A_836 = arith.andi %while3A_834, %and3A_835 : i32
        %ge3A = arith.constant 2 : i32
        %ge3A_837 = arith.cmpi sge, %while3A_834, %ge3A : i32
        %convert_element_type3A_838 = arith.extui %ge3A_837 : i1 to i32
        %cond3A_839 = arith.constant 0 : i32
        %cond3A_840 = arith.cmpi ne, %convert_element_type3A_838, %cond3A_839 : i32
        scf.if %cond3A_840 {
          %dma_wait3A_875 = arith.constant 0 : i32
          %dma_wait3A_876 = arith.constant 0 : i32
          %dma_wait3A_877 = arith.constant 0 : i32
          %dma_wait3A_878 = tpu.memref_slice %arg18[%dma_wait3A_875, %dma_wait3A_876, %dma_wait3A_877] : memref<2x16x128xf32, #tpu.memory_space<vmem>> -> memref<1x16x128xf32, #tpu.memory_space<vmem>>
          %dma_wait3A_879 = tpu.memref_squeeze %dma_wait3A_878 : memref<1x16x128xf32, #tpu.memory_space<vmem>> -> memref<16x128xf32, #tpu.memory_space<vmem>>
          %dma_wait3A_880 = arith.constant 0 : i32
          %dma_wait3A_881 = arith.constant 0 : i32
          %dma_wait3A_882 = tpu.memref_slice %arg4[%dma_wait3A_880, %dma_wait3A_881] : memref<204800x128xf32, #tpu.memory_space<hbm>> -> memref<16x128xf32, #tpu.memory_space<hbm>>
          %dma_wait3A_883 = arith.constant 0 : i32
          %dma_wait3A_884 = arith.constant 0 : i32
          %dma_wait3A_885 = tpu.memref_slice %arg18[%dma_wait3A_875, %dma_wait3A_883, %dma_wait3A_884] : memref<2x16x128xf32, #tpu.memory_space<vmem>> -> memref<1x16x128xf32, #tpu.memory_space<vmem>>
          %dma_wait3A_886 = tpu.memref_squeeze %dma_wait3A_885 : memref<1x16x128xf32, #tpu.memory_space<vmem>> -> memref<16x128xf32, #tpu.memory_space<vmem>>
          %dma_wait3A_887 = arith.constant 0 : i32
          %dma_wait3A_888 = arith.constant 0 : i32
          %dma_wait3A_889 = tpu.memref_slice %arg4[%dma_wait3A_887, %dma_wait3A_888] : memref<204800x128xf32, #tpu.memory_space<hbm>> -> memref<16x128xf32, #tpu.memory_space<hbm>>
          tpu.wait_dma2 semaphore(%arg22 : memref<!tpu.dma_semaphore, #tpu.memory_space<semaphore_mem>>) src(%dma_wait3A_889 : memref<16x128xf32, #tpu.memory_space<hbm>>) dst(%dma_wait3A_886 : memref<16x128xf32, #tpu.memory_space<vmem>>)
        } else {
        }
        %mul3A_841 = arith.constant 16 : i32
        %mul3A_842 = arith.muli %while3A_833, %mul3A_841 : i32
        %add3A_843 = arith.addi %min3A_794, %mul3A_842 : i32
        %add3A_844 = arith.constant 0 : i32
        %add3A_845 = arith.addi %add3A_843, %add3A_844 : i32
        %get3A = arith.index_cast %add3A_845 : i32 to index
        %get3A_846 = tpu.vector_load %arg12[%get3A] {strides = array<i32>} : memref<7520xi32, #tpu.memory_space<vmem>>, vector<16xi32>,
        %get3A_847 = arith.index_cast %add3A_845 : i32 to index
        %get3A_848 = tpu.vector_load %arg13[%get3A_847] {strides = array<i32>} : memref<7520xi32, #tpu.memory_space<vmem>>, vector<16xi32>,
        %swap3A_849 = arith.constant 0 : i32
        %swap3A_850 = tpu.memref_slice %arg19[%and3A_836, %swap3A_849] : memref<2x16xi32, #tpu.memory_space<vmem>> -> memref<1x16xi32, #tpu.memory_space<vmem>>
        %swap3A_851 = tpu.memref_squeeze %swap3A_850 : memref<1x16xi32, #tpu.memory_space<vmem>> -> memref<16xi32, #tpu.memory_space<vmem>>
        %swap3A_852 = arith.constant 0 : index
        %swap3A_853 = tpu.vector_load %swap3A_851[%swap3A_852] {strides = array<i32>} : memref<16xi32, #tpu.memory_space<vmem>>, vector<16xi32>,
        tpu.vector_store %swap3A_851[%swap3A_852], %get3A_848 {strides = array<i32>} : memref<16xi32, #tpu.memory_space<vmem>>, vector<16xi32>,
        %add3A_854 = arith.constant 0 : i32
        %add3A_855 = vector.broadcast %add3A_854 : i32 to vector<16xi32>
        %add3A_856 = arith.addi %add3A_855, %iota3A : vector<16xi32>
        %scan3A_857 = arith.constant 0 : i32
        %scan3A_858 = arith.constant 0 : i32
        %scan3A_859 = arith.constant 8 : i32
        %scan3A_860 = arith.addi %scan3A_858, %scan3A_859 : i32
        %scan3A_861 = arith.constant 1 : i32
        scf.for %scan3A_875 = %scan3A_858 to %scan3A_860 step %scan3A_861  : i32 {
          %mul3A_876 = arith.constant 8 : i32
          %mul3A_877 = arith.muli %scan3A_875, %mul3A_876 : i32
          %add3A_878 = arith.constant 0 : i32
          %add3A_879 = arith.addi %mul3A_877, %add3A_878 : i32
          %broadcast_in_dim3A_880 = vector.broadcast %add3A_879 : i32 to vector<16xi32>
          %and3A_881 = arith.constant 511 : i32
          %and3A_882 = vector.broadcast %and3A_881 : i32 to vector<16xi32>
          %and3A_883 = arith.andi %get3A_846, %and3A_882 : vector<16xi32>
          %gather3A_884 = arith.constant 0 : i32
          %gather3A_885 = arith.constant 0 : i32
          %gather3A_886 = tpu.memref_slice %arg16[%and3A_812, %gather3A_884, %gather3A_885] : memref<2x64x512xf32, #tpu.memory_space<vmem>> -> memref<1x64x512xf32, #tpu.memory_space<vmem>>
          %gather3A_887 = tpu.memref_squeeze %gather3A_886 : memref<1x64x512xf32, #tpu.memory_space<vmem>> -> memref<64x512xf32, #tpu.memory_space<vmem>>
          %gather3A_888 = tpu.vector_load_idx %gather3A_887[%broadcast_in_dim3A_880, %and3A_883] : memref<64x512xf32, #tpu.memory_space<vmem>>[vector<16xi32>, vector<16xi32>], vector<16xf32>,
          %scatter3A = arith.constant 0 : i32
          %scatter3A_889 = arith.constant 0 : i32
          %scatter3A_890 = tpu.memref_slice %arg18[%and3A_836, %scatter3A, %scatter3A_889] : memref<2x16x128xf32, #tpu.memory_space<vmem>> -> memref<1x16x128xf32, #tpu.memory_space<vmem>>
          %scatter3A_891 = tpu.memref_squeeze %scatter3A_890 : memref<1x16x128xf32, #tpu.memory_space<vmem>> -> memref<16x128xf32, #tpu.memory_space<vmem>>
          tpu.vector_store_idx %scatter3A_891[%add3A_856, %broadcast_in_dim3A_880], %gather3A_888 : memref<16x128xf32, #tpu.memory_space<vmem>>[vector<16xi32>, vector<16xi32>], vector<16xf32>,
          %mul3A_892 = arith.constant 8 : i32
          %mul3A_893 = arith.muli %scan3A_875, %mul3A_892 : i32
          %add3A_894 = arith.constant 1 : i32
          %add3A_895 = arith.addi %mul3A_893, %add3A_894 : i32
          %broadcast_in_dim3A_896 = vector.broadcast %add3A_895 : i32 to vector<16xi32>
          %and3A_897 = arith.constant 511 : i32
          %and3A_898 = vector.broadcast %and3A_897 : i32 to vector<16xi32>
          %and3A_899 = arith.andi %get3A_846, %and3A_898 : vector<16xi32>
          %gather3A_900 = arith.constant 0 : i32
          %gather3A_901 = arith.constant 0 : i32
          %gather3A_902 = tpu.memref_slice %arg16[%and3A_812, %gather3A_900, %gather3A_901] : memref<2x64x512xf32, #tpu.memory_space<vmem>> -> memref<1x64x512xf32, #tpu.memory_space<vmem>>
          %gather3A_903 = tpu.memref_squeeze %gather3A_902 : memref<1x64x512xf32, #tpu.memory_space<vmem>> -> memref<64x512xf32, #tpu.memory_space<vmem>>
          %gather3A_904 = tpu.vector_load_idx %gather3A_903[%broadcast_in_dim3A_896, %and3A_899] : memref<64x512xf32, #tpu.memory_space<vmem>>[vector<16xi32>, vector<16xi32>], vector<16xf32>,
          %scatter3A_905 = arith.constant 0 : i32
          %scatter3A_906 = arith.constant 0 : i32
          %scatter3A_907 = tpu.memref_slice %arg18[%and3A_836, %scatter3A_905, %scatter3A_906] : memref<2x16x128xf32, #tpu.memory_space<vmem>> -> memref<1x16x128xf32, #tpu.memory_space<vmem>>
          %scatter3A_908 = tpu.memref_squeeze %scatter3A_907 : memref<1x16x128xf32, #tpu.memory_space<vmem>> -> memref<16x128xf32, #tpu.memory_space<vmem>>
          tpu.vector_store_idx %scatter3A_908[%add3A_856, %broadcast_in_dim3A_896], %gather3A_904 : memref<16x128xf32, #tpu.memory_space<vmem>>[vector<16xi32>, vector<16xi32>], vector<16xf32>,
          %mul3A_909 = arith.constant 8 : i32
          %mul3A_910 = arith.muli %scan3A_875, %mul3A_909 : i32
          %add3A_911 = arith.constant 2 : i32
          %add3A_912 = arith.addi %mul3A_910, %add3A_911 : i32
          %broadcast_in_dim3A_913 = vector.broadcast %add3A_912 : i32 to vector<16xi32>
          %and3A_914 = arith.constant 511 : i32
          %and3A_915 = vector.broadcast %and3A_914 : i32 to vector<16xi32>
          %and3A_916 = arith.andi %get3A_846, %and3A_915 : vector<16xi32>
          %gather3A_917 = arith.constant 0 : i32
          %gather3A_918 = arith.constant 0 : i32
          %gather3A_919 = tpu.memref_slice %arg16[%and3A_812, %gather3A_917, %gather3A_918] : memref<2x64x512xf32, #tpu.memory_space<vmem>> -> memref<1x64x512xf32, #tpu.memory_space<vmem>>
          %gather3A_920 = tpu.memref_squeeze %gather3A_919 : memref<1x64x512xf32, #tpu.memory_space<vmem>> -> memref<64x512xf32, #tpu.memory_space<vmem>>
          %gather3A_921 = tpu.vector_load_idx %gather3A_920[%broadcast_in_dim3A_913, %and3A_916] : memref<64x512xf32, #tpu.memory_space<vmem>>[vector<16xi32>, vector<16xi32>], vector<16xf32>,
          %scatter3A_922 = arith.constant 0 : i32
          %scatter3A_923 = arith.constant 0 : i32
          %scatter3A_924 = tpu.memref_slice %arg18[%and3A_836, %scatter3A_922, %scatter3A_923] : memref<2x16x128xf32, #tpu.memory_space<vmem>> -> memref<1x16x128xf32, #tpu.memory_space<vmem>>
          %scatter3A_925 = tpu.memref_squeeze %scatter3A_924 : memref<1x16x128xf32, #tpu.memory_space<vmem>> -> memref<16x128xf32, #tpu.memory_space<vmem>>
          tpu.vector_store_idx %scatter3A_925[%add3A_856, %broadcast_in_dim3A_913], %gather3A_921 : memref<16x128xf32, #tpu.memory_space<vmem>>[vector<16xi32>, vector<16xi32>], vector<16xf32>,
          %mul3A_926 = arith.constant 8 : i32
          %mul3A_927 = arith.muli %scan3A_875, %mul3A_926 : i32
          %add3A_928 = arith.constant 3 : i32
          %add3A_929 = arith.addi %mul3A_927, %add3A_928 : i32
          %broadcast_in_dim3A_930 = vector.broadcast %add3A_929 : i32 to vector<16xi32>
          %and3A_931 = arith.constant 511 : i32
          %and3A_932 = vector.broadcast %and3A_931 : i32 to vector<16xi32>
          %and3A_933 = arith.andi %get3A_846, %and3A_932 : vector<16xi32>
          %gather3A_934 = arith.constant 0 : i32
          %gather3A_935 = arith.constant 0 : i32
          %gather3A_936 = tpu.memref_slice %arg16[%and3A_812, %gather3A_934, %gather3A_935] : memref<2x64x512xf32, #tpu.memory_space<vmem>> -> memref<1x64x512xf32, #tpu.memory_space<vmem>>
          %gather3A_937 = tpu.memref_squeeze %gather3A_936 : memref<1x64x512xf32, #tpu.memory_space<vmem>> -> memref<64x512xf32, #tpu.memory_space<vmem>>
          %gather3A_938 = tpu.vector_load_idx %gather3A_937[%broadcast_in_dim3A_930, %and3A_933] : memref<64x512xf32, #tpu.memory_space<vmem>>[vector<16xi32>, vector<16xi32>], vector<16xf32>,
          %scatter3A_939 = arith.constant 0 : i32
          %scatter3A_940 = arith.constant 0 : i32
          %scatter3A_941 = tpu.memref_slice %arg18[%and3A_836, %scatter3A_939, %scatter3A_940] : memref<2x16x128xf32, #tpu.memory_space<vmem>> -> memref<1x16x128xf32, #tpu.memory_space<vmem>>
          %scatter3A_942 = tpu.memref_squeeze %scatter3A_941 : memref<1x16x128xf32, #tpu.memory_space<vmem>> -> memref<16x128xf32, #tpu.memory_space<vmem>>
          tpu.vector_store_idx %scatter3A_942[%add3A_856, %broadcast_in_dim3A_930], %gather3A_938 : memref<16x128xf32, #tpu.memory_space<vmem>>[vector<16xi32>, vector<16xi32>], vector<16xf32>,
          %mul3A_943 = arith.constant 8 : i32
          %mul3A_944 = arith.muli %scan3A_875, %mul3A_943 : i32
          %add3A_945 = arith.constant 4 : i32
          %add3A_946 = arith.addi %mul3A_944, %add3A_945 : i32
          %broadcast_in_dim3A_947 = vector.broadcast %add3A_946 : i32 to vector<16xi32>
          %and3A_948 = arith.constant 511 : i32
          %and3A_949 = vector.broadcast %and3A_948 : i32 to vector<16xi32>
          %and3A_950 = arith.andi %get3A_846, %and3A_949 : vector<16xi32>
          %gather3A_951 = arith.constant 0 : i32
          %gather3A_952 = arith.constant 0 : i32
          %gather3A_953 = tpu.memref_slice %arg16[%and3A_812, %gather3A_951, %gather3A_952] : memref<2x64x512xf32, #tpu.memory_space<vmem>> -> memref<1x64x512xf32, #tpu.memory_space<vmem>>
          %gather3A_954 = tpu.memref_squeeze %gather3A_953 : memref<1x64x512xf32, #tpu.memory_space<vmem>> -> memref<64x512xf32, #tpu.memory_space<vmem>>
          %gather3A_955 = tpu.vector_load_idx %gather3A_954[%broadcast_in_dim3A_947, %and3A_950] : memref<64x512xf32, #tpu.memory_space<vmem>>[vector<16xi32>, vector<16xi32>], vector<16xf32>,
          %scatter3A_956 = arith.constant 0 : i32
          %scatter3A_957 = arith.constant 0 : i32
          %scatter3A_958 = tpu.memref_slice %arg18[%and3A_836, %scatter3A_956, %scatter3A_957] : memref<2x16x128xf32, #tpu.memory_space<vmem>> -> memref<1x16x128xf32, #tpu.memory_space<vmem>>
          %scatter3A_959 = tpu.memref_squeeze %scatter3A_958 : memref<1x16x128xf32, #tpu.memory_space<vmem>> -> memref<16x128xf32, #tpu.memory_space<vmem>>
          tpu.vector_store_idx %scatter3A_959[%add3A_856, %broadcast_in_dim3A_947], %gather3A_955 : memref<16x128xf32, #tpu.memory_space<vmem>>[vector<16xi32>, vector<16xi32>], vector<16xf32>,
          %mul3A_960 = arith.constant 8 : i32
          %mul3A_961 = arith.muli %scan3A_875, %mul3A_960 : i32
          %add3A_962 = arith.constant 5 : i32
          %add3A_963 = arith.addi %mul3A_961, %add3A_962 : i32
          %broadcast_in_dim3A_964 = vector.broadcast %add3A_963 : i32 to vector<16xi32>
          %and3A_965 = arith.constant 511 : i32
          %and3A_966 = vector.broadcast %and3A_965 : i32 to vector<16xi32>
          %and3A_967 = arith.andi %get3A_846, %and3A_966 : vector<16xi32>
          %gather3A_968 = arith.constant 0 : i32
          %gather3A_969 = arith.constant 0 : i32
          %gather3A_970 = tpu.memref_slice %arg16[%and3A_812, %gather3A_968, %gather3A_969] : memref<2x64x512xf32, #tpu.memory_space<vmem>> -> memref<1x64x512xf32, #tpu.memory_space<vmem>>
          %gather3A_971 = tpu.memref_squeeze %gather3A_970 : memref<1x64x512xf32, #tpu.memory_space<vmem>> -> memref<64x512xf32, #tpu.memory_space<vmem>>
          %gather3A_972 = tpu.vector_load_idx %gather3A_971[%broadcast_in_dim3A_964, %and3A_967] : memref<64x512xf32, #tpu.memory_space<vmem>>[vector<16xi32>, vector<16xi32>], vector<16xf32>,
          %scatter3A_973 = arith.constant 0 : i32
          %scatter3A_974 = arith.constant 0 : i32
          %scatter3A_975 = tpu.memref_slice %arg18[%and3A_836, %scatter3A_973, %scatter3A_974] : memref<2x16x128xf32, #tpu.memory_space<vmem>> -> memref<1x16x128xf32, #tpu.memory_space<vmem>>
          %scatter3A_976 = tpu.memref_squeeze %scatter3A_975 : memref<1x16x128xf32, #tpu.memory_space<vmem>> -> memref<16x128xf32, #tpu.memory_space<vmem>>
          tpu.vector_store_idx %scatter3A_976[%add3A_856, %broadcast_in_dim3A_964], %gather3A_972 : memref<16x128xf32, #tpu.memory_space<vmem>>[vector<16xi32>, vector<16xi32>], vector<16xf32>,
          %mul3A_977 = arith.constant 8 : i32
          %mul3A_978 = arith.muli %scan3A_875, %mul3A_977 : i32
          %add3A_979 = arith.constant 6 : i32
          %add3A_980 = arith.addi %mul3A_978, %add3A_979 : i32
          %broadcast_in_dim3A_981 = vector.broadcast %add3A_980 : i32 to vector<16xi32>
          %and3A_982 = arith.constant 511 : i32
          %and3A_983 = vector.broadcast %and3A_982 : i32 to vector<16xi32>
          %and3A_984 = arith.andi %get3A_846, %and3A_983 : vector<16xi32>
          %gather3A_985 = arith.constant 0 : i32
          %gather3A_986 = arith.constant 0 : i32
          %gather3A_987 = tpu.memref_slice %arg16[%and3A_812, %gather3A_985, %gather3A_986] : memref<2x64x512xf32, #tpu.memory_space<vmem>> -> memref<1x64x512xf32, #tpu.memory_space<vmem>>
          %gather3A_988 = tpu.memref_squeeze %gather3A_987 : memref<1x64x512xf32, #tpu.memory_space<vmem>> -> memref<64x512xf32, #tpu.memory_space<vmem>>
          %gather3A_989 = tpu.vector_load_idx %gather3A_988[%broadcast_in_dim3A_981, %and3A_984] : memref<64x512xf32, #tpu.memory_space<vmem>>[vector<16xi32>, vector<16xi32>], vector<16xf32>,
          %scatter3A_990 = arith.constant 0 : i32
          %scatter3A_991 = arith.constant 0 : i32
          %scatter3A_992 = tpu.memref_slice %arg18[%and3A_836, %scatter3A_990, %scatter3A_991] : memref<2x16x128xf32, #tpu.memory_space<vmem>> -> memref<1x16x128xf32, #tpu.memory_space<vmem>>
          %scatter3A_993 = tpu.memref_squeeze %scatter3A_992 : memref<1x16x128xf32, #tpu.memory_space<vmem>> -> memref<16x128xf32, #tpu.memory_space<vmem>>
          tpu.vector_store_idx %scatter3A_993[%add3A_856, %broadcast_in_dim3A_981], %gather3A_989 : memref<16x128xf32, #tpu.memory_space<vmem>>[vector<16xi32>, vector<16xi32>], vector<16xf32>,
          %mul3A_994 = arith.constant 8 : i32
          %mul3A_995 = arith.muli %scan3A_875, %mul3A_994 : i32
          %add3A_996 = arith.constant 7 : i32
          %add3A_997 = arith.addi %mul3A_995, %add3A_996 : i32
          %broadcast_in_dim3A_998 = vector.broadcast %add3A_997 : i32 to vector<16xi32>
          %and3A_999 = arith.constant 511 : i32
          %and3A_1000 = vector.broadcast %and3A_999 : i32 to vector<16xi32>
          %and3A_1001 = arith.andi %get3A_846, %and3A_1000 : vector<16xi32>
          %gather3A_1002 = arith.constant 0 : i32
          %gather3A_1003 = arith.constant 0 : i32
          %gather3A_1004 = tpu.memref_slice %arg16[%and3A_812, %gather3A_1002, %gather3A_1003] : memref<2x64x512xf32, #tpu.memory_space<vmem>> -> memref<1x64x512xf32, #tpu.memory_space<vmem>>
          %gather3A_1005 = tpu.memref_squeeze %gather3A_1004 : memref<1x64x512xf32, #tpu.memory_space<vmem>> -> memref<64x512xf32, #tpu.memory_space<vmem>>
          %gather3A_1006 = tpu.vector_load_idx %gather3A_1005[%broadcast_in_dim3A_998, %and3A_1001] : memref<64x512xf32, #tpu.memory_space<vmem>>[vector<16xi32>, vector<16xi32>], vector<16xf32>,
          %scatter3A_1007 = arith.constant 0 : i32
          %scatter3A_1008 = arith.constant 0 : i32
          %scatter3A_1009 = tpu.memref_slice %arg18[%and3A_836, %scatter3A_1007, %scatter3A_1008] : memref<2x16x128xf32, #tpu.memory_space<vmem>> -> memref<1x16x128xf32, #tpu.memory_space<vmem>>
          %scatter3A_1010 = tpu.memref_squeeze %scatter3A_1009 : memref<1x16x128xf32, #tpu.memory_space<vmem>> -> memref<16x128xf32, #tpu.memory_space<vmem>>
          tpu.vector_store_idx %scatter3A_1010[%add3A_856, %broadcast_in_dim3A_998], %gather3A_1006 : memref<16x128xf32, #tpu.memory_space<vmem>>[vector<16xi32>, vector<16xi32>], vector<16xf32>,
        }
        %scan3A_862 = arith.constant 8 : i32
        %dma_start3A_863 = arith.constant 0 : i32
        %dma_start3A_864 = arith.constant 0 : i32
        %dma_start3A_865 = tpu.memref_slice %arg18[%and3A_836, %dma_start3A_863, %dma_start3A_864] : memref<2x16x128xf32, #tpu.memory_space<vmem>> -> memref<1x16x128xf32, #tpu.memory_space<vmem>>
        %dma_start3A_866 = tpu.memref_squeeze %dma_start3A_865 : memref<1x16x128xf32, #tpu.memory_space<vmem>> -> memref<16x128xf32, #tpu.memory_space<vmem>>
        %dma_start3A_867 = arith.constant 0 : i32
        %dma_start3A_868 = tpu.memref_slice %arg19[%and3A_836, %dma_start3A_867] : memref<2x16xi32, #tpu.memory_space<vmem>> -> memref<1x16xi32, #tpu.memory_space<vmem>>
        %dma_start3A_869 = tpu.memref_squeeze %dma_start3A_868 : memref<1x16xi32, #tpu.memory_space<vmem>> -> memref<16xi32, #tpu.memory_space<vmem>>
        %dma_start3A_870 = arith.constant 0 : i32
        %dma_start3A_871 = arith.constant 0 : i32
        %dma_start3A_872 = tpu.memref_slice %arg4[%dma_start3A_870, %dma_start3A_871] : memref<204800x128xf32, #tpu.memory_space<hbm>> -> memref<204800x128xf32, #tpu.memory_space<hbm>>
        tpu.enqueue_indirect_dma source(%dma_start3A_866 : memref<16x128xf32, #tpu.memory_space<vmem>>) target(%dma_start3A_872 : memref<204800x128xf32, #tpu.memory_space<hbm>>) offsets(%dma_start3A_869 : memref<16xi32, #tpu.memory_space<vmem>>) semaphore(%arg22 : memref<!tpu.dma_semaphore, #tpu.memory_space<semaphore_mem>>)
        %add3A_873 = arith.constant 1 : i32
        %add3A_874 = arith.addi %while3A_834, %add3A_873 : i32
        scf.yield %add3A_874 : i32
      }
      scf.yield %while3A_832 : i32
    }
    %scan3A_705 = arith.constant 61 : i32
    %run_scoped3A = arith.constant 0 : i32
    "tpu.region"() ({
      %run_scoped3A_761 = tpu.sem_alloc : memref<!tpu.dma_semaphore, #tpu.memory_space<semaphore_mem>>
      %dma_start3A_762 = arith.constant 0 : i32
      %dma_start3A_763 = arith.constant 0 : i32
      %dma_start3A_764 = tpu.memref_slice %arg16[%run_scoped3A, %dma_start3A_762, %dma_start3A_763] : memref<2x64x512xf32, #tpu.memory_space<vmem>> -> memref<1x64x512xf32, #tpu.memory_space<vmem>>
      %dma_start3A_765 = tpu.memref_squeeze %dma_start3A_764 : memref<1x64x512xf32, #tpu.memory_space<vmem>> -> memref<64x512xf32, #tpu.memory_space<vmem>>
      %dma_start3A_766 = arith.constant 0 : i32
      %dma_start3A_767 = arith.constant 999424 : i32
      %dma_start3A_768 = tpu.memref_slice %arg2[%dma_start3A_766, %dma_start3A_767] : memref<64x1000000xf32, #tpu.memory_space<hbm>> -> memref<64x512xf32, #tpu.memory_space<hbm>>
      %dma_start3A_769 = arith.constant 0 : i32
      %dma_start3A_770 = arith.constant 0 : i32
      %dma_start3A_771 = tpu.memref_slice %arg16[%run_scoped3A, %dma_start3A_769, %dma_start3A_770] : memref<2x64x512xf32, #tpu.memory_space<vmem>> -> memref<1x64x512xf32, #tpu.memory_space<vmem>>
      %dma_start3A_772 = tpu.memref_squeeze %dma_start3A_771 : memref<1x64x512xf32, #tpu.memory_space<vmem>> -> memref<64x512xf32, #tpu.memory_space<vmem>>
      %dma_start3A_773 = arith.constant 0 : i32
      %dma_start3A_774 = arith.constant 999424 : i32
      %dma_start3A_775 = tpu.memref_slice %arg2[%dma_start3A_773, %dma_start3A_774] : memref<64x1000000xf32, #tpu.memory_space<hbm>> -> memref<64x512xf32, #tpu.memory_space<hbm>>
      tpu.enqueue_dma source(%dma_start3A_775 : memref<64x512xf32, #tpu.memory_space<hbm>>) target(%dma_start3A_772 : memref<64x512xf32, #tpu.memory_space<vmem>>) target_semaphore(%run_scoped3A_761 : memref<!tpu.dma_semaphore, #tpu.memory_space<semaphore_mem>>)
      %dma_wait3A = arith.constant 0 : i32
      %dma_wait3A_776 = arith.constant 0 : i32
      %dma_wait3A_777 = tpu.memref_slice %arg16[%run_scoped3A, %dma_wait3A, %dma_wait3A_776] : memref<2x64x512xf32, #tpu.memory_space<vmem>> -> memref<1x64x512xf32, #tpu.memory_space<vmem>>
      %dma_wait3A_778 = tpu.memref_squeeze %dma_wait3A_777 : memref<1x64x512xf32, #tpu.memory_space<vmem>> -> memref<64x512xf32, #tpu.memory_space<vmem>>
      %dma_wait3A_779 = arith.constant 0 : i32
      %dma_wait3A_780 = arith.constant 999424 : i32
      %dma_wait3A_781 = tpu.memref_slice %arg2[%dma_wait3A_779, %dma_wait3A_780] : memref<64x1000000xf32, #tpu.memory_space<hbm>> -> memref<64x512xf32, #tpu.memory_space<hbm>>
      %dma_wait3A_782 = arith.constant 0 : i32
      %dma_wait3A_783 = arith.constant 0 : i32
      %dma_wait3A_784 = tpu.memref_slice %arg16[%run_scoped3A, %dma_wait3A_782, %dma_wait3A_783] : memref<2x64x512xf32, #tpu.memory_space<vmem>> -> memref<1x64x512xf32, #tpu.memory_space<vmem>>
      %dma_wait3A_785 = tpu.memref_squeeze %dma_wait3A_784 : memref<1x64x512xf32, #tpu.memory_space<vmem>> -> memref<64x512xf32, #tpu.memory_space<vmem>>
      %dma_wait3A_786 = arith.constant 0 : i32
      %dma_wait3A_787 = arith.constant 999424 : i32
      %dma_wait3A_788 = tpu.memref_slice %arg2[%dma_wait3A_786, %dma_wait3A_787] : memref<64x1000000xf32, #tpu.memory_space<hbm>> -> memref<64x512xf32, #tpu.memory_space<hbm>>
      tpu.wait_dma2 semaphore(%run_scoped3A_761 : memref<!tpu.dma_semaphore, #tpu.memory_space<semaphore_mem>>) src(%dma_wait3A_788 : memref<64x512xf32, #tpu.memory_space<hbm>>) dst(%dma_wait3A_785 : memref<64x512xf32, #tpu.memory_space<vmem>>)
      tpu.yield
    }) : () -> ()
    "tpu.region"() ({
      %run_scoped3A_761 = tpu.sem_alloc : memref<!tpu.dma_semaphore, #tpu.memory_space<semaphore_mem>>
      %dma_start3A_762 = arith.constant 0 : i32
      %dma_start3A_763 = arith.constant 999936 : i32
      %dma_start3A_764 = tpu.memref_slice %arg2[%dma_start3A_762, %dma_start3A_763] : memref<64x1000000xf32, #tpu.memory_space<hbm>> -> memref<64x64xf32, #tpu.memory_space<hbm>>
      %dma_start3A_765 = arith.constant 0 : i32
      %dma_start3A_766 = arith.constant 999936 : i32
      %dma_start3A_767 = tpu.memref_slice %arg2[%dma_start3A_765, %dma_start3A_766] : memref<64x1000000xf32, #tpu.memory_space<hbm>> -> memref<64x64xf32, #tpu.memory_space<hbm>>
      tpu.enqueue_dma source(%dma_start3A_767 : memref<64x64xf32, #tpu.memory_space<hbm>>) target(%arg17 : memref<64x64xf32, #tpu.memory_space<vmem>>) target_semaphore(%run_scoped3A_761 : memref<!tpu.dma_semaphore, #tpu.memory_space<semaphore_mem>>)
      %dma_wait3A = arith.constant 0 : i32
      %dma_wait3A_768 = arith.constant 999936 : i32
      %dma_wait3A_769 = tpu.memref_slice %arg2[%dma_wait3A, %dma_wait3A_768] : memref<64x1000000xf32, #tpu.memory_space<hbm>> -> memref<64x64xf32, #tpu.memory_space<hbm>>
      %dma_wait3A_770 = arith.constant 0 : i32
      %dma_wait3A_771 = arith.constant 999936 : i32
      %dma_wait3A_772 = tpu.memref_slice %arg2[%dma_wait3A_770, %dma_wait3A_771] : memref<64x1000000xf32, #tpu.memory_space<hbm>> -> memref<64x64xf32, #tpu.memory_space<hbm>>
      tpu.wait_dma2 semaphore(%run_scoped3A_761 : memref<!tpu.dma_semaphore, #tpu.memory_space<semaphore_mem>>) src(%dma_wait3A_772 : memref<64x64xf32, #tpu.memory_space<hbm>>) dst(%arg17 : memref<64x64xf32, #tpu.memory_space<vmem>>)
      tpu.yield
    }) : () -> ()
    %broadcast_in_dim3A_706 = arith.constant 976 : i32
    %broadcast_in_dim3A_707 = vector.broadcast %broadcast_in_dim3A_706 : i32 to vector<16xi32>
    %gather3A_708 = tpu.vector_load_idx %arg15[%broadcast_in_dim3A_707] : memref<1024xi32, #tpu.memory_space<vmem>>[vector<16xi32>], vector<16xi32>,
    %reduce_max3A = arith.constant true
    %reduce_max3A_709 = vector.broadcast %reduce_max3A : i1 to vector<16xi1>
    %reduce_max3A_710 = arith.constant -2147483648 : i32
    %reduce_max3A_711 = vector.broadcast %reduce_max3A_710 : i32 to vector<16xi32>
    %reduce_max3A_712 = arith.xori %gather3A_708, %reduce_max3A_711 : vector<16xi32>
    %reduce_max3A_713 = tpu.scan <max>, %reduce_max3A_712 masked %reduce_max3A_709 : vector<16xi32>, vector<16xi1> -> vector<16xi32>
    %reduce_max3A_714 = arith.xori %reduce_max3A_713, %reduce_max3A_711 : vector<16xi32>
    %reduce_max3A_715 = vector.extract %reduce_max3A_714[15] : i32 from vector<16xi32>
    %min3A_716 = arith.constant 7424 : i32
    %min3A_717 = arith.minsi %reduce_max3A_715, %min3A_716 : i32
    %broadcast_in_dim3A_718 = arith.constant 992 : i32
    %broadcast_in_dim3A_719 = vector.broadcast %broadcast_in_dim3A_718 : i32 to vector<16xi32>
    %gather3A_720 = tpu.vector_load_idx %arg15[%broadcast_in_dim3A_719] : memref<1024xi32, #tpu.memory_space<vmem>>[vector<16xi32>], vector<16xi32>,
    %reduce_max3A_721 = arith.constant true
    %reduce_max3A_722 = vector.broadcast %reduce_max3A_721 : i1 to vector<16xi1>
    %reduce_max3A_723 = arith.constant -2147483648 : i32
    %reduce_max3A_724 = vector.broadcast %reduce_max3A_723 : i32 to vector<16xi32>
    %reduce_max3A_725 = arith.xori %gather3A_720, %reduce_max3A_724 : vector<16xi32>
    %reduce_max3A_726 = tpu.scan <max>, %reduce_max3A_725 masked %reduce_max3A_722 : vector<16xi32>, vector<16xi1> -> vector<16xi32>
    %reduce_max3A_727 = arith.xori %reduce_max3A_726, %reduce_max3A_724 : vector<16xi32>
    %reduce_max3A_728 = vector.extract %reduce_max3A_727[15] : i32 from vector<16xi32>
    %min3A_729 = arith.constant 7424 : i32
    %min3A_730 = arith.minsi %reduce_max3A_728, %min3A_729 : i32
    %sub3A_731 = arith.subi %min3A_730, %min3A_717 : i32
    %max3A_732 = arith.constant 0 : i32
    %max3A_733 = arith.maxsi %sub3A_731, %max3A_732 : i32
    %add3A_734 = arith.constant 16 : i32
    %add3A_735 = arith.addi %max3A_733, %add3A_734 : i32
    %sub3A_736 = arith.constant 1 : i32
    %sub3A_737 = arith.subi %add3A_735, %sub3A_736 : i32
    %shift_right_arithmetic3A = arith.constant 4 : i32
    %shift_right_arithmetic3A_738 = arith.shrsi %sub3A_737, %shift_right_arithmetic3A : i32
    %while3A = arith.constant 0 : i32
    %while3A_739 = arith.subi %shift_right_arithmetic3A_738, %while3A : i32
    %while3A_740 = arith.addi %while3A, %while3A_739 : i32
    %while3A_741 = arith.constant 1 : i32
    %while3A_742 = arith.divsi %while3A_739, %while3A_741 : i32
    %while3A_743 = arith.muli %while3A_742, %while3A_741 : i32
    %while3A_744 = arith.addi %while3A, %while3A_743 : i32
    %while3A_745 = arith.constant 1 : i32
    %while3A_746 = scf.for %while3A_761 = %while3A to %while3A_744 step %while3A_745 iter_args(%while3A_762 = %scan3A_704) -> (i32)  : i32 {
      %and3A = arith.constant 1 : i32
      %and3A_763 = arith.andi %while3A_762, %and3A : i32
      %ge3A = arith.constant 2 : i32
      %ge3A_764 = arith.cmpi sge, %while3A_762, %ge3A : i32
      %convert_element_type3A = arith.extui %ge3A_764 : i1 to i32
      %cond3A = arith.constant 0 : i32
      %cond3A_765 = arith.cmpi ne, %convert_element_type3A, %cond3A : i32
      scf.if %cond3A_765 {
        %dma_wait3A = arith.constant 0 : i32
        %dma_wait3A_800 = arith.constant 0 : i32
        %dma_wait3A_801 = arith.constant 0 : i32
        %dma_wait3A_802 = tpu.memref_slice %arg18[%dma_wait3A, %dma_wait3A_800, %dma_wait3A_801] : memref<2x16x128xf32, #tpu.memory_space<vmem>> -> memref<1x16x128xf32, #tpu.memory_space<vmem>>
        %dma_wait3A_803 = tpu.memref_squeeze %dma_wait3A_802 : memref<1x16x128xf32, #tpu.memory_space<vmem>> -> memref<16x128xf32, #tpu.memory_space<vmem>>
        %dma_wait3A_804 = arith.constant 0 : i32
        %dma_wait3A_805 = arith.constant 0 : i32
        %dma_wait3A_806 = tpu.memref_slice %arg4[%dma_wait3A_804, %dma_wait3A_805] : memref<204800x128xf32, #tpu.memory_space<hbm>> -> memref<16x128xf32, #tpu.memory_space<hbm>>
        %dma_wait3A_807 = arith.constant 0 : i32
        %dma_wait3A_808 = arith.constant 0 : i32
        %dma_wait3A_809 = tpu.memref_slice %arg18[%dma_wait3A, %dma_wait3A_807, %dma_wait3A_808] : memref<2x16x128xf32, #tpu.memory_space<vmem>> -> memref<1x16x128xf32, #tpu.memory_space<vmem>>
        %dma_wait3A_810 = tpu.memref_squeeze %dma_wait3A_809 : memref<1x16x128xf32, #tpu.memory_space<vmem>> -> memref<16x128xf32, #tpu.memory_space<vmem>>
        %dma_wait3A_811 = arith.constant 0 : i32
        %dma_wait3A_812 = arith.constant 0 : i32
        %dma_wait3A_813 = tpu.memref_slice %arg4[%dma_wait3A_811, %dma_wait3A_812] : memref<204800x128xf32, #tpu.memory_space<hbm>> -> memref<16x128xf32, #tpu.memory_space<hbm>>
        tpu.wait_dma2 semaphore(%arg22 : memref<!tpu.dma_semaphore, #tpu.memory_space<semaphore_mem>>) src(%dma_wait3A_813 : memref<16x128xf32, #tpu.memory_space<hbm>>) dst(%dma_wait3A_810 : memref<16x128xf32, #tpu.memory_space<vmem>>)
      } else {
      }
      %mul3A_766 = arith.constant 16 : i32
      %mul3A_767 = arith.muli %while3A_761, %mul3A_766 : i32
      %add3A_768 = arith.addi %min3A_717, %mul3A_767 : i32
      %add3A_769 = arith.constant 0 : i32
      %add3A_770 = arith.addi %add3A_768, %add3A_769 : i32
      %get3A = arith.index_cast %add3A_770 : i32 to index
      %get3A_771 = tpu.vector_load %arg12[%get3A] {strides = array<i32>} : memref<7520xi32, #tpu.memory_space<vmem>>, vector<16xi32>,
      %get3A_772 = arith.index_cast %add3A_770 : i32 to index
      %get3A_773 = tpu.vector_load %arg13[%get3A_772] {strides = array<i32>} : memref<7520xi32, #tpu.memory_space<vmem>>, vector<16xi32>,
      %swap3A_774 = arith.constant 0 : i32
      %swap3A_775 = tpu.memref_slice %arg19[%and3A_763, %swap3A_774] : memref<2x16xi32, #tpu.memory_space<vmem>> -> memref<1x16xi32, #tpu.memory_space<vmem>>
      %swap3A_776 = tpu.memref_squeeze %swap3A_775 : memref<1x16xi32, #tpu.memory_space<vmem>> -> memref<16xi32, #tpu.memory_space<vmem>>
      %swap3A_777 = arith.constant 0 : index
      %swap3A_778 = tpu.vector_load %swap3A_776[%swap3A_777] {strides = array<i32>} : memref<16xi32, #tpu.memory_space<vmem>>, vector<16xi32>,
      tpu.vector_store %swap3A_776[%swap3A_777], %get3A_773 {strides = array<i32>} : memref<16xi32, #tpu.memory_space<vmem>>, vector<16xi32>,
      %add3A_779 = arith.constant 0 : i32
      %add3A_780 = vector.broadcast %add3A_779 : i32 to vector<16xi32>
      %add3A_781 = arith.addi %add3A_780, %iota3A : vector<16xi32>
      %scan3A_782 = arith.constant 0 : i32
      %scan3A_783 = arith.constant 0 : i32
      %scan3A_784 = arith.constant 8 : i32
      %scan3A_785 = arith.addi %scan3A_783, %scan3A_784 : i32
      %scan3A_786 = arith.constant 1 : i32
      scf.for %scan3A_800 = %scan3A_783 to %scan3A_785 step %scan3A_786  : i32 {
        %mul3A_801 = arith.constant 8 : i32
        %mul3A_802 = arith.muli %scan3A_800, %mul3A_801 : i32
        %add3A_803 = arith.constant 0 : i32
        %add3A_804 = arith.addi %mul3A_802, %add3A_803 : i32
        %broadcast_in_dim3A_805 = vector.broadcast %add3A_804 : i32 to vector<16xi32>
        %sub3A_806 = arith.constant 999424 : i32
        %sub3A_807 = vector.broadcast %sub3A_806 : i32 to vector<16xi32>
        %sub3A_808 = arith.subi %get3A_771, %sub3A_807 : vector<16xi32>
        %min3A_809 = arith.constant 511 : i32
        %min3A_810 = vector.broadcast %min3A_809 : i32 to vector<16xi32>
        %min3A_811 = arith.minsi %sub3A_808, %min3A_810 : vector<16xi32>
        %gather3A_812 = arith.constant 0 : i32
        %gather3A_813 = arith.constant 0 : i32
        %gather3A_814 = arith.constant 0 : i32
        %gather3A_815 = tpu.memref_slice %arg16[%gather3A_812, %gather3A_813, %gather3A_814] : memref<2x64x512xf32, #tpu.memory_space<vmem>> -> memref<1x64x512xf32, #tpu.memory_space<vmem>>
        %gather3A_816 = tpu.memref_squeeze %gather3A_815 : memref<1x64x512xf32, #tpu.memory_space<vmem>> -> memref<64x512xf32, #tpu.memory_space<vmem>>
        %gather3A_817 = tpu.vector_load_idx %gather3A_816[%broadcast_in_dim3A_805, %min3A_811] : memref<64x512xf32, #tpu.memory_space<vmem>>[vector<16xi32>, vector<16xi32>], vector<16xf32>,
        %sub3A_818 = arith.constant 512 : i32
        %sub3A_819 = vector.broadcast %sub3A_818 : i32 to vector<16xi32>
        %sub3A_820 = arith.subi %sub3A_808, %sub3A_819 : vector<16xi32>
        %jit3A = arith.constant 0 : i32
        %jit3A_821 = arith.constant 63 : i32
        %max3A_822 = vector.broadcast %jit3A : i32 to vector<16xi32>
        %max3A_823 = arith.maxsi %max3A_822, %sub3A_820 : vector<16xi32>
        %min3A_824 = vector.broadcast %jit3A_821 : i32 to vector<16xi32>
        %min3A_825 = arith.minsi %min3A_824, %max3A_823 : vector<16xi32>
        %gather3A_826 = tpu.vector_load_idx %arg17[%broadcast_in_dim3A_805, %min3A_825] : memref<64x64xf32, #tpu.memory_space<vmem>>[vector<16xi32>, vector<16xi32>], vector<16xf32>,
        %lt3A = arith.constant 512 : i32
        %lt3A_827 = vector.broadcast %lt3A : i32 to vector<16xi32>
        %lt3A_828 = arith.cmpi slt, %sub3A_808, %lt3A_827 : vector<16xi32>
        %select_n3A = arith.select %lt3A_828, %gather3A_817, %gather3A_826 : vector<16xi1>, vector<16xf32>
        %scatter3A = arith.constant 0 : i32
        %scatter3A_829 = arith.constant 0 : i32
        %scatter3A_830 = tpu.memref_slice %arg18[%and3A_763, %scatter3A, %scatter3A_829] : memref<2x16x128xf32, #tpu.memory_space<vmem>> -> memref<1x16x128xf32, #tpu.memory_space<vmem>>
        %scatter3A_831 = tpu.memref_squeeze %scatter3A_830 : memref<1x16x128xf32, #tpu.memory_space<vmem>> -> memref<16x128xf32, #tpu.memory_space<vmem>>
        tpu.vector_store_idx %scatter3A_831[%add3A_781, %broadcast_in_dim3A_805], %select_n3A : memref<16x128xf32, #tpu.memory_space<vmem>>[vector<16xi32>, vector<16xi32>], vector<16xf32>,
        %mul3A_832 = arith.constant 8 : i32
        %mul3A_833 = arith.muli %scan3A_800, %mul3A_832 : i32
        %add3A_834 = arith.constant 1 : i32
        %add3A_835 = arith.addi %mul3A_833, %add3A_834 : i32
        %broadcast_in_dim3A_836 = vector.broadcast %add3A_835 : i32 to vector<16xi32>
        %sub3A_837 = arith.constant 999424 : i32
        %sub3A_838 = vector.broadcast %sub3A_837 : i32 to vector<16xi32>
        %sub3A_839 = arith.subi %get3A_771, %sub3A_838 : vector<16xi32>
        %min3A_840 = arith.constant 511 : i32
        %min3A_841 = vector.broadcast %min3A_840 : i32 to vector<16xi32>
        %min3A_842 = arith.minsi %sub3A_839, %min3A_841 : vector<16xi32>
        %gather3A_843 = arith.constant 0 : i32
        %gather3A_844 = arith.constant 0 : i32
        %gather3A_845 = arith.constant 0 : i32
        %gather3A_846 = tpu.memref_slice %arg16[%gather3A_843, %gather3A_844, %gather3A_845] : memref<2x64x512xf32, #tpu.memory_space<vmem>> -> memref<1x64x512xf32, #tpu.memory_space<vmem>>
        %gather3A_847 = tpu.memref_squeeze %gather3A_846 : memref<1x64x512xf32, #tpu.memory_space<vmem>> -> memref<64x512xf32, #tpu.memory_space<vmem>>
        %gather3A_848 = tpu.vector_load_idx %gather3A_847[%broadcast_in_dim3A_836, %min3A_842] : memref<64x512xf32, #tpu.memory_space<vmem>>[vector<16xi32>, vector<16xi32>], vector<16xf32>,
        %sub3A_849 = arith.constant 512 : i32
        %sub3A_850 = vector.broadcast %sub3A_849 : i32 to vector<16xi32>
        %sub3A_851 = arith.subi %sub3A_839, %sub3A_850 : vector<16xi32>
        %jit3A_852 = arith.constant 0 : i32
        %jit3A_853 = arith.constant 63 : i32
        %max3A_854 = vector.broadcast %jit3A_852 : i32 to vector<16xi32>
        %max3A_855 = arith.maxsi %max3A_854, %sub3A_851 : vector<16xi32>
        %min3A_856 = vector.broadcast %jit3A_853 : i32 to vector<16xi32>
        %min3A_857 = arith.minsi %min3A_856, %max3A_855 : vector<16xi32>
        %gather3A_858 = tpu.vector_load_idx %arg17[%broadcast_in_dim3A_836, %min3A_857] : memref<64x64xf32, #tpu.memory_space<vmem>>[vector<16xi32>, vector<16xi32>], vector<16xf32>,
        %lt3A_859 = arith.constant 512 : i32
        %lt3A_860 = vector.broadcast %lt3A_859 : i32 to vector<16xi32>
        %lt3A_861 = arith.cmpi slt, %sub3A_839, %lt3A_860 : vector<16xi32>
        %select_n3A_862 = arith.select %lt3A_861, %gather3A_848, %gather3A_858 : vector<16xi1>, vector<16xf32>
        %scatter3A_863 = arith.constant 0 : i32
        %scatter3A_864 = arith.constant 0 : i32
        %scatter3A_865 = tpu.memref_slice %arg18[%and3A_763, %scatter3A_863, %scatter3A_864] : memref<2x16x128xf32, #tpu.memory_space<vmem>> -> memref<1x16x128xf32, #tpu.memory_space<vmem>>
        %scatter3A_866 = tpu.memref_squeeze %scatter3A_865 : memref<1x16x128xf32, #tpu.memory_space<vmem>> -> memref<16x128xf32, #tpu.memory_space<vmem>>
        tpu.vector_store_idx %scatter3A_866[%add3A_781, %broadcast_in_dim3A_836], %select_n3A_862 : memref<16x128xf32, #tpu.memory_space<vmem>>[vector<16xi32>, vector<16xi32>], vector<16xf32>,
        %mul3A_867 = arith.constant 8 : i32
        %mul3A_868 = arith.muli %scan3A_800, %mul3A_867 : i32
        %add3A_869 = arith.constant 2 : i32
        %add3A_870 = arith.addi %mul3A_868, %add3A_869 : i32
        %broadcast_in_dim3A_871 = vector.broadcast %add3A_870 : i32 to vector<16xi32>
        %sub3A_872 = arith.constant 999424 : i32
        %sub3A_873 = vector.broadcast %sub3A_872 : i32 to vector<16xi32>
        %sub3A_874 = arith.subi %get3A_771, %sub3A_873 : vector<16xi32>
        %min3A_875 = arith.constant 511 : i32
        %min3A_876 = vector.broadcast %min3A_875 : i32 to vector<16xi32>
        %min3A_877 = arith.minsi %sub3A_874, %min3A_876 : vector<16xi32>
        %gather3A_878 = arith.constant 0 : i32
        %gather3A_879 = arith.constant 0 : i32
        %gather3A_880 = arith.constant 0 : i32
        %gather3A_881 = tpu.memref_slice %arg16[%gather3A_878, %gather3A_879, %gather3A_880] : memref<2x64x512xf32, #tpu.memory_space<vmem>> -> memref<1x64x512xf32, #tpu.memory_space<vmem>>
        %gather3A_882 = tpu.memref_squeeze %gather3A_881 : memref<1x64x512xf32, #tpu.memory_space<vmem>> -> memref<64x512xf32, #tpu.memory_space<vmem>>
        %gather3A_883 = tpu.vector_load_idx %gather3A_882[%broadcast_in_dim3A_871, %min3A_877] : memref<64x512xf32, #tpu.memory_space<vmem>>[vector<16xi32>, vector<16xi32>], vector<16xf32>,
        %sub3A_884 = arith.constant 512 : i32
        %sub3A_885 = vector.broadcast %sub3A_884 : i32 to vector<16xi32>
        %sub3A_886 = arith.subi %sub3A_874, %sub3A_885 : vector<16xi32>
        %jit3A_887 = arith.constant 0 : i32
        %jit3A_888 = arith.constant 63 : i32
        %max3A_889 = vector.broadcast %jit3A_887 : i32 to vector<16xi32>
        %max3A_890 = arith.maxsi %max3A_889, %sub3A_886 : vector<16xi32>
        %min3A_891 = vector.broadcast %jit3A_888 : i32 to vector<16xi32>
        %min3A_892 = arith.minsi %min3A_891, %max3A_890 : vector<16xi32>
        %gather3A_893 = tpu.vector_load_idx %arg17[%broadcast_in_dim3A_871, %min3A_892] : memref<64x64xf32, #tpu.memory_space<vmem>>[vector<16xi32>, vector<16xi32>], vector<16xf32>,
        %lt3A_894 = arith.constant 512 : i32
        %lt3A_895 = vector.broadcast %lt3A_894 : i32 to vector<16xi32>
        %lt3A_896 = arith.cmpi slt, %sub3A_874, %lt3A_895 : vector<16xi32>
        %select_n3A_897 = arith.select %lt3A_896, %gather3A_883, %gather3A_893 : vector<16xi1>, vector<16xf32>
        %scatter3A_898 = arith.constant 0 : i32
        %scatter3A_899 = arith.constant 0 : i32
        %scatter3A_900 = tpu.memref_slice %arg18[%and3A_763, %scatter3A_898, %scatter3A_899] : memref<2x16x128xf32, #tpu.memory_space<vmem>> -> memref<1x16x128xf32, #tpu.memory_space<vmem>>
        %scatter3A_901 = tpu.memref_squeeze %scatter3A_900 : memref<1x16x128xf32, #tpu.memory_space<vmem>> -> memref<16x128xf32, #tpu.memory_space<vmem>>
        tpu.vector_store_idx %scatter3A_901[%add3A_781, %broadcast_in_dim3A_871], %select_n3A_897 : memref<16x128xf32, #tpu.memory_space<vmem>>[vector<16xi32>, vector<16xi32>], vector<16xf32>,
        %mul3A_902 = arith.constant 8 : i32
        %mul3A_903 = arith.muli %scan3A_800, %mul3A_902 : i32
        %add3A_904 = arith.constant 3 : i32
        %add3A_905 = arith.addi %mul3A_903, %add3A_904 : i32
        %broadcast_in_dim3A_906 = vector.broadcast %add3A_905 : i32 to vector<16xi32>
        %sub3A_907 = arith.constant 999424 : i32
        %sub3A_908 = vector.broadcast %sub3A_907 : i32 to vector<16xi32>
        %sub3A_909 = arith.subi %get3A_771, %sub3A_908 : vector<16xi32>
        %min3A_910 = arith.constant 511 : i32
        %min3A_911 = vector.broadcast %min3A_910 : i32 to vector<16xi32>
        %min3A_912 = arith.minsi %sub3A_909, %min3A_911 : vector<16xi32>
        %gather3A_913 = arith.constant 0 : i32
        %gather3A_914 = arith.constant 0 : i32
        %gather3A_915 = arith.constant 0 : i32
        %gather3A_916 = tpu.memref_slice %arg16[%gather3A_913, %gather3A_914, %gather3A_915] : memref<2x64x512xf32, #tpu.memory_space<vmem>> -> memref<1x64x512xf32, #tpu.memory_space<vmem>>
        %gather3A_917 = tpu.memref_squeeze %gather3A_916 : memref<1x64x512xf32, #tpu.memory_space<vmem>> -> memref<64x512xf32, #tpu.memory_space<vmem>>
        %gather3A_918 = tpu.vector_load_idx %gather3A_917[%broadcast_in_dim3A_906, %min3A_912] : memref<64x512xf32, #tpu.memory_space<vmem>>[vector<16xi32>, vector<16xi32>], vector<16xf32>,
        %sub3A_919 = arith.constant 512 : i32
        %sub3A_920 = vector.broadcast %sub3A_919 : i32 to vector<16xi32>
        %sub3A_921 = arith.subi %sub3A_909, %sub3A_920 : vector<16xi32>
        %jit3A_922 = arith.constant 0 : i32
        %jit3A_923 = arith.constant 63 : i32
        %max3A_924 = vector.broadcast %jit3A_922 : i32 to vector<16xi32>
        %max3A_925 = arith.maxsi %max3A_924, %sub3A_921 : vector<16xi32>
        %min3A_926 = vector.broadcast %jit3A_923 : i32 to vector<16xi32>
        %min3A_927 = arith.minsi %min3A_926, %max3A_925 : vector<16xi32>
        %gather3A_928 = tpu.vector_load_idx %arg17[%broadcast_in_dim3A_906, %min3A_927] : memref<64x64xf32, #tpu.memory_space<vmem>>[vector<16xi32>, vector<16xi32>], vector<16xf32>,
        %lt3A_929 = arith.constant 512 : i32
        %lt3A_930 = vector.broadcast %lt3A_929 : i32 to vector<16xi32>
        %lt3A_931 = arith.cmpi slt, %sub3A_909, %lt3A_930 : vector<16xi32>
        %select_n3A_932 = arith.select %lt3A_931, %gather3A_918, %gather3A_928 : vector<16xi1>, vector<16xf32>
        %scatter3A_933 = arith.constant 0 : i32
        %scatter3A_934 = arith.constant 0 : i32
        %scatter3A_935 = tpu.memref_slice %arg18[%and3A_763, %scatter3A_933, %scatter3A_934] : memref<2x16x128xf32, #tpu.memory_space<vmem>> -> memref<1x16x128xf32, #tpu.memory_space<vmem>>
        %scatter3A_936 = tpu.memref_squeeze %scatter3A_935 : memref<1x16x128xf32, #tpu.memory_space<vmem>> -> memref<16x128xf32, #tpu.memory_space<vmem>>
        tpu.vector_store_idx %scatter3A_936[%add3A_781, %broadcast_in_dim3A_906], %select_n3A_932 : memref<16x128xf32, #tpu.memory_space<vmem>>[vector<16xi32>, vector<16xi32>], vector<16xf32>,
        %mul3A_937 = arith.constant 8 : i32
        %mul3A_938 = arith.muli %scan3A_800, %mul3A_937 : i32
        %add3A_939 = arith.constant 4 : i32
        %add3A_940 = arith.addi %mul3A_938, %add3A_939 : i32
        %broadcast_in_dim3A_941 = vector.broadcast %add3A_940 : i32 to vector<16xi32>
        %sub3A_942 = arith.constant 999424 : i32
        %sub3A_943 = vector.broadcast %sub3A_942 : i32 to vector<16xi32>
        %sub3A_944 = arith.subi %get3A_771, %sub3A_943 : vector<16xi32>
        %min3A_945 = arith.constant 511 : i32
        %min3A_946 = vector.broadcast %min3A_945 : i32 to vector<16xi32>
        %min3A_947 = arith.minsi %sub3A_944, %min3A_946 : vector<16xi32>
        %gather3A_948 = arith.constant 0 : i32
        %gather3A_949 = arith.constant 0 : i32
        %gather3A_950 = arith.constant 0 : i32
        %gather3A_951 = tpu.memref_slice %arg16[%gather3A_948, %gather3A_949, %gather3A_950] : memref<2x64x512xf32, #tpu.memory_space<vmem>> -> memref<1x64x512xf32, #tpu.memory_space<vmem>>
        %gather3A_952 = tpu.memref_squeeze %gather3A_951 : memref<1x64x512xf32, #tpu.memory_space<vmem>> -> memref<64x512xf32, #tpu.memory_space<vmem>>
        %gather3A_953 = tpu.vector_load_idx %gather3A_952[%broadcast_in_dim3A_941, %min3A_947] : memref<64x512xf32, #tpu.memory_space<vmem>>[vector<16xi32>, vector<16xi32>], vector<16xf32>,
        %sub3A_954 = arith.constant 512 : i32
        %sub3A_955 = vector.broadcast %sub3A_954 : i32 to vector<16xi32>
        %sub3A_956 = arith.subi %sub3A_944, %sub3A_955 : vector<16xi32>
        %jit3A_957 = arith.constant 0 : i32
        %jit3A_958 = arith.constant 63 : i32
        %max3A_959 = vector.broadcast %jit3A_957 : i32 to vector<16xi32>
        %max3A_960 = arith.maxsi %max3A_959, %sub3A_956 : vector<16xi32>
        %min3A_961 = vector.broadcast %jit3A_958 : i32 to vector<16xi32>
        %min3A_962 = arith.minsi %min3A_961, %max3A_960 : vector<16xi32>
        %gather3A_963 = tpu.vector_load_idx %arg17[%broadcast_in_dim3A_941, %min3A_962] : memref<64x64xf32, #tpu.memory_space<vmem>>[vector<16xi32>, vector<16xi32>], vector<16xf32>,
        %lt3A_964 = arith.constant 512 : i32
        %lt3A_965 = vector.broadcast %lt3A_964 : i32 to vector<16xi32>
        %lt3A_966 = arith.cmpi slt, %sub3A_944, %lt3A_965 : vector<16xi32>
        %select_n3A_967 = arith.select %lt3A_966, %gather3A_953, %gather3A_963 : vector<16xi1>, vector<16xf32>
        %scatter3A_968 = arith.constant 0 : i32
        %scatter3A_969 = arith.constant 0 : i32
        %scatter3A_970 = tpu.memref_slice %arg18[%and3A_763, %scatter3A_968, %scatter3A_969] : memref<2x16x128xf32, #tpu.memory_space<vmem>> -> memref<1x16x128xf32, #tpu.memory_space<vmem>>
        %scatter3A_971 = tpu.memref_squeeze %scatter3A_970 : memref<1x16x128xf32, #tpu.memory_space<vmem>> -> memref<16x128xf32, #tpu.memory_space<vmem>>
        tpu.vector_store_idx %scatter3A_971[%add3A_781, %broadcast_in_dim3A_941], %select_n3A_967 : memref<16x128xf32, #tpu.memory_space<vmem>>[vector<16xi32>, vector<16xi32>], vector<16xf32>,
        %mul3A_972 = arith.constant 8 : i32
        %mul3A_973 = arith.muli %scan3A_800, %mul3A_972 : i32
        %add3A_974 = arith.constant 5 : i32
        %add3A_975 = arith.addi %mul3A_973, %add3A_974 : i32
        %broadcast_in_dim3A_976 = vector.broadcast %add3A_975 : i32 to vector<16xi32>
        %sub3A_977 = arith.constant 999424 : i32
        %sub3A_978 = vector.broadcast %sub3A_977 : i32 to vector<16xi32>
        %sub3A_979 = arith.subi %get3A_771, %sub3A_978 : vector<16xi32>
        %min3A_980 = arith.constant 511 : i32
        %min3A_981 = vector.broadcast %min3A_980 : i32 to vector<16xi32>
        %min3A_982 = arith.minsi %sub3A_979, %min3A_981 : vector<16xi32>
        %gather3A_983 = arith.constant 0 : i32
        %gather3A_984 = arith.constant 0 : i32
        %gather3A_985 = arith.constant 0 : i32
        %gather3A_986 = tpu.memref_slice %arg16[%gather3A_983, %gather3A_984, %gather3A_985] : memref<2x64x512xf32, #tpu.memory_space<vmem>> -> memref<1x64x512xf32, #tpu.memory_space<vmem>>
        %gather3A_987 = tpu.memref_squeeze %gather3A_986 : memref<1x64x512xf32, #tpu.memory_space<vmem>> -> memref<64x512xf32, #tpu.memory_space<vmem>>
        %gather3A_988 = tpu.vector_load_idx %gather3A_987[%broadcast_in_dim3A_976, %min3A_982] : memref<64x512xf32, #tpu.memory_space<vmem>>[vector<16xi32>, vector<16xi32>], vector<16xf32>,
        %sub3A_989 = arith.constant 512 : i32
        %sub3A_990 = vector.broadcast %sub3A_989 : i32 to vector<16xi32>
        %sub3A_991 = arith.subi %sub3A_979, %sub3A_990 : vector<16xi32>
        %jit3A_992 = arith.constant 0 : i32
        %jit3A_993 = arith.constant 63 : i32
        %max3A_994 = vector.broadcast %jit3A_992 : i32 to vector<16xi32>
        %max3A_995 = arith.maxsi %max3A_994, %sub3A_991 : vector<16xi32>
        %min3A_996 = vector.broadcast %jit3A_993 : i32 to vector<16xi32>
        %min3A_997 = arith.minsi %min3A_996, %max3A_995 : vector<16xi32>
        %gather3A_998 = tpu.vector_load_idx %arg17[%broadcast_in_dim3A_976, %min3A_997] : memref<64x64xf32, #tpu.memory_space<vmem>>[vector<16xi32>, vector<16xi32>], vector<16xf32>,
        %lt3A_999 = arith.constant 512 : i32
        %lt3A_1000 = vector.broadcast %lt3A_999 : i32 to vector<16xi32>
        %lt3A_1001 = arith.cmpi slt, %sub3A_979, %lt3A_1000 : vector<16xi32>
        %select_n3A_1002 = arith.select %lt3A_1001, %gather3A_988, %gather3A_998 : vector<16xi1>, vector<16xf32>
        %scatter3A_1003 = arith.constant 0 : i32
        %scatter3A_1004 = arith.constant 0 : i32
        %scatter3A_1005 = tpu.memref_slice %arg18[%and3A_763, %scatter3A_1003, %scatter3A_1004] : memref<2x16x128xf32, #tpu.memory_space<vmem>> -> memref<1x16x128xf32, #tpu.memory_space<vmem>>
        %scatter3A_1006 = tpu.memref_squeeze %scatter3A_1005 : memref<1x16x128xf32, #tpu.memory_space<vmem>> -> memref<16x128xf32, #tpu.memory_space<vmem>>
        tpu.vector_store_idx %scatter3A_1006[%add3A_781, %broadcast_in_dim3A_976], %select_n3A_1002 : memref<16x128xf32, #tpu.memory_space<vmem>>[vector<16xi32>, vector<16xi32>], vector<16xf32>,
        %mul3A_1007 = arith.constant 8 : i32
        %mul3A_1008 = arith.muli %scan3A_800, %mul3A_1007 : i32
        %add3A_1009 = arith.constant 6 : i32
        %add3A_1010 = arith.addi %mul3A_1008, %add3A_1009 : i32
        %broadcast_in_dim3A_1011 = vector.broadcast %add3A_1010 : i32 to vector<16xi32>
        %sub3A_1012 = arith.constant 999424 : i32
        %sub3A_1013 = vector.broadcast %sub3A_1012 : i32 to vector<16xi32>
        %sub3A_1014 = arith.subi %get3A_771, %sub3A_1013 : vector<16xi32>
        %min3A_1015 = arith.constant 511 : i32
        %min3A_1016 = vector.broadcast %min3A_1015 : i32 to vector<16xi32>
        %min3A_1017 = arith.minsi %sub3A_1014, %min3A_1016 : vector<16xi32>
        %gather3A_1018 = arith.constant 0 : i32
        %gather3A_1019 = arith.constant 0 : i32
        %gather3A_1020 = arith.constant 0 : i32
        %gather3A_1021 = tpu.memref_slice %arg16[%gather3A_1018, %gather3A_1019, %gather3A_1020] : memref<2x64x512xf32, #tpu.memory_space<vmem>> -> memref<1x64x512xf32, #tpu.memory_space<vmem>>
        %gather3A_1022 = tpu.memref_squeeze %gather3A_1021 : memref<1x64x512xf32, #tpu.memory_space<vmem>> -> memref<64x512xf32, #tpu.memory_space<vmem>>
        %gather3A_1023 = tpu.vector_load_idx %gather3A_1022[%broadcast_in_dim3A_1011, %min3A_1017] : memref<64x512xf32, #tpu.memory_space<vmem>>[vector<16xi32>, vector<16xi32>], vector<16xf32>,
        %sub3A_1024 = arith.constant 512 : i32
        %sub3A_1025 = vector.broadcast %sub3A_1024 : i32 to vector<16xi32>
        %sub3A_1026 = arith.subi %sub3A_1014, %sub3A_1025 : vector<16xi32>
        %jit3A_1027 = arith.constant 0 : i32
        %jit3A_1028 = arith.constant 63 : i32
        %max3A_1029 = vector.broadcast %jit3A_1027 : i32 to vector<16xi32>
        %max3A_1030 = arith.maxsi %max3A_1029, %sub3A_1026 : vector<16xi32>
        %min3A_1031 = vector.broadcast %jit3A_1028 : i32 to vector<16xi32>
        %min3A_1032 = arith.minsi %min3A_1031, %max3A_1030 : vector<16xi32>
        %gather3A_1033 = tpu.vector_load_idx %arg17[%broadcast_in_dim3A_1011, %min3A_1032] : memref<64x64xf32, #tpu.memory_space<vmem>>[vector<16xi32>, vector<16xi32>], vector<16xf32>,
        %lt3A_1034 = arith.constant 512 : i32
        %lt3A_1035 = vector.broadcast %lt3A_1034 : i32 to vector<16xi32>
        %lt3A_1036 = arith.cmpi slt, %sub3A_1014, %lt3A_1035 : vector<16xi32>
        %select_n3A_1037 = arith.select %lt3A_1036, %gather3A_1023, %gather3A_1033 : vector<16xi1>, vector<16xf32>
        %scatter3A_1038 = arith.constant 0 : i32
        %scatter3A_1039 = arith.constant 0 : i32
        %scatter3A_1040 = tpu.memref_slice %arg18[%and3A_763, %scatter3A_1038, %scatter3A_1039] : memref<2x16x128xf32, #tpu.memory_space<vmem>> -> memref<1x16x128xf32, #tpu.memory_space<vmem>>
        %scatter3A_1041 = tpu.memref_squeeze %scatter3A_1040 : memref<1x16x128xf32, #tpu.memory_space<vmem>> -> memref<16x128xf32, #tpu.memory_space<vmem>>
        tpu.vector_store_idx %scatter3A_1041[%add3A_781, %broadcast_in_dim3A_1011], %select_n3A_1037 : memref<16x128xf32, #tpu.memory_space<vmem>>[vector<16xi32>, vector<16xi32>], vector<16xf32>,
        %mul3A_1042 = arith.constant 8 : i32
        %mul3A_1043 = arith.muli %scan3A_800, %mul3A_1042 : i32
        %add3A_1044 = arith.constant 7 : i32
        %add3A_1045 = arith.addi %mul3A_1043, %add3A_1044 : i32
        %broadcast_in_dim3A_1046 = vector.broadcast %add3A_1045 : i32 to vector<16xi32>
        %sub3A_1047 = arith.constant 999424 : i32
        %sub3A_1048 = vector.broadcast %sub3A_1047 : i32 to vector<16xi32>
        %sub3A_1049 = arith.subi %get3A_771, %sub3A_1048 : vector<16xi32>
        %min3A_1050 = arith.constant 511 : i32
        %min3A_1051 = vector.broadcast %min3A_1050 : i32 to vector<16xi32>
        %min3A_1052 = arith.minsi %sub3A_1049, %min3A_1051 : vector<16xi32>
        %gather3A_1053 = arith.constant 0 : i32
        %gather3A_1054 = arith.constant 0 : i32
        %gather3A_1055 = arith.constant 0 : i32
        %gather3A_1056 = tpu.memref_slice %arg16[%gather3A_1053, %gather3A_1054, %gather3A_1055] : memref<2x64x512xf32, #tpu.memory_space<vmem>> -> memref<1x64x512xf32, #tpu.memory_space<vmem>>
        %gather3A_1057 = tpu.memref_squeeze %gather3A_1056 : memref<1x64x512xf32, #tpu.memory_space<vmem>> -> memref<64x512xf32, #tpu.memory_space<vmem>>
        %gather3A_1058 = tpu.vector_load_idx %gather3A_1057[%broadcast_in_dim3A_1046, %min3A_1052] : memref<64x512xf32, #tpu.memory_space<vmem>>[vector<16xi32>, vector<16xi32>], vector<16xf32>,
        %sub3A_1059 = arith.constant 512 : i32
        %sub3A_1060 = vector.broadcast %sub3A_1059 : i32 to vector<16xi32>
        %sub3A_1061 = arith.subi %sub3A_1049, %sub3A_1060 : vector<16xi32>
        %jit3A_1062 = arith.constant 0 : i32
        %jit3A_1063 = arith.constant 63 : i32
        %max3A_1064 = vector.broadcast %jit3A_1062 : i32 to vector<16xi32>
        %max3A_1065 = arith.maxsi %max3A_1064, %sub3A_1061 : vector<16xi32>
        %min3A_1066 = vector.broadcast %jit3A_1063 : i32 to vector<16xi32>
        %min3A_1067 = arith.minsi %min3A_1066, %max3A_1065 : vector<16xi32>
        %gather3A_1068 = tpu.vector_load_idx %arg17[%broadcast_in_dim3A_1046, %min3A_1067] : memref<64x64xf32, #tpu.memory_space<vmem>>[vector<16xi32>, vector<16xi32>], vector<16xf32>,
        %lt3A_1069 = arith.constant 512 : i32
        %lt3A_1070 = vector.broadcast %lt3A_1069 : i32 to vector<16xi32>
        %lt3A_1071 = arith.cmpi slt, %sub3A_1049, %lt3A_1070 : vector<16xi32>
        %select_n3A_1072 = arith.select %lt3A_1071, %gather3A_1058, %gather3A_1068 : vector<16xi1>, vector<16xf32>
        %scatter3A_1073 = arith.constant 0 : i32
        %scatter3A_1074 = arith.constant 0 : i32
        %scatter3A_1075 = tpu.memref_slice %arg18[%and3A_763, %scatter3A_1073, %scatter3A_1074] : memref<2x16x128xf32, #tpu.memory_space<vmem>> -> memref<1x16x128xf32, #tpu.memory_space<vmem>>
        %scatter3A_1076 = tpu.memref_squeeze %scatter3A_1075 : memref<1x16x128xf32, #tpu.memory_space<vmem>> -> memref<16x128xf32, #tpu.memory_space<vmem>>
        tpu.vector_store_idx %scatter3A_1076[%add3A_781, %broadcast_in_dim3A_1046], %select_n3A_1072 : memref<16x128xf32, #tpu.memory_space<vmem>>[vector<16xi32>, vector<16xi32>], vector<16xf32>,
      }
      %scan3A_787 = arith.constant 8 : i32
      %dma_start3A_788 = arith.constant 0 : i32
      %dma_start3A_789 = arith.constant 0 : i32
      %dma_start3A_790 = tpu.memref_slice %arg18[%and3A_763, %dma_start3A_788, %dma_start3A_789] : memref<2x16x128xf32, #tpu.memory_space<vmem>> -> memref<1x16x128xf32, #tpu.memory_space<vmem>>
      %dma_start3A_791 = tpu.memref_squeeze %dma_start3A_790 : memref<1x16x128xf32, #tpu.memory_space<vmem>> -> memref<16x128xf32, #tpu.memory_space<vmem>>
      %dma_start3A_792 = arith.constant 0 : i32
      %dma_start3A_793 = tpu.memref_slice %arg19[%and3A_763, %dma_start3A_792] : memref<2x16xi32, #tpu.memory_space<vmem>> -> memref<1x16xi32, #tpu.memory_space<vmem>>
      %dma_start3A_794 = tpu.memref_squeeze %dma_start3A_793 : memref<1x16xi32, #tpu.memory_space<vmem>> -> memref<16xi32, #tpu.memory_space<vmem>>
      %dma_start3A_795 = arith.constant 0 : i32
      %dma_start3A_796 = arith.constant 0 : i32
      %dma_start3A_797 = tpu.memref_slice %arg4[%dma_start3A_795, %dma_start3A_796] : memref<204800x128xf32, #tpu.memory_space<hbm>> -> memref<204800x128xf32, #tpu.memory_space<hbm>>
      tpu.enqueue_indirect_dma source(%dma_start3A_791 : memref<16x128xf32, #tpu.memory_space<vmem>>) target(%dma_start3A_797 : memref<204800x128xf32, #tpu.memory_space<hbm>>) offsets(%dma_start3A_794 : memref<16xi32, #tpu.memory_space<vmem>>) semaphore(%arg22 : memref<!tpu.dma_semaphore, #tpu.memory_space<semaphore_mem>>)
      %add3A_798 = arith.constant 1 : i32
      %add3A_799 = arith.addi %while3A_762, %add3A_798 : i32
      scf.yield %add3A_799 : i32
    }
    %while3A_747 = arith.constant 1 : i32
    %while3A_748 = scf.for %while3A_761 = %while3A_744 to %while3A_740 step %while3A_747 iter_args(%while3A_762 = %while3A_746) -> (i32)  : i32 {
      %and3A = arith.constant 1 : i32
      %and3A_763 = arith.andi %while3A_762, %and3A : i32
      %ge3A = arith.constant 2 : i32
      %ge3A_764 = arith.cmpi sge, %while3A_762, %ge3A : i32
      %convert_element_type3A = arith.extui %ge3A_764 : i1 to i32
      %cond3A = arith.constant 0 : i32
      %cond3A_765 = arith.cmpi ne, %convert_element_type3A, %cond3A : i32
      scf.if %cond3A_765 {
        %dma_wait3A = arith.constant 0 : i32
        %dma_wait3A_800 = arith.constant 0 : i32
        %dma_wait3A_801 = arith.constant 0 : i32
        %dma_wait3A_802 = tpu.memref_slice %arg18[%dma_wait3A, %dma_wait3A_800, %dma_wait3A_801] : memref<2x16x128xf32, #tpu.memory_space<vmem>> -> memref<1x16x128xf32, #tpu.memory_space<vmem>>
        %dma_wait3A_803 = tpu.memref_squeeze %dma_wait3A_802 : memref<1x16x128xf32, #tpu.memory_space<vmem>> -> memref<16x128xf32, #tpu.memory_space<vmem>>
        %dma_wait3A_804 = arith.constant 0 : i32
        %dma_wait3A_805 = arith.constant 0 : i32
        %dma_wait3A_806 = tpu.memref_slice %arg4[%dma_wait3A_804, %dma_wait3A_805] : memref<204800x128xf32, #tpu.memory_space<hbm>> -> memref<16x128xf32, #tpu.memory_space<hbm>>
        %dma_wait3A_807 = arith.constant 0 : i32
        %dma_wait3A_808 = arith.constant 0 : i32
        %dma_wait3A_809 = tpu.memref_slice %arg18[%dma_wait3A, %dma_wait3A_807, %dma_wait3A_808] : memref<2x16x128xf32, #tpu.memory_space<vmem>> -> memref<1x16x128xf32, #tpu.memory_space<vmem>>
        %dma_wait3A_810 = tpu.memref_squeeze %dma_wait3A_809 : memref<1x16x128xf32, #tpu.memory_space<vmem>> -> memref<16x128xf32, #tpu.memory_space<vmem>>
        %dma_wait3A_811 = arith.constant 0 : i32
        %dma_wait3A_812 = arith.constant 0 : i32
        %dma_wait3A_813 = tpu.memref_slice %arg4[%dma_wait3A_811, %dma_wait3A_812] : memref<204800x128xf32, #tpu.memory_space<hbm>> -> memref<16x128xf32, #tpu.memory_space<hbm>>
        tpu.wait_dma2 semaphore(%arg22 : memref<!tpu.dma_semaphore, #tpu.memory_space<semaphore_mem>>) src(%dma_wait3A_813 : memref<16x128xf32, #tpu.memory_space<hbm>>) dst(%dma_wait3A_810 : memref<16x128xf32, #tpu.memory_space<vmem>>)
      } else {
      }
      %mul3A_766 = arith.constant 16 : i32
      %mul3A_767 = arith.muli %while3A_761, %mul3A_766 : i32
      %add3A_768 = arith.addi %min3A_717, %mul3A_767 : i32
      %add3A_769 = arith.constant 0 : i32
      %add3A_770 = arith.addi %add3A_768, %add3A_769 : i32
      %get3A = arith.index_cast %add3A_770 : i32 to index
      %get3A_771 = tpu.vector_load %arg12[%get3A] {strides = array<i32>} : memref<7520xi32, #tpu.memory_space<vmem>>, vector<16xi32>,
      %get3A_772 = arith.index_cast %add3A_770 : i32 to index
      %get3A_773 = tpu.vector_load %arg13[%get3A_772] {strides = array<i32>} : memref<7520xi32, #tpu.memory_space<vmem>>, vector<16xi32>,
      %swap3A_774 = arith.constant 0 : i32
      %swap3A_775 = tpu.memref_slice %arg19[%and3A_763, %swap3A_774] : memref<2x16xi32, #tpu.memory_space<vmem>> -> memref<1x16xi32, #tpu.memory_space<vmem>>
      %swap3A_776 = tpu.memref_squeeze %swap3A_775 : memref<1x16xi32, #tpu.memory_space<vmem>> -> memref<16xi32, #tpu.memory_space<vmem>>
      %swap3A_777 = arith.constant 0 : index
      %swap3A_778 = tpu.vector_load %swap3A_776[%swap3A_777] {strides = array<i32>} : memref<16xi32, #tpu.memory_space<vmem>>, vector<16xi32>,
      tpu.vector_store %swap3A_776[%swap3A_777], %get3A_773 {strides = array<i32>} : memref<16xi32, #tpu.memory_space<vmem>>, vector<16xi32>,
      %add3A_779 = arith.constant 0 : i32
      %add3A_780 = vector.broadcast %add3A_779 : i32 to vector<16xi32>
      %add3A_781 = arith.addi %add3A_780, %iota3A : vector<16xi32>
      %scan3A_782 = arith.constant 0 : i32
      %scan3A_783 = arith.constant 0 : i32
      %scan3A_784 = arith.constant 8 : i32
      %scan3A_785 = arith.addi %scan3A_783, %scan3A_784 : i32
      %scan3A_786 = arith.constant 1 : i32
      scf.for %scan3A_800 = %scan3A_783 to %scan3A_785 step %scan3A_786  : i32 {
        %mul3A_801 = arith.constant 8 : i32
        %mul3A_802 = arith.muli %scan3A_800, %mul3A_801 : i32
        %add3A_803 = arith.constant 0 : i32
        %add3A_804 = arith.addi %mul3A_802, %add3A_803 : i32
        %broadcast_in_dim3A_805 = vector.broadcast %add3A_804 : i32 to vector<16xi32>
        %sub3A_806 = arith.constant 999424 : i32
        %sub3A_807 = vector.broadcast %sub3A_806 : i32 to vector<16xi32>
        %sub3A_808 = arith.subi %get3A_771, %sub3A_807 : vector<16xi32>
        %min3A_809 = arith.constant 511 : i32
        %min3A_810 = vector.broadcast %min3A_809 : i32 to vector<16xi32>
        %min3A_811 = arith.minsi %sub3A_808, %min3A_810 : vector<16xi32>
        %gather3A_812 = arith.constant 0 : i32
        %gather3A_813 = arith.constant 0 : i32
        %gather3A_814 = arith.constant 0 : i32
        %gather3A_815 = tpu.memref_slice %arg16[%gather3A_812, %gather3A_813, %gather3A_814] : memref<2x64x512xf32, #tpu.memory_space<vmem>> -> memref<1x64x512xf32, #tpu.memory_space<vmem>>
        %gather3A_816 = tpu.memref_squeeze %gather3A_815 : memref<1x64x512xf32, #tpu.memory_space<vmem>> -> memref<64x512xf32, #tpu.memory_space<vmem>>
        %gather3A_817 = tpu.vector_load_idx %gather3A_816[%broadcast_in_dim3A_805, %min3A_811] : memref<64x512xf32, #tpu.memory_space<vmem>>[vector<16xi32>, vector<16xi32>], vector<16xf32>,
        %sub3A_818 = arith.constant 512 : i32
        %sub3A_819 = vector.broadcast %sub3A_818 : i32 to vector<16xi32>
        %sub3A_820 = arith.subi %sub3A_808, %sub3A_819 : vector<16xi32>
        %jit3A = arith.constant 0 : i32
        %jit3A_821 = arith.constant 63 : i32
        %max3A_822 = vector.broadcast %jit3A : i32 to vector<16xi32>
        %max3A_823 = arith.maxsi %max3A_822, %sub3A_820 : vector<16xi32>
        %min3A_824 = vector.broadcast %jit3A_821 : i32 to vector<16xi32>
        %min3A_825 = arith.minsi %min3A_824, %max3A_823 : vector<16xi32>
        %gather3A_826 = tpu.vector_load_idx %arg17[%broadcast_in_dim3A_805, %min3A_825] : memref<64x64xf32, #tpu.memory_space<vmem>>[vector<16xi32>, vector<16xi32>], vector<16xf32>,
        %lt3A = arith.constant 512 : i32
        %lt3A_827 = vector.broadcast %lt3A : i32 to vector<16xi32>
        %lt3A_828 = arith.cmpi slt, %sub3A_808, %lt3A_827 : vector<16xi32>
        %select_n3A = arith.select %lt3A_828, %gather3A_817, %gather3A_826 : vector<16xi1>, vector<16xf32>
        %scatter3A = arith.constant 0 : i32
        %scatter3A_829 = arith.constant 0 : i32
        %scatter3A_830 = tpu.memref_slice %arg18[%and3A_763, %scatter3A, %scatter3A_829] : memref<2x16x128xf32, #tpu.memory_space<vmem>> -> memref<1x16x128xf32, #tpu.memory_space<vmem>>
        %scatter3A_831 = tpu.memref_squeeze %scatter3A_830 : memref<1x16x128xf32, #tpu.memory_space<vmem>> -> memref<16x128xf32, #tpu.memory_space<vmem>>
        tpu.vector_store_idx %scatter3A_831[%add3A_781, %broadcast_in_dim3A_805], %select_n3A : memref<16x128xf32, #tpu.memory_space<vmem>>[vector<16xi32>, vector<16xi32>], vector<16xf32>,
        %mul3A_832 = arith.constant 8 : i32
        %mul3A_833 = arith.muli %scan3A_800, %mul3A_832 : i32
        %add3A_834 = arith.constant 1 : i32
        %add3A_835 = arith.addi %mul3A_833, %add3A_834 : i32
        %broadcast_in_dim3A_836 = vector.broadcast %add3A_835 : i32 to vector<16xi32>
        %sub3A_837 = arith.constant 999424 : i32
        %sub3A_838 = vector.broadcast %sub3A_837 : i32 to vector<16xi32>
        %sub3A_839 = arith.subi %get3A_771, %sub3A_838 : vector<16xi32>
        %min3A_840 = arith.constant 511 : i32
        %min3A_841 = vector.broadcast %min3A_840 : i32 to vector<16xi32>
        %min3A_842 = arith.minsi %sub3A_839, %min3A_841 : vector<16xi32>
        %gather3A_843 = arith.constant 0 : i32
        %gather3A_844 = arith.constant 0 : i32
        %gather3A_845 = arith.constant 0 : i32
        %gather3A_846 = tpu.memref_slice %arg16[%gather3A_843, %gather3A_844, %gather3A_845] : memref<2x64x512xf32, #tpu.memory_space<vmem>> -> memref<1x64x512xf32, #tpu.memory_space<vmem>>
        %gather3A_847 = tpu.memref_squeeze %gather3A_846 : memref<1x64x512xf32, #tpu.memory_space<vmem>> -> memref<64x512xf32, #tpu.memory_space<vmem>>
        %gather3A_848 = tpu.vector_load_idx %gather3A_847[%broadcast_in_dim3A_836, %min3A_842] : memref<64x512xf32, #tpu.memory_space<vmem>>[vector<16xi32>, vector<16xi32>], vector<16xf32>,
        %sub3A_849 = arith.constant 512 : i32
        %sub3A_850 = vector.broadcast %sub3A_849 : i32 to vector<16xi32>
        %sub3A_851 = arith.subi %sub3A_839, %sub3A_850 : vector<16xi32>
        %jit3A_852 = arith.constant 0 : i32
        %jit3A_853 = arith.constant 63 : i32
        %max3A_854 = vector.broadcast %jit3A_852 : i32 to vector<16xi32>
        %max3A_855 = arith.maxsi %max3A_854, %sub3A_851 : vector<16xi32>
        %min3A_856 = vector.broadcast %jit3A_853 : i32 to vector<16xi32>
        %min3A_857 = arith.minsi %min3A_856, %max3A_855 : vector<16xi32>
        %gather3A_858 = tpu.vector_load_idx %arg17[%broadcast_in_dim3A_836, %min3A_857] : memref<64x64xf32, #tpu.memory_space<vmem>>[vector<16xi32>, vector<16xi32>], vector<16xf32>,
        %lt3A_859 = arith.constant 512 : i32
        %lt3A_860 = vector.broadcast %lt3A_859 : i32 to vector<16xi32>
        %lt3A_861 = arith.cmpi slt, %sub3A_839, %lt3A_860 : vector<16xi32>
        %select_n3A_862 = arith.select %lt3A_861, %gather3A_848, %gather3A_858 : vector<16xi1>, vector<16xf32>
        %scatter3A_863 = arith.constant 0 : i32
        %scatter3A_864 = arith.constant 0 : i32
        %scatter3A_865 = tpu.memref_slice %arg18[%and3A_763, %scatter3A_863, %scatter3A_864] : memref<2x16x128xf32, #tpu.memory_space<vmem>> -> memref<1x16x128xf32, #tpu.memory_space<vmem>>
        %scatter3A_866 = tpu.memref_squeeze %scatter3A_865 : memref<1x16x128xf32, #tpu.memory_space<vmem>> -> memref<16x128xf32, #tpu.memory_space<vmem>>
        tpu.vector_store_idx %scatter3A_866[%add3A_781, %broadcast_in_dim3A_836], %select_n3A_862 : memref<16x128xf32, #tpu.memory_space<vmem>>[vector<16xi32>, vector<16xi32>], vector<16xf32>,
        %mul3A_867 = arith.constant 8 : i32
        %mul3A_868 = arith.muli %scan3A_800, %mul3A_867 : i32
        %add3A_869 = arith.constant 2 : i32
        %add3A_870 = arith.addi %mul3A_868, %add3A_869 : i32
        %broadcast_in_dim3A_871 = vector.broadcast %add3A_870 : i32 to vector<16xi32>
        %sub3A_872 = arith.constant 999424 : i32
        %sub3A_873 = vector.broadcast %sub3A_872 : i32 to vector<16xi32>
        %sub3A_874 = arith.subi %get3A_771, %sub3A_873 : vector<16xi32>
        %min3A_875 = arith.constant 511 : i32
        %min3A_876 = vector.broadcast %min3A_875 : i32 to vector<16xi32>
        %min3A_877 = arith.minsi %sub3A_874, %min3A_876 : vector<16xi32>
        %gather3A_878 = arith.constant 0 : i32
        %gather3A_879 = arith.constant 0 : i32
        %gather3A_880 = arith.constant 0 : i32
        %gather3A_881 = tpu.memref_slice %arg16[%gather3A_878, %gather3A_879, %gather3A_880] : memref<2x64x512xf32, #tpu.memory_space<vmem>> -> memref<1x64x512xf32, #tpu.memory_space<vmem>>
        %gather3A_882 = tpu.memref_squeeze %gather3A_881 : memref<1x64x512xf32, #tpu.memory_space<vmem>> -> memref<64x512xf32, #tpu.memory_space<vmem>>
        %gather3A_883 = tpu.vector_load_idx %gather3A_882[%broadcast_in_dim3A_871, %min3A_877] : memref<64x512xf32, #tpu.memory_space<vmem>>[vector<16xi32>, vector<16xi32>], vector<16xf32>,
        %sub3A_884 = arith.constant 512 : i32
        %sub3A_885 = vector.broadcast %sub3A_884 : i32 to vector<16xi32>
        %sub3A_886 = arith.subi %sub3A_874, %sub3A_885 : vector<16xi32>
        %jit3A_887 = arith.constant 0 : i32
        %jit3A_888 = arith.constant 63 : i32
        %max3A_889 = vector.broadcast %jit3A_887 : i32 to vector<16xi32>
        %max3A_890 = arith.maxsi %max3A_889, %sub3A_886 : vector<16xi32>
        %min3A_891 = vector.broadcast %jit3A_888 : i32 to vector<16xi32>
        %min3A_892 = arith.minsi %min3A_891, %max3A_890 : vector<16xi32>
        %gather3A_893 = tpu.vector_load_idx %arg17[%broadcast_in_dim3A_871, %min3A_892] : memref<64x64xf32, #tpu.memory_space<vmem>>[vector<16xi32>, vector<16xi32>], vector<16xf32>,
        %lt3A_894 = arith.constant 512 : i32
        %lt3A_895 = vector.broadcast %lt3A_894 : i32 to vector<16xi32>
        %lt3A_896 = arith.cmpi slt, %sub3A_874, %lt3A_895 : vector<16xi32>
        %select_n3A_897 = arith.select %lt3A_896, %gather3A_883, %gather3A_893 : vector<16xi1>, vector<16xf32>
        %scatter3A_898 = arith.constant 0 : i32
        %scatter3A_899 = arith.constant 0 : i32
        %scatter3A_900 = tpu.memref_slice %arg18[%and3A_763, %scatter3A_898, %scatter3A_899] : memref<2x16x128xf32, #tpu.memory_space<vmem>> -> memref<1x16x128xf32, #tpu.memory_space<vmem>>
        %scatter3A_901 = tpu.memref_squeeze %scatter3A_900 : memref<1x16x128xf32, #tpu.memory_space<vmem>> -> memref<16x128xf32, #tpu.memory_space<vmem>>
        tpu.vector_store_idx %scatter3A_901[%add3A_781, %broadcast_in_dim3A_871], %select_n3A_897 : memref<16x128xf32, #tpu.memory_space<vmem>>[vector<16xi32>, vector<16xi32>], vector<16xf32>,
        %mul3A_902 = arith.constant 8 : i32
        %mul3A_903 = arith.muli %scan3A_800, %mul3A_902 : i32
        %add3A_904 = arith.constant 3 : i32
        %add3A_905 = arith.addi %mul3A_903, %add3A_904 : i32
        %broadcast_in_dim3A_906 = vector.broadcast %add3A_905 : i32 to vector<16xi32>
        %sub3A_907 = arith.constant 999424 : i32
        %sub3A_908 = vector.broadcast %sub3A_907 : i32 to vector<16xi32>
        %sub3A_909 = arith.subi %get3A_771, %sub3A_908 : vector<16xi32>
        %min3A_910 = arith.constant 511 : i32
        %min3A_911 = vector.broadcast %min3A_910 : i32 to vector<16xi32>
        %min3A_912 = arith.minsi %sub3A_909, %min3A_911 : vector<16xi32>
        %gather3A_913 = arith.constant 0 : i32
        %gather3A_914 = arith.constant 0 : i32
        %gather3A_915 = arith.constant 0 : i32
        %gather3A_916 = tpu.memref_slice %arg16[%gather3A_913, %gather3A_914, %gather3A_915] : memref<2x64x512xf32, #tpu.memory_space<vmem>> -> memref<1x64x512xf32, #tpu.memory_space<vmem>>
        %gather3A_917 = tpu.memref_squeeze %gather3A_916 : memref<1x64x512xf32, #tpu.memory_space<vmem>> -> memref<64x512xf32, #tpu.memory_space<vmem>>
        %gather3A_918 = tpu.vector_load_idx %gather3A_917[%broadcast_in_dim3A_906, %min3A_912] : memref<64x512xf32, #tpu.memory_space<vmem>>[vector<16xi32>, vector<16xi32>], vector<16xf32>,
        %sub3A_919 = arith.constant 512 : i32
        %sub3A_920 = vector.broadcast %sub3A_919 : i32 to vector<16xi32>
        %sub3A_921 = arith.subi %sub3A_909, %sub3A_920 : vector<16xi32>
        %jit3A_922 = arith.constant 0 : i32
        %jit3A_923 = arith.constant 63 : i32
        %max3A_924 = vector.broadcast %jit3A_922 : i32 to vector<16xi32>
        %max3A_925 = arith.maxsi %max3A_924, %sub3A_921 : vector<16xi32>
        %min3A_926 = vector.broadcast %jit3A_923 : i32 to vector<16xi32>
        %min3A_927 = arith.minsi %min3A_926, %max3A_925 : vector<16xi32>
        %gather3A_928 = tpu.vector_load_idx %arg17[%broadcast_in_dim3A_906, %min3A_927] : memref<64x64xf32, #tpu.memory_space<vmem>>[vector<16xi32>, vector<16xi32>], vector<16xf32>,
        %lt3A_929 = arith.constant 512 : i32
        %lt3A_930 = vector.broadcast %lt3A_929 : i32 to vector<16xi32>
        %lt3A_931 = arith.cmpi slt, %sub3A_909, %lt3A_930 : vector<16xi32>
        %select_n3A_932 = arith.select %lt3A_931, %gather3A_918, %gather3A_928 : vector<16xi1>, vector<16xf32>
        %scatter3A_933 = arith.constant 0 : i32
        %scatter3A_934 = arith.constant 0 : i32
        %scatter3A_935 = tpu.memref_slice %arg18[%and3A_763, %scatter3A_933, %scatter3A_934] : memref<2x16x128xf32, #tpu.memory_space<vmem>> -> memref<1x16x128xf32, #tpu.memory_space<vmem>>
        %scatter3A_936 = tpu.memref_squeeze %scatter3A_935 : memref<1x16x128xf32, #tpu.memory_space<vmem>> -> memref<16x128xf32, #tpu.memory_space<vmem>>
        tpu.vector_store_idx %scatter3A_936[%add3A_781, %broadcast_in_dim3A_906], %select_n3A_932 : memref<16x128xf32, #tpu.memory_space<vmem>>[vector<16xi32>, vector<16xi32>], vector<16xf32>,
        %mul3A_937 = arith.constant 8 : i32
        %mul3A_938 = arith.muli %scan3A_800, %mul3A_937 : i32
        %add3A_939 = arith.constant 4 : i32
        %add3A_940 = arith.addi %mul3A_938, %add3A_939 : i32
        %broadcast_in_dim3A_941 = vector.broadcast %add3A_940 : i32 to vector<16xi32>
        %sub3A_942 = arith.constant 999424 : i32
        %sub3A_943 = vector.broadcast %sub3A_942 : i32 to vector<16xi32>
        %sub3A_944 = arith.subi %get3A_771, %sub3A_943 : vector<16xi32>
        %min3A_945 = arith.constant 511 : i32
        %min3A_946 = vector.broadcast %min3A_945 : i32 to vector<16xi32>
        %min3A_947 = arith.minsi %sub3A_944, %min3A_946 : vector<16xi32>
        %gather3A_948 = arith.constant 0 : i32
        %gather3A_949 = arith.constant 0 : i32
        %gather3A_950 = arith.constant 0 : i32
        %gather3A_951 = tpu.memref_slice %arg16[%gather3A_948, %gather3A_949, %gather3A_950] : memref<2x64x512xf32, #tpu.memory_space<vmem>> -> memref<1x64x512xf32, #tpu.memory_space<vmem>>
        %gather3A_952 = tpu.memref_squeeze %gather3A_951 : memref<1x64x512xf32, #tpu.memory_space<vmem>> -> memref<64x512xf32, #tpu.memory_space<vmem>>
        %gather3A_953 = tpu.vector_load_idx %gather3A_952[%broadcast_in_dim3A_941, %min3A_947] : memref<64x512xf32, #tpu.memory_space<vmem>>[vector<16xi32>, vector<16xi32>], vector<16xf32>,
        %sub3A_954 = arith.constant 512 : i32
        %sub3A_955 = vector.broadcast %sub3A_954 : i32 to vector<16xi32>
        %sub3A_956 = arith.subi %sub3A_944, %sub3A_955 : vector<16xi32>
        %jit3A_957 = arith.constant 0 : i32
        %jit3A_958 = arith.constant 63 : i32
        %max3A_959 = vector.broadcast %jit3A_957 : i32 to vector<16xi32>
        %max3A_960 = arith.maxsi %max3A_959, %sub3A_956 : vector<16xi32>
        %min3A_961 = vector.broadcast %jit3A_958 : i32 to vector<16xi32>
        %min3A_962 = arith.minsi %min3A_961, %max3A_960 : vector<16xi32>
        %gather3A_963 = tpu.vector_load_idx %arg17[%broadcast_in_dim3A_941, %min3A_962] : memref<64x64xf32, #tpu.memory_space<vmem>>[vector<16xi32>, vector<16xi32>], vector<16xf32>,
        %lt3A_964 = arith.constant 512 : i32
        %lt3A_965 = vector.broadcast %lt3A_964 : i32 to vector<16xi32>
        %lt3A_966 = arith.cmpi slt, %sub3A_944, %lt3A_965 : vector<16xi32>
        %select_n3A_967 = arith.select %lt3A_966, %gather3A_953, %gather3A_963 : vector<16xi1>, vector<16xf32>
        %scatter3A_968 = arith.constant 0 : i32
        %scatter3A_969 = arith.constant 0 : i32
        %scatter3A_970 = tpu.memref_slice %arg18[%and3A_763, %scatter3A_968, %scatter3A_969] : memref<2x16x128xf32, #tpu.memory_space<vmem>> -> memref<1x16x128xf32, #tpu.memory_space<vmem>>
        %scatter3A_971 = tpu.memref_squeeze %scatter3A_970 : memref<1x16x128xf32, #tpu.memory_space<vmem>> -> memref<16x128xf32, #tpu.memory_space<vmem>>
        tpu.vector_store_idx %scatter3A_971[%add3A_781, %broadcast_in_dim3A_941], %select_n3A_967 : memref<16x128xf32, #tpu.memory_space<vmem>>[vector<16xi32>, vector<16xi32>], vector<16xf32>,
        %mul3A_972 = arith.constant 8 : i32
        %mul3A_973 = arith.muli %scan3A_800, %mul3A_972 : i32
        %add3A_974 = arith.constant 5 : i32
        %add3A_975 = arith.addi %mul3A_973, %add3A_974 : i32
        %broadcast_in_dim3A_976 = vector.broadcast %add3A_975 : i32 to vector<16xi32>
        %sub3A_977 = arith.constant 999424 : i32
        %sub3A_978 = vector.broadcast %sub3A_977 : i32 to vector<16xi32>
        %sub3A_979 = arith.subi %get3A_771, %sub3A_978 : vector<16xi32>
        %min3A_980 = arith.constant 511 : i32
        %min3A_981 = vector.broadcast %min3A_980 : i32 to vector<16xi32>
        %min3A_982 = arith.minsi %sub3A_979, %min3A_981 : vector<16xi32>
        %gather3A_983 = arith.constant 0 : i32
        %gather3A_984 = arith.constant 0 : i32
        %gather3A_985 = arith.constant 0 : i32
        %gather3A_986 = tpu.memref_slice %arg16[%gather3A_983, %gather3A_984, %gather3A_985] : memref<2x64x512xf32, #tpu.memory_space<vmem>> -> memref<1x64x512xf32, #tpu.memory_space<vmem>>
        %gather3A_987 = tpu.memref_squeeze %gather3A_986 : memref<1x64x512xf32, #tpu.memory_space<vmem>> -> memref<64x512xf32, #tpu.memory_space<vmem>>
        %gather3A_988 = tpu.vector_load_idx %gather3A_987[%broadcast_in_dim3A_976, %min3A_982] : memref<64x512xf32, #tpu.memory_space<vmem>>[vector<16xi32>, vector<16xi32>], vector<16xf32>,
        %sub3A_989 = arith.constant 512 : i32
        %sub3A_990 = vector.broadcast %sub3A_989 : i32 to vector<16xi32>
        %sub3A_991 = arith.subi %sub3A_979, %sub3A_990 : vector<16xi32>
        %jit3A_992 = arith.constant 0 : i32
        %jit3A_993 = arith.constant 63 : i32
        %max3A_994 = vector.broadcast %jit3A_992 : i32 to vector<16xi32>
        %max3A_995 = arith.maxsi %max3A_994, %sub3A_991 : vector<16xi32>
        %min3A_996 = vector.broadcast %jit3A_993 : i32 to vector<16xi32>
        %min3A_997 = arith.minsi %min3A_996, %max3A_995 : vector<16xi32>
        %gather3A_998 = tpu.vector_load_idx %arg17[%broadcast_in_dim3A_976, %min3A_997] : memref<64x64xf32, #tpu.memory_space<vmem>>[vector<16xi32>, vector<16xi32>], vector<16xf32>,
        %lt3A_999 = arith.constant 512 : i32
        %lt3A_1000 = vector.broadcast %lt3A_999 : i32 to vector<16xi32>
        %lt3A_1001 = arith.cmpi slt, %sub3A_979, %lt3A_1000 : vector<16xi32>
        %select_n3A_1002 = arith.select %lt3A_1001, %gather3A_988, %gather3A_998 : vector<16xi1>, vector<16xf32>
        %scatter3A_1003 = arith.constant 0 : i32
        %scatter3A_1004 = arith.constant 0 : i32
        %scatter3A_1005 = tpu.memref_slice %arg18[%and3A_763, %scatter3A_1003, %scatter3A_1004] : memref<2x16x128xf32, #tpu.memory_space<vmem>> -> memref<1x16x128xf32, #tpu.memory_space<vmem>>
        %scatter3A_1006 = tpu.memref_squeeze %scatter3A_1005 : memref<1x16x128xf32, #tpu.memory_space<vmem>> -> memref<16x128xf32, #tpu.memory_space<vmem>>
        tpu.vector_store_idx %scatter3A_1006[%add3A_781, %broadcast_in_dim3A_976], %select_n3A_1002 : memref<16x128xf32, #tpu.memory_space<vmem>>[vector<16xi32>, vector<16xi32>], vector<16xf32>,
        %mul3A_1007 = arith.constant 8 : i32
        %mul3A_1008 = arith.muli %scan3A_800, %mul3A_1007 : i32
        %add3A_1009 = arith.constant 6 : i32
        %add3A_1010 = arith.addi %mul3A_1008, %add3A_1009 : i32
        %broadcast_in_dim3A_1011 = vector.broadcast %add3A_1010 : i32 to vector<16xi32>
        %sub3A_1012 = arith.constant 999424 : i32
        %sub3A_1013 = vector.broadcast %sub3A_1012 : i32 to vector<16xi32>
        %sub3A_1014 = arith.subi %get3A_771, %sub3A_1013 : vector<16xi32>
        %min3A_1015 = arith.constant 511 : i32
        %min3A_1016 = vector.broadcast %min3A_1015 : i32 to vector<16xi32>
        %min3A_1017 = arith.minsi %sub3A_1014, %min3A_1016 : vector<16xi32>
        %gather3A_1018 = arith.constant 0 : i32
        %gather3A_1019 = arith.constant 0 : i32
        %gather3A_1020 = arith.constant 0 : i32
        %gather3A_1021 = tpu.memref_slice %arg16[%gather3A_1018, %gather3A_1019, %gather3A_1020] : memref<2x64x512xf32, #tpu.memory_space<vmem>> -> memref<1x64x512xf32, #tpu.memory_space<vmem>>
        %gather3A_1022 = tpu.memref_squeeze %gather3A_1021 : memref<1x64x512xf32, #tpu.memory_space<vmem>> -> memref<64x512xf32, #tpu.memory_space<vmem>>
        %gather3A_1023 = tpu.vector_load_idx %gather3A_1022[%broadcast_in_dim3A_1011, %min3A_1017] : memref<64x512xf32, #tpu.memory_space<vmem>>[vector<16xi32>, vector<16xi32>], vector<16xf32>,
        %sub3A_1024 = arith.constant 512 : i32
        %sub3A_1025 = vector.broadcast %sub3A_1024 : i32 to vector<16xi32>
        %sub3A_1026 = arith.subi %sub3A_1014, %sub3A_1025 : vector<16xi32>
        %jit3A_1027 = arith.constant 0 : i32
        %jit3A_1028 = arith.constant 63 : i32
        %max3A_1029 = vector.broadcast %jit3A_1027 : i32 to vector<16xi32>
        %max3A_1030 = arith.maxsi %max3A_1029, %sub3A_1026 : vector<16xi32>
        %min3A_1031 = vector.broadcast %jit3A_1028 : i32 to vector<16xi32>
        %min3A_1032 = arith.minsi %min3A_1031, %max3A_1030 : vector<16xi32>
        %gather3A_1033 = tpu.vector_load_idx %arg17[%broadcast_in_dim3A_1011, %min3A_1032] : memref<64x64xf32, #tpu.memory_space<vmem>>[vector<16xi32>, vector<16xi32>], vector<16xf32>,
        %lt3A_1034 = arith.constant 512 : i32
        %lt3A_1035 = vector.broadcast %lt3A_1034 : i32 to vector<16xi32>
        %lt3A_1036 = arith.cmpi slt, %sub3A_1014, %lt3A_1035 : vector<16xi32>
        %select_n3A_1037 = arith.select %lt3A_1036, %gather3A_1023, %gather3A_1033 : vector<16xi1>, vector<16xf32>
        %scatter3A_1038 = arith.constant 0 : i32
        %scatter3A_1039 = arith.constant 0 : i32
        %scatter3A_1040 = tpu.memref_slice %arg18[%and3A_763, %scatter3A_1038, %scatter3A_1039] : memref<2x16x128xf32, #tpu.memory_space<vmem>> -> memref<1x16x128xf32, #tpu.memory_space<vmem>>
        %scatter3A_1041 = tpu.memref_squeeze %scatter3A_1040 : memref<1x16x128xf32, #tpu.memory_space<vmem>> -> memref<16x128xf32, #tpu.memory_space<vmem>>
        tpu.vector_store_idx %scatter3A_1041[%add3A_781, %broadcast_in_dim3A_1011], %select_n3A_1037 : memref<16x128xf32, #tpu.memory_space<vmem>>[vector<16xi32>, vector<16xi32>], vector<16xf32>,
        %mul3A_1042 = arith.constant 8 : i32
        %mul3A_1043 = arith.muli %scan3A_800, %mul3A_1042 : i32
        %add3A_1044 = arith.constant 7 : i32
        %add3A_1045 = arith.addi %mul3A_1043, %add3A_1044 : i32
        %broadcast_in_dim3A_1046 = vector.broadcast %add3A_1045 : i32 to vector<16xi32>
        %sub3A_1047 = arith.constant 999424 : i32
        %sub3A_1048 = vector.broadcast %sub3A_1047 : i32 to vector<16xi32>
        %sub3A_1049 = arith.subi %get3A_771, %sub3A_1048 : vector<16xi32>
        %min3A_1050 = arith.constant 511 : i32
        %min3A_1051 = vector.broadcast %min3A_1050 : i32 to vector<16xi32>
        %min3A_1052 = arith.minsi %sub3A_1049, %min3A_1051 : vector<16xi32>
        %gather3A_1053 = arith.constant 0 : i32
        %gather3A_1054 = arith.constant 0 : i32
        %gather3A_1055 = arith.constant 0 : i32
        %gather3A_1056 = tpu.memref_slice %arg16[%gather3A_1053, %gather3A_1054, %gather3A_1055] : memref<2x64x512xf32, #tpu.memory_space<vmem>> -> memref<1x64x512xf32, #tpu.memory_space<vmem>>
        %gather3A_1057 = tpu.memref_squeeze %gather3A_1056 : memref<1x64x512xf32, #tpu.memory_space<vmem>> -> memref<64x512xf32, #tpu.memory_space<vmem>>
        %gather3A_1058 = tpu.vector_load_idx %gather3A_1057[%broadcast_in_dim3A_1046, %min3A_1052] : memref<64x512xf32, #tpu.memory_space<vmem>>[vector<16xi32>, vector<16xi32>], vector<16xf32>,
        %sub3A_1059 = arith.constant 512 : i32
        %sub3A_1060 = vector.broadcast %sub3A_1059 : i32 to vector<16xi32>
        %sub3A_1061 = arith.subi %sub3A_1049, %sub3A_1060 : vector<16xi32>
        %jit3A_1062 = arith.constant 0 : i32
        %jit3A_1063 = arith.constant 63 : i32
        %max3A_1064 = vector.broadcast %jit3A_1062 : i32 to vector<16xi32>
        %max3A_1065 = arith.maxsi %max3A_1064, %sub3A_1061 : vector<16xi32>
        %min3A_1066 = vector.broadcast %jit3A_1063 : i32 to vector<16xi32>
        %min3A_1067 = arith.minsi %min3A_1066, %max3A_1065 : vector<16xi32>
        %gather3A_1068 = tpu.vector_load_idx %arg17[%broadcast_in_dim3A_1046, %min3A_1067] : memref<64x64xf32, #tpu.memory_space<vmem>>[vector<16xi32>, vector<16xi32>], vector<16xf32>,
        %lt3A_1069 = arith.constant 512 : i32
        %lt3A_1070 = vector.broadcast %lt3A_1069 : i32 to vector<16xi32>
        %lt3A_1071 = arith.cmpi slt, %sub3A_1049, %lt3A_1070 : vector<16xi32>
        %select_n3A_1072 = arith.select %lt3A_1071, %gather3A_1058, %gather3A_1068 : vector<16xi1>, vector<16xf32>
        %scatter3A_1073 = arith.constant 0 : i32
        %scatter3A_1074 = arith.constant 0 : i32
        %scatter3A_1075 = tpu.memref_slice %arg18[%and3A_763, %scatter3A_1073, %scatter3A_1074] : memref<2x16x128xf32, #tpu.memory_space<vmem>> -> memref<1x16x128xf32, #tpu.memory_space<vmem>>
        %scatter3A_1076 = tpu.memref_squeeze %scatter3A_1075 : memref<1x16x128xf32, #tpu.memory_space<vmem>> -> memref<16x128xf32, #tpu.memory_space<vmem>>
        tpu.vector_store_idx %scatter3A_1076[%add3A_781, %broadcast_in_dim3A_1046], %select_n3A_1072 : memref<16x128xf32, #tpu.memory_space<vmem>>[vector<16xi32>, vector<16xi32>], vector<16xf32>,
      }
      %scan3A_787 = arith.constant 8 : i32
      %dma_start3A_788 = arith.constant 0 : i32
      %dma_start3A_789 = arith.constant 0 : i32
      %dma_start3A_790 = tpu.memref_slice %arg18[%and3A_763, %dma_start3A_788, %dma_start3A_789] : memref<2x16x128xf32, #tpu.memory_space<vmem>> -> memref<1x16x128xf32, #tpu.memory_space<vmem>>
      %dma_start3A_791 = tpu.memref_squeeze %dma_start3A_790 : memref<1x16x128xf32, #tpu.memory_space<vmem>> -> memref<16x128xf32, #tpu.memory_space<vmem>>
      %dma_start3A_792 = arith.constant 0 : i32
      %dma_start3A_793 = tpu.memref_slice %arg19[%and3A_763, %dma_start3A_792] : memref<2x16xi32, #tpu.memory_space<vmem>> -> memref<1x16xi32, #tpu.memory_space<vmem>>
      %dma_start3A_794 = tpu.memref_squeeze %dma_start3A_793 : memref<1x16xi32, #tpu.memory_space<vmem>> -> memref<16xi32, #tpu.memory_space<vmem>>
      %dma_start3A_795 = arith.constant 0 : i32
      %dma_start3A_796 = arith.constant 0 : i32
      %dma_start3A_797 = tpu.memref_slice %arg4[%dma_start3A_795, %dma_start3A_796] : memref<204800x128xf32, #tpu.memory_space<hbm>> -> memref<204800x128xf32, #tpu.memory_space<hbm>>
      tpu.enqueue_indirect_dma source(%dma_start3A_791 : memref<16x128xf32, #tpu.memory_space<vmem>>) target(%dma_start3A_797 : memref<204800x128xf32, #tpu.memory_space<hbm>>) offsets(%dma_start3A_794 : memref<16xi32, #tpu.memory_space<vmem>>) semaphore(%arg22 : memref<!tpu.dma_semaphore, #tpu.memory_space<semaphore_mem>>)
      %add3A_798 = arith.constant 1 : i32
      %add3A_799 = arith.addi %while3A_762, %add3A_798 : i32
      scf.yield %add3A_799 : i32
    }
    %min3A_749 = arith.constant 2 : i32
    %min3A_750 = arith.minsi %while3A_748, %min3A_749 : i32
    %while3A_751 = arith.constant 0 : i32
    %while3A_752 = arith.constant 0 : i32
    %while3A_753 = arith.subi %min3A_750, %while3A_752 : i32
    %while3A_754 = arith.addi %while3A_752, %while3A_753 : i32
    %while3A_755 = arith.constant 1 : i32
    %while3A_756 = arith.divsi %while3A_753, %while3A_755 : i32
    %while3A_757 = arith.muli %while3A_756, %while3A_755 : i32
    %while3A_758 = arith.addi %while3A_752, %while3A_757 : i32
    %while3A_759 = arith.constant 1 : i32
    scf.for %while3A_761 = %while3A_752 to %while3A_758 step %while3A_759  : i32 {
      %dma_wait3A = arith.constant 0 : i32
      %dma_wait3A_762 = arith.constant 0 : i32
      %dma_wait3A_763 = arith.constant 0 : i32
      %dma_wait3A_764 = tpu.memref_slice %arg18[%dma_wait3A, %dma_wait3A_762, %dma_wait3A_763] : memref<2x16x128xf32, #tpu.memory_space<vmem>> -> memref<1x16x128xf32, #tpu.memory_space<vmem>>
      %dma_wait3A_765 = tpu.memref_squeeze %dma_wait3A_764 : memref<1x16x128xf32, #tpu.memory_space<vmem>> -> memref<16x128xf32, #tpu.memory_space<vmem>>
      %dma_wait3A_766 = arith.constant 0 : i32
      %dma_wait3A_767 = arith.constant 0 : i32
      %dma_wait3A_768 = tpu.memref_slice %arg4[%dma_wait3A_766, %dma_wait3A_767] : memref<204800x128xf32, #tpu.memory_space<hbm>> -> memref<16x128xf32, #tpu.memory_space<hbm>>
      %dma_wait3A_769 = arith.constant 0 : i32
      %dma_wait3A_770 = arith.constant 0 : i32
      %dma_wait3A_771 = tpu.memref_slice %arg18[%dma_wait3A, %dma_wait3A_769, %dma_wait3A_770] : memref<2x16x128xf32, #tpu.memory_space<vmem>> -> memref<1x16x128xf32, #tpu.memory_space<vmem>>
      %dma_wait3A_772 = tpu.memref_squeeze %dma_wait3A_771 : memref<1x16x128xf32, #tpu.memory_space<vmem>> -> memref<16x128xf32, #tpu.memory_space<vmem>>
      %dma_wait3A_773 = arith.constant 0 : i32
      %dma_wait3A_774 = arith.constant 0 : i32
      %dma_wait3A_775 = tpu.memref_slice %arg4[%dma_wait3A_773, %dma_wait3A_774] : memref<204800x128xf32, #tpu.memory_space<hbm>> -> memref<16x128xf32, #tpu.memory_space<hbm>>
      tpu.wait_dma2 semaphore(%arg22 : memref<!tpu.dma_semaphore, #tpu.memory_space<semaphore_mem>>) src(%dma_wait3A_775 : memref<16x128xf32, #tpu.memory_space<hbm>>) dst(%dma_wait3A_772 : memref<16x128xf32, #tpu.memory_space<vmem>>)
    }
    %while3A_760 = arith.constant 1 : i32
    scf.for %while3A_761 = %while3A_758 to %while3A_754 step %while3A_760  : i32 {
      %dma_wait3A = arith.constant 0 : i32
      %dma_wait3A_762 = arith.constant 0 : i32
      %dma_wait3A_763 = arith.constant 0 : i32
      %dma_wait3A_764 = tpu.memref_slice %arg18[%dma_wait3A, %dma_wait3A_762, %dma_wait3A_763] : memref<2x16x128xf32, #tpu.memory_space<vmem>> -> memref<1x16x128xf32, #tpu.memory_space<vmem>>
      %dma_wait3A_765 = tpu.memref_squeeze %dma_wait3A_764 : memref<1x16x128xf32, #tpu.memory_space<vmem>> -> memref<16x128xf32, #tpu.memory_space<vmem>>
      %dma_wait3A_766 = arith.constant 0 : i32
      %dma_wait3A_767 = arith.constant 0 : i32
      %dma_wait3A_768 = tpu.memref_slice %arg4[%dma_wait3A_766, %dma_wait3A_767] : memref<204800x128xf32, #tpu.memory_space<hbm>> -> memref<16x128xf32, #tpu.memory_space<hbm>>
      %dma_wait3A_769 = arith.constant 0 : i32
      %dma_wait3A_770 = arith.constant 0 : i32
      %dma_wait3A_771 = tpu.memref_slice %arg18[%dma_wait3A, %dma_wait3A_769, %dma_wait3A_770] : memref<2x16x128xf32, #tpu.memory_space<vmem>> -> memref<1x16x128xf32, #tpu.memory_space<vmem>>
      %dma_wait3A_772 = tpu.memref_squeeze %dma_wait3A_771 : memref<1x16x128xf32, #tpu.memory_space<vmem>> -> memref<16x128xf32, #tpu.memory_space<vmem>>
      %dma_wait3A_773 = arith.constant 0 : i32
      %dma_wait3A_774 = arith.constant 0 : i32
      %dma_wait3A_775 = tpu.memref_slice %arg4[%dma_wait3A_773, %dma_wait3A_774] : memref<204800x128xf32, #tpu.memory_space<hbm>> -> memref<16x128xf32, #tpu.memory_space<hbm>>
      tpu.wait_dma2 semaphore(%arg22 : memref<!tpu.dma_semaphore, #tpu.memory_space<semaphore_mem>>) src(%dma_wait3A_775 : memref<16x128xf32, #tpu.memory_space<hbm>>) dst(%dma_wait3A_772 : memref<16x128xf32, #tpu.memory_space<vmem>>)
    }
    return
  }
}

module attributes {stable_mosaic.version = 14 : i64} {
  func.func @_post_body(%arg0: i32, %arg1: memref<16x200x128xf32, #tpu.memory_space<vmem>>, %arg2: memref<3x64xf32, #tpu.memory_space<vmem>>, %arg3: memref<1x64xf32, #tpu.memory_space<vmem>>, %arg4: memref<1x64xf32, #tpu.memory_space<vmem>>, %arg5: memref<1x64xf32, #tpu.memory_space<vmem>>, %arg6: memref<16x200x64xf32, #tpu.memory_space<vmem>>) attributes {dimension_semantics = [#tpu.dimension_semantics<arbitrary>], iteration_bounds = array<i64: 64>, scalar_prefetch = 0 : i64, scratch_operands = 0 : i64, tpu.core_type = #tpu.core_type<tc>, window_params = [{transform_indices = @transform_0, window_bounds = array<i64: 16, 200, 128>}, {pipeline_mode = #tpu.pipeline_mode<synchronous>, transform_indices = @transform_1, window_bounds = array<i64: 3, 64>}, {pipeline_mode = #tpu.pipeline_mode<synchronous>, transform_indices = @transform_2, window_bounds = array<i64: 1, 64>}, {pipeline_mode = #tpu.pipeline_mode<synchronous>, transform_indices = @transform_3, window_bounds = array<i64: 1, 64>}, {pipeline_mode = #tpu.pipeline_mode<synchronous>, transform_indices = @transform_4, window_bounds = array<i64: 1, 64>}, {transform_indices = @transform_5, window_bounds = array<i64: 16, 200, 64>}]} {
    %get3A = arith.constant 0 : index
    %get3A_0 = arith.constant 0 : index
    %get3A_1 = arith.constant 0 : index
    %get3A_2 = vector.load %arg1[%get3A, %get3A_0, %get3A_1] : memref<16x200x128xf32, #tpu.memory_space<vmem>>, vector<16x200x128xf32>
    %slice3A = vector.extract_strided_slice %get3A_2 {offsets = [0, 0, 0], sizes = [16, 200, 64], strides = [1, 1, 1]} : vector<16x200x128xf32> to vector<16x200x64xf32>
    %get3A_3 = arith.constant 0 : index
    %get3A_4 = arith.constant 0 : index
    %get3A_5 = vector.load %arg2[%get3A_3, %get3A_4] : memref<3x64xf32, #tpu.memory_space<vmem>>, vector<3x64xf32>
    %broadcast_in_dim3A = arith.constant 0.000000e+00 : f32
    %broadcast_in_dim3A_6 = vector.broadcast %broadcast_in_dim3A : f32 to vector<16x1x64xf32>
    %slice3A_7 = vector.extract_strided_slice %slice3A {offsets = [0, 0, 0], sizes = [16, 199, 64], strides = [1, 1, 1]} : vector<16x200x64xf32> to vector<16x199x64xf32>
    %concatenate3A = tpu.concatenate %broadcast_in_dim3A_6, %slice3A_7 in 1 : vector<16x1x64xf32>, vector<16x199x64xf32> -> vector<16x200x64xf32>
    %slice3A_8 = vector.extract_strided_slice %slice3A {offsets = [0, 1, 0], sizes = [16, 199, 64], strides = [1, 1, 1]} : vector<16x200x64xf32> to vector<16x199x64xf32>
    %concatenate3A_9 = tpu.concatenate %slice3A_8, %broadcast_in_dim3A_6 in 1 : vector<16x199x64xf32>, vector<16x1x64xf32> -> vector<16x200x64xf32>
    %slice3A_10 = vector.extract_strided_slice %get3A_5 {offsets = [0, 0], sizes = [1, 64], strides = [1, 1]} : vector<3x64xf32> to vector<1x64xf32>
    %squeeze3A = vector.shape_cast %slice3A_10 : vector<1x64xf32> to vector<64xf32>
    %broadcast_in_dim3A_11 = vector.shape_cast %squeeze3A : vector<64xf32> to vector<1x1x64xf32>
    %mul3A = vector.broadcast %broadcast_in_dim3A_11 : vector<1x1x64xf32> to vector<16x200x64xf32>
    %mul3A_12 = arith.mulf %concatenate3A, %mul3A : vector<16x200x64xf32>
    %slice3A_13 = vector.extract_strided_slice %get3A_5 {offsets = [1, 0], sizes = [1, 64], strides = [1, 1]} : vector<3x64xf32> to vector<1x64xf32>
    %squeeze3A_14 = vector.shape_cast %slice3A_13 : vector<1x64xf32> to vector<64xf32>
    %broadcast_in_dim3A_15 = vector.shape_cast %squeeze3A_14 : vector<64xf32> to vector<1x1x64xf32>
    %mul3A_16 = vector.broadcast %broadcast_in_dim3A_15 : vector<1x1x64xf32> to vector<16x200x64xf32>
    %mul3A_17 = arith.mulf %slice3A, %mul3A_16 : vector<16x200x64xf32>
    %add3A = arith.addf %mul3A_12, %mul3A_17 : vector<16x200x64xf32>
    %slice3A_18 = vector.extract_strided_slice %get3A_5 {offsets = [2, 0], sizes = [1, 64], strides = [1, 1]} : vector<3x64xf32> to vector<1x64xf32>
    %squeeze3A_19 = vector.shape_cast %slice3A_18 : vector<1x64xf32> to vector<64xf32>
    %broadcast_in_dim3A_20 = vector.shape_cast %squeeze3A_19 : vector<64xf32> to vector<1x1x64xf32>
    %mul3A_21 = vector.broadcast %broadcast_in_dim3A_20 : vector<1x1x64xf32> to vector<16x200x64xf32>
    %mul3A_22 = arith.mulf %concatenate3A_9, %mul3A_21 : vector<16x200x64xf32>
    %add3A_23 = arith.addf %add3A, %mul3A_22 : vector<16x200x64xf32>
    %get3A_24 = arith.constant 0 : index
    %get3A_25 = arith.constant 0 : index
    %get3A_26 = vector.load %arg3[%get3A_24, %get3A_25] : memref<1x64xf32, #tpu.memory_space<vmem>>, vector<1x64xf32>
    %squeeze3A_27 = vector.shape_cast %get3A_26 : vector<1x64xf32> to vector<64xf32>
    %broadcast_in_dim3A_28 = vector.shape_cast %squeeze3A_27 : vector<64xf32> to vector<1x1x64xf32>
    %add3A_29 = vector.broadcast %broadcast_in_dim3A_28 : vector<1x1x64xf32> to vector<16x200x64xf32>
    %add3A_30 = arith.addf %add3A_23, %add3A_29 : vector<16x200x64xf32>
    %mul3A_31 = arith.constant 5.000000e-01 : f32
    %mul3A_32 = vector.broadcast %mul3A_31 : f32 to vector<16x200x64xf32>
    %mul3A_33 = arith.mulf %mul3A_32, %add3A_30 : vector<16x200x64xf32>
    %mul3A_34 = arith.constant 0.707106769 : f32
    %mul3A_35 = vector.broadcast %mul3A_34 : f32 to vector<16x200x64xf32>
    %mul3A_36 = arith.mulf %add3A_30, %mul3A_35 : vector<16x200x64xf32>
    %erf3A = math.erf %mul3A_36 : vector<16x200x64xf32>
    %add3A_37 = arith.constant 1.000000e+00 : f32
    %add3A_38 = vector.broadcast %add3A_37 : f32 to vector<16x200x64xf32>
    %add3A_39 = arith.addf %add3A_38, %erf3A : vector<16x200x64xf32>
    %mul3A_40 = arith.mulf %mul3A_33, %add3A_39 : vector<16x200x64xf32>
    %reduce_sum3A = arith.constant dense<0.000000e+00> : vector<16x200xf32>
    %reduce_sum3A_41 = vector.multi_reduction <add>, %mul3A_40, %reduce_sum3A [2] : vector<16x200x64xf32> to vector<16x200xf32>
    %broadcast_in_dim3A_42 = vector.shape_cast %reduce_sum3A_41 : vector<16x200xf32> to vector<16x200x1xf32>
    %div3A = arith.constant 6.400000e+01 : f32
    %div3A_43 = vector.broadcast %div3A : f32 to vector<16x200x1xf32>
    %div3A_44 = arith.divf %broadcast_in_dim3A_42, %div3A_43 : vector<16x200x1xf32>
    %sub3A = vector.broadcast %div3A_44 : vector<16x200x1xf32> to vector<16x200x64xf32>
    %sub3A_45 = arith.subf %mul3A_40, %sub3A : vector<16x200x64xf32>
    %mul3A_46 = arith.mulf %sub3A_45, %sub3A_45 : vector<16x200x64xf32>
    %reduce_sum3A_47 = arith.constant dense<0.000000e+00> : vector<16x200xf32>
    %reduce_sum3A_48 = vector.multi_reduction <add>, %mul3A_46, %reduce_sum3A_47 [2] : vector<16x200x64xf32> to vector<16x200xf32>
    %broadcast_in_dim3A_49 = vector.shape_cast %reduce_sum3A_48 : vector<16x200xf32> to vector<16x200x1xf32>
    %div3A_50 = arith.constant 6.400000e+01 : f32
    %div3A_51 = vector.broadcast %div3A_50 : f32 to vector<16x200x1xf32>
    %div3A_52 = arith.divf %broadcast_in_dim3A_49, %div3A_51 : vector<16x200x1xf32>
    %add3A_53 = arith.constant 9.99999974E-6 : f32
    %add3A_54 = vector.broadcast %add3A_53 : f32 to vector<16x200x1xf32>
    %add3A_55 = arith.addf %div3A_52, %add3A_54 : vector<16x200x1xf32>
    %rsqrt3A = math.rsqrt %add3A_55 : vector<16x200x1xf32>
    %mul3A_56 = vector.broadcast %rsqrt3A : vector<16x200x1xf32> to vector<16x200x64xf32>
    %mul3A_57 = arith.mulf %sub3A_45, %mul3A_56 : vector<16x200x64xf32>
    %get3A_58 = arith.constant 0 : index
    %get3A_59 = arith.constant 0 : index
    %get3A_60 = vector.load %arg4[%get3A_58, %get3A_59] : memref<1x64xf32, #tpu.memory_space<vmem>>, vector<1x64xf32>
    %squeeze3A_61 = vector.shape_cast %get3A_60 : vector<1x64xf32> to vector<64xf32>
    %broadcast_in_dim3A_62 = vector.shape_cast %squeeze3A_61 : vector<64xf32> to vector<1x1x64xf32>
    %mul3A_63 = vector.broadcast %broadcast_in_dim3A_62 : vector<1x1x64xf32> to vector<16x200x64xf32>
    %mul3A_64 = arith.mulf %mul3A_57, %mul3A_63 : vector<16x200x64xf32>
    %get3A_65 = arith.constant 0 : index
    %get3A_66 = arith.constant 0 : index
    %get3A_67 = vector.load %arg5[%get3A_65, %get3A_66] : memref<1x64xf32, #tpu.memory_space<vmem>>, vector<1x64xf32>
    %squeeze3A_68 = vector.shape_cast %get3A_67 : vector<1x64xf32> to vector<64xf32>
    %broadcast_in_dim3A_69 = vector.shape_cast %squeeze3A_68 : vector<64xf32> to vector<1x1x64xf32>
    %add3A_70 = vector.broadcast %broadcast_in_dim3A_69 : vector<1x1x64xf32> to vector<16x200x64xf32>
    %add3A_71 = arith.addf %mul3A_64, %add3A_70 : vector<16x200x64xf32>
    %mul3A_72 = arith.mulf %add3A_71, %add3A_71 : vector<16x200x64xf32>
    %reduce_sum3A_73 = arith.constant dense<0.000000e+00> : vector<16x200xf32>
    %reduce_sum3A_74 = vector.multi_reduction <add>, %mul3A_72, %reduce_sum3A_73 [2] : vector<16x200x64xf32> to vector<16x200xf32>
    %broadcast_in_dim3A_75 = vector.shape_cast %reduce_sum3A_74 : vector<16x200xf32> to vector<16x200x1xf32>
    %sqrt3A = math.sqrt %broadcast_in_dim3A_75 : vector<16x200x1xf32>
    %max3A = arith.constant 9.99999996E-13 : f32
    %max3A_76 = vector.broadcast %max3A : f32 to vector<16x200x1xf32>
    %max3A_77 = arith.maximumf %sqrt3A, %max3A_76 : vector<16x200x1xf32>
    %div3A_78 = vector.broadcast %max3A_77 : vector<16x200x1xf32> to vector<16x200x64xf32>
    %div3A_79 = arith.divf %add3A_71, %div3A_78 : vector<16x200x64xf32>
    %swap3A = arith.constant 0 : index
    %swap3A_80 = arith.constant 0 : index
    %swap3A_81 = arith.constant 0 : index
    %swap3A_82 = vector.load %arg6[%swap3A, %swap3A_80, %swap3A_81] : memref<16x200x64xf32, #tpu.memory_space<vmem>>, vector<16x200x64xf32>
    tpu.vector_store %arg6[%swap3A, %swap3A_80, %swap3A_81], %div3A_79 {strides = array<i32>} : memref<16x200x64xf32, #tpu.memory_space<vmem>>, vector<16x200x64xf32>,
    return
  }
  func.func @transform_0(%arg0: i32) -> (i32, i32, i32) {
    %c0_i32 = arith.constant 0 : i32
    %c0_i32_0 = arith.constant 0 : i32
    %c0_i32_1 = arith.constant 0 : i32
    return %arg0, %c0_i32, %c0_i32_0 : i32, i32, i32
  }
  func.func @transform_1(%arg0: i32) -> (i32, i32) {
    %c0_i32 = arith.constant 0 : i32
    %c0_i32_0 = arith.constant 0 : i32
    %c0_i32_1 = arith.constant 0 : i32
    return %c0_i32, %c0_i32_0 : i32, i32
  }
  func.func @transform_2(%arg0: i32) -> (i32, i32) {
    %c0_i32 = arith.constant 0 : i32
    %c0_i32_0 = arith.constant 0 : i32
    %c0_i32_1 = arith.constant 0 : i32
    return %c0_i32, %c0_i32_0 : i32, i32
  }
  func.func @transform_3(%arg0: i32) -> (i32, i32) {
    %c0_i32 = arith.constant 0 : i32
    %c0_i32_0 = arith.constant 0 : i32
    %c0_i32_1 = arith.constant 0 : i32
    return %c0_i32, %c0_i32_0 : i32, i32
  }
  func.func @transform_4(%arg0: i32) -> (i32, i32) {
    %c0_i32 = arith.constant 0 : i32
    %c0_i32_0 = arith.constant 0 : i32
    %c0_i32_1 = arith.constant 0 : i32
    return %c0_i32, %c0_i32_0 : i32, i32
  }
  func.func @transform_5(%arg0: i32) -> (i32, i32, i32) {
    %c0_i32 = arith.constant 0 : i32
    %c0_i32_0 = arith.constant 0 : i32
    %c0_i32_1 = arith.constant 0 : i32
    return %arg0, %c0_i32, %c0_i32_0 : i32, i32, i32
  }
}

</mosaic_0001>

<sc_bundles>
// kernel: kernel.4.cloned.1.call-start
scs
__scs_entry_jumppad:
0x0: {  	(pc) =	sbr.rel $0x88, $3  }
0x1: {  	(tag) =	ssettag $0x0;
	lr =	simm.s32 $0x1  }
0x2: {  	[smem:$0x3F9B] =	sst lr;
	_ =	strace $0xD0000000  }
0x3: {  	_ = 	snop  }
0x4: {  	_ = 	snop  }
0x5: {  	_ = 	snop  }
0x6: {  	_ = 	snop  }
0x7: {  	_ = 	snop  }
__scs_overlays_trampoline_lowered:
0x8: {  	[smem:$0x3FAA] =	sst s0  }
0x9: {  	[smem:$0x3FAB] =	sst s1  }
0xa: {  	[smem:$0x3FAC] =	sst s2  }
0xb: {  	[smem:$0x3FAD] =	sst s3  }
0xc: {  	[smem:$0x3FAE] =	sst s4  }
0xd: {  	[smem:$0x3FAF] =	sst s5  }
0xe: {  	[smem:$0x3FB0] =	sst s6  }
0xf: {  	[smem:$0x3FB1] =	sst s7  }
0x10: {  	[smem:$0x3FB2] =	sst s8  }
0x11: {  	[smem:$0x3FB3] =	sst s9;
	s0 =	simm.s32 @!p0 $0x0  }
0x12: {  	s1 =	sld [smem:$0x3F99];
	s0 =	simm.s32 @p0 $0x1  }
0x13: {  	[smem:$0x3FB4] =	sst s0;
	s0 =	simm.s32 @!p1 $0x0  }
0x14: {  	s2 =	sld [smem:$0x3F98];
	s0 =	simm.s32 @p1 $0x1  }
0x15: {  	[smem:$0x3FB5] =	sst s0;
	s0 =	simm.s32 @!p2 $0x0  }
0x16: {  	s3 =	sld [smem:$0x3FDB];
	s0 =	simm.s32 @p2 $0x1  }
0x17: {  	s4 =	simm.s32 $0x1BF5;
	[smem:$0x3FB7] =	sst s0  }
0x18: {  	s0 =	sld [smem:$0x3F9A];
	_ =	swait.ge [sflag:s4], $0x0  }
0x19: {  	s7 =	sld [smem:$0x3F9B]  }
0x1a: {  	s8 =	sadd.s32 $0xFFFFE003, lr  }
0x1b: {  	s9 =	sadd.s32 $0xFFFFFEF7, lr;
	s5 =	simm.s32 $0xFFFFFFFF;
	p2 =	slt.u32 s8, $0xFFFFF086  }
0x1c: {  	p1 =	slt.u32 s9, $0xF7A;
	s5 =	simm.s32 @!p2 $0x0  }
0x1d: {  	s5 =	simm.s32 @p1 $0x1;
	p0 =	seq.s32 s7, s2  }
0x1e: {  	s7 =	smul.u32 @!p0 $0xF7A, s2;
	p2 =	seq.s32 @!p0 s5, $0x0  }
0x1f: {  	s9 =	smul.u32 $0xF7A, s1;
	s8 =	simm.s32 @!p0 $0x1BF5;
	p2 =	por !p2, p0  }
0x20: {  	[sflag:s8] =	ssyncset.s32 @!p0 $0xFFFFF086;
	s6 =	sadd.s32 @!p0 s3, s7;
	s7 =	simm.s32 @!p0 $0x108  }
0x21: {  	s3 =	sadd.s32 s3, s9;
	s6 =	sadd.s32 @!p0 $0x88, s6;
	s7 =	simm.s32 @p2 $0x1082  }
0x22: {  	[simem:s7], [sflag:s8] =	dma.local @!p0 [hbm:s6], $0xF7A  }
0x23: {  	s9 =	sor.u32 $0xD0000000, s2;
	s6 =	simm.s32 $0x108;
	_ =	swait.ge @!p0 [sflag:s8], $0x0  }
0x24: {  	s3 =	sadd.s32 $0x88, s3;
	s6 =	simm.s32 @!p1 $0x1082;
	[sflag:s4] =	ssyncset.s32 $0xFFFFF086  }
0x25: {  	[simem:s6], [sflag:s4] =	dma.local [hbm:s3], $0xF7A  }
0x26: {  	[smem:$0x3F9B] =	sst s1;
	(tag) =	ssettag s2;
	_ =	strace s9  }
0x27: {  	s1 =	sld [smem:$0x3FAB]  }
0x28: {  	s2 =	sld [smem:$0x3FAC]  }
0x29: {  	s4 =	sld [smem:$0x3FAE]  }
0x2a: {  	p0 =	seq.s32 s5, $0x0;
	s5 =	sld [smem:$0x3FAF]  }
0x2b: {  	s6 =	sld [smem:$0x3FB0]  }
0x2c: {  	s7 =	sld [smem:$0x3FB1]  }
0x2d: {  	s3 =	simm.s32 $0x108;
	s8 =	sld [smem:$0x3FB2]  }
0x2e: {  	s3 =	simm.s32 @!p0 $0x1082;
	s9 =	sld [smem:$0x3FB3]  }
0x2f: {  	lr =	sadd.s32 s0, s3;
	s0 =	sld [smem:$0x3FAA]  }
0x30: {  	s3 =	sld [smem:$0x3FAD]  }
0x31: {  	[smem:$0x3FB6] =	sst s10  }
0x32: {  	s10 =	sld [smem:$0x3FB4];
	_ =	sdelay $0x3  }
0x33: {  	p0 =	seq.s32 s10, $0x1;
	s10 =	sld [smem:$0x3FB6];
	_ =	sdelay $0x3  }
0x34: {  	[smem:$0x3FB6] =	sst s10  }
0x35: {  	s10 =	sld [smem:$0x3FB5];
	_ =	sdelay $0x3  }
0x36: {  	p1 =	seq.s32 s10, $0x1;
	s10 =	sld [smem:$0x3FB6];
	_ =	sdelay $0x3  }
0x37: {  	[smem:$0x3FB6] =	sst s10  }
0x38: {  	s10 =	sld [smem:$0x3FB7]  }
0x39: {  	_ = 	snop;
	(pc) =	sbr.ind lr, $3  }
0x3a: {  	_ = 	snop  }
0x3b: {  	_ = 	snop  }
0x3c: {  	p2 =	seq.s32 s10, $0x1;
	s10 =	sld [smem:$0x3FB6]  }
0x3d: {  	_ =	shalt  }
0x3e: {  	_ =	shalt  }
0x3f: {  	_ =	shalt  }
0x40: {  	_ =	shalt  }
0x41: {  	_ =	shalt  }
0x42: {  	_ =	shalt  }
0x43: {  	_ =	shalt  }
0x44: {  	_ =	shalt  }
0x45: {  	_ =	shalt  }
0x46: {  	_ =	shalt  }
0x47: {  	_ =	shalt  }
0x48: {  	_ =	shalt  }
0x49: {  	_ =	shalt  }
0x4a: {  	_ =	shalt  }
0x4b: {  	_ =	shalt  }
0x4c: {  	_ =	shalt  }
0x4d: {  	_ =	shalt  }
0x4e: {  	_ =	shalt  }
0x4f: {  	_ =	shalt  }
0x50: {  	_ =	shalt  }
0x51: {  	_ =	shalt  }
0x52: {  	_ =	shalt  }
0x53: {  	_ =	shalt  }
0x54: {  	_ =	shalt  }
0x55: {  	_ =	shalt  }
0x56: {  	_ =	shalt  }
0x57: {  	_ =	shalt  }
0x58: {  	_ =	shalt  }
0x59: {  	_ =	shalt  }
0x5a: {  	_ =	shalt  }
0x5b: {  	_ =	shalt  }
0x5c: {  	_ =	shalt  }
0x5d: {  	_ =	shalt  }
0x5e: {  	_ =	shalt  }
0x5f: {  	_ =	shalt  }
0x60: {  	_ =	shalt  }
0x61: {  	_ =	shalt  }
0x62: {  	_ =	shalt  }
0x63: {  	_ =	shalt  }
0x64: {  	_ =	shalt  }
0x65: {  	_ =	shalt  }
0x66: {  	_ =	shalt  }
0x67: {  	_ =	shalt  }
0x68: {  	_ =	shalt  }
0x69: {  	_ =	shalt  }
0x6a: {  	_ =	shalt  }
0x6b: {  	_ =	shalt  }
0x6c: {  	_ =	shalt  }
0x6d: {  	_ =	shalt  }
0x6e: {  	_ =	shalt  }
0x6f: {  	_ =	shalt  }
0x70: {  	_ =	shalt  }
0x71: {  	_ =	shalt  }
0x72: {  	_ =	shalt  }
0x73: {  	_ =	shalt  }
0x74: {  	_ =	shalt  }
0x75: {  	_ =	shalt  }
0x76: {  	_ =	shalt  }
0x77: {  	_ =	shalt  }
0x78: {  	_ =	shalt  }
0x79: {  	_ =	shalt  }
0x7a: {  	_ =	shalt  }
0x7b: {  	_ =	shalt  }
0x7c: {  	_ =	shalt  }
0x7d: {  	_ =	shalt  }
0x7e: {  	_ =	shalt  }
0x7f: {  	_ =	shalt  }
0x80: {  	_ =	shalt  }
0x81: {  	_ =	shalt  }
0x82: {  	_ =	shalt  }
0x83: {  	_ =	shalt  }
0x84: {  	_ =	shalt  }
0x85: {  	_ =	shalt  }
0x86: {  	_ =	shalt  }
0x87: {  	_ =	shalt  }
.Lfunc_end0:
.L_simem_size_0:
called_computation_lowered:
.L_overlay_start_0:
0x88: {  	s2 =	sld [smem:$0x3FD9]  }
0x89: {  	s3 =	sld [smem:$0x3FFE];
	_ =	sdelay $0x1  }
0x8a: {  	s1 =	srdreg.scid  }
0x8b: {  	s0 =	sand.u32 $0x1, s1  }
0x8c: {  	s17 =	sshll.u32 s0, $0xA;
	s2 =	sadd.s32 s3, s2  }
0x8d: {  	s2 =	sadd.s32 s2, s17  }
0x8e: {  	[smem:$0x3FC2] =	sst s2  }
0x8f: {  	_ = 	snop  }
0x90: {  	s2 =	sld [smem:$0x3FC8]  }
0x91: {  	s18 =	sld [smem:$0x3FD0];
	(tm) =	ssettm $0x1  }
0x92: {  	s4 =	sld [smem:$0x3FFB];
	_ =	sdelay $0x3  }
0x93: {  	_ =	strace s4  }
0x94: {  	s4 =	sld [smem:$0x3FFC];
	_ =	sdelay $0x3  }
0x95: {  	_ =	strace s4  }
0x96: {  	s4 =	sld [smem:$0x3FFD];
	_ =	sdelay $0x3  }
0x97: {  	_ =	strace s4  }
0x98: {  	_ =	strace $0x8FFFFFFF  }
0x99: {  	s19 =	sld [smem:$0x3FDB];
	_ =	sdelay $0x1  }
0x9a: {  	s5 =	simm.s32 $_scs_section_size  }
0x9b: {  	s6 =	simm.s32 $_size__tile_overlayer_lowered;
	s7 =	simm.s32 $_tile_overlayer_lowered  }
0x9c: {  	s22 =	simm.s32 $0x1BFF;
	s21 =	sshll.u32 s7, $0x1;
	s4 =	sadd.s32 s5, s19  }
0x9d: {  	s8 =	simm.s32 $0x0;
	s20 =	sshll.u32 s6, $0x1;
	s6 =	sadd.s32 s21, s4  }
0x9e: {  	[timem:s8], [sflag:s22] =	dma.local [hbm:s6], s20  }
0x9f: {  	_ =	swait.ge [sflag:s22], s20  }
0xa0: {  	s5 =	ssub.s32 $0x0, s20;
	[sflag:s22] =	ssyncset.done $0x0  }
0xa1: {  	[sflag:s22] =	ssyncadd.s32 s5;
	_ =	sdelay $0x1  }
0xa2: {  	s23 =	simm.s32 $0x1B8B  }
0xa3: {  	_ =	swait.ge [sflag:s23], $0x1  }
0xa4: {  	[sflag:s23] =	ssyncset.done $0x0  }
0xa5: {  	s25 =	simm.s32 $0x1B8E;
	s24 =	sld [smem:$0x3FFE];
	[sflag:s23] =	ssyncadd.s32 $0xFFFFFFFF  }
0xa6: {  	s26 =	simm.s32 $execute0_lowered;
	[smem:$0x3FD2] =	sst s25  }
0xa7: {  	s6 =	sshll.u32 s26, $0x1;
	_ =	strace $0x80000046;
	[dreg:$0x1] =	wrdreg $0xFFFFFFFF  }
0xa8: {  	s28 =	simm.s32 $_size_execute0_lowered;
	s4 =	sadd.s32 s4, s6;
	[dreg:$0x0] =	wrdreg $0x0  }
0xa9: {  	s6 =	sshll.u32 s28, $0x1;
	[dreg:$0x2] =	wrdreg s4  }
0xaa: {  	[dreg:$0x3] =	wrdreg s6  }
0xab: {  	[dreg:$0x4] =	wrdreg $0xC0  }
0xac: {  	_ =	task [dreg:s8], $0x5FFFF  }
0xad: {  	[dreg:$0x1] =	wrdreg $0xFFFFFFFF  }
0xae: {  	[dreg:$0x0] =	wrdreg $0x60  }
0xaf: {  	[dreg:$0x2] =	wrdreg s2  }
0xb0: {  	[dreg:$0x3] =	wrdreg s24  }
0xb1: {  	[dreg:$0x4] =	wrdreg s18  }
0xb2: {  	[dreg:$0x5] =	wrdreg $0x9  }
0xb3: {  	_ =	task.clear_ibuf [dreg:s8], $0x6FFFF;
	_ =	strace $0x90000046  }
0xb4: {  	s29 =	simm.s32 $0x9;
	_ =	strace $0x80000048  }
0xb5: {  	_ =	swait.ge [sflag:s29], $0x1  }
0xb6: {  	[sflag:s29] =	ssyncadd.s32 $0xFFFFFFFF  }
0xb7: {  	_ =	strace $0x90000048  }
0xb8: {  	_ =	sfence  }
0xb9: {  	s30 =	sld [smem:$0x0];
	_ =	sdelay $0x2  }
0xba: {  	s31 =	sshll.u32 s1, $0xD;
	s1 =	sshrl.u32 s1, $0x2  }
0xbb: {  	s3 =	sand.u32 $0x4000, s31;
	s1 =	sadd.s32 s1, s30  }
0xbc: {  	s0 =	sor.u32 s3, s0;
	s1 =	sshll.u32 s1, $0x11  }
0xbd: {  	s0 =	sor.u32 s1, s0  }
0xbe: {  	s0 =	sadd.s32 $0x8F2B, s0  }
0xbf: {  	[sflag:s0] =	ssyncadd.remote.s32 $0x1  }
0xc0: {  	_ =	sfence.sel $0xFFFF  }
0xc1: {  	[dreg:$0x0] =	wrdreg $0xFFFFFFFF;
	(pc) =	sbr.abs _section_cstart, $3  }
0xc2: {  	[dreg:$0x1] =	wrdreg $0xFFFFFFFF  }
0xc3: {  	_ =	task.clear_ibuf [dreg:s8], $0x2FFFF;
	_ =	strace $0x9FFFFFFF  }
0xc4: {  	(tm) =	ssettm $0x7FFFFFFF  }
0xc5: {  	_ =	shalt  }
tec
execute0_lowered:
.L_overlay_start_1:
0x0: {  	(tag) =	ssettag $0x1  }
0x1: {  	s0 =	srdreg.scid  }
0x2: {  	s14 =	stileid.u32;
	s4 =	rddreg [dreg:$0x2]  }
0x3: {  	s0 =	sand.u32 $0x1, s0;
	s6 =	sshll.u32 s14, $0x7;
	s20 =	sshll.u32 s14, $0xD  }
0x4: {  	s22 =	sshll.u32 s14, $0x4;
	s1 =	sshll.u32 s0, $0x4;
	s7 =	sand.u32 $0x380, s6  }
0x5: {  	s8 =	ssub.s32 $0x2, s0;
	s18 =	smul.u32 $0x40800, s0;
	s1 =	sor.u32 s14, s1  }
0x6: {  	s21 =	smul.u32 $0x1800, s0;
	s6 =	sand.u32 $0x400, s6;
	s2 =	sshrl.u32 s1, $0x3  }
0x7: {  	s13 =	sshllo.u32 s0, $0x1;
	s9 =	sshrl.u32 s8, $0x1;
	s5 =	smul.u32 $0x20400, s2  }
0x8: {  	s10 =	smul.u32 $0xC00, s2;
	s2 =	ssub.s32 s8, s9;
	s8 =	sadd.s32 s20, s18  }
0x9: {  	s30 =	smul.u32 $0x20400, s13;
	s1 =	rddreg [dreg:$0x1];
	s8 =	sshrl.u32 s8, $0x3  }
0xa: {  	s13 =	smul.u32 $0xC00, s13;
	s3 =	sadd.s32 $0x7400, s1;
	s11 =	sadd.s32 s4, s8  }
0xb: {  	s23 =	sadd.s32 s3, s8;
	s24 =	sor.u32 $0x10, s8;
	[dreg:$0x6] =	wrdreg s11  }
0xc: {  	s5 =	sor.u32 s7, s5;
	[dreg:$0x7] =	wrdreg s23;
	s12 =	sadd.s32 s4, s24  }
0xd: {  	s25 =	sor.u32 $0x20, s8;
	s11 =	sadd.s32 s3, s24;
	[dreg:$0x8] =	wrdreg s12  }
0xe: {  	s28 =	sor.u32 $0x30, s8;
	s26 =	sadd.s32 s4, s25;
	[dreg:$0x9] =	wrdreg s11  }
0xf: {  	s31 =	sor.u32 $0x40, s8;
	s29 =	sadd.s32 s4, s28;
	[dreg:$0xa] =	wrdreg s26  }
0x10: {  	s5 =	sshrl.u32 s5, $0x3;
	s15 =	sadd.s32 s4, s31;
	[dreg:$0xc] =	wrdreg s29  }
0x11: {  	s9 =	sor.u32 s21, s6;
	s17 =	sadd.s32 s4, s5;
	[dreg:$0xe] =	wrdreg s15  }
0x12: {  	s19 =	sor.u32 s7, s10;
	s5 =	sadd.s32 s3, s5;
	[dreg:$0x4] =	wrdreg s17  }
0x13: {  	s7 =	sadd.s32 s20, s30;
	s11 =	sadd.s32 s3, s25;
	[dreg:$0x5] =	wrdreg s5  }
0x14: {  	s7 =	sshrl.u32 s7, $0x3;
	s12 =	sadd.s32 s3, s28;
	[dreg:$0xb] =	wrdreg s11  }
0x15: {  	s6 =	sadd.s32 s6, s13;
	s13 =	sadd.s32 s3, s7;
	[dreg:$0xd] =	wrdreg s12  }
0x16: {  	s15 =	sor.u32 $0x50, s8;
	s12 =	sadd.s32 s3, s31;
	[smem:$0x7E2] =	sst s13  }
0x17: {  	s10 =	sand.u32 $0x70, s22;
	s16 =	sadd.s32 s4, s15;
	[dreg:$0xf] =	wrdreg s12  }
0x18: {  	s20 =	sor.u32 $0x10, s7;
	s11 =	sadd.s32 s3, s15;
	[dreg:$0x10] =	wrdreg s16  }
0x19: {  	s22 =	sor.u32 $0x20, s7;
	s21 =	sadd.s32 s4, s20;
	[dreg:$0x11] =	wrdreg s11  }
0x1a: {  	s24 =	sor.u32 $0x30, s7;
	s23 =	sadd.s32 s4, s22;
	[dreg:$0x16] =	wrdreg s21  }
0x1b: {  	s26 =	sor.u32 $0x40, s7;
	s25 =	sadd.s32 s4, s24;
	[dreg:$0x18] =	wrdreg s23  }
0x1c: {  	s29 =	sor.u32 $0x50, s7;
	s28 =	sadd.s32 s4, s26;
	[dreg:$0x1a] =	wrdreg s25  }
0x1d: {  	s9 =	sor.u32 s10, s9;
	s30 =	sadd.s32 s4, s29;
	[dreg:$0x1c] =	wrdreg s28  }
0x1e: {  	s17 =	sor.u32 $0x60, s8;
	s15 =	simm.s32 $0x0;
	[dreg:$0x1e] =	wrdreg s30  }
0x1f: {  	s6 =	sor.u32 s10, s6;
	s18 =	sadd.s32 s4, s17;
	[smem:$0x7FF] =	sst s15  }
0x20: {  	s8 =	sor.u32 $0x70, s8;
	s10 =	sadd.s32 s3, s17;
	[dreg:$0x12] =	wrdreg s18  }
0x21: {  	s5 =	sshrl.u32 s19, $0x3;
	s19 =	sadd.s32 s4, s8;
	[dreg:$0x13] =	wrdreg s10  }
0x22: {  	s31 =	sor.u32 $0x60, s7;
	s8 =	sadd.s32 s3, s8;
	[dreg:$0x14] =	wrdreg s19  }
0x23: {  	s11 =	sadd.s32 s4, s31;
	[dreg:$0x15] =	wrdreg s8  }
0x24: {  	s2 =	smax.u32 s2, $0x1;
	s12 =	sadd.s32 s4, s7;
	[smem:$0x7DF] =	sst s11  }
0x25: {  	s9 =	sshrl.u32 s9, $0x3;
	s10 =	sadd.s32 s3, s20;
	[smem:$0x7E1] =	sst s12  }
0x26: {  	s7 =	sor.u32 $0x70, s7;
	s8 =	sadd.s32 s3, s22;
	[dreg:$0x17] =	wrdreg s10  }
0x27: {  	s16 =	sadd.s32 $0x17600, s1;
	s4 =	sadd.s32 s4, s7;
	[dreg:$0x19] =	wrdreg s8  }
0x28: {  	s17 =	sadd.s32 $0x17610, s1;
	s18 =	sadd.s32 s16, s9;
	[smem:$0x7E3] =	sst s4  }
0x29: {  	s23 =	sadd.s32 $0x17640, s1;
	s19 =	sadd.s32 s9, s17;
	[smem:$0x7E6] =	sst s18  }
0x2a: {  	s30 =	sadd.s32 $0x17670, s1;
	s25 =	sadd.s32 s9, s23;
	[smem:$0x7E7] =	sst s19  }
0x2b: {  	s12 =	sshrl.u32 s6, $0x3;
	s20 =	sadd.s32 $0x17620, s1;
	[smem:$0x7EA] =	sst s25  }
0x2c: {  	s22 =	sadd.s32 $0x17630, s1;
	s10 =	sadd.s32 s3, s24;
	s19 =	rddreg [dreg:$0x0]  }
0x2d: {  	s11 =	simm.s32 $0xC280;
	s8 =	sadd.s32 s3, s26;
	[dreg:$0x1b] =	wrdreg s10  }
0x2e: {  	s21 =	sadd.s32 s9, s20;
	s24 =	sadd.s32 s9, s22;
	[dreg:$0x1d] =	wrdreg s8  }
0x2f: {  	s26 =	sadd.s32 $0x17650, s1;
	s4 =	sadd.s32 s16, s12;
	[smem:$0x7E8] =	sst s21  }
0x30: {  	s6 =	sadd.s32 s12, s17;
	s13 =	sadd.s32 s12, s23;
	[smem:$0x7E9] =	sst s24  }
0x31: {  	s17 =	sshll.u32 s14, $0xA;
	s18 =	sshll.u32 s0, $0x9;
	[smem:$0x7EE] =	sst s4  }
0x32: {  	s23 =	sadd.s32 $0x1000, s1;
	s10 =	sadd.s32 s3, s29;
	[smem:$0x7EF] =	sst s6  }
0x33: {  	s8 =	sadd.s32 s3, s31;
	s3 =	sadd.s32 s3, s7;
	[smem:$0x7F2] =	sst s13  }
0x34: {  	s28 =	sadd.s32 s9, s26;
	s29 =	sadd.s32 $0x17660, s1;
	[dreg:$0x1f] =	wrdreg s10  }
0x35: {  	s7 =	sadd.s32 s12, s20;
	s15 =	sadd.s32 s12, s26;
	[smem:$0x7E0] =	sst s8  }
0x36: {  	s21 =	smul.u32 $0x3200, s14;
	s24 =	sadd.s32 $0x17C00, s1;
	[smem:$0x7E4] =	sst s3  }
0x37: {  	s25 =	sadd.s32 $0xF4000, s19;
	s4 =	simm.s32 $0x400;
	[smem:$0x7EB] =	sst s28  }
0x38: {  	s6 =	simm.s32 $0x8600;
	s13 =	simm.s32 $0xA500;
	[smem:$0x7F0] =	sst s7  }
0x39: {  	s8 =	sadd.s32 s16, s5;
	s31 =	sadd.s32 s9, s29;
	[smem:$0x7F3] =	sst s15  }
0x3a: {  	s3 =	sadd.s32 s9, s30;
	s16 =	sadd.s32 s12, s29;
	[smem:$0x7E5] =	sst s8  }
0x3b: {  	s5 =	sadd.s32 s12, s30;
	s28 =	sadd.s32 $0xF4200, s19;
	[smem:$0x7EC] =	sst s31  }
0x3c: {  	s7 =	simm.s32 $0x500;
	s9 =	simm.s32 $0x80;
	[smem:$0x7ED] =	sst s3  }
0x3d: {  	s10 =	simm.s32 $0x4;
	s8 =	sadd.s32 s12, s22;
	[smem:$0x7F4] =	sst s16  }
0x3e: {  	[smem:$0x7F5] =	sst s5;
	s3 =	sor.u32 s18, s17;
	s20 =	sshrl.u32 s21, $0x3  }
0x3f: {  	s5 =	simm.s32 $0x1;
	s12 =	simm.s32 $0x8780;
	[smem:$0x7F1] =	sst s8  }
0x40: {  	s16 =	simm.s32 $0xCA80;
	_ =	strace $0x80000047;
	[smem:$0x7F6] =	sst s25  }
0x41: {  	s17 =	simm.s32 $0x2;
	s18 =	simm.s32 $0xC680;
	[smem:$0x7F7] =	sst s28  }
0x42: {  	s22 =	sadd.s32 s23, s20;
	s26 =	sadd.s32 s19, s3;
	[smem:$0x7F8] =	sst s2  }
.Ltmp0:
0x43: {  	s29 =	sadd.s32 $0x10, s22;
	[smem:$0x7FC] =	sst s22;
	(pc) =	sbr.rel .LBB2_1-.Ltmp0, $4  }
0x44: {  	s8 =	simm.s32 $0x4580;
	s30 =	sadd.s32 $0x20, s22;
	[smem:$0x7F9] =	sst s29  }
0x45: {  	v1 =	vlaneseq.u32;
	v2 =	vimm.s32 $0x0;
	s19 =	simm.s32 $0x10;
	s31 =	sadd.s32 $0x30, s22;
	[smem:$0x7FA] =	sst s30  }
0x46: {  	v6 =	vimm.s32 $0x3D0;
	v7 =	vimm.s32 $0x3E0;
	v3 =	vor.u32 $0x4000, v1;
	s20 =	simm.s32 $0x1CA80;
	s1 =	sadd.s32 $0x40, s22;
	[smem:$0x7FB] =	sst s31  }
0x47: {  	v4 =	vor.u32 $0x1D50, v1;
	v5 =	vmul.u32 $0x80, v1;
	v0 =	vmov s0;
	s22 =	simm.s32 $0x3;
	[smem:$0x7FD] =	sst s1;
	s1 =	simm.s32 $0x0  }
.LBB2_26:
0x48: {  	[sflag:s22] =	ssyncadd.s32 $0xFFFFF800  }
.LBB2_27:
0x49: {  	s0 =	sld [smem:$0x7F8];
	_ =	sdelay $0x1  }
0x4a: {  	s1 =	sadd.s32 $0x1, s1  }
0x4b: {  	p0 =	sne.s32 s1, s0  }
.Ltmp1:
0x4c: {  	_ = 	snop;
	(pc) =	sbr.rel @!p0 .LBB2_28-.Ltmp1, $1  }
0x4d: {  	_ =	sdelay $0x3  }
.LBB2_1:
0x4e: {  	[tilespmem:$0x8600] =	vst v2  }
0x4f: {  	[tilespmem:$0x8610] =	vst v2  }
0x50: {  	[tilespmem:$0x8620] =	vst v2  }
0x51: {  	[tilespmem:$0x8630] =	vst v2  }
0x52: {  	[tilespmem:$0x8640] =	vst v2  }
0x53: {  	[tilespmem:$0x8650] =	vst v2  }
0x54: {  	[tilespmem:$0x8660] =	vst v2  }
0x55: {  	[tilespmem:$0x8670] =	vst v2  }
0x56: {  	[tilespmem:$0x8680] =	vst v2  }
0x57: {  	[tilespmem:$0x8690] =	vst v2  }
0x58: {  	[tilespmem:$0x86A0] =	vst v2  }
0x59: {  	[tilespmem:$0x86B0] =	vst v2  }
0x5a: {  	[tilespmem:$0x86C0] =	vst v2  }
0x5b: {  	[tilespmem:$0x86D0] =	vst v2  }
0x5c: {  	[tilespmem:$0x86E0] =	vst v2;
	s14 =	sld [smem:$0x7FC]  }
0x5d: {  	[tilespmem:$0x86F0] =	vst v2  }
0x5e: {  	[tilespmem:$0x8700] =	vst v2;
	s0 =	simm.s32 $0x0;
	s15 =	sld [smem:$0x7F9]  }
0x5f: {  	[tilespmem:s0], [sflag:$0x1] =	stream.linear.gather [hbm4b:s14+s0], $0x80, $0x38;
	[tilespmem:$0x1FB80] =	vst v63  }
0x60: {  	s2 =	simm.s32 $0x100;
	s25 =	sld [smem:$0x7FA]  }
0x61: {  	[tilespmem:s2], [sflag:$0x1] =	stream.linear.gather [hbm4b:s15+s0], $0x80, $0x38;
	[tilespmem:$0x1FB80] =	vst v63  }
0x62: {  	s28 =	simm.s32 $0x200;
	s29 =	sld [smem:$0x7FB]  }
0x63: {  	[tilespmem:s28], [sflag:$0x1] =	stream.linear.gather [hbm4b:s25+s0], $0x80, $0x38;
	[tilespmem:$0x1FB80] =	vst v63  }
0x64: {  	s30 =	simm.s32 $0x300;
	s31 =	sld [smem:$0x7FD]  }
0x65: {  	[tilespmem:s30], [sflag:$0x1] =	stream.linear.gather [hbm4b:s29+s0], $0x80, $0x38;
	[tilespmem:$0x1FB80] =	vst v63  }
0x66: {  	_ = 	snop  }
0x67: {  	[tilespmem:s4], [sflag:$0x1] =	stream.linear.gather [hbm4b:s31+s0], $0x80, $0x38;
	[tilespmem:$0x1FB80] =	vst v63  }
0x68: {  	[smem:$0x7DE] =	sst s1;
	s1 =	simm.s32 $0x0;
	s0 =	smov.u32 s21  }
.LBB2_3:
0x69: {  	s2 =	smov.u32 s1  }
0x6a: {  	s1 =	sadd.s32 $0x1, s1;
	p0 =	seq.s32 s2, $0x13  }
0x6b: {  	s3 =	smul.u32 @!p0 $0x280, s1  }
0x6c: {  	_ =	swait.ge [sflag:s5], $0x280  }
0x6d: {  	[sflag:s5] =	ssyncset.done $0x0;
	s3 =	sadd.s32 @!p0 s21, s3  }
0x6e: {  	[sflag:s5] =	ssyncadd.s32 $0xFFFFFD80;
	s14 =	sshll.u32 @!p0 s1, $0x7;
	s3 =	sshrl.u32 @!p0 s3, $0x3  }
0x6f: {  	s15 =	simm.s32 @!p0 $0x0;
	s14 =	sand.u32 @!p0 $0x80, s14;
	s3 =	sadd.s32 @!p0 s23, s3  }
0x70: {  	[tilespmem:s14], [sflag:$0x1] =	stream.linear.gather @!p0 [hbm4b:s3+s15], $0x80, $0x38;
	[tilespmem:$0x1FB80] =	vst v63  }
0x71: {  	s29 =	simm.s32 $0x0;
	s28 =	sor.u32 @!p0 $0x100, s14;
	s25 =	sadd.s32 @!p0 $0x10, s3  }
0x72: {  	[tilespmem:s28], [sflag:$0x1] =	stream.linear.gather @!p0 [hbm4b:s25+s15], $0x80, $0x38;
	[tilespmem:$0x1FB80] =	vst v63  }
0x73: {  	s2 =	sshll.u32 s2, $0x7;
	s25 =	sadd.s32 @!p0 $0x20, s3;
	s28 =	sor.u32 @!p0 $0x200, s14  }
0x74: {  	[tilespmem:s28], [sflag:$0x1] =	stream.linear.gather @!p0 [hbm4b:s25+s15], $0x80, $0x38;
	[tilespmem:$0x1FB80] =	vst v63  }
0x75: {  	s30 =	sand.u32 $0x700, s29;
	s25 =	sadd.s32 @!p0 $0x30, s3;
	s28 =	sor.u32 @!p0 $0x300, s14  }
0x76: {  	[tilespmem:s28], [sflag:$0x1] =	stream.linear.gather @!p0 [hbm4b:s25+s15], $0x80, $0x38;
	[tilespmem:$0x1FB80] =	vst v63  }
0x77: {  	s2 =	sand.u32 $0x80, s2;
	s3 =	sadd.s32 @!p0 $0x40, s3;
	s14 =	sor.u32 @!p0 $0x400, s14  }
0x78: {  	[tilespmem:s14], [sflag:$0x1] =	stream.linear.gather @!p0 [hbm4b:s3+s15], $0x80, $0x38;
	[tilespmem:$0x1FB80] =	vst v63  }
0x79: {  	s3 =	sand.u32 $0x70, s29;
	s14 =	sor.u32 s30, s2  }
0x7a: {  	s3 =	sadd.s32 s3, s14  }
0x7b: {  	v10 =	vld [tilespmem:s3+$0x0];
	_ =	sdelay $0x4  }
0x7c: {  	v8 =	vshrl.u32 v10, $0x6  }
0x7d: {  	v9 =	vand.u32 $0xF0, v8  }
0x7e: {  	v9 =	vor.u32 v1, v9  }
0x7f: {  	v8 =	vand.u32 $0x80, v8;
	v11 =	vand.u32 $0x7F, v9  }
0x80: {  	v11 =	vor.u32 v8, v11;
	_ =	sdelay $0x4  }
0x81: {  	v8 =	vld.idx.msk [tilespmem:v11+s6+$0x0], $0xffff;
	_ =	sdelay $0x4  }
0x82: {  	v12 =	vshrl.u32 v10, $0x9;
	vm0 =	vlt.s32 v8, $0x3F  }
0x83: {  	v12 =	vand.u32 $0x1, v12;
	v9 =	vshll.u32 v9, $0x6;
	v8 =	vnsel vm0, $0x3F, v8  }
0x84: {  	vm15 =	veq.s32 v12, v0;
	v8 =	vadd.s32 v8, v9  }
0x85: {  	v8 =	vsel vm15, v8, v3;
	_ =	sdelay $0x2  }
0x86: {  	s14 =	simm.s32 $0x20;
	v9 =	vsel vm15, $0x1, v2  }
0x87: {  	s29 =	sadd.s32 $0x0, s0;
	s3 =	simm.s32 $0x10;
	s31 =	sand.u32 $0x700, s14;
	[tilespmem:v11+s6+$0x0] =	vst.idx.add.s32.msk $0xffff, v9  }
0x88: {  	s15 =	simm.s32 $0x20;
	s25 =	sand.u32 $0x70, s3;
	s28 =	sor.u32 s31, s2;
	v9 =	vor.u32 s29, v1;
	[tilespmem:v8+s7+$0x0] =	vst.idx.msk $0xffff, v10  }
.LBB2_4:
0x89: {  	p0 =	seq.s32 s15, $0x270;
	s25 =	sadd.s32 s25, s28;
	[tilespmem:v8+s8+$0x0] =	vst.idx.msk $0xffff, v9  }
0x8a: {  	v10 =	vld [tilespmem:s25+$0x0];
	_ =	sdelay $0x4  }
0x8b: {  	v8 =	vshrl.u32 v10, $0x6  }
0x8c: {  	v9 =	vand.u32 $0xF0, v8  }
0x8d: {  	v9 =	vor.u32 v1, v9  }
0x8e: {  	v8 =	vand.u32 $0x80, v8;
	v11 =	vand.u32 $0x7F, v9  }
0x8f: {  	v11 =	vor.u32 v8, v11;
	_ =	sdelay $0x4  }
0x90: {  	v8 =	vld.idx.msk [tilespmem:v11+s6+$0x0], $0xffff;
	_ =	sdelay $0x5  }
0x91: {  	v12 =	vshrl.u32 v10, $0x9;
	vm0 =	vlt.s32 v8, $0x3F  }
0x92: {  	v12 =	vand.u32 $0x1, v12;
	v9 =	vshll.u32 v9, $0x6;
	v8 =	vnsel vm0, $0x3F, v8  }
0x93: {  	vm0 =	veq.s32 v12, v0;
	v8 =	vadd.s32 v8, v9  }
0x94: {  	v8 =	vsel vm0, v8, v3  }
.Ltmp2:
0x95: {  	(pc) =	sbr.rel @!p0 .LBB2_4-.Ltmp2, $4  }
0x96: {  	_ = 	snop  }
0x97: {  	s14 =	sadd.s32 $0x20, s14;
	v9 =	vsel vm0, $0x1, v2  }
0x98: {  	s29 =	sadd.s32 s3, s0;
	s3 =	smov.u32 s15;
	s28 =	sand.u32 $0x700, s14;
	[tilespmem:v11+s6+$0x0] =	vst.idx.add.s32.msk $0xffff, v9  }
0x99: {  	s15 =	sadd.s32 $0x10, s15;
	s25 =	sand.u32 $0x70, s3;
	s28 =	sor.u32 s28, s2;
	v9 =	vor.u32 s29, v1;
	[tilespmem:v8+s7+$0x0] =	vst.idx.msk $0xffff, v10  }
0x9a: {  	_ =	sdelay $0x3  }
0x9b: {  	s2 =	sadd.s32 s25, s28;
	[tilespmem:v8+s8+$0x0] =	vst.idx.msk $0xffff, v9  }
0x9c: {  	v8 =	vld [tilespmem:s2+$0x0];
	_ =	sdelay $0x4  }
0x9d: {  	v61 =	vshrl.u32 v8, $0x6  }
0x9e: {  	v10 =	vand.u32 $0xF0, v61  }
0x9f: {  	v10 =	vor.u32 v1, v10  }
0xa0: {  	v9 =	vand.u32 $0x80, v61;
	v11 =	vand.u32 $0x7F, v10  }
0xa1: {  	v9 =	vor.u32 v9, v11;
	_ =	sdelay $0x4  }
0xa2: {  	v11 =	vld.idx.msk [tilespmem:v9+s6+$0x0], $0xffff;
	_ =	sdelay $0x4  }
0xa3: {  	v12 =	vshrl.u32 v8, $0x9;
	vm0 =	vlt.s32 v11, $0x3F  }
0xa4: {  	v12 =	vand.u32 $0x1, v12;
	v10 =	vshll.u32 v10, $0x6;
	v11 =	vnsel vm0, $0x3F, v11  }
0xa5: {  	vm15 =	veq.s32 v12, v0;
	v10 =	vadd.s32 v11, v10  }
0xa6: {  	v10 =	vsel vm15, v10, v3;
	_ =	sdelay $0x2  }
0xa7: {  	v62 =	vsel vm15, $0x1, v2  }
0xa8: {  	s31 =	sadd.s32 s3, s0;
	[tilespmem:v9+s6+$0x0] =	vst.idx.add.s32.msk $0xffff, v62  }
0xa9: {  	v63 =	vor.u32 s31, v1;
	[tilespmem:v10+s7+$0x0] =	vst.idx.msk $0xffff, v8  }
0xaa: {  	[tilespmem:v10+s8+$0x0] =	vst.idx.msk $0xffff, v63  }
0xab: {  	p0 =	seq.s32 s1, $0x14  }
.Ltmp3:
0xac: {  	_ = 	snop;
	(pc) =	sbr.rel @!p0 .LBB2_3-.Ltmp3, $2  }
0xad: {  	_ =	sdelay $0x2  }
0xae: {  	s0 =	sadd.s32 $0x280, s0  }
0xaf: {  	s0 =	simm.s32 $0x500;
	s1 =	rddreg [dreg:$0x4]  }
0xb0: {  	[hbm4b:s1+s9] =	stream.strided.scatter [tilespmem:s0], [sflag:$0x4], $0x4080, s4, s9, $0x38;
	[tilespmem:$0x1FB80] =	vst v63  }
0xb1: {  	_ =	swait.ge [sflag:s10], $0x4080  }
0xb2: {  	[sflag:s10] =	ssyncset.done $0x0  }
0xb3: {  	s2 =	rddreg [dreg:$0x5];
	[sflag:s10] =	ssyncadd.s32 $0xFFFFBF80  }
0xb4: {  	[hbm4b:s2+s9] =	stream.strided.scatter [tilespmem:s8], [sflag:$0x4], $0x4080, s4, s9, $0x38;
	[tilespmem:$0x1FB80] =	vst v63  }
0xb5: {  	_ =	swait.ge [sflag:s10], $0x4080  }
0xb6: {  	s3 =	sld [smem:$0x7E5]  }
0xb7: {  	[sflag:s10] =	ssyncset.done $0x0  }
0xb8: {  	[sflag:s10] =	ssyncadd.s32 $0xFFFFBF80  }
0xb9: {  	[hbm4b:s3+s9] =	stream.strided.scatter [tilespmem:s6], [sflag:$0x4], $0x180, s4, s9, $0x38;
	[tilespmem:$0x1FB80] =	vst v63  }
0xba: {  	_ =	swait.ge [sflag:s10], $0x180  }
0xbb: {  	[sflag:s10] =	ssyncset.done $0x0  }
0xbc: {  	[sflag:s10] =	ssyncadd.s32 $0xFFFFFE80  }
0xbd: {  	[bflag:$0x0] =	sbarrier.arrive $0xFFFF  }
0xbe: {  	s14 =	rddreg [dreg:$0x6]  }
0xbf: {  	[tilespmem:s0], [sflag:$0x4] =	stream.strided.gather [hbm4b:s14+s9], $0x400, s4, s9, $0x38;
	[tilespmem:$0x1FB80] =	vst v63  }
0xc0: {  	_ =	swait.ge [sflag:s10], $0x400  }
0xc1: {  	[sflag:s10] =	ssyncset.done $0x0  }
0xc2: {  	s15 =	rddreg [dreg:$0x7];
	[sflag:s10] =	ssyncadd.s32 $0xFFFFFC00  }
0xc3: {  	[tilespmem:s8], [sflag:$0x4] =	stream.strided.gather [hbm4b:s15+s9], $0x400, s4, s9, $0x38;
	[tilespmem:$0x1FB80] =	vst v63  }
0xc4: {  	_ =	swait.ge [sflag:s10], $0x400  }
0xc5: {  	s25 =	sld [smem:$0x7E6]  }
0xc6: {  	[sflag:s10] =	ssyncset.done $0x0  }
0xc7: {  	s29 =	simm.s32 $0x0;
	[sflag:s10] =	ssyncadd.s32 $0xFFFFFC00  }
0xc8: {  	[tilespmem:s6], [sflag:$0x4] =	stream.linear.gather [hbm4b:s25+s29], $0x10, $0x38;
	[tilespmem:$0x1FB80] =	vst v63  }
0xc9: {  	_ =	swait.ge [sflag:s10], $0x10  }
0xca: {  	[sflag:s10] =	ssyncset.done $0x0  }
0xcb: {  	s2 =	simm.s32 $0x900;
	s28 =	rddreg [dreg:$0x8];
	[sflag:s10] =	ssyncadd.s32 $0xFFFFFFF0  }
0xcc: {  	[tilespmem:s2], [sflag:$0x4] =	stream.strided.gather [hbm4b:s28+s9], $0x400, s4, s9, $0x38;
	[tilespmem:$0x1FB80] =	vst v63  }
0xcd: {  	_ =	swait.ge [sflag:s10], $0x400  }
0xce: {  	[sflag:s10] =	ssyncset.done $0x0  }
0xcf: {  	s31 =	simm.s32 $0x4980;
	s30 =	rddreg [dreg:$0x9];
	[sflag:s10] =	ssyncadd.s32 $0xFFFFFC00  }
0xd0: {  	[tilespmem:s31], [sflag:$0x4] =	stream.strided.gather [hbm4b:s30+s9], $0x400, s4, s9, $0x38;
	[tilespmem:$0x1FB80] =	vst v63  }
0xd1: {  	_ =	swait.ge [sflag:s10], $0x400  }
0xd2: {  	s2 =	sld [smem:$0x7E7]  }
0xd3: {  	[sflag:s10] =	ssyncset.done $0x0  }
0xd4: {  	s3 =	simm.s32 $0x8610;
	[sflag:s10] =	ssyncadd.s32 $0xFFFFFC00  }
0xd5: {  	[tilespmem:s3], [sflag:$0x4] =	stream.linear.gather [hbm4b:s2+s29], $0x10, $0x38;
	[tilespmem:$0x1FB80] =	vst v63  }
0xd6: {  	_ =	swait.ge [sflag:s10], $0x10  }
0xd7: {  	[sflag:s10] =	ssyncset.done $0x0  }
0xd8: {  	s15 =	simm.s32 $0xD00;
	s14 =	rddreg [dreg:$0xa];
	[sflag:s10] =	ssyncadd.s32 $0xFFFFFFF0  }
0xd9: {  	[tilespmem:s15], [sflag:$0x4] =	stream.strided.gather [hbm4b:s14+s9], $0x400, s4, s9, $0x38;
	[tilespmem:$0x1FB80] =	vst v63  }
0xda: {  	_ =	swait.ge [sflag:s10], $0x400  }
0xdb: {  	[sflag:s10] =	ssyncset.done $0x0  }
0xdc: {  	s28 =	simm.s32 $0x4D80;
	s25 =	rddreg [dreg:$0xb];
	[sflag:s10] =	ssyncadd.s32 $0xFFFFFC00  }
0xdd: {  	[tilespmem:s28], [sflag:$0x4] =	stream.strided.gather [hbm4b:s25+s9], $0x400, s4, s9, $0x38;
	[tilespmem:$0x1FB80] =	vst v63  }
0xde: {  	_ =	swait.ge [sflag:s10], $0x400  }
0xdf: {  	s30 =	sld [smem:$0x7E8]  }
0xe0: {  	[sflag:s10] =	ssyncset.done $0x0  }
0xe1: {  	s31 =	simm.s32 $0x8620;
	[sflag:s10] =	ssyncadd.s32 $0xFFFFFC00  }
0xe2: {  	[tilespmem:s31], [sflag:$0x4] =	stream.linear.gather [hbm4b:s30+s29], $0x10, $0x38;
	[tilespmem:$0x1FB80] =	vst v63  }
0xe3: {  	_ =	swait.ge [sflag:s10], $0x10  }
0xe4: {  	[sflag:s10] =	ssyncset.done $0x0  }
0xe5: {  	s3 =	simm.s32 $0x1100;
	s2 =	rddreg [dreg:$0xc];
	[sflag:s10] =	ssyncadd.s32 $0xFFFFFFF0  }
0xe6: {  	[tilespmem:s3], [sflag:$0x4] =	stream.strided.gather [hbm4b:s2+s9], $0x400, s4, s9, $0x38;
	[tilespmem:$0x1FB80] =	vst v63  }
0xe7: {  	_ =	swait.ge [sflag:s10], $0x400  }
0xe8: {  	[sflag:s10] =	ssyncset.done $0x0  }
0xe9: {  	s15 =	simm.s32 $0x5180;
	s14 =	rddreg [dreg:$0xd];
	[sflag:s10] =	ssyncadd.s32 $0xFFFFFC00  }
0xea: {  	[tilespmem:s15], [sflag:$0x4] =	stream.strided.gather [hbm4b:s14+s9], $0x400, s4, s9, $0x38;
	[tilespmem:$0x1FB80] =	vst v63  }
0xeb: {  	_ =	swait.ge [sflag:s10], $0x400  }
0xec: {  	s25 =	sld [smem:$0x7E9]  }
0xed: {  	[sflag:s10] =	ssyncset.done $0x0  }
0xee: {  	s28 =	simm.s32 $0x8630;
	[sflag:s10] =	ssyncadd.s32 $0xFFFFFC00  }
0xef: {  	[tilespmem:s28], [sflag:$0x4] =	stream.linear.gather [hbm4b:s25+s29], $0x10, $0x38;
	[tilespmem:$0x1FB80] =	vst v63  }
0xf0: {  	_ =	swait.ge [sflag:s10], $0x10  }
0xf1: {  	[sflag:s10] =	ssyncset.done $0x0  }
0xf2: {  	s31 =	simm.s32 $0x1500;
	s30 =	rddreg [dreg:$0xe];
	[sflag:s10] =	ssyncadd.s32 $0xFFFFFFF0  }
0xf3: {  	[tilespmem:s31], [sflag:$0x4] =	stream.strided.gather [hbm4b:s30+s9], $0x400, s4, s9, $0x38;
	[tilespmem:$0x1FB80] =	vst v63  }
0xf4: {  	_ =	swait.ge [sflag:s10], $0x400  }
0xf5: {  	[sflag:s10] =	ssyncset.done $0x0  }
0xf6: {  	s3 =	simm.s32 $0x5580;
	s2 =	rddreg [dreg:$0xf];
	[sflag:s10] =	ssyncadd.s32 $0xFFFFFC00  }
0xf7: {  	[tilespmem:s3], [sflag:$0x4] =	stream.strided.gather [hbm4b:s2+s9], $0x400, s4, s9, $0x38;
	[tilespmem:$0x1FB80] =	vst v63  }
0xf8: {  	_ =	swait.ge [sflag:s10], $0x400  }
0xf9: {  	s14 =	sld [smem:$0x7EA]  }
0xfa: {  	[sflag:s10] =	ssyncset.done $0x0  }
0xfb: {  	s15 =	simm.s32 $0x8640;
	[sflag:s10] =	ssyncadd.s32 $0xFFFFFC00  }
0xfc: {  	[tilespmem:s15], [sflag:$0x4] =	stream.linear.gather [hbm4b:s14+s29], $0x10, $0x38;
	[tilespmem:$0x1FB80] =	vst v63  }
0xfd: {  	_ =	swait.ge [sflag:s10], $0x10  }
0xfe: {  	[sflag:s10] =	ssyncset.done $0x0  }
0xff: {  	s28 =	simm.s32 $0x1900;
	s25 =	rddreg [dreg:$0x10];
	[sflag:s10] =	ssyncadd.s32 $0xFFFFFFF0  }
0x100: {  	[tilespmem:s28], [sflag:$0x4] =	stream.strided.gather [hbm4b:s25+s9], $0x400, s4, s9, $0x38;
	[tilespmem:$0x1FB80] =	vst v63  }
0x101: {  	_ =	swait.ge [sflag:s10], $0x400  }
0x102: {  	[sflag:s10] =	ssyncset.done $0x0  }
0x103: {  	s31 =	simm.s32 $0x5980;
	s30 =	rddreg [dreg:$0x11];
	[sflag:s10] =	ssyncadd.s32 $0xFFFFFC00  }
0x104: {  	[tilespmem:s31], [sflag:$0x4] =	stream.strided.gather [hbm4b:s30+s9], $0x400, s4, s9, $0x38;
	[tilespmem:$0x1FB80] =	vst v63  }
0x105: {  	_ =	swait.ge [sflag:s10], $0x400  }
0x106: {  	s2 =	sld [smem:$0x7EB]  }
0x107: {  	[sflag:s10] =	ssyncset.done $0x0  }
0x108: {  	s3 =	simm.s32 $0x8650;
	[sflag:s10] =	ssyncadd.s32 $0xFFFFFC00  }
0x109: {  	[tilespmem:s3], [sflag:$0x4] =	stream.linear.gather [hbm4b:s2+s29], $0x10, $0x38;
	[tilespmem:$0x1FB80] =	vst v63  }
0x10a: {  	_ =	swait.ge [sflag:s10], $0x10  }
0x10b: {  	[sflag:s10] =	ssyncset.done $0x0  }
0x10c: {  	s15 =	simm.s32 $0x1D00;
	s14 =	rddreg [dreg:$0x12];
	[sflag:s10] =	ssyncadd.s32 $0xFFFFFFF0  }
0x10d: {  	[tilespmem:s15], [sflag:$0x4] =	stream.strided.gather [hbm4b:s14+s9], $0x400, s4, s9, $0x38;
	[tilespmem:$0x1FB80] =	vst v63  }
0x10e: {  	_ =	swait.ge [sflag:s10], $0x400  }
0x10f: {  	[sflag:s10] =	ssyncset.done $0x0  }
0x110: {  	s28 =	simm.s32 $0x5D80;
	s25 =	rddreg [dreg:$0x13];
	[sflag:s10] =	ssyncadd.s32 $0xFFFFFC00  }
0x111: {  	[tilespmem:s28], [sflag:$0x4] =	stream.strided.gather [hbm4b:s25+s9], $0x400, s4, s9, $0x38;
	[tilespmem:$0x1FB80] =	vst v63  }
0x112: {  	_ =	swait.ge [sflag:s10], $0x400  }
0x113: {  	s30 =	sld [smem:$0x7EC]  }
0x114: {  	[sflag:s10] =	ssyncset.done $0x0  }
0x115: {  	s31 =	simm.s32 $0x8660;
	[sflag:s10] =	ssyncadd.s32 $0xFFFFFC00  }
0x116: {  	[tilespmem:s31], [sflag:$0x4] =	stream.linear.gather [hbm4b:s30+s29], $0x10, $0x38;
	[tilespmem:$0x1FB80] =	vst v63  }
0x117: {  	_ =	swait.ge [sflag:s10], $0x10  }
0x118: {  	[sflag:s10] =	ssyncset.done $0x0  }
0x119: {  	s3 =	simm.s32 $0x2100;
	s2 =	rddreg [dreg:$0x14];
	[sflag:s10] =	ssyncadd.s32 $0xFFFFFFF0  }
0x11a: {  	[tilespmem:s3], [sflag:$0x4] =	stream.strided.gather [hbm4b:s2+s9], $0x400, s4, s9, $0x38;
	[tilespmem:$0x1FB80] =	vst v63  }
0x11b: {  	_ =	swait.ge [sflag:s10], $0x400  }
0x11c: {  	[sflag:s10] =	ssyncset.done $0x0  }
0x11d: {  	s15 =	simm.s32 $0x6180;
	s14 =	rddreg [dreg:$0x15];
	[sflag:s10] =	ssyncadd.s32 $0xFFFFFC00  }
0x11e: {  	[tilespmem:s15], [sflag:$0x4] =	stream.strided.gather [hbm4b:s14+s9], $0x400, s4, s9, $0x38;
	[tilespmem:$0x1FB80] =	vst v63  }
0x11f: {  	_ =	swait.ge [sflag:s10], $0x400  }
0x120: {  	s25 =	sld [smem:$0x7ED]  }
0x121: {  	[sflag:s10] =	ssyncset.done $0x0  }
0x122: {  	s28 =	simm.s32 $0x8670;
	[sflag:s10] =	ssyncadd.s32 $0xFFFFFC00  }
0x123: {  	[tilespmem:s28], [sflag:$0x4] =	stream.linear.gather [hbm4b:s25+s29], $0x10, $0x38;
	[tilespmem:$0x1FB80] =	vst v63  }
0x124: {  	_ =	swait.ge [sflag:s10], $0x10  }
0x125: {  	s30 =	sld [smem:$0x7E1]  }
0x126: {  	[sflag:s10] =	ssyncset.done $0x0  }
0x127: {  	s31 =	simm.s32 $0x2500;
	[sflag:s10] =	ssyncadd.s32 $0xFFFFFFF0  }
0x128: {  	[tilespmem:s31], [sflag:$0x4] =	stream.strided.gather [hbm4b:s30+s9], $0x400, s4, s9, $0x38;
	[tilespmem:$0x1FB80] =	vst v63  }
0x129: {  	_ =	swait.ge [sflag:s10], $0x400  }
0x12a: {  	s2 =	sld [smem:$0x7E2]  }
0x12b: {  	[sflag:s10] =	ssyncset.done $0x0  }
0x12c: {  	s3 =	simm.s32 $0x6580;
	[sflag:s10] =	ssyncadd.s32 $0xFFFFFC00  }
0x12d: {  	[tilespmem:s3], [sflag:$0x4] =	stream.strided.gather [hbm4b:s2+s9], $0x400, s4, s9, $0x38;
	[tilespmem:$0x1FB80] =	vst v63  }
0x12e: {  	_ =	swait.ge [sflag:s10], $0x400  }
0x12f: {  	s14 =	sld [smem:$0x7EE]  }
0x130: {  	[sflag:s10] =	ssyncset.done $0x0  }
0x131: {  	s15 =	simm.s32 $0x8680;
	[sflag:s10] =	ssyncadd.s32 $0xFFFFFC00  }
0x132: {  	[tilespmem:s15], [sflag:$0x4] =	stream.linear.gather [hbm4b:s14+s29], $0x10, $0x38;
	[tilespmem:$0x1FB80] =	vst v63  }
0x133: {  	_ =	swait.ge [sflag:s10], $0x10  }
0x134: {  	[sflag:s10] =	ssyncset.done $0x0  }
0x135: {  	s28 =	simm.s32 $0x2900;
	s25 =	rddreg [dreg:$0x16];
	[sflag:s10] =	ssyncadd.s32 $0xFFFFFFF0  }
0x136: {  	[tilespmem:s28], [sflag:$0x4] =	stream.strided.gather [hbm4b:s25+s9], $0x400, s4, s9, $0x38;
	[tilespmem:$0x1FB80] =	vst v63  }
0x137: {  	_ =	swait.ge [sflag:s10], $0x400  }
0x138: {  	[sflag:s10] =	ssyncset.done $0x0  }
0x139: {  	s31 =	simm.s32 $0x6980;
	s30 =	rddreg [dreg:$0x17];
	[sflag:s10] =	ssyncadd.s32 $0xFFFFFC00  }
0x13a: {  	[tilespmem:s31], [sflag:$0x4] =	stream.strided.gather [hbm4b:s30+s9], $0x400, s4, s9, $0x38;
	[tilespmem:$0x1FB80] =	vst v63  }
0x13b: {  	_ =	swait.ge [sflag:s10], $0x400  }
0x13c: {  	s2 =	sld [smem:$0x7EF]  }
0x13d: {  	[sflag:s10] =	ssyncset.done $0x0  }
0x13e: {  	s3 =	simm.s32 $0x8690;
	[sflag:s10] =	ssyncadd.s32 $0xFFFFFC00  }
0x13f: {  	[tilespmem:s3], [sflag:$0x4] =	stream.linear.gather [hbm4b:s2+s29], $0x10, $0x38;
	[tilespmem:$0x1FB80] =	vst v63  }
0x140: {  	_ =	swait.ge [sflag:s10], $0x10  }
0x141: {  	[sflag:s10] =	ssyncset.done $0x0  }
0x142: {  	s15 =	simm.s32 $0x2D00;
	s14 =	rddreg [dreg:$0x18];
	[sflag:s10] =	ssyncadd.s32 $0xFFFFFFF0  }
0x143: {  	[tilespmem:s15], [sflag:$0x4] =	stream.strided.gather [hbm4b:s14+s9], $0x400, s4, s9, $0x38;
	[tilespmem:$0x1FB80] =	vst v63  }
0x144: {  	_ =	swait.ge [sflag:s10], $0x400  }
0x145: {  	[sflag:s10] =	ssyncset.done $0x0  }
0x146: {  	s28 =	simm.s32 $0x6D80;
	s25 =	rddreg [dreg:$0x19];
	[sflag:s10] =	ssyncadd.s32 $0xFFFFFC00  }
0x147: {  	[tilespmem:s28], [sflag:$0x4] =	stream.strided.gather [hbm4b:s25+s9], $0x400, s4, s9, $0x38;
	[tilespmem:$0x1FB80] =	vst v63  }
0x148: {  	_ =	swait.ge [sflag:s10], $0x400  }
0x149: {  	s30 =	sld [smem:$0x7F0]  }
0x14a: {  	[sflag:s10] =	ssyncset.done $0x0  }
0x14b: {  	s31 =	simm.s32 $0x86A0;
	[sflag:s10] =	ssyncadd.s32 $0xFFFFFC00  }
0x14c: {  	[tilespmem:s31], [sflag:$0x4] =	stream.linear.gather [hbm4b:s30+s29], $0x10, $0x38;
	[tilespmem:$0x1FB80] =	vst v63  }
0x14d: {  	_ =	swait.ge [sflag:s10], $0x10  }
0x14e: {  	[sflag:s10] =	ssyncset.done $0x0  }
0x14f: {  	s3 =	simm.s32 $0x3100;
	s2 =	rddreg [dreg:$0x1a];
	[sflag:s10] =	ssyncadd.s32 $0xFFFFFFF0  }
0x150: {  	[tilespmem:s3], [sflag:$0x4] =	stream.strided.gather [hbm4b:s2+s9], $0x400, s4, s9, $0x38;
	[tilespmem:$0x1FB80] =	vst v63  }
0x151: {  	_ =	swait.ge [sflag:s10], $0x400  }
0x152: {  	[sflag:s10] =	ssyncset.done $0x0  }
0x153: {  	s15 =	simm.s32 $0x7180;
	s14 =	rddreg [dreg:$0x1b];
	[sflag:s10] =	ssyncadd.s32 $0xFFFFFC00  }
0x154: {  	[tilespmem:s15], [sflag:$0x4] =	stream.strided.gather [hbm4b:s14+s9], $0x400, s4, s9, $0x38;
	[tilespmem:$0x1FB80] =	vst v63  }
0x155: {  	_ =	swait.ge [sflag:s10], $0x400  }
0x156: {  	s25 =	sld [smem:$0x7F1]  }
0x157: {  	[sflag:s10] =	ssyncset.done $0x0  }
0x158: {  	s28 =	simm.s32 $0x86B0;
	[sflag:s10] =	ssyncadd.s32 $0xFFFFFC00  }
0x159: {  	[tilespmem:s28], [sflag:$0x4] =	stream.linear.gather [hbm4b:s25+s29], $0x10, $0x38;
	[tilespmem:$0x1FB80] =	vst v63  }
0x15a: {  	_ =	swait.ge [sflag:s10], $0x10  }
0x15b: {  	[sflag:s10] =	ssyncset.done $0x0  }
0x15c: {  	s31 =	simm.s32 $0x3500;
	s30 =	rddreg [dreg:$0x1c];
	[sflag:s10] =	ssyncadd.s32 $0xFFFFFFF0  }
0x15d: {  	[tilespmem:s31], [sflag:$0x4] =	stream.strided.gather [hbm4b:s30+s9], $0x400, s4, s9, $0x38;
	[tilespmem:$0x1FB80] =	vst v63  }
0x15e: {  	_ =	swait.ge [sflag:s10], $0x400  }
0x15f: {  	[sflag:s10] =	ssyncset.done $0x0  }
0x160: {  	s3 =	simm.s32 $0x7580;
	s2 =	rddreg [dreg:$0x1d];
	[sflag:s10] =	ssyncadd.s32 $0xFFFFFC00  }
0x161: {  	[tilespmem:s3], [sflag:$0x4] =	stream.strided.gather [hbm4b:s2+s9], $0x400, s4, s9, $0x38;
	[tilespmem:$0x1FB80] =	vst v63  }
0x162: {  	_ =	swait.ge [sflag:s10], $0x400  }
0x163: {  	s14 =	sld [smem:$0x7F2]  }
0x164: {  	[sflag:s10] =	ssyncset.done $0x0  }
0x165: {  	s15 =	simm.s32 $0x86C0;
	[sflag:s10] =	ssyncadd.s32 $0xFFFFFC00  }
0x166: {  	[tilespmem:s15], [sflag:$0x4] =	stream.linear.gather [hbm4b:s14+s29], $0x10, $0x38;
	[tilespmem:$0x1FB80] =	vst v63  }
0x167: {  	_ =	swait.ge [sflag:s10], $0x10  }
0x168: {  	[sflag:s10] =	ssyncset.done $0x0  }
0x169: {  	s28 =	simm.s32 $0x3900;
	s25 =	rddreg [dreg:$0x1e];
	[sflag:s10] =	ssyncadd.s32 $0xFFFFFFF0  }
0x16a: {  	[tilespmem:s28], [sflag:$0x4] =	stream.strided.gather [hbm4b:s25+s9], $0x400, s4, s9, $0x38;
	[tilespmem:$0x1FB80] =	vst v63  }
0x16b: {  	_ =	swait.ge [sflag:s10], $0x400  }
0x16c: {  	[sflag:s10] =	ssyncset.done $0x0  }
0x16d: {  	s31 =	simm.s32 $0x7980;
	s30 =	rddreg [dreg:$0x1f];
	[sflag:s10] =	ssyncadd.s32 $0xFFFFFC00  }
0x16e: {  	[tilespmem:s31], [sflag:$0x4] =	stream.strided.gather [hbm4b:s30+s9], $0x400, s4, s9, $0x38;
	[tilespmem:$0x1FB80] =	vst v63  }
0x16f: {  	_ =	swait.ge [sflag:s10], $0x400  }
0x170: {  	s2 =	sld [smem:$0x7F3]  }
0x171: {  	[sflag:s10] =	ssyncset.done $0x0  }
0x172: {  	s3 =	simm.s32 $0x86D0;
	[sflag:s10] =	ssyncadd.s32 $0xFFFFFC00  }
0x173: {  	[tilespmem:s3], [sflag:$0x4] =	stream.linear.gather [hbm4b:s2+s29], $0x10, $0x38;
	[tilespmem:$0x1FB80] =	vst v63  }
0x174: {  	_ =	swait.ge [sflag:s10], $0x10  }
0x175: {  	s14 =	sld [smem:$0x7DF]  }
0x176: {  	[sflag:s10] =	ssyncset.done $0x0  }
0x177: {  	s15 =	simm.s32 $0x3D00;
	[sflag:s10] =	ssyncadd.s32 $0xFFFFFFF0  }
0x178: {  	[tilespmem:s15], [sflag:$0x4] =	stream.strided.gather [hbm4b:s14+s9], $0x400, s4, s9, $0x38;
	[tilespmem:$0x1FB80] =	vst v63  }
0x179: {  	_ =	swait.ge [sflag:s10], $0x400  }
0x17a: {  	s25 =	sld [smem:$0x7E0]  }
0x17b: {  	[sflag:s10] =	ssyncset.done $0x0  }
0x17c: {  	s28 =	simm.s32 $0x7D80;
	[sflag:s10] =	ssyncadd.s32 $0xFFFFFC00  }
0x17d: {  	[tilespmem:s28], [sflag:$0x4] =	stream.strided.gather [hbm4b:s25+s9], $0x400, s4, s9, $0x38;
	[tilespmem:$0x1FB80] =	vst v63  }
0x17e: {  	_ =	swait.ge [sflag:s10], $0x400  }
0x17f: {  	s30 =	sld [smem:$0x7F4]  }
0x180: {  	[sflag:s10] =	ssyncset.done $0x0  }
0x181: {  	s31 =	simm.s32 $0x86E0;
	[sflag:s10] =	ssyncadd.s32 $0xFFFFFC00  }
0x182: {  	[tilespmem:s31], [sflag:$0x4] =	stream.linear.gather [hbm4b:s30+s29], $0x10, $0x38;
	[tilespmem:$0x1FB80] =	vst v63  }
0x183: {  	_ =	swait.ge [sflag:s10], $0x10  }
0x184: {  	s2 =	sld [smem:$0x7E3]  }
0x185: {  	[sflag:s10] =	ssyncset.done $0x0  }
0x186: {  	s3 =	simm.s32 $0x4100;
	[sflag:s10] =	ssyncadd.s32 $0xFFFFFFF0  }
0x187: {  	[tilespmem:s3], [sflag:$0x4] =	stream.strided.gather [hbm4b:s2+s9], $0x400, s4, s9, $0x38;
	[tilespmem:$0x1FB80] =	vst v63  }
0x188: {  	_ =	swait.ge [sflag:s10], $0x400  }
0x189: {  	s14 =	sld [smem:$0x7E4]  }
0x18a: {  	[sflag:s10] =	ssyncset.done $0x0  }
0x18b: {  	s15 =	simm.s32 $0x8180;
	[sflag:s10] =	ssyncadd.s32 $0xFFFFFC00  }
0x18c: {  	[tilespmem:s15], [sflag:$0x4] =	stream.strided.gather [hbm4b:s14+s9], $0x400, s4, s9, $0x38;
	[tilespmem:$0x1FB80] =	vst v63  }
0x18d: {  	_ =	swait.ge [sflag:s10], $0x400  }
0x18e: {  	s25 =	sld [smem:$0x7F5]  }
0x18f: {  	[sflag:s10] =	ssyncset.done $0x0  }
0x190: {  	s28 =	simm.s32 $0x86F0;
	[sflag:s10] =	ssyncadd.s32 $0xFFFFFC00  }
0x191: {  	[tilespmem:s28], [sflag:$0x4] =	stream.linear.gather [hbm4b:s25+s29], $0x10, $0x38;
	[tilespmem:$0x1FB80] =	vst v63  }
0x192: {  	_ =	swait.ge [sflag:s10], $0x10  }
0x193: {  	[sflag:s10] =	ssyncset.done $0x0  }
0x194: {  	[sflag:s10] =	ssyncadd.s32 $0xFFFFFFF0  }
0x195: {  	[tilespmem:$0xC280] =	vst v2  }
0x196: {  	[tilespmem:$0xC290] =	vst v2  }
0x197: {  	[tilespmem:$0xC2A0] =	vst v2  }
0x198: {  	[tilespmem:$0xC2B0] =	vst v2  }
0x199: {  	[tilespmem:$0xC2C0] =	vst v2  }
0x19a: {  	[tilespmem:$0xC2D0] =	vst v2  }
0x19b: {  	[tilespmem:$0xC2E0] =	vst v2  }
0x19c: {  	[tilespmem:$0xC2F0] =	vst v2  }
0x19d: {  	[tilespmem:$0xC300] =	vst v2  }
0x19e: {  	[tilespmem:$0xC310] =	vst v2  }
0x19f: {  	[tilespmem:$0xC320] =	vst v2  }
0x1a0: {  	[tilespmem:$0xC330] =	vst v2  }
0x1a1: {  	[tilespmem:$0xC340] =	vst v2  }
0x1a2: {  	[tilespmem:$0xC350] =	vst v2  }
0x1a3: {  	[tilespmem:$0xC360] =	vst v2  }
0x1a4: {  	[tilespmem:$0xC370] =	vst v2  }
0x1a5: {  	[tilespmem:$0xC380] =	vst v2  }
0x1a6: {  	[tilespmem:$0xC390] =	vst v2  }
0x1a7: {  	[tilespmem:$0xC3A0] =	vst v2  }
0x1a8: {  	[tilespmem:$0xC3B0] =	vst v2  }
0x1a9: {  	[tilespmem:$0xC3C0] =	vst v2  }
0x1aa: {  	[tilespmem:$0xC3D0] =	vst v2  }
0x1ab: {  	[tilespmem:$0xC3E0] =	vst v2  }
0x1ac: {  	[tilespmem:$0xC3F0] =	vst v2  }
0x1ad: {  	[tilespmem:$0xC400] =	vst v2  }
0x1ae: {  	[tilespmem:$0xC410] =	vst v2  }
0x1af: {  	[tilespmem:$0xC420] =	vst v2  }
0x1b0: {  	[tilespmem:$0xC430] =	vst v2  }
0x1b1: {  	[tilespmem:$0xC440] =	vst v2  }
0x1b2: {  	[tilespmem:$0xC450] =	vst v2  }
0x1b3: {  	[tilespmem:$0xC460] =	vst v2  }
0x1b4: {  	[tilespmem:$0xC470] =	vst v2  }
0x1b5: {  	[tilespmem:$0xC480] =	vst v2  }
0x1b6: {  	[tilespmem:$0xC490] =	vst v2  }
0x1b7: {  	[tilespmem:$0xC4A0] =	vst v2  }
0x1b8: {  	[tilespmem:$0xC4B0] =	vst v2  }
0x1b9: {  	[tilespmem:$0xC4C0] =	vst v2  }
0x1ba: {  	[tilespmem:$0xC4D0] =	vst v2  }
0x1bb: {  	[tilespmem:$0xC4E0] =	vst v2  }
0x1bc: {  	[tilespmem:$0xC4F0] =	vst v2  }
0x1bd: {  	[tilespmem:$0xC500] =	vst v2  }
0x1be: {  	[tilespmem:$0xC510] =	vst v2  }
0x1bf: {  	[tilespmem:$0xC520] =	vst v2  }
0x1c0: {  	[tilespmem:$0xC530] =	vst v2  }
0x1c1: {  	[tilespmem:$0xC540] =	vst v2  }
0x1c2: {  	[tilespmem:$0xC550] =	vst v2  }
0x1c3: {  	[tilespmem:$0xC560] =	vst v2  }
0x1c4: {  	[tilespmem:$0xC570] =	vst v2  }
0x1c5: {  	[tilespmem:$0xC580] =	vst v2  }
0x1c6: {  	[tilespmem:$0xC590] =	vst v2  }
0x1c7: {  	[tilespmem:$0xC5A0] =	vst v2  }
0x1c8: {  	[tilespmem:$0xC5B0] =	vst v2  }
0x1c9: {  	[tilespmem:$0xC5C0] =	vst v2  }
0x1ca: {  	[tilespmem:$0xC5D0] =	vst v2  }
0x1cb: {  	[tilespmem:$0xC5E0] =	vst v2  }
0x1cc: {  	[tilespmem:$0xC5F0] =	vst v2  }
0x1cd: {  	[tilespmem:$0xC600] =	vst v2  }
0x1ce: {  	[tilespmem:$0xC610] =	vst v2  }
0x1cf: {  	[tilespmem:$0xC620] =	vst v2  }
0x1d0: {  	[tilespmem:$0xC630] =	vst v2  }
0x1d1: {  	[tilespmem:$0xC640] =	vst v2  }
0x1d2: {  	[tilespmem:$0xC650] =	vst v2  }
0x1d3: {  	[tilespmem:$0xC660] =	vst v2  }
0x1d4: {  	s30 =	simm.s32 $0x0;
	v8 =	vld [tilespmem:s0+$0x0]  }
0x1d5: {  	v9 =	vmov s30;
	_ =	sdelay $0x3  }
0x1d6: {  	v8 =	vshra.s32 v8, $0xE  }
0x1d7: {  	v9 =	vld.idx.msk [tilespmem:v9+s6+$0x0], $0xffff;
	vm0 =	vgt.s32 v8, $0x0  }
0x1d8: {  	v8 =	vnsel vm0, $0x0, v8  }
0x1d9: {  	v8 =	vmin.u32 v8, $0x3D  }
0x1da: {  	v8 =	vshll.u32 v8, $0x4  }
0x1db: {  	v8 =	vor.u32 v1, v8  }
0x1dc: {  	s31 =	sand.u32 $0x30, s29;
	vm15 =	vlt.s32 v9, $0x40  }
0x1dd: {  	v10 =	vor.u32 s31, v1;
	v9 =	vnsel vm15, $0x40, v9  }
0x1de: {  	vm0 =	vlt.s32 v10, v9  }
0x1df: {  	s1 =	simm.s32 $0x2;
	v9 =	vsel vm0, $0x1, v2  }
0x1e0: {  	s3 =	simm.s32 $0x0;
	s2 =	simm.s32 $0x510;
	s0 =	simm.s32 $0x0;
	[tilespmem:v8+s11+$0x0] =	vst.idx.add.s32.msk $0xffff, v9  }
.LBB2_7:
0x1e1: {  	p0 =	sne.s32 s1, $0x3FF;
	v8 =	vmov s3;
	v9 =	vld [tilespmem:s2+$0x0];
	_ =	sdelay $0x4  }
0x1e2: {  	v8 =	vld.idx.msk [tilespmem:v8+s6+$0x0], $0xffff;
	v9 =	vshra.s32 v9, $0xE  }
0x1e3: {  	vm0 =	vgt.s32 v9, $0x0  }
0x1e4: {  	v9 =	vnsel vm0, $0x0, v9  }
0x1e5: {  	v9 =	vmin.u32 v9, $0x3D  }
0x1e6: {  	v9 =	vshll.u32 v9, $0x4  }
0x1e7: {  	s0 =	sadd.s32 $0x10, s0;
	v9 =	vor.u32 v1, v9  }
.Ltmp4:
0x1e8: {  	s3 =	sand.u32 $0x30, s0;
	vm0 =	vlt.s32 v8, $0x40;
	(pc) =	sbr.rel @p0 .LBB2_7-.Ltmp4, $4  }
0x1e9: {  	v10 =	vor.u32 s3, v1;
	v8 =	vnsel vm0, $0x40, v8  }
0x1ea: {  	vm0 =	vlt.s32 v10, v8  }
0x1eb: {  	v8 =	vsel vm0, $0x1, v2  }
0x1ec: {  	s2 =	sadd.s32 $0x10, s2;
	s3 =	sshrl.u32 s1, $0x2;
	s1 =	sadd.s32 $0x1, s1;
	[tilespmem:v9+s11+$0x0] =	vst.idx.add.s32.msk $0xffff, v8  }
0x1ed: {  	v8 =	vld [tilespmem:s2+$0x0]  }
0x1ee: {  	v9 =	vmov s3;
	_ =	sdelay $0x3  }
0x1ef: {  	v8 =	vshra.s32 v8, $0xE  }
0x1f0: {  	v9 =	vld.idx.msk [tilespmem:v9+s6+$0x0], $0xffff;
	vm0 =	vgt.s32 v8, $0x0  }
0x1f1: {  	v8 =	vnsel vm0, $0x0, v8  }
0x1f2: {  	v8 =	vmin.u32 v8, $0x3D  }
0x1f3: {  	v8 =	vshll.u32 v8, $0x4  }
0x1f4: {  	s0 =	sadd.s32 $0x10, s0;
	v8 =	vor.u32 v1, v8  }
0x1f5: {  	s0 =	sand.u32 $0x30, s0;
	vm15 =	vlt.s32 v9, $0x40  }
0x1f6: {  	v10 =	vor.u32 s0, v1;
	v9 =	vnsel vm15, $0x40, v9  }
0x1f7: {  	vm0 =	vlt.s32 v10, v9  }
0x1f8: {  	v9 =	vsel vm0, $0x1, v2  }
0x1f9: {  	s0 =	simm.s32 $0x0;
	[tilespmem:v8+s11+$0x0] =	vst.idx.add.s32.msk $0xffff, v9  }
0x1fa: {  	v8 =	vld [tilespmem:s0+$0xC280];
	_ =	sdelay $0x4  }
0x1fb: {  	(xrf0) =	vadd.scan.msk.s32 $0xffff, v8;
	_ =	sdelay $0x5  }
0x1fc: {  	v9, _, _ =	vpop (xrf0)  }
0x1fd: {  	v10 =	vxor.u32 $0x80000000, v9  }
0x1fe: {  	(xrf0) =	vmax.scan.msk.u32 $0xffff, v10;
	_ =	sdelay $0x3  }
0x1ff: {  	v8 =	vsub.s32 v9, v8  }
0x200: {  	v8 =	vadd.s32 s29, v8  }
0x201: {  	s2 =	simm.s32 $0x10;
	s1 =	simm.s32 $0x80;
	[tilespmem:s0+$0xC280] =	vst v8;
	v9, _, _ =	vpop (xrf0)  }
.LBB2_9:
0x202: {  	p0 =	sne.s32 s1, $0xF40;
	v10 =	vld [tilespmem:s2+$0xC280];
	[tilespmem:s0+$0xC680] =	vst v8;
	(v2sf) =	vpush v9, $0xF;
	s0 =	smov.u32 s2;
	_ =	sdelay $0x4  }
0x203: {  	(xrf0) =	vadd.scan.msk.s32 $0xffff, v10;
	_ =	sdelay $0x5  }
0x204: {  	v8, _, _ =	vpop (xrf0)  }
0x205: {  	v9 =	vsub.s32 v8, v10;
	v8 =	vxor.u32 $0x80000000, v8  }
0x206: {  	(xrf0) =	vmax.scan.msk.u32 $0xffff, v8;
	_ =	sdelay $0x1  }
.Ltmp5:
0x207: {  	s2 =	spop (v2sf);
	(pc) =	sbr.rel @p0 .LBB2_9-.Ltmp5, $4  }
0x208: {  	s2 =	sadd.s32 s2, s29  }
0x209: {  	s29 =	sadd.s32 $0x80000000, s2  }
0x20a: {  	v8 =	vadd.s32 s29, v9  }
0x20b: {  	s2 =	sshra.s32 s1, $0x2;
	s1 =	sadd.s32 $0x40, s1;
	[tilespmem:s0+$0xC280] =	vst v8;
	v9, _, _ =	vpop (xrf0)  }
0x20c: {  	v10 =	vld [tilespmem:s2+$0xC280];
	_ =	sdelay $0x4  }
0x20d: {  	(xrf0) =	vadd.scan.msk.s32 $0xffff, v10;
	_ =	sdelay $0x5  }
0x20e: {  	v11, _, _ =	vpop (xrf0)  }
0x20f: {  	v12 =	vxor.u32 $0x80000000, v11  }
0x210: {  	(xrf0) =	vmax.scan.msk.u32 $0xffff, v12;
	_ =	sdelay $0x4  }
0x211: {  	(v2sf) =	vpush v9, $0xF  }
0x212: {  	v62, _, _ =	vpop (xrf0)  }
0x213: {  	(v2sf) =	vpush v62, $0xF;
	_ =	sdelay $0xc  }
0x214: {  	s1 =	spop (v2sf)  }
0x215: {  	s1 =	sadd.s32 s1, s29  }
0x216: {  	v63 =	vsub.s32 v11, v10;
	s1 =	sadd.s32 $0x80000000, s1;
	s3 =	spop (v2sf)  }
0x217: {  	[tilespmem:s0+$0xC680] =	vst v8;
	v8 =	vadd.s32 s1, v63;
	s31 =	sadd.s32 s3, s1  }
0x218: {  	[tilespmem:s2+$0xC280] =	vst v8;
	s0 =	sadd.s32 $0x80000000, s31  }
0x219: {  	s14 =	simm.s32 $0x0;
	[tilespmem:s2+$0xC680] =	vst v8;
	v8 =	vmov s0  }
0x21a: {  	s2 =	simm.s32 $0x500;
	s1 =	simm.s32 $0x0;
	s3 =	simm.s32 $0x4580;
	[tilespmem:$0xCA60] =	vst v8  }
.LBB2_11:
0x21b: {  	v8 =	vld [tilespmem:s2+$0x0];
	_ =	sdelay $0x4  }
0x21c: {  	v9 =	vshra.s32 v8, $0xE  }
0x21d: {  	vm0 =	vgt.s32 v9, $0x0  }
0x21e: {  	v9 =	vnsel vm0, $0x0, v9  }
0x21f: {  	s15 =	sshrl.u32 s14, $0x2;
	v9 =	vmin.u32 v9, $0x3D  }
0x220: {  	v10 =	vmov s15;
	v9 =	vshll.u32 v9, $0x4  }
0x221: {  	v9 =	vor.u32 v1, v9;
	_ =	sdelay $0x3  }
0x222: {  	v10 =	vld.idx.msk [tilespmem:v10+s6+$0x0], $0xffff  }
0x223: {  	v11 =	vld.idx.msk [tilespmem:v9+s11+$0x0], $0xffff;
	_ =	sdelay $0x3  }
0x224: {  	s31 =	sand.u32 $0x30, s1;
	vm14 =	vlt.s32 v10, $0x40  }
0x225: {  	v12 =	vor.u32 s31, v1;
	v10 =	vnsel vm14, $0x40, v10;
	vm15 =	vlt.s32 v11, $0x1CFF  }
0x226: {  	vm1 =	vlt.s32 v12, v10;
	v62 =	vnsel vm15, $0x1CFF, v11  }
0x227: {  	v10 =	vsel vm1, v62, v4  }
0x228: {  	v63 =	vld [tilespmem:s3+$0x0];
	p0 =	sne.s32 s14, $0x3FF  }
.Ltmp6:
0x229: {  	_ = 	snop;
	(pc) =	sbr.rel @p0 .LBB2_11-.Ltmp6, $4  }
0x22a: {  	v12 =	vsel vm1, $0x1, v2  }
0x22b: {  	[tilespmem:v9+s11+$0x0] =	vst.idx.add.s32.msk $0xffff, v12  }
0x22c: {  	s1 =	sadd.s32 $0x10, s1;
	[tilespmem:v10+s12+$0x0] =	vst.idx.msk $0xffff, v8  }
0x22d: {  	s2 =	sadd.s32 $0x10, s2;
	s3 =	sadd.s32 $0x10, s3;
	s14 =	sadd.s32 $0x1, s14;
	[tilespmem:v10+s13+$0x0] =	vst.idx.msk $0xffff, v63  }
0x22e: {  	s1 =	sadd.s32 $0xFFFFFFFF, s0  }
0x22f: {  	p0 =	sgt.s32 s1, $0x0  }
0x230: {  	s1 =	simm.s32 @!p0 $0x0  }
0x231: {  	v8 =	vmov s1  }
0x232: {  	v8 =	vbroadcast v8, $0x0;
	_ =	sdelay $0x5  }
0x233: {  	v9 =	vld.idx.msk [tilespmem:v8+s12+$0x0], $0xffff  }
0x234: {  	v8 =	vld.idx.msk [tilespmem:v8+s13+$0x0], $0xffff;
	_ =	sdelay $0x1  }
0x235: {  	p0 =	slt.s32 s0, $0x1D00  }
0x236: {  	s0 =	simm.s32 @!p0 $0x1D00  }
0x237: {  	[tilespmem:s0+$0x8780] =	vst v9  }
0x238: {  	[tilespmem:s0+$0xA500] =	vst v8  }
0x239: {  	[tilespmem:s0+$0x8790] =	vst v9  }
0x23a: {  	[tilespmem:s0+$0xA510] =	vst v8  }
.Ltmp7:
0x23b: {  	[tilespmem:s0+$0x87A0] =	vst v9;
	(pc) =	sbr.rel .LBB2_14-.Ltmp7, $4  }
0x23c: {  	[tilespmem:s0+$0xA520] =	vst v8  }
0x23d: {  	s28 =	simm.s32 $0x1000;
	[tilespmem:s0+$0x87B0] =	vst v9  }
0x23e: {  	s31 =	simm.s32 $0x7A1400;
	s29 =	simm.s32 $0x0;
	s30 =	simm.s32 $0x0;
	[tilespmem:s0+$0xA530] =	vst v8  }
0x23f: {  	[tilespmem:s16], [sflag:$0x2] =	stream.strided.gather [hbm4b:s26+s28], $0x8000, s31, s28, $0x38;
	[tilespmem:$0x1FB80] =	vst v63  }
.LBB2_13:
0x240: {  	p0 =	seq.s32 s30, $0x3D  }
.Ltmp8:
0x241: {  	_ = 	snop;
	(pc) =	sbr.rel @p0 .LBB2_19-.Ltmp8, $1  }
0x242: {  	_ =	sdelay $0x3  }
.LBB2_14:
0x243: {  	s0 =	sshll.u32 s30, $0x4  }
0x244: {  	v8 =	vmov s0;
	s0 =	sadd.s32 $0x10, s0  }
0x245: {  	s1 =	smov.u32 s30;
	_ =	swait.ge [sflag:s17], $0x8000;
	v8 =	vbroadcast v8, $0x0;
	v9 =	vmov s0  }
0x246: {  	s30 =	sadd.s32 $0x1, s30;
	p0 =	seq.s32 s1, $0x3C;
	[sflag:s17] =	ssyncset.done $0x0;
	v9 =	vbroadcast v9, $0x0  }
0x247: {  	s0 =	sshll.u32 @!p0 s30, $0xF;
	[sflag:s17] =	ssyncadd.s32 $0xFFFF8000  }
0x248: {  	s2 =	sshll.u32 @!p0 s30, $0xE;
	s3 =	simm.s32 @!p0 $0x1000;
	s0 =	sand.u32 @!p0 $0x8000, s0  }
0x249: {  	s14 =	simm.s32 @!p0 $0x7A1400;
	s2 =	sadd.s32 @!p0 s2, s26;
	s0 =	sadd.s32 @!p0 $0xCA80, s0  }
0x24a: {  	[tilespmem:s0], [sflag:$0x2] =	stream.strided.gather @!p0 [hbm4b:s2+s3], $0x8000, s14, s3, $0x38;
	[tilespmem:$0x1FB80] =	vst v63  }
0x24b: {  	v8 =	vld.idx.msk [tilespmem:v8+s18+$0x0], $0xffff  }
0x24c: {  	v9 =	vld.idx.msk [tilespmem:v9+s18+$0x0], $0xffff;
	_ =	sdelay $0x3  }
0x24d: {  	v8 =	vxor.u32 $0x80000000, v8  }
0x24e: {  	(xrf0) =	vmax.scan.msk.u32 $0xffff, v8;
	v8 =	vxor.u32 $0x80000000, v9  }
0x24f: {  	(xrf0) =	vmax.scan.msk.u32 $0xffff, v8;
	_ =	sdelay $0x4  }
0x250: {  	v8, _, _ =	vpop (xrf0)  }
0x251: {  	(v2sf) =	vpush v8, $0xF;
	v8, _, _ =	vpop (xrf0)  }
0x252: {  	(v2sf) =	vpush v8, $0xF;
	_ =	sdelay $0xd  }
0x253: {  	s28 =	spop (v2sf)  }
0x254: {  	s31 =	spop (v2sf)  }
0x255: {  	s2 =	sxor.u32 $0x80000000, s28;
	s0 =	sxor.u32 $0x80000000, s31  }
0x256: {  	p0 =	slt.s32 s2, $0x1D00;
	p1 =	slt.s32 s0, $0x1D00  }
0x257: {  	s2 =	simm.s32 @!p0 $0x1D00;
	s0 =	simm.s32 @!p1 $0x1D00  }
0x258: {  	s0 =	ssub.s32 s0, s2  }
0x259: {  	p0 =	sgt.s32 s0, $0x0  }
0x25a: {  	s0 =	simm.s32 @!p0 $0x0  }
0x25b: {  	s0 =	sadd.s32 $0xF, s0  }
0x25c: {  	s0 =	sshra.s32 s0, $0x4  }
0x25d: {  	p0 =	slt.s32 s0, $0x1  }
.Ltmp9:
0x25e: {  	_ = 	snop;
	(pc) =	sbr.rel @p0 .LBB2_13-.Ltmp9, $1  }
0x25f: {  	_ =	sdelay $0x3  }
0x260: {  	s1 =	sshll.u32 s1, $0xF  }
0x261: {  	s1 =	sand.u32 $0x8000, s1  }
0x262: {  	v8 =	vmov s2;
	s31 =	sadd.s32 $0xCA80, s1;
	s1 =	simm.s32 $0x0  }
.LBB2_16:
0x263: {  	p0 =	slt.s32 s29, $0x2  }
0x264: {  	s2 =	simm.s32 @!p0 $0x3  }
0x265: {  	_ =	swait.ge @!p0 [sflag:s2], $0x800  }
0x266: {  	[sflag:s2] =	ssyncset.done @!p0 $0x0  }
0x267: {  	s25 =	sshll.u32 s1, $0x4;
	[sflag:s2] =	ssyncadd.s32 @!p0 $0xFFFFF800  }
0x268: {  	v9 =	vld.idx.msk [tilespmem:v8+s25+$0x8780 ss:$0x1], $0xffff;
	_ =	sdelay $0x4  }
0x269: {  	s3 =	simm.s32 $0x0;
	v10 =	vshll.u32 v9, $0x3  }
0x26a: {  	v11 =	vmov s3;
	v9 =	vand.u32 $0x7F, v9;
	v10 =	vand.u32 $0xC00, v10  }
0x26b: {  	v12 =	vld.idx.msk [tilespmem:v8+s25+$0xA500 ss:$0x1], $0xffff;
	v9 =	vor.u32 v9, v10;
	v10 =	vshll.u32 v11, $0x9  }
0x26c: {  	v11 =	vor.u32 v9, v10;
	_ =	sdelay $0x1  }
0x26d: {  	s12 =	sand.u32 $0x1, s29;
	s14 =	simm.s32 $0x1  }
0x26e: {  	s25 =	sshll.u32 s12, $0x7;
	v10 =	vmov s14  }
0x26f: {  	[tilespmem:s25+$0x1FA80] =	vst v12;
	v12 =	vshll.u32 v10, $0x9  }
0x270: {  	v13 =	vor.u32 s3, v5;
	v10 =	vor.u32 $0x80, v9;
	v12 =	vand.u32 $0x7000, v12;
	v11 =	vld.idx.msk [tilespmem:v11+s31+$0x0], $0xffff  }
0x271: {  	v12 =	vor.u32 v12, v10;
	_ =	sdelay $0x1  }
0x272: {  	s15 =	simm.s32 $0x2;
	s2 =	sshll.u32 s12, $0xB  }
0x273: {  	v14 =	vmov s15;
	s2 =	sadd.s32 $0x1EA80, s2  }
0x274: {  	[tilespmem:v13+s2+$0x0] =	vst.idx.msk $0xffff, v11;
	v13 =	vshll.u32 v14, $0x9  }
0x275: {  	v11 =	vor.u32 $0x100, v9;
	v14 =	vor.u32 s14, v5;
	v12 =	vld.idx.msk [tilespmem:v12+s31+$0x0], $0xffff;
	v13 =	vand.u32 $0x7000, v13  }
0x276: {  	v13 =	vor.u32 v13, v11;
	_ =	sdelay $0x1  }
0x277: {  	s12 =	simm.s32 $0x3  }
0x278: {  	v15 =	vmov s12  }
0x279: {  	[tilespmem:v14+s2+$0x0] =	vst.idx.msk $0xffff, v12;
	v14 =	vshll.u32 v15, $0x9  }
0x27a: {  	v12 =	vor.u32 $0x180, v9;
	v15 =	vor.u32 s15, v5;
	v13 =	vld.idx.msk [tilespmem:v13+s31+$0x0], $0xffff;
	v14 =	vand.u32 $0x7000, v14  }
0x27b: {  	v14 =	vor.u32 v14, v12;
	_ =	sdelay $0x1  }
0x27c: {  	s15 =	simm.s32 $0x4  }
0x27d: {  	v16 =	vmov s15  }
0x27e: {  	[tilespmem:v15+s2+$0x0] =	vst.idx.msk $0xffff, v13;
	v15 =	vshll.u32 v16, $0x9  }
0x27f: {  	v13 =	vor.u32 $0x200, v9;
	v16 =	vor.u32 s12, v5;
	v14 =	vld.idx.msk [tilespmem:v14+s31+$0x0], $0xffff;
	v15 =	vand.u32 $0x7000, v15  }
0x280: {  	v15 =	vor.u32 v15, v13;
	_ =	sdelay $0x1  }
0x281: {  	s12 =	simm.s32 $0x5  }
0x282: {  	v17 =	vmov s12  }
0x283: {  	[tilespmem:v16+s2+$0x0] =	vst.idx.msk $0xffff, v14;
	v16 =	vshll.u32 v17, $0x9  }
0x284: {  	v14 =	vor.u32 $0x280, v9;
	v17 =	vor.u32 s15, v5;
	v15 =	vld.idx.msk [tilespmem:v15+s31+$0x0], $0xffff;
	v16 =	vand.u32 $0x7000, v16  }
0x285: {  	v16 =	vor.u32 v16, v14;
	_ =	sdelay $0x1  }
0x286: {  	s15 =	simm.s32 $0x6  }
0x287: {  	v18 =	vmov s15  }
0x288: {  	[tilespmem:v17+s2+$0x0] =	vst.idx.msk $0xffff, v15;
	v17 =	vshll.u32 v18, $0x9  }
0x289: {  	v15 =	vor.u32 $0x300, v9;
	v18 =	vor.u32 s12, v5;
	v16 =	vld.idx.msk [tilespmem:v16+s31+$0x0], $0xffff;
	v17 =	vand.u32 $0x7000, v17  }
0x28a: {  	v17 =	vor.u32 v17, v15;
	_ =	sdelay $0x2  }
0x28b: {  	v19 =	vor.u32 s15, v5;
	s15 =	simm.s32 $0x7  }
0x28c: {  	[tilespmem:v18+s2+$0x0] =	vst.idx.msk $0xffff, v16;
	v16 =	vmov s15  }
0x28d: {  	v18 =	vld.idx.msk [tilespmem:v17+s31+$0x0], $0xffff;
	v17 =	vshll.u32 v16, $0x9  }
0x28e: {  	v16 =	vor.u32 $0x380, v9;
	v17 =	vand.u32 $0x7000, v17  }
0x28f: {  	v17 =	vor.u32 v17, v16;
	_ =	sdelay $0x2  }
0x290: {  	s28 =	simm.s32 $0x8  }
0x291: {  	s3 =	simm.s32 $0x17;
	s14 =	sadd.s32 $0x1FA80, s25;
	s25 =	simm.s32 $0xF;
	[tilespmem:v19+s2+$0x0] =	vst.idx.msk $0xffff, v18  }
.LBB2_17:
0x292: {  	p0 =	sne.s32 s3, $0x3F;
	v18 =	vmov s28;
	v17 =	vld.idx.msk [tilespmem:v17+s31+$0x0], $0xffff  }
0x293: {  	v19 =	vor.u32 s15, v5;
	s15 =	smov.u32 s25;
	s25 =	smov.u32 s3;
	v18 =	vshll.u32 v18, $0x9  }
0x294: {  	v18 =	vor.u32 v9, v18;
	_ =	sdelay $0x2  }
0x295: {  	s12 =	sadd.s32 $0xFFFFFFFA, s15  }
0x296: {  	v20 =	vmov s12;
	[tilespmem:v19+s2+$0x0] =	vst.idx.msk $0xffff, v17  }
0x297: {  	v17 =	vld.idx.msk [tilespmem:v18+s31+$0x0], $0xffff;
	v18 =	vshll.u32 v20, $0x9  }
0x298: {  	v19 =	vor.u32 s28, v5;
	v18 =	vand.u32 $0x7000, v18  }
0x299: {  	v18 =	vor.u32 v18, v10;
	_ =	sdelay $0x2  }
0x29a: {  	s28 =	sadd.s32 $0xFFFFFFFB, s15  }
0x29b: {  	[tilespmem:v19+s2+$0x0] =	vst.idx.msk $0xffff, v17;
	v17 =	vmov s28  }
0x29c: {  	v18 =	vld.idx.msk [tilespmem:v18+s31+$0x0], $0xffff;
	v17 =	vshll.u32 v17, $0x9  }
0x29d: {  	v19 =	vor.u32 s12, v5;
	v17 =	vand.u32 $0x7000, v17  }
0x29e: {  	v17 =	vor.u32 v17, v11;
	_ =	sdelay $0x2  }
0x29f: {  	s12 =	sadd.s32 $0xFFFFFFFC, s15  }
0x2a0: {  	[tilespmem:v19+s2+$0x0] =	vst.idx.msk $0xffff, v18;
	v18 =	vmov s12  }
0x2a1: {  	v17 =	vld.idx.msk [tilespmem:v17+s31+$0x0], $0xffff;
	v18 =	vshll.u32 v18, $0x9  }
0x2a2: {  	v19 =	vor.u32 s28, v5;
	v18 =	vand.u32 $0x7000, v18  }
0x2a3: {  	v18 =	vor.u32 v18, v12;
	_ =	sdelay $0x2  }
0x2a4: {  	s28 =	sadd.s32 $0xFFFFFFFD, s15  }
0x2a5: {  	[tilespmem:v19+s2+$0x0] =	vst.idx.msk $0xffff, v17;
	v17 =	vmov s28  }
0x2a6: {  	v18 =	vld.idx.msk [tilespmem:v18+s31+$0x0], $0xffff;
	v17 =	vshll.u32 v17, $0x9  }
0x2a7: {  	v19 =	vor.u32 s12, v5;
	v17 =	vand.u32 $0x7000, v17  }
0x2a8: {  	v17 =	vor.u32 v17, v13;
	_ =	sdelay $0x2  }
0x2a9: {  	s12 =	sadd.s32 $0xFFFFFFFE, s15  }
0x2aa: {  	[tilespmem:v19+s2+$0x0] =	vst.idx.msk $0xffff, v18;
	v18 =	vmov s12  }
0x2ab: {  	v17 =	vld.idx.msk [tilespmem:v17+s31+$0x0], $0xffff;
	v18 =	vshll.u32 v18, $0x9  }
0x2ac: {  	v19 =	vor.u32 s28, v5;
	v18 =	vand.u32 $0x7000, v18  }
0x2ad: {  	v18 =	vor.u32 v18, v14;
	_ =	sdelay $0x2  }
0x2ae: {  	s28 =	sadd.s32 $0xFFFFFFFF, s15  }
0x2af: {  	[tilespmem:v19+s2+$0x0] =	vst.idx.msk $0xffff, v17;
	v17 =	vmov s28  }
0x2b0: {  	v18 =	vld.idx.msk [tilespmem:v18+s31+$0x0], $0xffff;
	v17 =	vshll.u32 v17, $0x9  }
0x2b1: {  	v19 =	vor.u32 s12, v5;
	v17 =	vand.u32 $0x7000, v17  }
0x2b2: {  	v17 =	vor.u32 v17, v15;
	_ =	sdelay $0x3  }
0x2b3: {  	[tilespmem:v19+s2+$0x0] =	vst.idx.msk $0xffff, v18;
	v18 =	vmov s15  }
0x2b4: {  	v19 =	vld.idx.msk [tilespmem:v17+s31+$0x0], $0xffff;
	v17 =	vshll.u32 v18, $0x9  }
0x2b5: {  	v18 =	vor.u32 s28, v5;
	v17 =	vand.u32 $0x7000, v17  }
.Ltmp10:
0x2b6: {  	v17 =	vor.u32 v17, v16;
	(pc) =	sbr.rel @p0 .LBB2_17-.Ltmp10, $2  }
0x2b7: {  	_ =	sdelay $0x2  }
0x2b8: {  	s3 =	sadd.s32 $0x8, s3;
	s28 =	sadd.s32 $0xFFFFFFF9, s25;
	[tilespmem:v18+s2+$0x0] =	vst.idx.msk $0xffff, v19  }
0x2b9: {  	_ =	sdelay $0x2  }
0x2ba: {  	v18 =	vmov s28  }
0x2bb: {  	v17 =	vld.idx.msk [tilespmem:v17+s31+$0x0], $0xffff;
	v19 =	vor.u32 s15, v5;
	v18 =	vshll.u32 v18, $0x9  }
0x2bc: {  	v9 =	vor.u32 v9, v18;
	_ =	sdelay $0x1  }
0x2bd: {  	s3 =	sadd.s32 $0xFFFFFFFA, s25  }
0x2be: {  	v55 =	vmov s3  }
0x2bf: {  	v56 =	vshll.u32 v55, $0x9;
	[tilespmem:v19+s2+$0x0] =	vst.idx.msk $0xffff, v17  }
0x2c0: {  	v57 =	vor.u32 s28, v5;
	v17 =	vand.u32 $0x7000, v56;
	v9 =	vld.idx.msk [tilespmem:v9+s31+$0x0], $0xffff  }
0x2c1: {  	v10 =	vor.u32 v17, v10;
	_ =	sdelay $0x1  }
0x2c2: {  	s12 =	sadd.s32 $0xFFFFFFFB, s25  }
0x2c3: {  	v58 =	vmov s12  }
0x2c4: {  	[tilespmem:v57+s2+$0x0] =	vst.idx.msk $0xffff, v9;
	v9 =	vshll.u32 v58, $0x9  }
0x2c5: {  	v59 =	vor.u32 s3, v5;
	v10 =	vld.idx.msk [tilespmem:v10+s31+$0x0], $0xffff;
	v9 =	vand.u32 $0x7000, v9  }
0x2c6: {  	v9 =	vor.u32 v9, v11;
	_ =	sdelay $0x1  }
0x2c7: {  	s15 =	sadd.s32 $0xFFFFFFFC, s25  }
0x2c8: {  	v11 =	vmov s15  }
0x2c9: {  	[tilespmem:v59+s2+$0x0] =	vst.idx.msk $0xffff, v10;
	v10 =	vshll.u32 v11, $0x9  }
0x2ca: {  	v11 =	vor.u32 s12, v5;
	v9 =	vld.idx.msk [tilespmem:v9+s31+$0x0], $0xffff;
	v10 =	vand.u32 $0x7000, v10  }
0x2cb: {  	v10 =	vor.u32 v10, v12;
	_ =	sdelay $0x1  }
0x2cc: {  	s28 =	sadd.s32 $0xFFFFFFFD, s25  }
0x2cd: {  	v60 =	vmov s28  }
0x2ce: {  	[tilespmem:v11+s2+$0x0] =	vst.idx.msk $0xffff, v9;
	v9 =	vshll.u32 v60, $0x9  }
0x2cf: {  	v11 =	vor.u32 s15, v5;
	v10 =	vld.idx.msk [tilespmem:v10+s31+$0x0], $0xffff;
	v9 =	vand.u32 $0x7000, v9  }
0x2d0: {  	v9 =	vor.u32 v9, v13;
	_ =	sdelay $0x1  }
0x2d1: {  	s15 =	sadd.s32 $0xFFFFFFFE, s25  }
0x2d2: {  	v61 =	vmov s15  }
0x2d3: {  	[tilespmem:v11+s2+$0x0] =	vst.idx.msk $0xffff, v10;
	v10 =	vshll.u32 v61, $0x9  }
0x2d4: {  	v11 =	vor.u32 s28, v5;
	v9 =	vld.idx.msk [tilespmem:v9+s31+$0x0], $0xffff;
	v10 =	vand.u32 $0x7000, v10  }
0x2d5: {  	v10 =	vor.u32 v10, v14;
	_ =	sdelay $0x1  }
0x2d6: {  	s28 =	sadd.s32 $0xFFFFFFFF, s25  }
0x2d7: {  	v62 =	vmov s28  }
0x2d8: {  	[tilespmem:v11+s2+$0x0] =	vst.idx.msk $0xffff, v9;
	v9 =	vshll.u32 v62, $0x9  }
0x2d9: {  	v11 =	vor.u32 s15, v5;
	v10 =	vld.idx.msk [tilespmem:v10+s31+$0x0], $0xffff;
	v9 =	vand.u32 $0x7000, v9  }
0x2da: {  	v9 =	vor.u32 v9, v15;
	_ =	sdelay $0x2  }
0x2db: {  	v63 =	vmov s25  }
0x2dc: {  	[tilespmem:v11+s2+$0x0] =	vst.idx.msk $0xffff, v10;
	v10 =	vshll.u32 v63, $0x9  }
0x2dd: {  	v11 =	vor.u32 s28, v5;
	v9 =	vld.idx.msk [tilespmem:v9+s31+$0x0], $0xffff;
	v10 =	vand.u32 $0x7000, v10  }
0x2de: {  	v10 =	vor.u32 v10, v16;
	_ =	sdelay $0x3  }
0x2df: {  	[tilespmem:v11+s2+$0x0] =	vst.idx.msk $0xffff, v9  }
0x2e0: {  	s1 =	sadd.s32 $0x1, s1;
	v9 =	vld.idx.msk [tilespmem:v10+s31+$0x0], $0xffff;
	v10 =	vor.u32 s25, v5  }
0x2e1: {  	p0 =	seq.s32 s1, s0  }
.Ltmp11:
0x2e2: {  	_ = 	snop;
	(pc) =	sbr.rel @!p0 .LBB2_16-.Ltmp11, $4  }
.Ltmp12:
0x2e3: {  	_ = 	snop;
	(pc) =	sbr.rel @p0 .LBB2_13-.Ltmp12, $4  }
0x2e4: {  	_ = 	snop  }
0x2e5: {  	s29 =	sadd.s32 $0x1, s29;
	[tilespmem:v10+s2+$0x0] =	vst.idx.msk $0xffff, v9  }
0x2e6: {  	[hbm4b:s24+s19] =	stream.indirect.scatter [tilespmem:s2], [sflag:$0x3], $0x80, s14, s19, $0xb8;
	[tilespmem:$0x1FB80] =	vst v63  }
0x2e7: {  	_ = 	snop  }
.LBB2_19:
0x2e8: {  	s0 =	sld [smem:$0x7F6];
	_ =	sdelay $0x1  }
0x2e9: {  	s1 =	simm.s32 $0x1000;
	s2 =	simm.s32 $0x7A1400  }
0x2ea: {  	[tilespmem:s16], [sflag:$0x4] =	stream.strided.gather [hbm4b:s0+s1], $0x8000, s2, s1, $0x38;
	[tilespmem:$0x1FB80] =	vst v63  }
0x2eb: {  	_ =	swait.ge [sflag:s10], $0x8000  }
0x2ec: {  	s15 =	sld [smem:$0x7F7]  }
0x2ed: {  	[sflag:s10] =	ssyncset.done $0x0  }
0x2ee: {  	[sflag:s10] =	ssyncadd.s32 $0xFFFF8000  }
0x2ef: {  	[tilespmem:s20], [sflag:$0x4] =	stream.strided.gather [hbm4b:s15+s4], $0x2000, s2, s4, $0x38;
	[tilespmem:$0x1FB80] =	vst v63  }
0x2f0: {  	_ =	swait.ge [sflag:s10], $0x2000  }
0x2f1: {  	[sflag:s10] =	ssyncset.done $0x0  }
0x2f2: {  	[sflag:s10] =	ssyncadd.s32 $0xFFFFE000  }
0x2f3: {  	v8 =	vld.idx.msk [tilespmem:v6+s18+$0x0], $0xffff  }
0x2f4: {  	v9 =	vld.idx.msk [tilespmem:v7+s18+$0x0], $0xffff;
	_ =	sdelay $0x3  }
0x2f5: {  	v8 =	vxor.u32 $0x80000000, v8  }
0x2f6: {  	(xrf0) =	vmax.scan.msk.u32 $0xffff, v8;
	v8 =	vxor.u32 $0x80000000, v9  }
0x2f7: {  	(xrf0) =	vmax.scan.msk.u32 $0xffff, v8;
	_ =	sdelay $0x4  }
0x2f8: {  	v8, _, _ =	vpop (xrf0)  }
0x2f9: {  	(v2sf) =	vpush v8, $0xF;
	v8, _, _ =	vpop (xrf0)  }
0x2fa: {  	(v2sf) =	vpush v8, $0xF;
	_ =	sdelay $0xd  }
0x2fb: {  	s25 =	spop (v2sf)  }
0x2fc: {  	s28 =	spop (v2sf)  }
0x2fd: {  	s30 =	sxor.u32 $0x80000000, s25;
	s0 =	sxor.u32 $0x80000000, s28  }
0x2fe: {  	p0 =	slt.s32 s30, $0x1D00;
	p1 =	slt.s32 s0, $0x1D00  }
0x2ff: {  	s30 =	simm.s32 @!p0 $0x1D00;
	s0 =	simm.s32 @!p1 $0x1D00  }
0x300: {  	s0 =	ssub.s32 s0, s30  }
0x301: {  	p0 =	sgt.s32 s0, $0x0  }
0x302: {  	s0 =	simm.s32 @!p0 $0x0  }
0x303: {  	s0 =	sadd.s32 $0xF, s0  }
0x304: {  	s31 =	sshra.s32 s0, $0x4  }
0x305: {  	p0 =	slt.s32 s31, $0x1  }
.Ltmp13:
0x306: {  	_ = 	snop;
	(pc) =	sbr.rel @p0 .LBB2_23-.Ltmp13, $2  }
0x307: {  	_ =	sdelay $0x2  }
0x308: {  	s0 =	simm.s32 $0x0  }
.LBB2_20:
0x309: {  	p0 =	slt.s32 s29, $0x2  }
0x30a: {  	s1 =	simm.s32 @!p0 $0x3  }
0x30b: {  	_ =	swait.ge @!p0 [sflag:s1], $0x800  }
0x30c: {  	s2 =	sshll.u32 s0, $0x4;
	[sflag:s1] =	ssyncset.done @!p0 $0x0  }
0x30d: {  	s14 =	sadd.s32 s30, s2;
	[sflag:s1] =	ssyncadd.s32 @!p0 $0xFFFFF800  }
0x30e: {  	v8 =	vld [tilespmem:s14+$0x8780];
	_ =	sdelay $0x4  }
0x30f: {  	v11 =	vadd.s32 $0xFFF0C000, v8  }
0x310: {  	vm0 =	vlt.s32 v11, $0x1FF  }
0x311: {  	v9 =	vnsel vm0, $0x1FF, v11  }
0x312: {  	s3 =	simm.s32 $0x0;
	v12 =	vadd.s32 $0xFFF0BE00, v8;
	v10 =	vand.u32 $0x7F, v9;
	v9 =	vshll.u32 v9, $0x3  }
0x313: {  	v13 =	vmov s3;
	vm0 =	vgt.s32 v12, $0x0;
	v8 =	vand.u32 $0xFFFFFC00, v9  }
0x314: {  	v14 =	vld [tilespmem:s14+$0xA500];
	v9 =	vnsel vm0, $0x0, v12;
	v8 =	vor.u32 v10, v8;
	v10 =	vshll.u32 v13, $0x9  }
0x315: {  	v12 =	vshll.u32 v13, $0x7;
	v9 =	vmin.u32 v9, $0x3F;
	v10 =	vadd.s32 v8, v10  }
0x316: {  	v12 =	vor.u32 v9, v12  }
0x317: {  	s15 =	sand.u32 $0x1, s29  }
0x318: {  	s2 =	sshll.u32 s15, $0x7  }
0x319: {  	s12 =	simm.s32 $0x1;
	[tilespmem:s2+$0x1FA80] =	vst v14  }
0x31a: {  	v14 =	vmov s12;
	v13 =	vld.idx.msk [tilespmem:v10+s16+$0x0], $0xffff  }
0x31b: {  	v15 =	vshll.u32 v14, $0x9;
	v12 =	vld.idx.msk [tilespmem:v12+s20+$0x0], $0xffff  }
0x31c: {  	v16 =	vor.u32 s3, v5;
	v15 =	vand.u32 $0x7000, v15;
	v10 =	vor.u32 $0x80, v8  }
0x31d: {  	v14 =	vshll.u32 v14, $0x7;
	v15 =	vadd.s32 v10, v15  }
0x31e: {  	v14 =	vor.u32 v9, v14  }
0x31f: {  	s1 =	sshll.u32 s15, $0xB;
	vm0 =	vlt.s32 v11, $0x200  }
0x320: {  	s1 =	sadd.s32 $0x1EA80, s1;
	v11 =	vsel vm0, v13, v12  }
0x321: {  	s25 =	simm.s32 $0x2;
	[tilespmem:v16+s1+$0x0] =	vst.idx.msk $0xffff, v11  }
0x322: {  	v13 =	vmov s25;
	v12 =	vld.idx.msk [tilespmem:v15+s16+$0x0], $0xffff  }
0x323: {  	v14 =	vld.idx.msk [tilespmem:v14+s20+$0x0], $0xffff;
	v15 =	vshll.u32 v13, $0x9  }
0x324: {  	v11 =	vor.u32 $0x100, v8;
	v16 =	vor.u32 s12, v5;
	v15 =	vand.u32 $0x7000, v15  }
0x325: {  	v13 =	vshll.u32 v13, $0x7;
	v15 =	vadd.s32 v11, v15  }
0x326: {  	v13 =	vor.u32 v9, v13;
	_ =	sdelay $0x1  }
0x327: {  	v12 =	vsel vm0, v12, v14  }
0x328: {  	[tilespmem:v16+s1+$0x0] =	vst.idx.msk $0xffff, v12  }
0x329: {  	s28 =	simm.s32 $0x3;
	v14 =	vld.idx.msk [tilespmem:v15+s16+$0x0], $0xffff  }
0x32a: {  	v15 =	vmov s28;
	v13 =	vld.idx.msk [tilespmem:v13+s20+$0x0], $0xffff  }
0x32b: {  	v17 =	vor.u32 s25, v5;
	v16 =	vshll.u32 v15, $0x9;
	v15 =	vshll.u32 v15, $0x7  }
0x32c: {  	v12 =	vor.u32 $0x180, v8;
	v16 =	vand.u32 $0x7000, v16;
	v15 =	vor.u32 v9, v15  }
0x32d: {  	v16 =	vadd.s32 v12, v16;
	_ =	sdelay $0x1  }
0x32e: {  	v13 =	vsel vm0, v14, v13  }
0x32f: {  	[tilespmem:v17+s1+$0x0] =	vst.idx.msk $0xffff, v13  }
0x330: {  	s14 =	simm.s32 $0x4;
	v15 =	vld.idx.msk [tilespmem:v15+s20+$0x0], $0xffff  }
0x331: {  	v14 =	vld.idx.msk [tilespmem:v16+s16+$0x0], $0xffff;
	v16 =	vmov s14  }
0x332: {  	v18 =	vor.u32 s28, v5;
	v17 =	vshll.u32 v16, $0x9;
	v16 =	vshll.u32 v16, $0x7  }
0x333: {  	v13 =	vor.u32 $0x200, v8;
	v17 =	vand.u32 $0x7000, v17;
	v16 =	vor.u32 v9, v16  }
0x334: {  	v17 =	vadd.s32 v13, v17;
	_ =	sdelay $0x1  }
0x335: {  	v14 =	vsel vm0, v14, v15  }
0x336: {  	[tilespmem:v18+s1+$0x0] =	vst.idx.msk $0xffff, v14  }
0x337: {  	s15 =	simm.s32 $0x5;
	v16 =	vld.idx.msk [tilespmem:v16+s20+$0x0], $0xffff  }
0x338: {  	v15 =	vld.idx.msk [tilespmem:v17+s16+$0x0], $0xffff;
	v17 =	vmov s15  }
0x339: {  	v19 =	vor.u32 s14, v5;
	v18 =	vshll.u32 v17, $0x9;
	v17 =	vshll.u32 v17, $0x7  }
0x33a: {  	v14 =	vor.u32 $0x280, v8;
	v18 =	vand.u32 $0x7000, v18;
	v17 =	vor.u32 v9, v17  }
0x33b: {  	v18 =	vadd.s32 v14, v18;
	_ =	sdelay $0x1  }
0x33c: {  	v15 =	vsel vm0, v15, v16  }
0x33d: {  	[tilespmem:v19+s1+$0x0] =	vst.idx.msk $0xffff, v15  }
0x33e: {  	s25 =	simm.s32 $0x6;
	v17 =	vld.idx.msk [tilespmem:v17+s20+$0x0], $0xffff  }
0x33f: {  	v16 =	vld.idx.msk [tilespmem:v18+s16+$0x0], $0xffff;
	v18 =	vmov s25  }
0x340: {  	v20 =	vor.u32 s15, v5;
	v19 =	vshll.u32 v18, $0x9;
	v18 =	vshll.u32 v18, $0x7  }
0x341: {  	v15 =	vor.u32 $0x300, v8;
	v19 =	vand.u32 $0x7000, v19;
	v18 =	vor.u32 v9, v18  }
0x342: {  	v19 =	vadd.s32 v15, v19;
	_ =	sdelay $0x1  }
0x343: {  	v16 =	vsel vm0, v16, v17  }
0x344: {  	[tilespmem:v20+s1+$0x0] =	vst.idx.msk $0xffff, v16  }
0x345: {  	v18 =	vld.idx.msk [tilespmem:v18+s20+$0x0], $0xffff  }
0x346: {  	s28 =	simm.s32 $0x7;
	v17 =	vld.idx.msk [tilespmem:v19+s16+$0x0], $0xffff  }
0x347: {  	v19 =	vmov s28  }
0x348: {  	v20 =	vor.u32 s25, v5;
	v21 =	vshll.u32 v19, $0x9  }
0x349: {  	v16 =	vor.u32 $0x380, v8;
	v22 =	vshll.u32 v19, $0x7;
	v19 =	vand.u32 $0x7000, v21  }
0x34a: {  	v19 =	vadd.s32 v16, v19  }
0x34b: {  	v63 =	vsel vm0, v17, v18;
	v18 =	vor.u32 v9, v22;
	_ =	sdelay $0x2  }
0x34c: {  	s2 =	sadd.s32 $0x1FA80, s2;
	s14 =	simm.s32 $0xF;
	v17 =	vor.u32 s28, v5;
	[tilespmem:v20+s1+$0x0] =	vst.idx.msk $0xffff, v63  }
.LBB2_21:
0x34d: {  	p0 =	sne.s32 s14, $0x3F;
	v19 =	vld.idx.msk [tilespmem:v19+s16+$0x0], $0xffff;
	s25 =	smov.u32 s14;
	s14 =	sadd.s32 $0x8, s14  }
0x34e: {  	s3 =	sadd.s32 $0xFFFFFFF9, s25;
	v18 =	vld.idx.msk [tilespmem:v18+s20+$0x0], $0xffff  }
0x34f: {  	v20 =	vmov s3  }
0x350: {  	v21 =	vshll.u32 v20, $0x9;
	v20 =	vshll.u32 v20, $0x7  }
0x351: {  	v21 =	vadd.s32 v8, v21;
	v20 =	vor.u32 v9, v20;
	_ =	sdelay $0x2  }
0x352: {  	v18 =	vsel vm0, v19, v18  }
0x353: {  	[tilespmem:v17+s1+$0x0] =	vst.idx.msk $0xffff, v18  }
0x354: {  	s12 =	sadd.s32 $0xFFFFFFFA, s25;
	v17 =	vld.idx.msk [tilespmem:v21+s16+$0x0], $0xffff  }
0x355: {  	v19 =	vmov s12;
	v18 =	vld.idx.msk [tilespmem:v20+s20+$0x0], $0xffff  }
0x356: {  	v21 =	vshll.u32 v19, $0x9;
	v19 =	vshll.u32 v19, $0x7;
	v20 =	vor.u32 s3, v5  }
0x357: {  	v21 =	vand.u32 $0x7000, v21  }
0x358: {  	v19 =	vor.u32 v9, v19;
	v21 =	vadd.s32 v10, v21;
	_ =	sdelay $0x2  }
0x359: {  	v17 =	vsel vm0, v17, v18  }
0x35a: {  	[tilespmem:v20+s1+$0x0] =	vst.idx.msk $0xffff, v17  }
0x35b: {  	s3 =	sadd.s32 $0xFFFFFFFB, s25;
	v17 =	vld.idx.msk [tilespmem:v21+s16+$0x0], $0xffff  }
0x35c: {  	v20 =	vmov s3;
	v18 =	vld.idx.msk [tilespmem:v19+s20+$0x0], $0xffff;
	v19 =	vor.u32 s12, v5  }
0x35d: {  	v21 =	vshll.u32 v20, $0x9;
	v20 =	vshll.u32 v20, $0x7  }
0x35e: {  	v21 =	vand.u32 $0x7000, v21  }
0x35f: {  	v20 =	vor.u32 v9, v20;
	v21 =	vadd.s32 v11, v21;
	_ =	sdelay $0x2  }
0x360: {  	v17 =	vsel vm0, v17, v18  }
0x361: {  	[tilespmem:v19+s1+$0x0] =	vst.idx.msk $0xffff, v17  }
0x362: {  	v18 =	vor.u32 s3, v5;
	s3 =	sadd.s32 $0xFFFFFFFC, s25;
	v17 =	vld.idx.msk [tilespmem:v21+s16+$0x0], $0xffff  }
0x363: {  	v19 =	vld.idx.msk [tilespmem:v20+s20+$0x0], $0xffff;
	v20 =	vmov s3  }
0x364: {  	v21 =	vshll.u32 v20, $0x9;
	v20 =	vshll.u32 v20, $0x7  }
0x365: {  	v21 =	vand.u32 $0x7000, v21  }
0x366: {  	v20 =	vor.u32 v9, v20;
	v21 =	vadd.s32 v12, v21;
	_ =	sdelay $0x2  }
0x367: {  	v17 =	vsel vm0, v17, v19  }
0x368: {  	[tilespmem:v18+s1+$0x0] =	vst.idx.msk $0xffff, v17;
	v17 =	vor.u32 s3, v5  }
0x369: {  	s3 =	sadd.s32 $0xFFFFFFFD, s25;
	v18 =	vld.idx.msk [tilespmem:v21+s16+$0x0], $0xffff  }
0x36a: {  	v19 =	vld.idx.msk [tilespmem:v20+s20+$0x0], $0xffff;
	v20 =	vmov s3  }
0x36b: {  	v21 =	vshll.u32 v20, $0x9;
	v20 =	vshll.u32 v20, $0x7  }
0x36c: {  	v21 =	vand.u32 $0x7000, v21  }
0x36d: {  	v20 =	vor.u32 v9, v20;
	v21 =	vadd.s32 v13, v21;
	_ =	sdelay $0x2  }
0x36e: {  	v18 =	vsel vm0, v18, v19;
	v19 =	vor.u32 s3, v5  }
0x36f: {  	[tilespmem:v17+s1+$0x0] =	vst.idx.msk $0xffff, v18  }
0x370: {  	s3 =	sadd.s32 $0xFFFFFFFE, s25;
	v17 =	vld.idx.msk [tilespmem:v21+s16+$0x0], $0xffff  }
0x371: {  	v18 =	vld.idx.msk [tilespmem:v20+s20+$0x0], $0xffff;
	v20 =	vmov s3  }
0x372: {  	v21 =	vshll.u32 v20, $0x9;
	v20 =	vshll.u32 v20, $0x7  }
0x373: {  	v21 =	vand.u32 $0x7000, v21  }
0x374: {  	v20 =	vor.u32 v9, v20;
	v21 =	vadd.s32 v14, v21;
	_ =	sdelay $0x1  }
0x375: {  	v22 =	vor.u32 s3, v5  }
0x376: {  	v17 =	vsel vm0, v17, v18  }
0x377: {  	[tilespmem:v19+s1+$0x0] =	vst.idx.msk $0xffff, v17  }
0x378: {  	s3 =	sadd.s32 $0xFFFFFFFF, s25;
	v17 =	vld.idx.msk [tilespmem:v21+s16+$0x0], $0xffff  }
0x379: {  	v19 =	vmov s3;
	v18 =	vld.idx.msk [tilespmem:v20+s20+$0x0], $0xffff  }
0x37a: {  	v20 =	vshll.u32 v19, $0x9;
	v19 =	vshll.u32 v19, $0x7  }
0x37b: {  	v20 =	vand.u32 $0x7000, v20  }
0x37c: {  	v19 =	vor.u32 v9, v19;
	v20 =	vadd.s32 v15, v20  }
0x37d: {  	v21 =	vor.u32 s3, v5;
	_ =	sdelay $0x1  }
0x37e: {  	v17 =	vsel vm0, v17, v18  }
0x37f: {  	[tilespmem:v22+s1+$0x0] =	vst.idx.msk $0xffff, v17  }
0x380: {  	v20 =	vld.idx.msk [tilespmem:v20+s16+$0x0], $0xffff  }
0x381: {  	v17 =	vmov s25;
	v22 =	vld.idx.msk [tilespmem:v19+s20+$0x0], $0xffff  }
0x382: {  	v18 =	vshll.u32 v17, $0x9;
	v17 =	vshll.u32 v17, $0x7  }
0x383: {  	v18 =	vand.u32 $0x7000, v18  }
.Ltmp14:
0x384: {  	v19 =	vadd.s32 v16, v18;
	v18 =	vor.u32 v9, v17;
	v17 =	vor.u32 s25, v5;
	(pc) =	sbr.rel @p0 .LBB2_21-.Ltmp14, $3  }
0x385: {  	_ =	sdelay $0x1  }
0x386: {  	v20 =	vsel vm0, v20, v22  }
0x387: {  	[tilespmem:v21+s1+$0x0] =	vst.idx.msk $0xffff, v20  }
0x388: {  	_ =	sdelay $0x3  }
0x389: {  	v8 =	vld.idx.msk [tilespmem:v19+s16+$0x0], $0xffff  }
0x38a: {  	v9 =	vld.idx.msk [tilespmem:v18+s20+$0x0], $0xffff  }
0x38b: {  	s0 =	sadd.s32 $0x1, s0  }
0x38c: {  	p0 =	sne.s32 s0, s31  }
.Ltmp15:
0x38d: {  	_ = 	snop;
	(pc) =	sbr.rel @p0 .LBB2_20-.Ltmp15, $4  }
0x38e: {  	_ = 	snop  }
0x38f: {  	v8 =	vsel vm0, v8, v9  }
0x390: {  	s29 =	sadd.s32 $0x1, s29;
	[tilespmem:v17+s1+$0x0] =	vst.idx.msk $0xffff, v8  }
0x391: {  	[hbm4b:s24+s19] =	stream.indirect.scatter [tilespmem:s1], [sflag:$0x3], $0x80, s2, s19, $0xb8;
	[tilespmem:$0x1FB80] =	vst v63  }
.LBB2_23:
0x392: {  	p0 =	slt.s32 s29, $0x1  }
.Ltmp16:
0x393: {  	_ = 	snop;
	(pc) =	sbr.rel @p0 .LBB2_27-.Ltmp16, $2  }
0x394: {  	_ =	sdelay $0x2  }
0x395: {  	s12 =	simm.s32 $0x8780;
	s1 =	sld [smem:$0x7DE]  }
0x396: {  	p0 =	slt.s32 s29, $0x2  }
0x397: {  	s29 =	simm.s32 @!p0 $0x2  }
0x398: {  	p0 =	sne.s32 s29, $0x1  }
.Ltmp17:
0x399: {  	_ = 	snop;
	(pc) =	sbr.rel @!p0 .LBB2_26-.Ltmp17, $3  }
0x39a: {  	_ =	sdelay $0x1  }
0x39b: {  	_ =	swait.ge [sflag:s22], $0x800  }
0x39c: {  	[sflag:s22] =	ssyncset.done $0x0;
	s0 =	sadd.s32 $0xFFFFFFFF, s29  }
.LBB2_25:
0x39d: {  	p0 =	sne.s32 s0, $0x1;
	s0 =	sadd.s32 $0xFFFFFFFF, s0;
	[sflag:s22] =	ssyncadd.s32 $0xFFFFF800  }
.Ltmp18:
0x39e: {  	(pc) =	sbr.rel @p0 .LBB2_25-.Ltmp18, $3  }
0x39f: {  	_ =	sdelay $0x1  }
0x3a0: {  	_ =	swait.ge [sflag:s22], $0x800  }
0x3a1: {  	[sflag:s22] =	ssyncset.done $0x0  }
.Ltmp19:
0x3a2: {  	_ = 	snop;
	(pc) =	sbr.rel .LBB2_26-.Ltmp19, $1  }
0x3a3: {  	_ =	sdelay $0x3  }
.LBB2_28:
0x3a4: {  	_ =	sfence.sel $0x180000  }
0x3a5: {  	[bflag:$0x0] =	sbarrier.arrive $0xFFFF  }
0x3a6: {  	_ =	strace $0x90000047  }
0x3a7: {  	s0 =	stileid.u32;
	[bflag:$0x2] =	sbarrier.arrive $0xFFFF  }
0x3a8: {  	p0 =	sne.s32 s0, $0x0;
	s0 =	rddreg [dreg:$0x3]  }
0x3a9: {  	s0 =	sadd.s32 @!p0 $0x100000, s0  }
0x3aa: {  	[sflag:s0] =	ssyncadd.tile.s32 @!p0 $0x1;
	_ =	shalt  }
.Lfunc_end2:
_tile_overlayer_lowered:
.L_overlay_start_2:
0x3ab: {  	(tag) =	ssettag $0x2  }
0x3ac: {  	s0 =	rddreg [dreg:$0x0];
	s2 =	stileid.u32  }
0x3ad: {  	s1 =	rddreg [dreg:$0x1];
	p0 =	sne.s32 s2, $0x0  }
0x3ae: {  	s3 =	rddreg [dreg:$0x2];
	[bflag:$0x3] =	sbarrier.arrive $0xFFFF;
	s2 =	simm.s32 @!p0 $0x1C04  }
0x3af: {  	[timem:s3], [sflag:s2] =	dma.local @!p0 [hbm:s0], s1  }
0x3b0: {  	s0 =	simm.s32 @!p0 $0x4  }
0x3b1: {  	_ =	swait.ge @!p0 [sflag:s0], s1  }
0x3b2: {  	s1 =	ssub.s32 @!p0 $0x0, s1;
	[sflag:s0] =	ssyncset.done @!p0 $0x0  }
0x3b3: {  	[sflag:s0] =	ssyncadd.s32 @!p0 s1  }
0x3b4: {  	[bflag:$0x3] =	sbarrier.arrive $0xFFFF  }
0x3b5: {  	_ =	shalt  }

</sc_bundles>
